<compile_context>
chip_gen: v7x
topology: tpu7x:2x2x1
jax: 0.10.2.dev20260603
libtpu: 0.0.44.dev20260713+nightly
codegen_flags: <defaults>
</compile_context>

<pallas_src>
import functools
import math

import numpy as np

import jax
import jax.numpy as jnp
from jax import lax
from jax.experimental import pallas as pl
from jax.experimental.pallas import tpu as pltpu
from jax.experimental.pallas import tpu_sc as plsc

N = 10000
E = 320000
D = 128
D_ATTR = 16
D_EMB = 16
FC_HIDDEN = 8

NUM_SC = 2
NUM_TILES = 16
NUM_WORKERS = NUM_SC * NUM_TILES

PER_W = E // NUM_WORKERS
CHUNK = 80
NCHUNK = PER_W // CHUNK
K = 5
NGROUP = NCHUNK // K
K2 = 4

EA_EDGES = 192000
EB_EDGES = 128000

NP = 10240
STRIPE = NP // NUM_TILES

_INV_SQRT_D = 1.0 / math.sqrt(D)
_INV_SQRT_DA = 1.0 / math.sqrt(D_ATTR)
_INV_SQRT_DE = 1.0 / math.sqrt(D_EMB)
_INV_SQRT_FC = 1.0 / math.sqrt(FC_HIDDEN)
_INV_SQRT_NEIGH = 1.0 / math.sqrt(32.0)
_INV_SQRT_DDA = 1.0 / math.sqrt(D * D_ATTR)

_MESH = plsc.VectorSubcoreMesh(
    core_axis_name="c", subcore_axis_name="s",
    num_cores=NUM_SC, num_subcores=NUM_TILES)



def _node_prep_body(nf_ref, na_ref, w1_ref, wtpt_ref, wsct_ref,
                    x_ref, natp_ref, sc_ref):
    nf = nf_ref[...]
    na = na_ref[...]
    x_ref[...] = jnp.dot(nf, w1_ref[...],
                         preferred_element_type=jnp.float32) * _INV_SQRT_D
    natp_ref[...] = jnp.dot(na, wtpt_ref[...],
                            preferred_element_type=jnp.float32) * _INV_SQRT_DA
    acc = jnp.zeros_like(nf)
    for j in range(D_ATTR):
        acc = acc + jnp.dot(nf * na[:, j:j + 1], wsct_ref[j],
                            preferred_element_type=jnp.float32)
    sc_ref[...] = acc * _INV_SQRT_DDA


def _node_prep(nf, na, w1, wtpt, wsct):
    blk = 400
    grid = (N // blk,)
    return pl.pallas_call(
        _node_prep_body,
        grid=grid,
        in_specs=[
            pl.BlockSpec((blk, D), lambda i: (i, 0)),
            pl.BlockSpec((blk, D_ATTR), lambda i: (i, 0)),
            pl.BlockSpec((D, D), lambda i: (0, 0)),
            pl.BlockSpec((D_ATTR, D), lambda i: (0, 0)),
            pl.BlockSpec((D_ATTR, D, D), lambda i: (0, 0, 0)),
        ],
        out_specs=[
            pl.BlockSpec((blk, D), lambda i: (i, 0)),
            pl.BlockSpec((blk, D), lambda i: (i, 0)),
            pl.BlockSpec((blk, D), lambda i: (i, 0)),
        ],
        out_shape=[
            jax.ShapeDtypeStruct((N, D), jnp.float32),
            jax.ShapeDtypeStruct((N, D), jnp.float32),
            jax.ShapeDtypeStruct((N, D), jnp.float32),
        ],
    )(nf, na, w1, wtpt, wsct)



def _gather_call(n_edges):
    per_w = n_edges // NUM_WORKERS
    ngroup = per_w // CHUNK // K

    @functools.partial(
        pl.kernel,
        out_type=jax.ShapeDtypeStruct((n_edges, D), jnp.float32),
        mesh=_MESH,
        scratch_types=[
            pltpu.VMEM((per_w,), jnp.int32),
            pltpu.VMEM((K, CHUNK, D), jnp.float32),
            pltpu.SemaphoreType.DMA,
            pltpu.SemaphoreType.DMA,
        ],
    )
    def kfn(x_hbm, src_hbm, out_hbm, idx_v, bufs_v, gsem, wsem):
        wid = lax.axis_index("c") * NUM_TILES + lax.axis_index("s")
        base = wid * per_w
        pltpu.sync_copy(src_hbm.at[pl.ds(base, per_w)], idx_v)

        @pl.loop(0, ngroup)
        def _(g):
            goff = g * (K * CHUNK)
            hs = [
                pltpu.async_copy(
                    x_hbm.at[idx_v.at[pl.ds(goff + b * CHUNK, CHUNK)]],
                    bufs_v.at[b], gsem)
                for b in range(K)
            ]
            for h in hs:
                h.wait()
            ws = [
                pltpu.async_copy(
                    bufs_v.at[b],
                    out_hbm.at[pl.ds(base + goff + b * CHUNK, CHUNK)], wsem)
                for b in range(K)
            ]
            for h in ws:
                h.wait()

    return kfn


_sc_gather_a = _gather_call(EA_EDGES)
_sc_gather_b = _gather_call(EB_EDGES)



EBLK = 3200
RPB = EBLK // 8


def _edge_body(g_ref, emb_ref, eap_ref, bd1_ref, exp8_ref, bd2_ref, w2_ref,
               msg_ref):
    hp = jax.nn.silu(jnp.dot(emb_ref[...], bd1_ref[...],
                             preferred_element_type=jnp.float32)
                     * _INV_SQRT_DE)
    eap64 = jnp.dot(eap_ref[...], exp8_ref[...],
                    preferred_element_type=jnp.float32)
    cq = jnp.dot(hp * eap64, bd2_ref[...],
                 preferred_element_type=jnp.float32) * _INV_SQRT_FC
    for k in range(8):
        ck = cq[:, 128 * k:128 * (k + 1)]
        mk = g_ref[RPB * k:RPB * (k + 1), :] * ck
        msg_ref[RPB * k:RPB * (k + 1), :] = jax.nn.silu(
            jnp.dot(mk, w2_ref[...],
                    preferred_element_type=jnp.float32) * _INV_SQRT_D)


def _edge_stage(g, embp, eap8, bd1, exp8, bd2, w2, blk0, nblk):
    return pl.pallas_call(
        _edge_body,
        grid=(nblk,),
        in_specs=[
            pl.BlockSpec((EBLK, D), lambda i: (i, 0)),
            pl.BlockSpec((RPB, 8 * D_EMB), lambda i: (i, 0)),
            pl.BlockSpec((RPB, 8), lambda i: (i + blk0, 0)),
            pl.BlockSpec((8 * D_EMB, 8 * FC_HIDDEN), lambda i: (0, 0)),
            pl.BlockSpec((8, 8 * FC_HIDDEN), lambda i: (0, 0)),
            pl.BlockSpec((8 * FC_HIDDEN, 8 * D), lambda i: (0, 0)),
            pl.BlockSpec((D, D), lambda i: (0, 0)),
        ],
        out_specs=pl.BlockSpec((EBLK, D), lambda i: (i, 0)),
        out_shape=jax.ShapeDtypeStruct((nblk * EBLK, D), jnp.float32),
    )(g, embp, eap8, bd1, exp8, bd2, w2)


_PBLK = np.arange(EBLK).reshape(RPB, 8).T.reshape(-1)
_EPERM = (np.arange(0, E, EBLK)[:, None] + _PBLK[None, :]).reshape(-1)



def _scatter_call(n_edges):
    per_w = n_edges // NUM_WORKERS
    nchunk = per_w // CHUNK
    ngroup = nchunk // K2
    tail = nchunk - ngroup * K2

    @functools.partial(
        pl.kernel,
        out_type=jax.ShapeDtypeStruct((NUM_SC, NP, D), jnp.float32),
        mesh=_MESH,
        scratch_types=[
            pltpu.VMEM((CHUNK,), jnp.int32),
            pltpu.VMEM((CHUNK,), jnp.int32),
            pltpu.VMEM((CHUNK,), jnp.int32),
            pltpu.VMEM((CHUNK,), jnp.int32),
            pltpu.VMEM((K2, CHUNK, D), jnp.float32),
            pltpu.VMEM_SHARED((NP, D), jnp.float32),
            pltpu.SemaphoreType.DMA,
        ],
    )
    def kfn(msg_hbm, dst_hbm, zeros_hbm, out_hbm,
            i0, i1, i2, i3, rows_v, acc_sh, lsem):
        idx_bufs = (i0, i1, i2, i3)
        cid = lax.axis_index("c")
        sid = lax.axis_index("s")
        wid = cid * NUM_TILES + sid
        base = wid * per_w

        pltpu.sync_copy(zeros_hbm, acc_sh.at[pl.ds(sid * STRIPE, STRIPE)])
        plsc.subcore_barrier()

        @pl.loop(0, ngroup)
        def _(g):
            goff = base + g * (K2 * CHUNK)
            hs = []
            for b in range(K2):
                hs.append(pltpu.async_copy(
                    dst_hbm.at[pl.ds(goff + b * CHUNK, CHUNK)],
                    idx_bufs[b], lsem))
                hs.append(pltpu.async_copy(
                    msg_hbm.at[pl.ds(goff + b * CHUNK, CHUNK)],
                    rows_v.at[b], lsem))
            for h in hs:
                h.wait()
            for b in range(K2):
                pltpu.sync_copy(rows_v.at[b], acc_sh.at[idx_bufs[b]],
                                add=True)

        for t in range(tail):
            toff = base + (ngroup * K2 + t) * CHUNK
            pltpu.sync_copy(dst_hbm.at[pl.ds(toff, CHUNK)], i0)
            pltpu.sync_copy(msg_hbm.at[pl.ds(toff, CHUNK)], rows_v.at[0])
            pltpu.sync_copy(rows_v.at[0], acc_sh.at[i0], add=True)

        plsc.subcore_barrier()
        pltpu.sync_copy(acc_sh.at[pl.ds(sid * STRIPE, STRIPE)],
                        out_hbm.at[cid, pl.ds(sid * STRIPE, STRIPE)])

    return kfn


_sc_scatter_a = _scatter_call(EA_EDGES)
_sc_scatter_b = _scatter_call(EB_EDGES)



def _final_body(pa_ref, pb_ref, natp_ref, sc_ref, w3_ref, out_ref):
    agg = (pa_ref[0] + pa_ref[1] + pb_ref[0] + pb_ref[1]) * _INV_SQRT_NEIGH
    upd = jax.nn.silu(
        jnp.dot(agg * natp_ref[...], w3_ref[...],
                preferred_element_type=jnp.float32) * _INV_SQRT_D)
    out_ref[...] = upd + sc_ref[...]


def _final(pa, pb, natp, sc, w3):
    blk = 400
    grid = (N // blk,)
    return pl.pallas_call(
        _final_body,
        grid=grid,
        in_specs=[
            pl.BlockSpec((NUM_SC, blk, D), lambda i: (0, i, 0)),
            pl.BlockSpec((NUM_SC, blk, D), lambda i: (0, i, 0)),
            pl.BlockSpec((blk, D), lambda i: (i, 0)),
            pl.BlockSpec((blk, D), lambda i: (i, 0)),
            pl.BlockSpec((D, D), lambda i: (0, 0)),
        ],
        out_specs=pl.BlockSpec((blk, D), lambda i: (i, 0)),
        out_shape=jax.ShapeDtypeStruct((N, D), jnp.float32),
    )(pa, pb, natp, sc, w3)



def kernel(node_feats, node_attrs, edge_embedding, edge_attrs, edge_index,
           W1, M1, M2, W2, Wtp, W3, Wsc):
    perm = jnp.asarray(_EPERM)
    src = jnp.take(edge_index[0], perm)
    dst = jnp.take(edge_index[1], perm)
    wtpt = Wtp.T
    wsct = jnp.transpose(Wsc, (2, 1, 0))

    eap8 = edge_attrs.reshape(E // 8, 8)
    eye8 = jnp.eye(8, dtype=jnp.float32)
    bd1 = (eye8[:, None, :, None] * M1[None, :, None, :]).reshape(
        8 * D_EMB, 8 * FC_HIDDEN)
    exp8 = (eye8[:, :, None] * jnp.ones((1, 1, FC_HIDDEN))).reshape(
        8, 8 * FC_HIDDEN)
    bd2 = (eye8[:, None, :, None] * M2[None, :, None, :]).reshape(
        8 * FC_HIDDEN, 8 * D)

    x, natp, sc = _node_prep(node_feats, node_attrs, W1, wtpt, wsct)

    nblk_a = EA_EDGES // EBLK
    nblk_b = EB_EDGES // EBLK
    src_a = lax.slice_in_dim(src, 0, EA_EDGES)
    src_b = lax.slice_in_dim(src, EA_EDGES, E)
    embp_a = lax.slice_in_dim(edge_embedding, 0, EA_EDGES).reshape(
        EA_EDGES // 8, 8 * D_EMB)
    embp_b = lax.slice_in_dim(edge_embedding, EA_EDGES, E).reshape(
        EB_EDGES // 8, 8 * D_EMB)

    g_a = _sc_gather_a(x, src_a)
    g_b = _sc_gather_b(x, src_b)
    msg_a = _edge_stage(g_a, embp_a, eap8, bd1, exp8, bd2, W2, 0, nblk_a)
    msg_b = _edge_stage(g_b, embp_b, eap8, bd1, exp8, bd2, W2, nblk_a,
                        nblk_b)

    dst_a = lax.slice_in_dim(dst, 0, EA_EDGES)
    dst_b = lax.slice_in_dim(dst, EA_EDGES, E)
    zeros = jnp.zeros((STRIPE, D), jnp.float32)
    pa = _sc_scatter_a(msg_a, dst_a, zeros)
    pb = _sc_scatter_b(msg_b, dst_b, zeros)
    return _final(pa, pb, natp, sc, W3)

# --- scband reference (transcript-rebuilt; emitter-appended) ---
"""Pipeline reference for scband-segnnmessage-passing-30915174596963 (READ-ONLY COPY).

The authoritative reference and input builder live on the scoring server;
editing this copy changes nothing except your own understanding.
"""

import jax, jax.numpy as jnp
import numpy as np

N = 10000
E = 320000
D = 128
D_ATTR = 16
D_EMB = 16
FC_HIDDEN = 8
AVG_NEIGH = 32.0


def setup_inputs(seed: int = 0) -> dict:
    key = jax.random.key(seed)
    ks = jax.random.split(key, 12)
    node_feats = jax.random.normal(ks[0], (N, D), dtype=jnp.float32)
    node_attrs = jax.random.normal(ks[1], (N, D_ATTR), dtype=jnp.float32)
    edge_embedding = jax.random.uniform(ks[2], (E, D_EMB), dtype=jnp.float32)
    edge_attrs = jax.random.normal(ks[3], (E, 1), dtype=jnp.float32)
    edge_index = jax.random.randint(ks[4], (2, E), 0, N, dtype=jnp.int32)
    # learned parameters (all-scalar irreps: e3nn Linear -> plain linear, UVU TP -> weighted elementwise product)
    W1 = jax.random.normal(ks[5], (D, D), dtype=jnp.float32)
    M1 = jax.random.normal(ks[6], (D_EMB, FC_HIDDEN), dtype=jnp.float32)
    M2 = jax.random.normal(ks[7], (FC_HIDDEN, D), dtype=jnp.float32)
    W2 = jax.random.normal(ks[8], (D, D), dtype=jnp.float32)
    Wtp = jax.random.normal(ks[9], (D, D_ATTR), dtype=jnp.float32)
    W3 = jax.random.normal(ks[10], (D, D), dtype=jnp.float32)
    Wsc = jax.random.normal(ks[11], (D, D, D_ATTR), dtype=jnp.float32)
    return {"node_feats": node_feats, "node_attrs": node_attrs, "edge_embedding": edge_embedding,
            "edge_attrs": edge_attrs, "edge_index": edge_index,
            "W1": W1, "M1": M1, "M2": M2, "W2": W2, "Wtp": Wtp, "W3": W3, "Wsc": Wsc}


def reference(node_feats, node_attrs, edge_embedding, edge_attrs, edge_index,
              W1, M1, M2, W2, Wtp, W3, Wsc):
    src = edge_index[0]
    dst = edge_index[1]
    # ---- SEGNNMessage ----
    # linear_1 (e3nn Linear on 128x0e: fan-in normalized, no bias)
    x = node_feats @ W1 / jnp.sqrt(D)
    # radial MLP on scalar edge embedding -> per-path weights of the UVU tensor product
    h = jax.nn.silu(edge_embedding @ M1 / jnp.sqrt(D_EMB))
    w_msg = h @ M2 / jnp.sqrt(FC_HIDDEN)
    # message_tp: UVU tensor product (all-scalar irreps -> weighted elementwise product)
    # with node feats gathered at edge source
    msg = x[src] * edge_attrs * w_msg
    # linear_2
    msg = msg @ W2 / jnp.sqrt(D)
    # gate activation on pure scalars reduces to scalar activation (silu)
    msg = jax.nn.silu(msg)
    # ---- SEGNNUpdate ----
    # aggregate messages: scatter-add over destination nodes, avg-neighbor normalization
    agg = jax.ops.segment_sum(msg, dst, num_segments=N) / jnp.sqrt(AVG_NEIGH)
    # update_tp: UVU tensor product between aggregated message and node attrs
    # (internal shared weights)
    upd = jnp.einsum('nu,nv,uv->nu', agg, node_attrs, Wtp) / jnp.sqrt(D_ATTR)
    # linear_3
    upd = upd @ W3 / jnp.sqrt(D)
    upd = jax.nn.silu(upd)
    # self connection: fully connected tensor product node_feats x node_attrs
    sc = jnp.einsum('ni,nj,uij->nu', node_feats, node_attrs, Wsc) / jnp.sqrt(D * D_ATTR)
    return upd + sc

if __name__ == "__main__":
    import jax
    _d = setup_inputs()
    print(jax.jit(kernel)(*tuple(_d.values())))

</pallas_src>

<mosaic_0001>
#map = affine_map<(d0, d1) -> (0, 0)>
#map1 = affine_map<(d0, d1) -> (0)>
module attributes {stable_mosaic.version = 14 : i64} {
  func.func @kfn(%arg0: i32, %arg1: i32, %arg2: memref<10000x128xf32, #tpu.memory_space<hbm>>, %arg3: memref<192000xi32, #tpu.memory_space<hbm>>, %arg4: memref<192000x128xf32, #tpu.memory_space<hbm>>, %arg5: memref<6000xi32, #tpu.memory_space<vmem>>, %arg6: memref<5x80x128xf32, #tpu.memory_space<vmem>>, %arg7: memref<!tpu.dma_semaphore, #tpu.memory_space<semaphore_mem>>, %arg8: memref<!tpu.dma_semaphore, #tpu.memory_space<semaphore_mem>>) attributes {dimension_semantics = [#tpu.dimension_semantics<core_parallel>, #tpu.dimension_semantics<subcore_parallel>], iteration_bounds = array<i64: 2, 16>, scalar_prefetch = 0 : i64, scratch_operands = 4 : i64, tpu.core_type = #tpu.core_type<sc_vector_subcore>, window_params = [{transform_indices = #map}, {transform_indices = #map1}, {transform_indices = #map}]} {
    %mul3A = arith.constant 16 : i32
    %mul3A_0 = arith.muli %arg0, %mul3A : i32
    %add3A = arith.addi %mul3A_0, %arg1 : i32
    %mul3A_1 = arith.constant 6000 : i32
    %mul3A_2 = arith.muli %add3A, %mul3A_1 : i32
    "tpu.region"() ({
      %run_scoped3A = tpu.sem_alloc : memref<!tpu.dma_semaphore, #tpu.memory_space<semaphore_mem>>
      %dma_start3A = tpu.memref_slice %arg3[%mul3A_2] : memref<192000xi32, #tpu.memory_space<hbm>> -> memref<6000xi32, #tpu.memory_space<hbm>>
      %dma_start3A_7 = tpu.memref_slice %arg3[%mul3A_2] : memref<192000xi32, #tpu.memory_space<hbm>> -> memref<6000xi32, #tpu.memory_space<hbm>>
      tpu.enqueue_dma source(%dma_start3A_7 : memref<6000xi32, #tpu.memory_space<hbm>>) target(%arg5 : memref<6000xi32, #tpu.memory_space<vmem>>) target_semaphore(%run_scoped3A : memref<!tpu.dma_semaphore, #tpu.memory_space<semaphore_mem>>)
      %dma_wait3A = tpu.memref_slice %arg3[%mul3A_2] : memref<192000xi32, #tpu.memory_space<hbm>> -> memref<6000xi32, #tpu.memory_space<hbm>>
      %dma_wait3A_8 = tpu.memref_slice %arg3[%mul3A_2] : memref<192000xi32, #tpu.memory_space<hbm>> -> memref<6000xi32, #tpu.memory_space<hbm>>
      tpu.wait_dma2 semaphore(%run_scoped3A : memref<!tpu.dma_semaphore, #tpu.memory_space<semaphore_mem>>) src(%dma_wait3A_8 : memref<6000xi32, #tpu.memory_space<hbm>>) dst(%arg5 : memref<6000xi32, #tpu.memory_space<vmem>>)
      tpu.yield
    }) : () -> ()
    %scan3A = arith.constant 0 : i32
    %scan3A_3 = arith.constant 15 : i32
    %scan3A_4 = arith.addi %scan3A, %scan3A_3 : i32
    %scan3A_5 = arith.constant 1 : i32
    scf.for %scan3A_7 = %scan3A to %scan3A_4 step %scan3A_5  : i32 {
      %mul3A_8 = arith.constant 1 : i32
      %mul3A_9 = arith.muli %scan3A_7, %mul3A_8 : i32
      %add3A_10 = arith.constant 0 : i32
      %add3A_11 = arith.addi %add3A_10, %mul3A_9 : i32
      %mul3A_12 = arith.constant 400 : i32
      %mul3A_13 = arith.muli %add3A_11, %mul3A_12 : i32
      %add3A_14 = arith.constant 0 : i32
      %add3A_15 = arith.addi %mul3A_13, %add3A_14 : i32
      %dma_start3A = arith.constant 0 : i32
      %dma_start3A_16 = arith.constant 0 : i32
      %dma_start3A_17 = arith.constant 0 : i32
      %dma_start3A_18 = tpu.memref_slice %arg6[%dma_start3A, %dma_start3A_16, %dma_start3A_17] : memref<5x80x128xf32, #tpu.memory_space<vmem>> -> memref<1x80x128xf32, #tpu.memory_space<vmem>>
      %dma_start3A_19 = tpu.memref_squeeze %dma_start3A_18 : memref<1x80x128xf32, #tpu.memory_space<vmem>> -> memref<80x128xf32, #tpu.memory_space<vmem>>
      %dma_start3A_20 = tpu.memref_slice %arg5[%add3A_15] : memref<6000xi32, #tpu.memory_space<vmem>> -> memref<80xi32, #tpu.memory_space<vmem>>
      %dma_start3A_21 = arith.constant 0 : i32
      %dma_start3A_22 = arith.constant 0 : i32
      %dma_start3A_23 = tpu.memref_slice %arg2[%dma_start3A_21, %dma_start3A_22] : memref<10000x128xf32, #tpu.memory_space<hbm>> -> memref<10000x128xf32, #tpu.memory_space<hbm>>
      tpu.enqueue_indirect_dma source(%dma_start3A_23 : memref<10000x128xf32, #tpu.memory_space<hbm>>) target(%dma_start3A_19 : memref<80x128xf32, #tpu.memory_space<vmem>>) offsets(%dma_start3A_20 : memref<80xi32, #tpu.memory_space<vmem>>) semaphore(%arg7 : memref<!tpu.dma_semaphore, #tpu.memory_space<semaphore_mem>>)
      %add3A_24 = arith.constant 80 : i32
      %add3A_25 = arith.addi %mul3A_13, %add3A_24 : i32
      %dma_start3A_26 = arith.constant 1 : i32
      %dma_start3A_27 = arith.constant 0 : i32
      %dma_start3A_28 = arith.constant 0 : i32
      %dma_start3A_29 = tpu.memref_slice %arg6[%dma_start3A_26, %dma_start3A_27, %dma_start3A_28] : memref<5x80x128xf32, #tpu.memory_space<vmem>> -> memref<1x80x128xf32, #tpu.memory_space<vmem>>
      %dma_start3A_30 = tpu.memref_squeeze %dma_start3A_29 : memref<1x80x128xf32, #tpu.memory_space<vmem>> -> memref<80x128xf32, #tpu.memory_space<vmem>>
      %dma_start3A_31 = tpu.memref_slice %arg5[%add3A_25] : memref<6000xi32, #tpu.memory_space<vmem>> -> memref<80xi32, #tpu.memory_space<vmem>>
      %dma_start3A_32 = arith.constant 0 : i32
      %dma_start3A_33 = arith.constant 0 : i32
      %dma_start3A_34 = tpu.memref_slice %arg2[%dma_start3A_32, %dma_start3A_33] : memref<10000x128xf32, #tpu.memory_space<hbm>> -> memref<10000x128xf32, #tpu.memory_space<hbm>>
      tpu.enqueue_indirect_dma source(%dma_start3A_34 : memref<10000x128xf32, #tpu.memory_space<hbm>>) target(%dma_start3A_30 : memref<80x128xf32, #tpu.memory_space<vmem>>) offsets(%dma_start3A_31 : memref<80xi32, #tpu.memory_space<vmem>>) semaphore(%arg7 : memref<!tpu.dma_semaphore, #tpu.memory_space<semaphore_mem>>)
      %add3A_35 = arith.constant 160 : i32
      %add3A_36 = arith.addi %mul3A_13, %add3A_35 : i32
      %dma_start3A_37 = arith.constant 2 : i32
      %dma_start3A_38 = arith.constant 0 : i32
      %dma_start3A_39 = arith.constant 0 : i32
      %dma_start3A_40 = tpu.memref_slice %arg6[%dma_start3A_37, %dma_start3A_38, %dma_start3A_39] : memref<5x80x128xf32, #tpu.memory_space<vmem>> -> memref<1x80x128xf32, #tpu.memory_space<vmem>>
      %dma_start3A_41 = tpu.memref_squeeze %dma_start3A_40 : memref<1x80x128xf32, #tpu.memory_space<vmem>> -> memref<80x128xf32, #tpu.memory_space<vmem>>
      %dma_start3A_42 = tpu.memref_slice %arg5[%add3A_36] : memref<6000xi32, #tpu.memory_space<vmem>> -> memref<80xi32, #tpu.memory_space<vmem>>
      %dma_start3A_43 = arith.constant 0 : i32
      %dma_start3A_44 = arith.constant 0 : i32
      %dma_start3A_45 = tpu.memref_slice %arg2[%dma_start3A_43, %dma_start3A_44] : memref<10000x128xf32, #tpu.memory_space<hbm>> -> memref<10000x128xf32, #tpu.memory_space<hbm>>
      tpu.enqueue_indirect_dma source(%dma_start3A_45 : memref<10000x128xf32, #tpu.memory_space<hbm>>) target(%dma_start3A_41 : memref<80x128xf32, #tpu.memory_space<vmem>>) offsets(%dma_start3A_42 : memref<80xi32, #tpu.memory_space<vmem>>) semaphore(%arg7 : memref<!tpu.dma_semaphore, #tpu.memory_space<semaphore_mem>>)
      %add3A_46 = arith.constant 240 : i32
      %add3A_47 = arith.addi %mul3A_13, %add3A_46 : i32
      %dma_start3A_48 = arith.constant 3 : i32
      %dma_start3A_49 = arith.constant 0 : i32
      %dma_start3A_50 = arith.constant 0 : i32
      %dma_start3A_51 = tpu.memref_slice %arg6[%dma_start3A_48, %dma_start3A_49, %dma_start3A_50] : memref<5x80x128xf32, #tpu.memory_space<vmem>> -> memref<1x80x128xf32, #tpu.memory_space<vmem>>
      %dma_start3A_52 = tpu.memref_squeeze %dma_start3A_51 : memref<1x80x128xf32, #tpu.memory_space<vmem>> -> memref<80x128xf32, #tpu.memory_space<vmem>>
      %dma_start3A_53 = tpu.memref_slice %arg5[%add3A_47] : memref<6000xi32, #tpu.memory_space<vmem>> -> memref<80xi32, #tpu.memory_space<vmem>>
      %dma_start3A_54 = arith.constant 0 : i32
      %dma_start3A_55 = arith.constant 0 : i32
      %dma_start3A_56 = tpu.memref_slice %arg2[%dma_start3A_54, %dma_start3A_55] : memref<10000x128xf32, #tpu.memory_space<hbm>> -> memref<10000x128xf32, #tpu.memory_space<hbm>>
      tpu.enqueue_indirect_dma source(%dma_start3A_56 : memref<10000x128xf32, #tpu.memory_space<hbm>>) target(%dma_start3A_52 : memref<80x128xf32, #tpu.memory_space<vmem>>) offsets(%dma_start3A_53 : memref<80xi32, #tpu.memory_space<vmem>>) semaphore(%arg7 : memref<!tpu.dma_semaphore, #tpu.memory_space<semaphore_mem>>)
      %add3A_57 = arith.constant 320 : i32
      %add3A_58 = arith.addi %mul3A_13, %add3A_57 : i32
      %dma_start3A_59 = arith.constant 4 : i32
      %dma_start3A_60 = arith.constant 0 : i32
      %dma_start3A_61 = arith.constant 0 : i32
      %dma_start3A_62 = tpu.memref_slice %arg6[%dma_start3A_59, %dma_start3A_60, %dma_start3A_61] : memref<5x80x128xf32, #tpu.memory_space<vmem>> -> memref<1x80x128xf32, #tpu.memory_space<vmem>>
      %dma_start3A_63 = tpu.memref_squeeze %dma_start3A_62 : memref<1x80x128xf32, #tpu.memory_space<vmem>> -> memref<80x128xf32, #tpu.memory_space<vmem>>
      %dma_start3A_64 = tpu.memref_slice %arg5[%add3A_58] : memref<6000xi32, #tpu.memory_space<vmem>> -> memref<80xi32, #tpu.memory_space<vmem>>
      %dma_start3A_65 = arith.constant 0 : i32
      %dma_start3A_66 = arith.constant 0 : i32
      %dma_start3A_67 = tpu.memref_slice %arg2[%dma_start3A_65, %dma_start3A_66] : memref<10000x128xf32, #tpu.memory_space<hbm>> -> memref<10000x128xf32, #tpu.memory_space<hbm>>
      tpu.enqueue_indirect_dma source(%dma_start3A_67 : memref<10000x128xf32, #tpu.memory_space<hbm>>) target(%dma_start3A_63 : memref<80x128xf32, #tpu.memory_space<vmem>>) offsets(%dma_start3A_64 : memref<80xi32, #tpu.memory_space<vmem>>) semaphore(%arg7 : memref<!tpu.dma_semaphore, #tpu.memory_space<semaphore_mem>>)
      %dma_wait3A = arith.constant 0 : i32
      %dma_wait3A_68 = arith.constant 0 : i32
      %dma_wait3A_69 = arith.constant 0 : i32
      %dma_wait3A_70 = tpu.memref_slice %arg6[%dma_wait3A, %dma_wait3A_68, %dma_wait3A_69] : memref<5x80x128xf32, #tpu.memory_space<vmem>> -> memref<1x80x128xf32, #tpu.memory_space<vmem>>
      %dma_wait3A_71 = tpu.memref_squeeze %dma_wait3A_70 : memref<1x80x128xf32, #tpu.memory_space<vmem>> -> memref<80x128xf32, #tpu.memory_space<vmem>>
      %dma_wait3A_72 = tpu.memref_slice %arg5[%add3A_15] : memref<6000xi32, #tpu.memory_space<vmem>> -> memref<80xi32, #tpu.memory_space<vmem>>
      %dma_wait3A_73 = arith.constant 0 : i32
      %dma_wait3A_74 = arith.constant 0 : i32
      %dma_wait3A_75 = tpu.memref_slice %arg2[%dma_wait3A_73, %dma_wait3A_74] : memref<10000x128xf32, #tpu.memory_space<hbm>> -> memref<10000x128xf32, #tpu.memory_space<hbm>>
      tpu.wait_indirect_dma semaphore(%arg7 : memref<!tpu.dma_semaphore, #tpu.memory_space<semaphore_mem>>) src(%dma_wait3A_75 : memref<10000x128xf32, #tpu.memory_space<hbm>>) dst(%dma_wait3A_71 : memref<80x128xf32, #tpu.memory_space<vmem>>)
      %dma_wait3A_76 = arith.constant 1 : i32
      %dma_wait3A_77 = arith.constant 0 : i32
      %dma_wait3A_78 = arith.constant 0 : i32
      %dma_wait3A_79 = tpu.memref_slice %arg6[%dma_wait3A_76, %dma_wait3A_77, %dma_wait3A_78] : memref<5x80x128xf32, #tpu.memory_space<vmem>> -> memref<1x80x128xf32, #tpu.memory_space<vmem>>
      %dma_wait3A_80 = tpu.memref_squeeze %dma_wait3A_79 : memref<1x80x128xf32, #tpu.memory_space<vmem>> -> memref<80x128xf32, #tpu.memory_space<vmem>>
      %dma_wait3A_81 = tpu.memref_slice %arg5[%add3A_25] : memref<6000xi32, #tpu.memory_space<vmem>> -> memref<80xi32, #tpu.memory_space<vmem>>
      %dma_wait3A_82 = arith.constant 0 : i32
      %dma_wait3A_83 = arith.constant 0 : i32
      %dma_wait3A_84 = tpu.memref_slice %arg2[%dma_wait3A_82, %dma_wait3A_83] : memref<10000x128xf32, #tpu.memory_space<hbm>> -> memref<10000x128xf32, #tpu.memory_space<hbm>>
      tpu.wait_indirect_dma semaphore(%arg7 : memref<!tpu.dma_semaphore, #tpu.memory_space<semaphore_mem>>) src(%dma_wait3A_84 : memref<10000x128xf32, #tpu.memory_space<hbm>>) dst(%dma_wait3A_80 : memref<80x128xf32, #tpu.memory_space<vmem>>)
      %dma_wait3A_85 = arith.constant 2 : i32
      %dma_wait3A_86 = arith.constant 0 : i32
      %dma_wait3A_87 = arith.constant 0 : i32
      %dma_wait3A_88 = tpu.memref_slice %arg6[%dma_wait3A_85, %dma_wait3A_86, %dma_wait3A_87] : memref<5x80x128xf32, #tpu.memory_space<vmem>> -> memref<1x80x128xf32, #tpu.memory_space<vmem>>
      %dma_wait3A_89 = tpu.memref_squeeze %dma_wait3A_88 : memref<1x80x128xf32, #tpu.memory_space<vmem>> -> memref<80x128xf32, #tpu.memory_space<vmem>>
      %dma_wait3A_90 = tpu.memref_slice %arg5[%add3A_36] : memref<6000xi32, #tpu.memory_space<vmem>> -> memref<80xi32, #tpu.memory_space<vmem>>
      %dma_wait3A_91 = arith.constant 0 : i32
      %dma_wait3A_92 = arith.constant 0 : i32
      %dma_wait3A_93 = tpu.memref_slice %arg2[%dma_wait3A_91, %dma_wait3A_92] : memref<10000x128xf32, #tpu.memory_space<hbm>> -> memref<10000x128xf32, #tpu.memory_space<hbm>>
      tpu.wait_indirect_dma semaphore(%arg7 : memref<!tpu.dma_semaphore, #tpu.memory_space<semaphore_mem>>) src(%dma_wait3A_93 : memref<10000x128xf32, #tpu.memory_space<hbm>>) dst(%dma_wait3A_89 : memref<80x128xf32, #tpu.memory_space<vmem>>)
      %dma_wait3A_94 = arith.constant 3 : i32
      %dma_wait3A_95 = arith.constant 0 : i32
      %dma_wait3A_96 = arith.constant 0 : i32
      %dma_wait3A_97 = tpu.memref_slice %arg6[%dma_wait3A_94, %dma_wait3A_95, %dma_wait3A_96] : memref<5x80x128xf32, #tpu.memory_space<vmem>> -> memref<1x80x128xf32, #tpu.memory_space<vmem>>
      %dma_wait3A_98 = tpu.memref_squeeze %dma_wait3A_97 : memref<1x80x128xf32, #tpu.memory_space<vmem>> -> memref<80x128xf32, #tpu.memory_space<vmem>>
      %dma_wait3A_99 = tpu.memref_slice %arg5[%add3A_47] : memref<6000xi32, #tpu.memory_space<vmem>> -> memref<80xi32, #tpu.memory_space<vmem>>
      %dma_wait3A_100 = arith.constant 0 : i32
      %dma_wait3A_101 = arith.constant 0 : i32
      %dma_wait3A_102 = tpu.memref_slice %arg2[%dma_wait3A_100, %dma_wait3A_101] : memref<10000x128xf32, #tpu.memory_space<hbm>> -> memref<10000x128xf32, #tpu.memory_space<hbm>>
      tpu.wait_indirect_dma semaphore(%arg7 : memref<!tpu.dma_semaphore, #tpu.memory_space<semaphore_mem>>) src(%dma_wait3A_102 : memref<10000x128xf32, #tpu.memory_space<hbm>>) dst(%dma_wait3A_98 : memref<80x128xf32, #tpu.memory_space<vmem>>)
      %dma_wait3A_103 = arith.constant 4 : i32
      %dma_wait3A_104 = arith.constant 0 : i32
      %dma_wait3A_105 = arith.constant 0 : i32
      %dma_wait3A_106 = tpu.memref_slice %arg6[%dma_wait3A_103, %dma_wait3A_104, %dma_wait3A_105] : memref<5x80x128xf32, #tpu.memory_space<vmem>> -> memref<1x80x128xf32, #tpu.memory_space<vmem>>
      %dma_wait3A_107 = tpu.memref_squeeze %dma_wait3A_106 : memref<1x80x128xf32, #tpu.memory_space<vmem>> -> memref<80x128xf32, #tpu.memory_space<vmem>>
      %dma_wait3A_108 = tpu.memref_slice %arg5[%add3A_58] : memref<6000xi32, #tpu.memory_space<vmem>> -> memref<80xi32, #tpu.memory_space<vmem>>
      %dma_wait3A_109 = arith.constant 0 : i32
      %dma_wait3A_110 = arith.constant 0 : i32
      %dma_wait3A_111 = tpu.memref_slice %arg2[%dma_wait3A_109, %dma_wait3A_110] : memref<10000x128xf32, #tpu.memory_space<hbm>> -> memref<10000x128xf32, #tpu.memory_space<hbm>>
      tpu.wait_indirect_dma semaphore(%arg7 : memref<!tpu.dma_semaphore, #tpu.memory_space<semaphore_mem>>) src(%dma_wait3A_111 : memref<10000x128xf32, #tpu.memory_space<hbm>>) dst(%dma_wait3A_107 : memref<80x128xf32, #tpu.memory_space<vmem>>)
      %add3A_112 = arith.addi %mul3A_2, %mul3A_13 : i32
      %add3A_113 = arith.constant 0 : i32
      %add3A_114 = arith.addi %add3A_112, %add3A_113 : i32
      %dma_start3A_115 = arith.constant 0 : i32
      %dma_start3A_116 = arith.constant 0 : i32
      %dma_start3A_117 = arith.constant 0 : i32
      %dma_start3A_118 = tpu.memref_slice %arg6[%dma_start3A_115, %dma_start3A_116, %dma_start3A_117] : memref<5x80x128xf32, #tpu.memory_space<vmem>> -> memref<1x80x128xf32, #tpu.memory_space<vmem>>
      %dma_start3A_119 = tpu.memref_squeeze %dma_start3A_118 : memref<1x80x128xf32, #tpu.memory_space<vmem>> -> memref<80x128xf32, #tpu.memory_space<vmem>>
      %dma_start3A_120 = arith.constant 0 : i32
      %dma_start3A_121 = tpu.memref_slice %arg4[%add3A_114, %dma_start3A_120] : memref<192000x128xf32, #tpu.memory_space<hbm>> -> memref<80x128xf32, #tpu.memory_space<hbm>>
      %dma_start3A_122 = arith.constant 0 : i32
      %dma_start3A_123 = tpu.memref_slice %arg4[%add3A_114, %dma_start3A_122] : memref<192000x128xf32, #tpu.memory_space<hbm>> -> memref<80x128xf32, #tpu.memory_space<hbm>>
      %dma_start3A_124 = arith.constant 0 : i32
      %dma_start3A_125 = arith.constant 0 : i32
      %dma_start3A_126 = tpu.memref_slice %arg6[%dma_start3A_115, %dma_start3A_124, %dma_start3A_125] : memref<5x80x128xf32, #tpu.memory_space<vmem>> -> memref<1x80x128xf32, #tpu.memory_space<vmem>>
      %dma_start3A_127 = tpu.memref_squeeze %dma_start3A_126 : memref<1x80x128xf32, #tpu.memory_space<vmem>> -> memref<80x128xf32, #tpu.memory_space<vmem>>
      tpu.enqueue_dma source(%dma_start3A_127 : memref<80x128xf32, #tpu.memory_space<vmem>>) target(%dma_start3A_123 : memref<80x128xf32, #tpu.memory_space<hbm>>) target_semaphore(%arg8 : memref<!tpu.dma_semaphore, #tpu.memory_space<semaphore_mem>>)
      %add3A_128 = arith.addi %mul3A_2, %mul3A_13 : i32
      %add3A_129 = arith.constant 80 : i32
      %add3A_130 = arith.addi %add3A_128, %add3A_129 : i32
      %dma_start3A_131 = arith.constant 1 : i32
      %dma_start3A_132 = arith.constant 0 : i32
      %dma_start3A_133 = arith.constant 0 : i32
      %dma_start3A_134 = tpu.memref_slice %arg6[%dma_start3A_131, %dma_start3A_132, %dma_start3A_133] : memref<5x80x128xf32, #tpu.memory_space<vmem>> -> memref<1x80x128xf32, #tpu.memory_space<vmem>>
      %dma_start3A_135 = tpu.memref_squeeze %dma_start3A_134 : memref<1x80x128xf32, #tpu.memory_space<vmem>> -> memref<80x128xf32, #tpu.memory_space<vmem>>
      %dma_start3A_136 = arith.constant 0 : i32
      %dma_start3A_137 = tpu.memref_slice %arg4[%add3A_130, %dma_start3A_136] : memref<192000x128xf32, #tpu.memory_space<hbm>> -> memref<80x128xf32, #tpu.memory_space<hbm>>
      %dma_start3A_138 = arith.constant 0 : i32
      %dma_start3A_139 = tpu.memref_slice %arg4[%add3A_130, %dma_start3A_138] : memref<192000x128xf32, #tpu.memory_space<hbm>> -> memref<80x128xf32, #tpu.memory_space<hbm>>
      %dma_start3A_140 = arith.constant 0 : i32
      %dma_start3A_141 = arith.constant 0 : i32
      %dma_start3A_142 = tpu.memref_slice %arg6[%dma_start3A_131, %dma_start3A_140, %dma_start3A_141] : memref<5x80x128xf32, #tpu.memory_space<vmem>> -> memref<1x80x128xf32, #tpu.memory_space<vmem>>
      %dma_start3A_143 = tpu.memref_squeeze %dma_start3A_142 : memref<1x80x128xf32, #tpu.memory_space<vmem>> -> memref<80x128xf32, #tpu.memory_space<vmem>>
      tpu.enqueue_dma source(%dma_start3A_143 : memref<80x128xf32, #tpu.memory_space<vmem>>) target(%dma_start3A_139 : memref<80x128xf32, #tpu.memory_space<hbm>>) target_semaphore(%arg8 : memref<!tpu.dma_semaphore, #tpu.memory_space<semaphore_mem>>)
      %add3A_144 = arith.addi %mul3A_2, %mul3A_13 : i32
      %add3A_145 = arith.constant 160 : i32
      %add3A_146 = arith.addi %add3A_144, %add3A_145 : i32
      %dma_start3A_147 = arith.constant 2 : i32
      %dma_start3A_148 = arith.constant 0 : i32
      %dma_start3A_149 = arith.constant 0 : i32
      %dma_start3A_150 = tpu.memref_slice %arg6[%dma_start3A_147, %dma_start3A_148, %dma_start3A_149] : memref<5x80x128xf32, #tpu.memory_space<vmem>> -> memref<1x80x128xf32, #tpu.memory_space<vmem>>
      %dma_start3A_151 = tpu.memref_squeeze %dma_start3A_150 : memref<1x80x128xf32, #tpu.memory_space<vmem>> -> memref<80x128xf32, #tpu.memory_space<vmem>>
      %dma_start3A_152 = arith.constant 0 : i32
      %dma_start3A_153 = tpu.memref_slice %arg4[%add3A_146, %dma_start3A_152] : memref<192000x128xf32, #tpu.memory_space<hbm>> -> memref<80x128xf32, #tpu.memory_space<hbm>>
      %dma_start3A_154 = arith.constant 0 : i32
      %dma_start3A_155 = tpu.memref_slice %arg4[%add3A_146, %dma_start3A_154] : memref<192000x128xf32, #tpu.memory_space<hbm>> -> memref<80x128xf32, #tpu.memory_space<hbm>>
      %dma_start3A_156 = arith.constant 0 : i32
      %dma_start3A_157 = arith.constant 0 : i32
      %dma_start3A_158 = tpu.memref_slice %arg6[%dma_start3A_147, %dma_start3A_156, %dma_start3A_157] : memref<5x80x128xf32, #tpu.memory_space<vmem>> -> memref<1x80x128xf32, #tpu.memory_space<vmem>>
      %dma_start3A_159 = tpu.memref_squeeze %dma_start3A_158 : memref<1x80x128xf32, #tpu.memory_space<vmem>> -> memref<80x128xf32, #tpu.memory_space<vmem>>
      tpu.enqueue_dma source(%dma_start3A_159 : memref<80x128xf32, #tpu.memory_space<vmem>>) target(%dma_start3A_155 : memref<80x128xf32, #tpu.memory_space<hbm>>) target_semaphore(%arg8 : memref<!tpu.dma_semaphore, #tpu.memory_space<semaphore_mem>>)
      %add3A_160 = arith.addi %mul3A_2, %mul3A_13 : i32
      %add3A_161 = arith.constant 240 : i32
      %add3A_162 = arith.addi %add3A_160, %add3A_161 : i32
      %dma_start3A_163 = arith.constant 3 : i32
      %dma_start3A_164 = arith.constant 0 : i32
      %dma_start3A_165 = arith.constant 0 : i32
      %dma_start3A_166 = tpu.memref_slice %arg6[%dma_start3A_163, %dma_start3A_164, %dma_start3A_165] : memref<5x80x128xf32, #tpu.memory_space<vmem>> -> memref<1x80x128xf32, #tpu.memory_space<vmem>>
      %dma_start3A_167 = tpu.memref_squeeze %dma_start3A_166 : memref<1x80x128xf32, #tpu.memory_space<vmem>> -> memref<80x128xf32, #tpu.memory_space<vmem>>
      %dma_start3A_168 = arith.constant 0 : i32
      %dma_start3A_169 = tpu.memref_slice %arg4[%add3A_162, %dma_start3A_168] : memref<192000x128xf32, #tpu.memory_space<hbm>> -> memref<80x128xf32, #tpu.memory_space<hbm>>
      %dma_start3A_170 = arith.constant 0 : i32
      %dma_start3A_171 = tpu.memref_slice %arg4[%add3A_162, %dma_start3A_170] : memref<192000x128xf32, #tpu.memory_space<hbm>> -> memref<80x128xf32, #tpu.memory_space<hbm>>
      %dma_start3A_172 = arith.constant 0 : i32
      %dma_start3A_173 = arith.constant 0 : i32
      %dma_start3A_174 = tpu.memref_slice %arg6[%dma_start3A_163, %dma_start3A_172, %dma_start3A_173] : memref<5x80x128xf32, #tpu.memory_space<vmem>> -> memref<1x80x128xf32, #tpu.memory_space<vmem>>
      %dma_start3A_175 = tpu.memref_squeeze %dma_start3A_174 : memref<1x80x128xf32, #tpu.memory_space<vmem>> -> memref<80x128xf32, #tpu.memory_space<vmem>>
      tpu.enqueue_dma source(%dma_start3A_175 : memref<80x128xf32, #tpu.memory_space<vmem>>) target(%dma_start3A_171 : memref<80x128xf32, #tpu.memory_space<hbm>>) target_semaphore(%arg8 : memref<!tpu.dma_semaphore, #tpu.memory_space<semaphore_mem>>)
      %add3A_176 = arith.addi %mul3A_2, %mul3A_13 : i32
      %add3A_177 = arith.constant 320 : i32
      %add3A_178 = arith.addi %add3A_176, %add3A_177 : i32
      %dma_start3A_179 = arith.constant 4 : i32
      %dma_start3A_180 = arith.constant 0 : i32
      %dma_start3A_181 = arith.constant 0 : i32
      %dma_start3A_182 = tpu.memref_slice %arg6[%dma_start3A_179, %dma_start3A_180, %dma_start3A_181] : memref<5x80x128xf32, #tpu.memory_space<vmem>> -> memref<1x80x128xf32, #tpu.memory_space<vmem>>
      %dma_start3A_183 = tpu.memref_squeeze %dma_start3A_182 : memref<1x80x128xf32, #tpu.memory_space<vmem>> -> memref<80x128xf32, #tpu.memory_space<vmem>>
      %dma_start3A_184 = arith.constant 0 : i32
      %dma_start3A_185 = tpu.memref_slice %arg4[%add3A_178, %dma_start3A_184] : memref<192000x128xf32, #tpu.memory_space<hbm>> -> memref<80x128xf32, #tpu.memory_space<hbm>>
      %dma_start3A_186 = arith.constant 0 : i32
      %dma_start3A_187 = tpu.memref_slice %arg4[%add3A_178, %dma_start3A_186] : memref<192000x128xf32, #tpu.memory_space<hbm>> -> memref<80x128xf32, #tpu.memory_space<hbm>>
      %dma_start3A_188 = arith.constant 0 : i32
      %dma_start3A_189 = arith.constant 0 : i32
      %dma_start3A_190 = tpu.memref_slice %arg6[%dma_start3A_179, %dma_start3A_188, %dma_start3A_189] : memref<5x80x128xf32, #tpu.memory_space<vmem>> -> memref<1x80x128xf32, #tpu.memory_space<vmem>>
      %dma_start3A_191 = tpu.memref_squeeze %dma_start3A_190 : memref<1x80x128xf32, #tpu.memory_space<vmem>> -> memref<80x128xf32, #tpu.memory_space<vmem>>
      tpu.enqueue_dma source(%dma_start3A_191 : memref<80x128xf32, #tpu.memory_space<vmem>>) target(%dma_start3A_187 : memref<80x128xf32, #tpu.memory_space<hbm>>) target_semaphore(%arg8 : memref<!tpu.dma_semaphore, #tpu.memory_space<semaphore_mem>>)
      %dma_wait3A_192 = arith.constant 0 : i32
      %dma_wait3A_193 = arith.constant 0 : i32
      %dma_wait3A_194 = arith.constant 0 : i32
      %dma_wait3A_195 = tpu.memref_slice %arg6[%dma_wait3A_192, %dma_wait3A_193, %dma_wait3A_194] : memref<5x80x128xf32, #tpu.memory_space<vmem>> -> memref<1x80x128xf32, #tpu.memory_space<vmem>>
      %dma_wait3A_196 = tpu.memref_squeeze %dma_wait3A_195 : memref<1x80x128xf32, #tpu.memory_space<vmem>> -> memref<80x128xf32, #tpu.memory_space<vmem>>
      %dma_wait3A_197 = arith.constant 0 : i32
      %dma_wait3A_198 = tpu.memref_slice %arg4[%add3A_114, %dma_wait3A_197] : memref<192000x128xf32, #tpu.memory_space<hbm>> -> memref<80x128xf32, #tpu.memory_space<hbm>>
      %dma_wait3A_199 = arith.constant 0 : i32
      %dma_wait3A_200 = tpu.memref_slice %arg4[%add3A_114, %dma_wait3A_199] : memref<192000x128xf32, #tpu.memory_space<hbm>> -> memref<80x128xf32, #tpu.memory_space<hbm>>
      %dma_wait3A_201 = arith.constant 0 : i32
      %dma_wait3A_202 = arith.constant 0 : i32
      %dma_wait3A_203 = tpu.memref_slice %arg6[%dma_wait3A_192, %dma_wait3A_201, %dma_wait3A_202] : memref<5x80x128xf32, #tpu.memory_space<vmem>> -> memref<1x80x128xf32, #tpu.memory_space<vmem>>
      %dma_wait3A_204 = tpu.memref_squeeze %dma_wait3A_203 : memref<1x80x128xf32, #tpu.memory_space<vmem>> -> memref<80x128xf32, #tpu.memory_space<vmem>>
      tpu.wait_dma2 semaphore(%arg8 : memref<!tpu.dma_semaphore, #tpu.memory_space<semaphore_mem>>) src(%dma_wait3A_204 : memref<80x128xf32, #tpu.memory_space<vmem>>) dst(%dma_wait3A_200 : memref<80x128xf32, #tpu.memory_space<hbm>>)
      %dma_wait3A_205 = arith.constant 1 : i32
      %dma_wait3A_206 = arith.constant 0 : i32
      %dma_wait3A_207 = arith.constant 0 : i32
      %dma_wait3A_208 = tpu.memref_slice %arg6[%dma_wait3A_205, %dma_wait3A_206, %dma_wait3A_207] : memref<5x80x128xf32, #tpu.memory_space<vmem>> -> memref<1x80x128xf32, #tpu.memory_space<vmem>>
      %dma_wait3A_209 = tpu.memref_squeeze %dma_wait3A_208 : memref<1x80x128xf32, #tpu.memory_space<vmem>> -> memref<80x128xf32, #tpu.memory_space<vmem>>
      %dma_wait3A_210 = arith.constant 0 : i32
      %dma_wait3A_211 = tpu.memref_slice %arg4[%add3A_130, %dma_wait3A_210] : memref<192000x128xf32, #tpu.memory_space<hbm>> -> memref<80x128xf32, #tpu.memory_space<hbm>>
      %dma_wait3A_212 = arith.constant 0 : i32
      %dma_wait3A_213 = tpu.memref_slice %arg4[%add3A_130, %dma_wait3A_212] : memref<192000x128xf32, #tpu.memory_space<hbm>> -> memref<80x128xf32, #tpu.memory_space<hbm>>
      %dma_wait3A_214 = arith.constant 0 : i32
      %dma_wait3A_215 = arith.constant 0 : i32
      %dma_wait3A_216 = tpu.memref_slice %arg6[%dma_wait3A_205, %dma_wait3A_214, %dma_wait3A_215] : memref<5x80x128xf32, #tpu.memory_space<vmem>> -> memref<1x80x128xf32, #tpu.memory_space<vmem>>
      %dma_wait3A_217 = tpu.memref_squeeze %dma_wait3A_216 : memref<1x80x128xf32, #tpu.memory_space<vmem>> -> memref<80x128xf32, #tpu.memory_space<vmem>>
      tpu.wait_dma2 semaphore(%arg8 : memref<!tpu.dma_semaphore, #tpu.memory_space<semaphore_mem>>) src(%dma_wait3A_217 : memref<80x128xf32, #tpu.memory_space<vmem>>) dst(%dma_wait3A_213 : memref<80x128xf32, #tpu.memory_space<hbm>>)
      %dma_wait3A_218 = arith.constant 2 : i32
      %dma_wait3A_219 = arith.constant 0 : i32
      %dma_wait3A_220 = arith.constant 0 : i32
      %dma_wait3A_221 = tpu.memref_slice %arg6[%dma_wait3A_218, %dma_wait3A_219, %dma_wait3A_220] : memref<5x80x128xf32, #tpu.memory_space<vmem>> -> memref<1x80x128xf32, #tpu.memory_space<vmem>>
      %dma_wait3A_222 = tpu.memref_squeeze %dma_wait3A_221 : memref<1x80x128xf32, #tpu.memory_space<vmem>> -> memref<80x128xf32, #tpu.memory_space<vmem>>
      %dma_wait3A_223 = arith.constant 0 : i32
      %dma_wait3A_224 = tpu.memref_slice %arg4[%add3A_146, %dma_wait3A_223] : memref<192000x128xf32, #tpu.memory_space<hbm>> -> memref<80x128xf32, #tpu.memory_space<hbm>>
      %dma_wait3A_225 = arith.constant 0 : i32
      %dma_wait3A_226 = tpu.memref_slice %arg4[%add3A_146, %dma_wait3A_225] : memref<192000x128xf32, #tpu.memory_space<hbm>> -> memref<80x128xf32, #tpu.memory_space<hbm>>
      %dma_wait3A_227 = arith.constant 0 : i32
      %dma_wait3A_228 = arith.constant 0 : i32
      %dma_wait3A_229 = tpu.memref_slice %arg6[%dma_wait3A_218, %dma_wait3A_227, %dma_wait3A_228] : memref<5x80x128xf32, #tpu.memory_space<vmem>> -> memref<1x80x128xf32, #tpu.memory_space<vmem>>
      %dma_wait3A_230 = tpu.memref_squeeze %dma_wait3A_229 : memref<1x80x128xf32, #tpu.memory_space<vmem>> -> memref<80x128xf32, #tpu.memory_space<vmem>>
      tpu.wait_dma2 semaphore(%arg8 : memref<!tpu.dma_semaphore, #tpu.memory_space<semaphore_mem>>) src(%dma_wait3A_230 : memref<80x128xf32, #tpu.memory_space<vmem>>) dst(%dma_wait3A_226 : memref<80x128xf32, #tpu.memory_space<hbm>>)
      %dma_wait3A_231 = arith.constant 3 : i32
      %dma_wait3A_232 = arith.constant 0 : i32
      %dma_wait3A_233 = arith.constant 0 : i32
      %dma_wait3A_234 = tpu.memref_slice %arg6[%dma_wait3A_231, %dma_wait3A_232, %dma_wait3A_233] : memref<5x80x128xf32, #tpu.memory_space<vmem>> -> memref<1x80x128xf32, #tpu.memory_space<vmem>>
      %dma_wait3A_235 = tpu.memref_squeeze %dma_wait3A_234 : memref<1x80x128xf32, #tpu.memory_space<vmem>> -> memref<80x128xf32, #tpu.memory_space<vmem>>
      %dma_wait3A_236 = arith.constant 0 : i32
      %dma_wait3A_237 = tpu.memref_slice %arg4[%add3A_162, %dma_wait3A_236] : memref<192000x128xf32, #tpu.memory_space<hbm>> -> memref<80x128xf32, #tpu.memory_space<hbm>>
      %dma_wait3A_238 = arith.constant 0 : i32
      %dma_wait3A_239 = tpu.memref_slice %arg4[%add3A_162, %dma_wait3A_238] : memref<192000x128xf32, #tpu.memory_space<hbm>> -> memref<80x128xf32, #tpu.memory_space<hbm>>
      %dma_wait3A_240 = arith.constant 0 : i32
      %dma_wait3A_241 = arith.constant 0 : i32
      %dma_wait3A_242 = tpu.memref_slice %arg6[%dma_wait3A_231, %dma_wait3A_240, %dma_wait3A_241] : memref<5x80x128xf32, #tpu.memory_space<vmem>> -> memref<1x80x128xf32, #tpu.memory_space<vmem>>
      %dma_wait3A_243 = tpu.memref_squeeze %dma_wait3A_242 : memref<1x80x128xf32, #tpu.memory_space<vmem>> -> memref<80x128xf32, #tpu.memory_space<vmem>>
      tpu.wait_dma2 semaphore(%arg8 : memref<!tpu.dma_semaphore, #tpu.memory_space<semaphore_mem>>) src(%dma_wait3A_243 : memref<80x128xf32, #tpu.memory_space<vmem>>) dst(%dma_wait3A_239 : memref<80x128xf32, #tpu.memory_space<hbm>>)
      %dma_wait3A_244 = arith.constant 4 : i32
      %dma_wait3A_245 = arith.constant 0 : i32
      %dma_wait3A_246 = arith.constant 0 : i32
      %dma_wait3A_247 = tpu.memref_slice %arg6[%dma_wait3A_244, %dma_wait3A_245, %dma_wait3A_246] : memref<5x80x128xf32, #tpu.memory_space<vmem>> -> memref<1x80x128xf32, #tpu.memory_space<vmem>>
      %dma_wait3A_248 = tpu.memref_squeeze %dma_wait3A_247 : memref<1x80x128xf32, #tpu.memory_space<vmem>> -> memref<80x128xf32, #tpu.memory_space<vmem>>
      %dma_wait3A_249 = arith.constant 0 : i32
      %dma_wait3A_250 = tpu.memref_slice %arg4[%add3A_178, %dma_wait3A_249] : memref<192000x128xf32, #tpu.memory_space<hbm>> -> memref<80x128xf32, #tpu.memory_space<hbm>>
      %dma_wait3A_251 = arith.constant 0 : i32
      %dma_wait3A_252 = tpu.memref_slice %arg4[%add3A_178, %dma_wait3A_251] : memref<192000x128xf32, #tpu.memory_space<hbm>> -> memref<80x128xf32, #tpu.memory_space<hbm>>
      %dma_wait3A_253 = arith.constant 0 : i32
      %dma_wait3A_254 = arith.constant 0 : i32
      %dma_wait3A_255 = tpu.memref_slice %arg6[%dma_wait3A_244, %dma_wait3A_253, %dma_wait3A_254] : memref<5x80x128xf32, #tpu.memory_space<vmem>> -> memref<1x80x128xf32, #tpu.memory_space<vmem>>
      %dma_wait3A_256 = tpu.memref_squeeze %dma_wait3A_255 : memref<1x80x128xf32, #tpu.memory_space<vmem>> -> memref<80x128xf32, #tpu.memory_space<vmem>>
      tpu.wait_dma2 semaphore(%arg8 : memref<!tpu.dma_semaphore, #tpu.memory_space<semaphore_mem>>) src(%dma_wait3A_256 : memref<80x128xf32, #tpu.memory_space<vmem>>) dst(%dma_wait3A_252 : memref<80x128xf32, #tpu.memory_space<hbm>>)
    }
    %scan3A_6 = arith.constant 15 : i32
    return
  }
}

#map = affine_map<(d0, d1) -> (0, 0)>
#map1 = affine_map<(d0, d1) -> (0)>
module attributes {stable_mosaic.version = 14 : i64} {
  func.func @kfn(%arg0: i32, %arg1: i32, %arg2: memref<10000x128xf32, #tpu.memory_space<hbm>>, %arg3: memref<128000xi32, #tpu.memory_space<hbm>>, %arg4: memref<128000x128xf32, #tpu.memory_space<hbm>>, %arg5: memref<4000xi32, #tpu.memory_space<vmem>>, %arg6: memref<5x80x128xf32, #tpu.memory_space<vmem>>, %arg7: memref<!tpu.dma_semaphore, #tpu.memory_space<semaphore_mem>>, %arg8: memref<!tpu.dma_semaphore, #tpu.memory_space<semaphore_mem>>) attributes {dimension_semantics = [#tpu.dimension_semantics<core_parallel>, #tpu.dimension_semantics<subcore_parallel>], iteration_bounds = array<i64: 2, 16>, scalar_prefetch = 0 : i64, scratch_operands = 4 : i64, tpu.core_type = #tpu.core_type<sc_vector_subcore>, window_params = [{transform_indices = #map}, {transform_indices = #map1}, {transform_indices = #map}]} {
    %mul3A = arith.constant 16 : i32
    %mul3A_0 = arith.muli %arg0, %mul3A : i32
    %add3A = arith.addi %mul3A_0, %arg1 : i32
    %mul3A_1 = arith.constant 4000 : i32
    %mul3A_2 = arith.muli %add3A, %mul3A_1 : i32
    "tpu.region"() ({
      %run_scoped3A = tpu.sem_alloc : memref<!tpu.dma_semaphore, #tpu.memory_space<semaphore_mem>>
      %dma_start3A = tpu.memref_slice %arg3[%mul3A_2] : memref<128000xi32, #tpu.memory_space<hbm>> -> memref<4000xi32, #tpu.memory_space<hbm>>
      %dma_start3A_7 = tpu.memref_slice %arg3[%mul3A_2] : memref<128000xi32, #tpu.memory_space<hbm>> -> memref<4000xi32, #tpu.memory_space<hbm>>
      tpu.enqueue_dma source(%dma_start3A_7 : memref<4000xi32, #tpu.memory_space<hbm>>) target(%arg5 : memref<4000xi32, #tpu.memory_space<vmem>>) target_semaphore(%run_scoped3A : memref<!tpu.dma_semaphore, #tpu.memory_space<semaphore_mem>>)
      %dma_wait3A = tpu.memref_slice %arg3[%mul3A_2] : memref<128000xi32, #tpu.memory_space<hbm>> -> memref<4000xi32, #tpu.memory_space<hbm>>
      %dma_wait3A_8 = tpu.memref_slice %arg3[%mul3A_2] : memref<128000xi32, #tpu.memory_space<hbm>> -> memref<4000xi32, #tpu.memory_space<hbm>>
      tpu.wait_dma2 semaphore(%run_scoped3A : memref<!tpu.dma_semaphore, #tpu.memory_space<semaphore_mem>>) src(%dma_wait3A_8 : memref<4000xi32, #tpu.memory_space<hbm>>) dst(%arg5 : memref<4000xi32, #tpu.memory_space<vmem>>)
      tpu.yield
    }) : () -> ()
    %scan3A = arith.constant 0 : i32
    %scan3A_3 = arith.constant 10 : i32
    %scan3A_4 = arith.addi %scan3A, %scan3A_3 : i32
    %scan3A_5 = arith.constant 1 : i32
    scf.for %scan3A_7 = %scan3A to %scan3A_4 step %scan3A_5  : i32 {
      %mul3A_8 = arith.constant 1 : i32
      %mul3A_9 = arith.muli %scan3A_7, %mul3A_8 : i32
      %add3A_10 = arith.constant 0 : i32
      %add3A_11 = arith.addi %add3A_10, %mul3A_9 : i32
      %mul3A_12 = arith.constant 400 : i32
      %mul3A_13 = arith.muli %add3A_11, %mul3A_12 : i32
      %add3A_14 = arith.constant 0 : i32
      %add3A_15 = arith.addi %mul3A_13, %add3A_14 : i32
      %dma_start3A = arith.constant 0 : i32
      %dma_start3A_16 = arith.constant 0 : i32
      %dma_start3A_17 = arith.constant 0 : i32
      %dma_start3A_18 = tpu.memref_slice %arg6[%dma_start3A, %dma_start3A_16, %dma_start3A_17] : memref<5x80x128xf32, #tpu.memory_space<vmem>> -> memref<1x80x128xf32, #tpu.memory_space<vmem>>
      %dma_start3A_19 = tpu.memref_squeeze %dma_start3A_18 : memref<1x80x128xf32, #tpu.memory_space<vmem>> -> memref<80x128xf32, #tpu.memory_space<vmem>>
      %dma_start3A_20 = tpu.memref_slice %arg5[%add3A_15] : memref<4000xi32, #tpu.memory_space<vmem>> -> memref<80xi32, #tpu.memory_space<vmem>>
      %dma_start3A_21 = arith.constant 0 : i32
      %dma_start3A_22 = arith.constant 0 : i32
      %dma_start3A_23 = tpu.memref_slice %arg2[%dma_start3A_21, %dma_start3A_22] : memref<10000x128xf32, #tpu.memory_space<hbm>> -> memref<10000x128xf32, #tpu.memory_space<hbm>>
      tpu.enqueue_indirect_dma source(%dma_start3A_23 : memref<10000x128xf32, #tpu.memory_space<hbm>>) target(%dma_start3A_19 : memref<80x128xf32, #tpu.memory_space<vmem>>) offsets(%dma_start3A_20 : memref<80xi32, #tpu.memory_space<vmem>>) semaphore(%arg7 : memref<!tpu.dma_semaphore, #tpu.memory_space<semaphore_mem>>)
      %add3A_24 = arith.constant 80 : i32
      %add3A_25 = arith.addi %mul3A_13, %add3A_24 : i32
      %dma_start3A_26 = arith.constant 1 : i32
      %dma_start3A_27 = arith.constant 0 : i32
      %dma_start3A_28 = arith.constant 0 : i32
      %dma_start3A_29 = tpu.memref_slice %arg6[%dma_start3A_26, %dma_start3A_27, %dma_start3A_28] : memref<5x80x128xf32, #tpu.memory_space<vmem>> -> memref<1x80x128xf32, #tpu.memory_space<vmem>>
      %dma_start3A_30 = tpu.memref_squeeze %dma_start3A_29 : memref<1x80x128xf32, #tpu.memory_space<vmem>> -> memref<80x128xf32, #tpu.memory_space<vmem>>
      %dma_start3A_31 = tpu.memref_slice %arg5[%add3A_25] : memref<4000xi32, #tpu.memory_space<vmem>> -> memref<80xi32, #tpu.memory_space<vmem>>
      %dma_start3A_32 = arith.constant 0 : i32
      %dma_start3A_33 = arith.constant 0 : i32
      %dma_start3A_34 = tpu.memref_slice %arg2[%dma_start3A_32, %dma_start3A_33] : memref<10000x128xf32, #tpu.memory_space<hbm>> -> memref<10000x128xf32, #tpu.memory_space<hbm>>
      tpu.enqueue_indirect_dma source(%dma_start3A_34 : memref<10000x128xf32, #tpu.memory_space<hbm>>) target(%dma_start3A_30 : memref<80x128xf32, #tpu.memory_space<vmem>>) offsets(%dma_start3A_31 : memref<80xi32, #tpu.memory_space<vmem>>) semaphore(%arg7 : memref<!tpu.dma_semaphore, #tpu.memory_space<semaphore_mem>>)
      %add3A_35 = arith.constant 160 : i32
      %add3A_36 = arith.addi %mul3A_13, %add3A_35 : i32
      %dma_start3A_37 = arith.constant 2 : i32
      %dma_start3A_38 = arith.constant 0 : i32
      %dma_start3A_39 = arith.constant 0 : i32
      %dma_start3A_40 = tpu.memref_slice %arg6[%dma_start3A_37, %dma_start3A_38, %dma_start3A_39] : memref<5x80x128xf32, #tpu.memory_space<vmem>> -> memref<1x80x128xf32, #tpu.memory_space<vmem>>
      %dma_start3A_41 = tpu.memref_squeeze %dma_start3A_40 : memref<1x80x128xf32, #tpu.memory_space<vmem>> -> memref<80x128xf32, #tpu.memory_space<vmem>>
      %dma_start3A_42 = tpu.memref_slice %arg5[%add3A_36] : memref<4000xi32, #tpu.memory_space<vmem>> -> memref<80xi32, #tpu.memory_space<vmem>>
      %dma_start3A_43 = arith.constant 0 : i32
      %dma_start3A_44 = arith.constant 0 : i32
      %dma_start3A_45 = tpu.memref_slice %arg2[%dma_start3A_43, %dma_start3A_44] : memref<10000x128xf32, #tpu.memory_space<hbm>> -> memref<10000x128xf32, #tpu.memory_space<hbm>>
      tpu.enqueue_indirect_dma source(%dma_start3A_45 : memref<10000x128xf32, #tpu.memory_space<hbm>>) target(%dma_start3A_41 : memref<80x128xf32, #tpu.memory_space<vmem>>) offsets(%dma_start3A_42 : memref<80xi32, #tpu.memory_space<vmem>>) semaphore(%arg7 : memref<!tpu.dma_semaphore, #tpu.memory_space<semaphore_mem>>)
      %add3A_46 = arith.constant 240 : i32
      %add3A_47 = arith.addi %mul3A_13, %add3A_46 : i32
      %dma_start3A_48 = arith.constant 3 : i32
      %dma_start3A_49 = arith.constant 0 : i32
      %dma_start3A_50 = arith.constant 0 : i32
      %dma_start3A_51 = tpu.memref_slice %arg6[%dma_start3A_48, %dma_start3A_49, %dma_start3A_50] : memref<5x80x128xf32, #tpu.memory_space<vmem>> -> memref<1x80x128xf32, #tpu.memory_space<vmem>>
      %dma_start3A_52 = tpu.memref_squeeze %dma_start3A_51 : memref<1x80x128xf32, #tpu.memory_space<vmem>> -> memref<80x128xf32, #tpu.memory_space<vmem>>
      %dma_start3A_53 = tpu.memref_slice %arg5[%add3A_47] : memref<4000xi32, #tpu.memory_space<vmem>> -> memref<80xi32, #tpu.memory_space<vmem>>
      %dma_start3A_54 = arith.constant 0 : i32
      %dma_start3A_55 = arith.constant 0 : i32
      %dma_start3A_56 = tpu.memref_slice %arg2[%dma_start3A_54, %dma_start3A_55] : memref<10000x128xf32, #tpu.memory_space<hbm>> -> memref<10000x128xf32, #tpu.memory_space<hbm>>
      tpu.enqueue_indirect_dma source(%dma_start3A_56 : memref<10000x128xf32, #tpu.memory_space<hbm>>) target(%dma_start3A_52 : memref<80x128xf32, #tpu.memory_space<vmem>>) offsets(%dma_start3A_53 : memref<80xi32, #tpu.memory_space<vmem>>) semaphore(%arg7 : memref<!tpu.dma_semaphore, #tpu.memory_space<semaphore_mem>>)
      %add3A_57 = arith.constant 320 : i32
      %add3A_58 = arith.addi %mul3A_13, %add3A_57 : i32
      %dma_start3A_59 = arith.constant 4 : i32
      %dma_start3A_60 = arith.constant 0 : i32
      %dma_start3A_61 = arith.constant 0 : i32
      %dma_start3A_62 = tpu.memref_slice %arg6[%dma_start3A_59, %dma_start3A_60, %dma_start3A_61] : memref<5x80x128xf32, #tpu.memory_space<vmem>> -> memref<1x80x128xf32, #tpu.memory_space<vmem>>
      %dma_start3A_63 = tpu.memref_squeeze %dma_start3A_62 : memref<1x80x128xf32, #tpu.memory_space<vmem>> -> memref<80x128xf32, #tpu.memory_space<vmem>>
      %dma_start3A_64 = tpu.memref_slice %arg5[%add3A_58] : memref<4000xi32, #tpu.memory_space<vmem>> -> memref<80xi32, #tpu.memory_space<vmem>>
      %dma_start3A_65 = arith.constant 0 : i32
      %dma_start3A_66 = arith.constant 0 : i32
      %dma_start3A_67 = tpu.memref_slice %arg2[%dma_start3A_65, %dma_start3A_66] : memref<10000x128xf32, #tpu.memory_space<hbm>> -> memref<10000x128xf32, #tpu.memory_space<hbm>>
      tpu.enqueue_indirect_dma source(%dma_start3A_67 : memref<10000x128xf32, #tpu.memory_space<hbm>>) target(%dma_start3A_63 : memref<80x128xf32, #tpu.memory_space<vmem>>) offsets(%dma_start3A_64 : memref<80xi32, #tpu.memory_space<vmem>>) semaphore(%arg7 : memref<!tpu.dma_semaphore, #tpu.memory_space<semaphore_mem>>)
      %dma_wait3A = arith.constant 0 : i32
      %dma_wait3A_68 = arith.constant 0 : i32
      %dma_wait3A_69 = arith.constant 0 : i32
      %dma_wait3A_70 = tpu.memref_slice %arg6[%dma_wait3A, %dma_wait3A_68, %dma_wait3A_69] : memref<5x80x128xf32, #tpu.memory_space<vmem>> -> memref<1x80x128xf32, #tpu.memory_space<vmem>>
      %dma_wait3A_71 = tpu.memref_squeeze %dma_wait3A_70 : memref<1x80x128xf32, #tpu.memory_space<vmem>> -> memref<80x128xf32, #tpu.memory_space<vmem>>
      %dma_wait3A_72 = tpu.memref_slice %arg5[%add3A_15] : memref<4000xi32, #tpu.memory_space<vmem>> -> memref<80xi32, #tpu.memory_space<vmem>>
      %dma_wait3A_73 = arith.constant 0 : i32
      %dma_wait3A_74 = arith.constant 0 : i32
      %dma_wait3A_75 = tpu.memref_slice %arg2[%dma_wait3A_73, %dma_wait3A_74] : memref<10000x128xf32, #tpu.memory_space<hbm>> -> memref<10000x128xf32, #tpu.memory_space<hbm>>
      tpu.wait_indirect_dma semaphore(%arg7 : memref<!tpu.dma_semaphore, #tpu.memory_space<semaphore_mem>>) src(%dma_wait3A_75 : memref<10000x128xf32, #tpu.memory_space<hbm>>) dst(%dma_wait3A_71 : memref<80x128xf32, #tpu.memory_space<vmem>>)
      %dma_wait3A_76 = arith.constant 1 : i32
      %dma_wait3A_77 = arith.constant 0 : i32
      %dma_wait3A_78 = arith.constant 0 : i32
      %dma_wait3A_79 = tpu.memref_slice %arg6[%dma_wait3A_76, %dma_wait3A_77, %dma_wait3A_78] : memref<5x80x128xf32, #tpu.memory_space<vmem>> -> memref<1x80x128xf32, #tpu.memory_space<vmem>>
      %dma_wait3A_80 = tpu.memref_squeeze %dma_wait3A_79 : memref<1x80x128xf32, #tpu.memory_space<vmem>> -> memref<80x128xf32, #tpu.memory_space<vmem>>
      %dma_wait3A_81 = tpu.memref_slice %arg5[%add3A_25] : memref<4000xi32, #tpu.memory_space<vmem>> -> memref<80xi32, #tpu.memory_space<vmem>>
      %dma_wait3A_82 = arith.constant 0 : i32
      %dma_wait3A_83 = arith.constant 0 : i32
      %dma_wait3A_84 = tpu.memref_slice %arg2[%dma_wait3A_82, %dma_wait3A_83] : memref<10000x128xf32, #tpu.memory_space<hbm>> -> memref<10000x128xf32, #tpu.memory_space<hbm>>
      tpu.wait_indirect_dma semaphore(%arg7 : memref<!tpu.dma_semaphore, #tpu.memory_space<semaphore_mem>>) src(%dma_wait3A_84 : memref<10000x128xf32, #tpu.memory_space<hbm>>) dst(%dma_wait3A_80 : memref<80x128xf32, #tpu.memory_space<vmem>>)
      %dma_wait3A_85 = arith.constant 2 : i32
      %dma_wait3A_86 = arith.constant 0 : i32
      %dma_wait3A_87 = arith.constant 0 : i32
      %dma_wait3A_88 = tpu.memref_slice %arg6[%dma_wait3A_85, %dma_wait3A_86, %dma_wait3A_87] : memref<5x80x128xf32, #tpu.memory_space<vmem>> -> memref<1x80x128xf32, #tpu.memory_space<vmem>>
      %dma_wait3A_89 = tpu.memref_squeeze %dma_wait3A_88 : memref<1x80x128xf32, #tpu.memory_space<vmem>> -> memref<80x128xf32, #tpu.memory_space<vmem>>
      %dma_wait3A_90 = tpu.memref_slice %arg5[%add3A_36] : memref<4000xi32, #tpu.memory_space<vmem>> -> memref<80xi32, #tpu.memory_space<vmem>>
      %dma_wait3A_91 = arith.constant 0 : i32
      %dma_wait3A_92 = arith.constant 0 : i32
      %dma_wait3A_93 = tpu.memref_slice %arg2[%dma_wait3A_91, %dma_wait3A_92] : memref<10000x128xf32, #tpu.memory_space<hbm>> -> memref<10000x128xf32, #tpu.memory_space<hbm>>
      tpu.wait_indirect_dma semaphore(%arg7 : memref<!tpu.dma_semaphore, #tpu.memory_space<semaphore_mem>>) src(%dma_wait3A_93 : memref<10000x128xf32, #tpu.memory_space<hbm>>) dst(%dma_wait3A_89 : memref<80x128xf32, #tpu.memory_space<vmem>>)
      %dma_wait3A_94 = arith.constant 3 : i32
      %dma_wait3A_95 = arith.constant 0 : i32
      %dma_wait3A_96 = arith.constant 0 : i32
      %dma_wait3A_97 = tpu.memref_slice %arg6[%dma_wait3A_94, %dma_wait3A_95, %dma_wait3A_96] : memref<5x80x128xf32, #tpu.memory_space<vmem>> -> memref<1x80x128xf32, #tpu.memory_space<vmem>>
      %dma_wait3A_98 = tpu.memref_squeeze %dma_wait3A_97 : memref<1x80x128xf32, #tpu.memory_space<vmem>> -> memref<80x128xf32, #tpu.memory_space<vmem>>
      %dma_wait3A_99 = tpu.memref_slice %arg5[%add3A_47] : memref<4000xi32, #tpu.memory_space<vmem>> -> memref<80xi32, #tpu.memory_space<vmem>>
      %dma_wait3A_100 = arith.constant 0 : i32
      %dma_wait3A_101 = arith.constant 0 : i32
      %dma_wait3A_102 = tpu.memref_slice %arg2[%dma_wait3A_100, %dma_wait3A_101] : memref<10000x128xf32, #tpu.memory_space<hbm>> -> memref<10000x128xf32, #tpu.memory_space<hbm>>
      tpu.wait_indirect_dma semaphore(%arg7 : memref<!tpu.dma_semaphore, #tpu.memory_space<semaphore_mem>>) src(%dma_wait3A_102 : memref<10000x128xf32, #tpu.memory_space<hbm>>) dst(%dma_wait3A_98 : memref<80x128xf32, #tpu.memory_space<vmem>>)
      %dma_wait3A_103 = arith.constant 4 : i32
      %dma_wait3A_104 = arith.constant 0 : i32
      %dma_wait3A_105 = arith.constant 0 : i32
      %dma_wait3A_106 = tpu.memref_slice %arg6[%dma_wait3A_103, %dma_wait3A_104, %dma_wait3A_105] : memref<5x80x128xf32, #tpu.memory_space<vmem>> -> memref<1x80x128xf32, #tpu.memory_space<vmem>>
      %dma_wait3A_107 = tpu.memref_squeeze %dma_wait3A_106 : memref<1x80x128xf32, #tpu.memory_space<vmem>> -> memref<80x128xf32, #tpu.memory_space<vmem>>
      %dma_wait3A_108 = tpu.memref_slice %arg5[%add3A_58] : memref<4000xi32, #tpu.memory_space<vmem>> -> memref<80xi32, #tpu.memory_space<vmem>>
      %dma_wait3A_109 = arith.constant 0 : i32
      %dma_wait3A_110 = arith.constant 0 : i32
      %dma_wait3A_111 = tpu.memref_slice %arg2[%dma_wait3A_109, %dma_wait3A_110] : memref<10000x128xf32, #tpu.memory_space<hbm>> -> memref<10000x128xf32, #tpu.memory_space<hbm>>
      tpu.wait_indirect_dma semaphore(%arg7 : memref<!tpu.dma_semaphore, #tpu.memory_space<semaphore_mem>>) src(%dma_wait3A_111 : memref<10000x128xf32, #tpu.memory_space<hbm>>) dst(%dma_wait3A_107 : memref<80x128xf32, #tpu.memory_space<vmem>>)
      %add3A_112 = arith.addi %mul3A_2, %mul3A_13 : i32
      %add3A_113 = arith.constant 0 : i32
      %add3A_114 = arith.addi %add3A_112, %add3A_113 : i32
      %dma_start3A_115 = arith.constant 0 : i32
      %dma_start3A_116 = arith.constant 0 : i32
      %dma_start3A_117 = arith.constant 0 : i32
      %dma_start3A_118 = tpu.memref_slice %arg6[%dma_start3A_115, %dma_start3A_116, %dma_start3A_117] : memref<5x80x128xf32, #tpu.memory_space<vmem>> -> memref<1x80x128xf32, #tpu.memory_space<vmem>>
      %dma_start3A_119 = tpu.memref_squeeze %dma_start3A_118 : memref<1x80x128xf32, #tpu.memory_space<vmem>> -> memref<80x128xf32, #tpu.memory_space<vmem>>
      %dma_start3A_120 = arith.constant 0 : i32
      %dma_start3A_121 = tpu.memref_slice %arg4[%add3A_114, %dma_start3A_120] : memref<128000x128xf32, #tpu.memory_space<hbm>> -> memref<80x128xf32, #tpu.memory_space<hbm>>
      %dma_start3A_122 = arith.constant 0 : i32
      %dma_start3A_123 = tpu.memref_slice %arg4[%add3A_114, %dma_start3A_122] : memref<128000x128xf32, #tpu.memory_space<hbm>> -> memref<80x128xf32, #tpu.memory_space<hbm>>
      %dma_start3A_124 = arith.constant 0 : i32
      %dma_start3A_125 = arith.constant 0 : i32
      %dma_start3A_126 = tpu.memref_slice %arg6[%dma_start3A_115, %dma_start3A_124, %dma_start3A_125] : memref<5x80x128xf32, #tpu.memory_space<vmem>> -> memref<1x80x128xf32, #tpu.memory_space<vmem>>
      %dma_start3A_127 = tpu.memref_squeeze %dma_start3A_126 : memref<1x80x128xf32, #tpu.memory_space<vmem>> -> memref<80x128xf32, #tpu.memory_space<vmem>>
      tpu.enqueue_dma source(%dma_start3A_127 : memref<80x128xf32, #tpu.memory_space<vmem>>) target(%dma_start3A_123 : memref<80x128xf32, #tpu.memory_space<hbm>>) target_semaphore(%arg8 : memref<!tpu.dma_semaphore, #tpu.memory_space<semaphore_mem>>)
      %add3A_128 = arith.addi %mul3A_2, %mul3A_13 : i32
      %add3A_129 = arith.constant 80 : i32
      %add3A_130 = arith.addi %add3A_128, %add3A_129 : i32
      %dma_start3A_131 = arith.constant 1 : i32
      %dma_start3A_132 = arith.constant 0 : i32
      %dma_start3A_133 = arith.constant 0 : i32
      %dma_start3A_134 = tpu.memref_slice %arg6[%dma_start3A_131, %dma_start3A_132, %dma_start3A_133] : memref<5x80x128xf32, #tpu.memory_space<vmem>> -> memref<1x80x128xf32, #tpu.memory_space<vmem>>
      %dma_start3A_135 = tpu.memref_squeeze %dma_start3A_134 : memref<1x80x128xf32, #tpu.memory_space<vmem>> -> memref<80x128xf32, #tpu.memory_space<vmem>>
      %dma_start3A_136 = arith.constant 0 : i32
      %dma_start3A_137 = tpu.memref_slice %arg4[%add3A_130, %dma_start3A_136] : memref<128000x128xf32, #tpu.memory_space<hbm>> -> memref<80x128xf32, #tpu.memory_space<hbm>>
      %dma_start3A_138 = arith.constant 0 : i32
      %dma_start3A_139 = tpu.memref_slice %arg4[%add3A_130, %dma_start3A_138] : memref<128000x128xf32, #tpu.memory_space<hbm>> -> memref<80x128xf32, #tpu.memory_space<hbm>>
      %dma_start3A_140 = arith.constant 0 : i32
      %dma_start3A_141 = arith.constant 0 : i32
      %dma_start3A_142 = tpu.memref_slice %arg6[%dma_start3A_131, %dma_start3A_140, %dma_start3A_141] : memref<5x80x128xf32, #tpu.memory_space<vmem>> -> memref<1x80x128xf32, #tpu.memory_space<vmem>>
      %dma_start3A_143 = tpu.memref_squeeze %dma_start3A_142 : memref<1x80x128xf32, #tpu.memory_space<vmem>> -> memref<80x128xf32, #tpu.memory_space<vmem>>
      tpu.enqueue_dma source(%dma_start3A_143 : memref<80x128xf32, #tpu.memory_space<vmem>>) target(%dma_start3A_139 : memref<80x128xf32, #tpu.memory_space<hbm>>) target_semaphore(%arg8 : memref<!tpu.dma_semaphore, #tpu.memory_space<semaphore_mem>>)
      %add3A_144 = arith.addi %mul3A_2, %mul3A_13 : i32
      %add3A_145 = arith.constant 160 : i32
      %add3A_146 = arith.addi %add3A_144, %add3A_145 : i32
      %dma_start3A_147 = arith.constant 2 : i32
      %dma_start3A_148 = arith.constant 0 : i32
      %dma_start3A_149 = arith.constant 0 : i32
      %dma_start3A_150 = tpu.memref_slice %arg6[%dma_start3A_147, %dma_start3A_148, %dma_start3A_149] : memref<5x80x128xf32, #tpu.memory_space<vmem>> -> memref<1x80x128xf32, #tpu.memory_space<vmem>>
      %dma_start3A_151 = tpu.memref_squeeze %dma_start3A_150 : memref<1x80x128xf32, #tpu.memory_space<vmem>> -> memref<80x128xf32, #tpu.memory_space<vmem>>
      %dma_start3A_152 = arith.constant 0 : i32
      %dma_start3A_153 = tpu.memref_slice %arg4[%add3A_146, %dma_start3A_152] : memref<128000x128xf32, #tpu.memory_space<hbm>> -> memref<80x128xf32, #tpu.memory_space<hbm>>
      %dma_start3A_154 = arith.constant 0 : i32
      %dma_start3A_155 = tpu.memref_slice %arg4[%add3A_146, %dma_start3A_154] : memref<128000x128xf32, #tpu.memory_space<hbm>> -> memref<80x128xf32, #tpu.memory_space<hbm>>
      %dma_start3A_156 = arith.constant 0 : i32
      %dma_start3A_157 = arith.constant 0 : i32
      %dma_start3A_158 = tpu.memref_slice %arg6[%dma_start3A_147, %dma_start3A_156, %dma_start3A_157] : memref<5x80x128xf32, #tpu.memory_space<vmem>> -> memref<1x80x128xf32, #tpu.memory_space<vmem>>
      %dma_start3A_159 = tpu.memref_squeeze %dma_start3A_158 : memref<1x80x128xf32, #tpu.memory_space<vmem>> -> memref<80x128xf32, #tpu.memory_space<vmem>>
      tpu.enqueue_dma source(%dma_start3A_159 : memref<80x128xf32, #tpu.memory_space<vmem>>) target(%dma_start3A_155 : memref<80x128xf32, #tpu.memory_space<hbm>>) target_semaphore(%arg8 : memref<!tpu.dma_semaphore, #tpu.memory_space<semaphore_mem>>)
      %add3A_160 = arith.addi %mul3A_2, %mul3A_13 : i32
      %add3A_161 = arith.constant 240 : i32
      %add3A_162 = arith.addi %add3A_160, %add3A_161 : i32
      %dma_start3A_163 = arith.constant 3 : i32
      %dma_start3A_164 = arith.constant 0 : i32
      %dma_start3A_165 = arith.constant 0 : i32
      %dma_start3A_166 = tpu.memref_slice %arg6[%dma_start3A_163, %dma_start3A_164, %dma_start3A_165] : memref<5x80x128xf32, #tpu.memory_space<vmem>> -> memref<1x80x128xf32, #tpu.memory_space<vmem>>
      %dma_start3A_167 = tpu.memref_squeeze %dma_start3A_166 : memref<1x80x128xf32, #tpu.memory_space<vmem>> -> memref<80x128xf32, #tpu.memory_space<vmem>>
      %dma_start3A_168 = arith.constant 0 : i32
      %dma_start3A_169 = tpu.memref_slice %arg4[%add3A_162, %dma_start3A_168] : memref<128000x128xf32, #tpu.memory_space<hbm>> -> memref<80x128xf32, #tpu.memory_space<hbm>>
      %dma_start3A_170 = arith.constant 0 : i32
      %dma_start3A_171 = tpu.memref_slice %arg4[%add3A_162, %dma_start3A_170] : memref<128000x128xf32, #tpu.memory_space<hbm>> -> memref<80x128xf32, #tpu.memory_space<hbm>>
      %dma_start3A_172 = arith.constant 0 : i32
      %dma_start3A_173 = arith.constant 0 : i32
      %dma_start3A_174 = tpu.memref_slice %arg6[%dma_start3A_163, %dma_start3A_172, %dma_start3A_173] : memref<5x80x128xf32, #tpu.memory_space<vmem>> -> memref<1x80x128xf32, #tpu.memory_space<vmem>>
      %dma_start3A_175 = tpu.memref_squeeze %dma_start3A_174 : memref<1x80x128xf32, #tpu.memory_space<vmem>> -> memref<80x128xf32, #tpu.memory_space<vmem>>
      tpu.enqueue_dma source(%dma_start3A_175 : memref<80x128xf32, #tpu.memory_space<vmem>>) target(%dma_start3A_171 : memref<80x128xf32, #tpu.memory_space<hbm>>) target_semaphore(%arg8 : memref<!tpu.dma_semaphore, #tpu.memory_space<semaphore_mem>>)
      %add3A_176 = arith.addi %mul3A_2, %mul3A_13 : i32
      %add3A_177 = arith.constant 320 : i32
      %add3A_178 = arith.addi %add3A_176, %add3A_177 : i32
      %dma_start3A_179 = arith.constant 4 : i32
      %dma_start3A_180 = arith.constant 0 : i32
      %dma_start3A_181 = arith.constant 0 : i32
      %dma_start3A_182 = tpu.memref_slice %arg6[%dma_start3A_179, %dma_start3A_180, %dma_start3A_181] : memref<5x80x128xf32, #tpu.memory_space<vmem>> -> memref<1x80x128xf32, #tpu.memory_space<vmem>>
      %dma_start3A_183 = tpu.memref_squeeze %dma_start3A_182 : memref<1x80x128xf32, #tpu.memory_space<vmem>> -> memref<80x128xf32, #tpu.memory_space<vmem>>
      %dma_start3A_184 = arith.constant 0 : i32
      %dma_start3A_185 = tpu.memref_slice %arg4[%add3A_178, %dma_start3A_184] : memref<128000x128xf32, #tpu.memory_space<hbm>> -> memref<80x128xf32, #tpu.memory_space<hbm>>
      %dma_start3A_186 = arith.constant 0 : i32
      %dma_start3A_187 = tpu.memref_slice %arg4[%add3A_178, %dma_start3A_186] : memref<128000x128xf32, #tpu.memory_space<hbm>> -> memref<80x128xf32, #tpu.memory_space<hbm>>
      %dma_start3A_188 = arith.constant 0 : i32
      %dma_start3A_189 = arith.constant 0 : i32
      %dma_start3A_190 = tpu.memref_slice %arg6[%dma_start3A_179, %dma_start3A_188, %dma_start3A_189] : memref<5x80x128xf32, #tpu.memory_space<vmem>> -> memref<1x80x128xf32, #tpu.memory_space<vmem>>
      %dma_start3A_191 = tpu.memref_squeeze %dma_start3A_190 : memref<1x80x128xf32, #tpu.memory_space<vmem>> -> memref<80x128xf32, #tpu.memory_space<vmem>>
      tpu.enqueue_dma source(%dma_start3A_191 : memref<80x128xf32, #tpu.memory_space<vmem>>) target(%dma_start3A_187 : memref<80x128xf32, #tpu.memory_space<hbm>>) target_semaphore(%arg8 : memref<!tpu.dma_semaphore, #tpu.memory_space<semaphore_mem>>)
      %dma_wait3A_192 = arith.constant 0 : i32
      %dma_wait3A_193 = arith.constant 0 : i32
      %dma_wait3A_194 = arith.constant 0 : i32
      %dma_wait3A_195 = tpu.memref_slice %arg6[%dma_wait3A_192, %dma_wait3A_193, %dma_wait3A_194] : memref<5x80x128xf32, #tpu.memory_space<vmem>> -> memref<1x80x128xf32, #tpu.memory_space<vmem>>
      %dma_wait3A_196 = tpu.memref_squeeze %dma_wait3A_195 : memref<1x80x128xf32, #tpu.memory_space<vmem>> -> memref<80x128xf32, #tpu.memory_space<vmem>>
      %dma_wait3A_197 = arith.constant 0 : i32
      %dma_wait3A_198 = tpu.memref_slice %arg4[%add3A_114, %dma_wait3A_197] : memref<128000x128xf32, #tpu.memory_space<hbm>> -> memref<80x128xf32, #tpu.memory_space<hbm>>
      %dma_wait3A_199 = arith.constant 0 : i32
      %dma_wait3A_200 = tpu.memref_slice %arg4[%add3A_114, %dma_wait3A_199] : memref<128000x128xf32, #tpu.memory_space<hbm>> -> memref<80x128xf32, #tpu.memory_space<hbm>>
      %dma_wait3A_201 = arith.constant 0 : i32
      %dma_wait3A_202 = arith.constant 0 : i32
      %dma_wait3A_203 = tpu.memref_slice %arg6[%dma_wait3A_192, %dma_wait3A_201, %dma_wait3A_202] : memref<5x80x128xf32, #tpu.memory_space<vmem>> -> memref<1x80x128xf32, #tpu.memory_space<vmem>>
      %dma_wait3A_204 = tpu.memref_squeeze %dma_wait3A_203 : memref<1x80x128xf32, #tpu.memory_space<vmem>> -> memref<80x128xf32, #tpu.memory_space<vmem>>
      tpu.wait_dma2 semaphore(%arg8 : memref<!tpu.dma_semaphore, #tpu.memory_space<semaphore_mem>>) src(%dma_wait3A_204 : memref<80x128xf32, #tpu.memory_space<vmem>>) dst(%dma_wait3A_200 : memref<80x128xf32, #tpu.memory_space<hbm>>)
      %dma_wait3A_205 = arith.constant 1 : i32
      %dma_wait3A_206 = arith.constant 0 : i32
      %dma_wait3A_207 = arith.constant 0 : i32
      %dma_wait3A_208 = tpu.memref_slice %arg6[%dma_wait3A_205, %dma_wait3A_206, %dma_wait3A_207] : memref<5x80x128xf32, #tpu.memory_space<vmem>> -> memref<1x80x128xf32, #tpu.memory_space<vmem>>
      %dma_wait3A_209 = tpu.memref_squeeze %dma_wait3A_208 : memref<1x80x128xf32, #tpu.memory_space<vmem>> -> memref<80x128xf32, #tpu.memory_space<vmem>>
      %dma_wait3A_210 = arith.constant 0 : i32
      %dma_wait3A_211 = tpu.memref_slice %arg4[%add3A_130, %dma_wait3A_210] : memref<128000x128xf32, #tpu.memory_space<hbm>> -> memref<80x128xf32, #tpu.memory_space<hbm>>
      %dma_wait3A_212 = arith.constant 0 : i32
      %dma_wait3A_213 = tpu.memref_slice %arg4[%add3A_130, %dma_wait3A_212] : memref<128000x128xf32, #tpu.memory_space<hbm>> -> memref<80x128xf32, #tpu.memory_space<hbm>>
      %dma_wait3A_214 = arith.constant 0 : i32
      %dma_wait3A_215 = arith.constant 0 : i32
      %dma_wait3A_216 = tpu.memref_slice %arg6[%dma_wait3A_205, %dma_wait3A_214, %dma_wait3A_215] : memref<5x80x128xf32, #tpu.memory_space<vmem>> -> memref<1x80x128xf32, #tpu.memory_space<vmem>>
      %dma_wait3A_217 = tpu.memref_squeeze %dma_wait3A_216 : memref<1x80x128xf32, #tpu.memory_space<vmem>> -> memref<80x128xf32, #tpu.memory_space<vmem>>
      tpu.wait_dma2 semaphore(%arg8 : memref<!tpu.dma_semaphore, #tpu.memory_space<semaphore_mem>>) src(%dma_wait3A_217 : memref<80x128xf32, #tpu.memory_space<vmem>>) dst(%dma_wait3A_213 : memref<80x128xf32, #tpu.memory_space<hbm>>)
      %dma_wait3A_218 = arith.constant 2 : i32
      %dma_wait3A_219 = arith.constant 0 : i32
      %dma_wait3A_220 = arith.constant 0 : i32
      %dma_wait3A_221 = tpu.memref_slice %arg6[%dma_wait3A_218, %dma_wait3A_219, %dma_wait3A_220] : memref<5x80x128xf32, #tpu.memory_space<vmem>> -> memref<1x80x128xf32, #tpu.memory_space<vmem>>
      %dma_wait3A_222 = tpu.memref_squeeze %dma_wait3A_221 : memref<1x80x128xf32, #tpu.memory_space<vmem>> -> memref<80x128xf32, #tpu.memory_space<vmem>>
      %dma_wait3A_223 = arith.constant 0 : i32
      %dma_wait3A_224 = tpu.memref_slice %arg4[%add3A_146, %dma_wait3A_223] : memref<128000x128xf32, #tpu.memory_space<hbm>> -> memref<80x128xf32, #tpu.memory_space<hbm>>
      %dma_wait3A_225 = arith.constant 0 : i32
      %dma_wait3A_226 = tpu.memref_slice %arg4[%add3A_146, %dma_wait3A_225] : memref<128000x128xf32, #tpu.memory_space<hbm>> -> memref<80x128xf32, #tpu.memory_space<hbm>>
      %dma_wait3A_227 = arith.constant 0 : i32
      %dma_wait3A_228 = arith.constant 0 : i32
      %dma_wait3A_229 = tpu.memref_slice %arg6[%dma_wait3A_218, %dma_wait3A_227, %dma_wait3A_228] : memref<5x80x128xf32, #tpu.memory_space<vmem>> -> memref<1x80x128xf32, #tpu.memory_space<vmem>>
      %dma_wait3A_230 = tpu.memref_squeeze %dma_wait3A_229 : memref<1x80x128xf32, #tpu.memory_space<vmem>> -> memref<80x128xf32, #tpu.memory_space<vmem>>
      tpu.wait_dma2 semaphore(%arg8 : memref<!tpu.dma_semaphore, #tpu.memory_space<semaphore_mem>>) src(%dma_wait3A_230 : memref<80x128xf32, #tpu.memory_space<vmem>>) dst(%dma_wait3A_226 : memref<80x128xf32, #tpu.memory_space<hbm>>)
      %dma_wait3A_231 = arith.constant 3 : i32
      %dma_wait3A_232 = arith.constant 0 : i32
      %dma_wait3A_233 = arith.constant 0 : i32
      %dma_wait3A_234 = tpu.memref_slice %arg6[%dma_wait3A_231, %dma_wait3A_232, %dma_wait3A_233] : memref<5x80x128xf32, #tpu.memory_space<vmem>> -> memref<1x80x128xf32, #tpu.memory_space<vmem>>
      %dma_wait3A_235 = tpu.memref_squeeze %dma_wait3A_234 : memref<1x80x128xf32, #tpu.memory_space<vmem>> -> memref<80x128xf32, #tpu.memory_space<vmem>>
      %dma_wait3A_236 = arith.constant 0 : i32
      %dma_wait3A_237 = tpu.memref_slice %arg4[%add3A_162, %dma_wait3A_236] : memref<128000x128xf32, #tpu.memory_space<hbm>> -> memref<80x128xf32, #tpu.memory_space<hbm>>
      %dma_wait3A_238 = arith.constant 0 : i32
      %dma_wait3A_239 = tpu.memref_slice %arg4[%add3A_162, %dma_wait3A_238] : memref<128000x128xf32, #tpu.memory_space<hbm>> -> memref<80x128xf32, #tpu.memory_space<hbm>>
      %dma_wait3A_240 = arith.constant 0 : i32
      %dma_wait3A_241 = arith.constant 0 : i32
      %dma_wait3A_242 = tpu.memref_slice %arg6[%dma_wait3A_231, %dma_wait3A_240, %dma_wait3A_241] : memref<5x80x128xf32, #tpu.memory_space<vmem>> -> memref<1x80x128xf32, #tpu.memory_space<vmem>>
      %dma_wait3A_243 = tpu.memref_squeeze %dma_wait3A_242 : memref<1x80x128xf32, #tpu.memory_space<vmem>> -> memref<80x128xf32, #tpu.memory_space<vmem>>
      tpu.wait_dma2 semaphore(%arg8 : memref<!tpu.dma_semaphore, #tpu.memory_space<semaphore_mem>>) src(%dma_wait3A_243 : memref<80x128xf32, #tpu.memory_space<vmem>>) dst(%dma_wait3A_239 : memref<80x128xf32, #tpu.memory_space<hbm>>)
      %dma_wait3A_244 = arith.constant 4 : i32
      %dma_wait3A_245 = arith.constant 0 : i32
      %dma_wait3A_246 = arith.constant 0 : i32
      %dma_wait3A_247 = tpu.memref_slice %arg6[%dma_wait3A_244, %dma_wait3A_245, %dma_wait3A_246] : memref<5x80x128xf32, #tpu.memory_space<vmem>> -> memref<1x80x128xf32, #tpu.memory_space<vmem>>
      %dma_wait3A_248 = tpu.memref_squeeze %dma_wait3A_247 : memref<1x80x128xf32, #tpu.memory_space<vmem>> -> memref<80x128xf32, #tpu.memory_space<vmem>>
      %dma_wait3A_249 = arith.constant 0 : i32
      %dma_wait3A_250 = tpu.memref_slice %arg4[%add3A_178, %dma_wait3A_249] : memref<128000x128xf32, #tpu.memory_space<hbm>> -> memref<80x128xf32, #tpu.memory_space<hbm>>
      %dma_wait3A_251 = arith.constant 0 : i32
      %dma_wait3A_252 = tpu.memref_slice %arg4[%add3A_178, %dma_wait3A_251] : memref<128000x128xf32, #tpu.memory_space<hbm>> -> memref<80x128xf32, #tpu.memory_space<hbm>>
      %dma_wait3A_253 = arith.constant 0 : i32
      %dma_wait3A_254 = arith.constant 0 : i32
      %dma_wait3A_255 = tpu.memref_slice %arg6[%dma_wait3A_244, %dma_wait3A_253, %dma_wait3A_254] : memref<5x80x128xf32, #tpu.memory_space<vmem>> -> memref<1x80x128xf32, #tpu.memory_space<vmem>>
      %dma_wait3A_256 = tpu.memref_squeeze %dma_wait3A_255 : memref<1x80x128xf32, #tpu.memory_space<vmem>> -> memref<80x128xf32, #tpu.memory_space<vmem>>
      tpu.wait_dma2 semaphore(%arg8 : memref<!tpu.dma_semaphore, #tpu.memory_space<semaphore_mem>>) src(%dma_wait3A_256 : memref<80x128xf32, #tpu.memory_space<vmem>>) dst(%dma_wait3A_252 : memref<80x128xf32, #tpu.memory_space<hbm>>)
    }
    %scan3A_6 = arith.constant 10 : i32
    return
  }
}

#map = affine_map<(d0, d1) -> (0, 0)>
#map1 = affine_map<(d0, d1) -> (0)>
#map2 = affine_map<(d0, d1) -> (0, 0, 0)>
module attributes {stable_mosaic.version = 14 : i64} {
  func.func @kfn(%arg0: i32, %arg1: i32, %arg2: memref<192000x128xf32, #tpu.memory_space<hbm>>, %arg3: memref<192000xi32, #tpu.memory_space<hbm>>, %arg4: memref<640x128xf32, #tpu.memory_space<hbm>>, %arg5: memref<2x10240x128xf32, #tpu.memory_space<hbm>>, %arg6: memref<80xi32, #tpu.memory_space<vmem>>, %arg7: memref<80xi32, #tpu.memory_space<vmem>>, %arg8: memref<80xi32, #tpu.memory_space<vmem>>, %arg9: memref<80xi32, #tpu.memory_space<vmem>>, %arg10: memref<4x80x128xf32, #tpu.memory_space<vmem>>, %arg11: memref<10240x128xf32, #tpu.memory_space<vmem_shared>>, %arg12: memref<!tpu.dma_semaphore, #tpu.memory_space<semaphore_mem>>) attributes {dimension_semantics = [#tpu.dimension_semantics<core_parallel>, #tpu.dimension_semantics<subcore_parallel>], iteration_bounds = array<i64: 2, 16>, scalar_prefetch = 0 : i64, scratch_operands = 7 : i64, tpu.core_type = #tpu.core_type<sc_vector_subcore>, window_params = [{transform_indices = #map}, {transform_indices = #map1}, {transform_indices = #map}, {transform_indices = #map2}]} {
    %mul3A = arith.constant 16 : i32
    %mul3A_0 = arith.muli %arg0, %mul3A : i32
    %add3A = arith.addi %mul3A_0, %arg1 : i32
    %mul3A_1 = arith.constant 6000 : i32
    %mul3A_2 = arith.muli %add3A, %mul3A_1 : i32
    %mul3A_3 = arith.constant 640 : i32
    %mul3A_4 = arith.muli %arg1, %mul3A_3 : i32
    "tpu.region"() ({
      %run_scoped3A_25 = tpu.sem_alloc : memref<!tpu.dma_semaphore, #tpu.memory_space<semaphore_mem>>
      %dma_start3A = arith.constant 0 : i32
      %dma_start3A_26 = tpu.memref_slice %arg11[%mul3A_4, %dma_start3A] : memref<10240x128xf32, #tpu.memory_space<vmem_shared>> -> memref<640x128xf32, #tpu.memory_space<vmem_shared>>
      tpu.enqueue_dma source(%arg4 : memref<640x128xf32, #tpu.memory_space<hbm>>) target(%dma_start3A_26 : memref<640x128xf32, #tpu.memory_space<vmem_shared>>) target_semaphore(%run_scoped3A_25 : memref<!tpu.dma_semaphore, #tpu.memory_space<semaphore_mem>>)
      %dma_wait3A = arith.constant 0 : i32
      %dma_wait3A_27 = tpu.memref_slice %arg11[%mul3A_4, %dma_wait3A] : memref<10240x128xf32, #tpu.memory_space<vmem_shared>> -> memref<640x128xf32, #tpu.memory_space<vmem_shared>>
      tpu.wait_dma2 semaphore(%run_scoped3A_25 : memref<!tpu.dma_semaphore, #tpu.memory_space<semaphore_mem>>) src(%arg4 : memref<640x128xf32, #tpu.memory_space<hbm>>) dst(%dma_wait3A_27 : memref<640x128xf32, #tpu.memory_space<vmem_shared>>)
      tpu.yield
    }) : () -> ()
    %barrier3A = arith.constant 0 : index
    tpu.barrier barrier_id(%barrier3A)
    %scan3A = arith.constant 0 : i32
    %scan3A_5 = arith.constant 18 : i32
    %scan3A_6 = arith.addi %scan3A, %scan3A_5 : i32
    %scan3A_7 = arith.constant 1 : i32
    scf.for %scan3A_25 = %scan3A to %scan3A_6 step %scan3A_7  : i32 {
      %mul3A_26 = arith.constant 1 : i32
      %mul3A_27 = arith.muli %scan3A_25, %mul3A_26 : i32
      %add3A_28 = arith.constant 0 : i32
      %add3A_29 = arith.addi %add3A_28, %mul3A_27 : i32
      %mul3A_30 = arith.constant 320 : i32
      %mul3A_31 = arith.muli %add3A_29, %mul3A_30 : i32
      %add3A_32 = arith.addi %mul3A_2, %mul3A_31 : i32
      %add3A_33 = arith.constant 0 : i32
      %add3A_34 = arith.addi %add3A_32, %add3A_33 : i32
      %dma_start3A = tpu.memref_slice %arg3[%add3A_34] : memref<192000xi32, #tpu.memory_space<hbm>> -> memref<80xi32, #tpu.memory_space<hbm>>
      %dma_start3A_35 = tpu.memref_slice %arg3[%add3A_34] : memref<192000xi32, #tpu.memory_space<hbm>> -> memref<80xi32, #tpu.memory_space<hbm>>
      tpu.enqueue_dma source(%dma_start3A_35 : memref<80xi32, #tpu.memory_space<hbm>>) target(%arg6 : memref<80xi32, #tpu.memory_space<vmem>>) target_semaphore(%arg12 : memref<!tpu.dma_semaphore, #tpu.memory_space<semaphore_mem>>)
      %add3A_36 = arith.constant 0 : i32
      %add3A_37 = arith.addi %add3A_32, %add3A_36 : i32
      %dma_start3A_38 = arith.constant 0 : i32
      %dma_start3A_39 = arith.constant 0 : i32
      %dma_start3A_40 = arith.constant 0 : i32
      %dma_start3A_41 = tpu.memref_slice %arg10[%dma_start3A_38, %dma_start3A_39, %dma_start3A_40] : memref<4x80x128xf32, #tpu.memory_space<vmem>> -> memref<1x80x128xf32, #tpu.memory_space<vmem>>
      %dma_start3A_42 = tpu.memref_squeeze %dma_start3A_41 : memref<1x80x128xf32, #tpu.memory_space<vmem>> -> memref<80x128xf32, #tpu.memory_space<vmem>>
      %dma_start3A_43 = arith.constant 0 : i32
      %dma_start3A_44 = tpu.memref_slice %arg2[%add3A_37, %dma_start3A_43] : memref<192000x128xf32, #tpu.memory_space<hbm>> -> memref<80x128xf32, #tpu.memory_space<hbm>>
      %dma_start3A_45 = arith.constant 0 : i32
      %dma_start3A_46 = arith.constant 0 : i32
      %dma_start3A_47 = tpu.memref_slice %arg10[%dma_start3A_38, %dma_start3A_45, %dma_start3A_46] : memref<4x80x128xf32, #tpu.memory_space<vmem>> -> memref<1x80x128xf32, #tpu.memory_space<vmem>>
      %dma_start3A_48 = tpu.memref_squeeze %dma_start3A_47 : memref<1x80x128xf32, #tpu.memory_space<vmem>> -> memref<80x128xf32, #tpu.memory_space<vmem>>
      %dma_start3A_49 = arith.constant 0 : i32
      %dma_start3A_50 = tpu.memref_slice %arg2[%add3A_37, %dma_start3A_49] : memref<192000x128xf32, #tpu.memory_space<hbm>> -> memref<80x128xf32, #tpu.memory_space<hbm>>
      tpu.enqueue_dma source(%dma_start3A_50 : memref<80x128xf32, #tpu.memory_space<hbm>>) target(%dma_start3A_48 : memref<80x128xf32, #tpu.memory_space<vmem>>) target_semaphore(%arg12 : memref<!tpu.dma_semaphore, #tpu.memory_space<semaphore_mem>>)
      %add3A_51 = arith.constant 80 : i32
      %add3A_52 = arith.addi %add3A_32, %add3A_51 : i32
      %dma_start3A_53 = tpu.memref_slice %arg3[%add3A_52] : memref<192000xi32, #tpu.memory_space<hbm>> -> memref<80xi32, #tpu.memory_space<hbm>>
      %dma_start3A_54 = tpu.memref_slice %arg3[%add3A_52] : memref<192000xi32, #tpu.memory_space<hbm>> -> memref<80xi32, #tpu.memory_space<hbm>>
      tpu.enqueue_dma source(%dma_start3A_54 : memref<80xi32, #tpu.memory_space<hbm>>) target(%arg7 : memref<80xi32, #tpu.memory_space<vmem>>) target_semaphore(%arg12 : memref<!tpu.dma_semaphore, #tpu.memory_space<semaphore_mem>>)
      %add3A_55 = arith.constant 80 : i32
      %add3A_56 = arith.addi %add3A_32, %add3A_55 : i32
      %dma_start3A_57 = arith.constant 1 : i32
      %dma_start3A_58 = arith.constant 0 : i32
      %dma_start3A_59 = arith.constant 0 : i32
      %dma_start3A_60 = tpu.memref_slice %arg10[%dma_start3A_57, %dma_start3A_58, %dma_start3A_59] : memref<4x80x128xf32, #tpu.memory_space<vmem>> -> memref<1x80x128xf32, #tpu.memory_space<vmem>>
      %dma_start3A_61 = tpu.memref_squeeze %dma_start3A_60 : memref<1x80x128xf32, #tpu.memory_space<vmem>> -> memref<80x128xf32, #tpu.memory_space<vmem>>
      %dma_start3A_62 = arith.constant 0 : i32
      %dma_start3A_63 = tpu.memref_slice %arg2[%add3A_56, %dma_start3A_62] : memref<192000x128xf32, #tpu.memory_space<hbm>> -> memref<80x128xf32, #tpu.memory_space<hbm>>
      %dma_start3A_64 = arith.constant 0 : i32
      %dma_start3A_65 = arith.constant 0 : i32
      %dma_start3A_66 = tpu.memref_slice %arg10[%dma_start3A_57, %dma_start3A_64, %dma_start3A_65] : memref<4x80x128xf32, #tpu.memory_space<vmem>> -> memref<1x80x128xf32, #tpu.memory_space<vmem>>
      %dma_start3A_67 = tpu.memref_squeeze %dma_start3A_66 : memref<1x80x128xf32, #tpu.memory_space<vmem>> -> memref<80x128xf32, #tpu.memory_space<vmem>>
      %dma_start3A_68 = arith.constant 0 : i32
      %dma_start3A_69 = tpu.memref_slice %arg2[%add3A_56, %dma_start3A_68] : memref<192000x128xf32, #tpu.memory_space<hbm>> -> memref<80x128xf32, #tpu.memory_space<hbm>>
      tpu.enqueue_dma source(%dma_start3A_69 : memref<80x128xf32, #tpu.memory_space<hbm>>) target(%dma_start3A_67 : memref<80x128xf32, #tpu.memory_space<vmem>>) target_semaphore(%arg12 : memref<!tpu.dma_semaphore, #tpu.memory_space<semaphore_mem>>)
      %add3A_70 = arith.constant 160 : i32
      %add3A_71 = arith.addi %add3A_32, %add3A_70 : i32
      %dma_start3A_72 = tpu.memref_slice %arg3[%add3A_71] : memref<192000xi32, #tpu.memory_space<hbm>> -> memref<80xi32, #tpu.memory_space<hbm>>
      %dma_start3A_73 = tpu.memref_slice %arg3[%add3A_71] : memref<192000xi32, #tpu.memory_space<hbm>> -> memref<80xi32, #tpu.memory_space<hbm>>
      tpu.enqueue_dma source(%dma_start3A_73 : memref<80xi32, #tpu.memory_space<hbm>>) target(%arg8 : memref<80xi32, #tpu.memory_space<vmem>>) target_semaphore(%arg12 : memref<!tpu.dma_semaphore, #tpu.memory_space<semaphore_mem>>)
      %add3A_74 = arith.constant 160 : i32
      %add3A_75 = arith.addi %add3A_32, %add3A_74 : i32
      %dma_start3A_76 = arith.constant 2 : i32
      %dma_start3A_77 = arith.constant 0 : i32
      %dma_start3A_78 = arith.constant 0 : i32
      %dma_start3A_79 = tpu.memref_slice %arg10[%dma_start3A_76, %dma_start3A_77, %dma_start3A_78] : memref<4x80x128xf32, #tpu.memory_space<vmem>> -> memref<1x80x128xf32, #tpu.memory_space<vmem>>
      %dma_start3A_80 = tpu.memref_squeeze %dma_start3A_79 : memref<1x80x128xf32, #tpu.memory_space<vmem>> -> memref<80x128xf32, #tpu.memory_space<vmem>>
      %dma_start3A_81 = arith.constant 0 : i32
      %dma_start3A_82 = tpu.memref_slice %arg2[%add3A_75, %dma_start3A_81] : memref<192000x128xf32, #tpu.memory_space<hbm>> -> memref<80x128xf32, #tpu.memory_space<hbm>>
      %dma_start3A_83 = arith.constant 0 : i32
      %dma_start3A_84 = arith.constant 0 : i32
      %dma_start3A_85 = tpu.memref_slice %arg10[%dma_start3A_76, %dma_start3A_83, %dma_start3A_84] : memref<4x80x128xf32, #tpu.memory_space<vmem>> -> memref<1x80x128xf32, #tpu.memory_space<vmem>>
      %dma_start3A_86 = tpu.memref_squeeze %dma_start3A_85 : memref<1x80x128xf32, #tpu.memory_space<vmem>> -> memref<80x128xf32, #tpu.memory_space<vmem>>
      %dma_start3A_87 = arith.constant 0 : i32
      %dma_start3A_88 = tpu.memref_slice %arg2[%add3A_75, %dma_start3A_87] : memref<192000x128xf32, #tpu.memory_space<hbm>> -> memref<80x128xf32, #tpu.memory_space<hbm>>
      tpu.enqueue_dma source(%dma_start3A_88 : memref<80x128xf32, #tpu.memory_space<hbm>>) target(%dma_start3A_86 : memref<80x128xf32, #tpu.memory_space<vmem>>) target_semaphore(%arg12 : memref<!tpu.dma_semaphore, #tpu.memory_space<semaphore_mem>>)
      %add3A_89 = arith.constant 240 : i32
      %add3A_90 = arith.addi %add3A_32, %add3A_89 : i32
      %dma_start3A_91 = tpu.memref_slice %arg3[%add3A_90] : memref<192000xi32, #tpu.memory_space<hbm>> -> memref<80xi32, #tpu.memory_space<hbm>>
      %dma_start3A_92 = tpu.memref_slice %arg3[%add3A_90] : memref<192000xi32, #tpu.memory_space<hbm>> -> memref<80xi32, #tpu.memory_space<hbm>>
      tpu.enqueue_dma source(%dma_start3A_92 : memref<80xi32, #tpu.memory_space<hbm>>) target(%arg9 : memref<80xi32, #tpu.memory_space<vmem>>) target_semaphore(%arg12 : memref<!tpu.dma_semaphore, #tpu.memory_space<semaphore_mem>>)
      %add3A_93 = arith.constant 240 : i32
      %add3A_94 = arith.addi %add3A_32, %add3A_93 : i32
      %dma_start3A_95 = arith.constant 3 : i32
      %dma_start3A_96 = arith.constant 0 : i32
      %dma_start3A_97 = arith.constant 0 : i32
      %dma_start3A_98 = tpu.memref_slice %arg10[%dma_start3A_95, %dma_start3A_96, %dma_start3A_97] : memref<4x80x128xf32, #tpu.memory_space<vmem>> -> memref<1x80x128xf32, #tpu.memory_space<vmem>>
      %dma_start3A_99 = tpu.memref_squeeze %dma_start3A_98 : memref<1x80x128xf32, #tpu.memory_space<vmem>> -> memref<80x128xf32, #tpu.memory_space<vmem>>
      %dma_start3A_100 = arith.constant 0 : i32
      %dma_start3A_101 = tpu.memref_slice %arg2[%add3A_94, %dma_start3A_100] : memref<192000x128xf32, #tpu.memory_space<hbm>> -> memref<80x128xf32, #tpu.memory_space<hbm>>
      %dma_start3A_102 = arith.constant 0 : i32
      %dma_start3A_103 = arith.constant 0 : i32
      %dma_start3A_104 = tpu.memref_slice %arg10[%dma_start3A_95, %dma_start3A_102, %dma_start3A_103] : memref<4x80x128xf32, #tpu.memory_space<vmem>> -> memref<1x80x128xf32, #tpu.memory_space<vmem>>
      %dma_start3A_105 = tpu.memref_squeeze %dma_start3A_104 : memref<1x80x128xf32, #tpu.memory_space<vmem>> -> memref<80x128xf32, #tpu.memory_space<vmem>>
      %dma_start3A_106 = arith.constant 0 : i32
      %dma_start3A_107 = tpu.memref_slice %arg2[%add3A_94, %dma_start3A_106] : memref<192000x128xf32, #tpu.memory_space<hbm>> -> memref<80x128xf32, #tpu.memory_space<hbm>>
      tpu.enqueue_dma source(%dma_start3A_107 : memref<80x128xf32, #tpu.memory_space<hbm>>) target(%dma_start3A_105 : memref<80x128xf32, #tpu.memory_space<vmem>>) target_semaphore(%arg12 : memref<!tpu.dma_semaphore, #tpu.memory_space<semaphore_mem>>)
      %dma_wait3A = tpu.memref_slice %arg3[%add3A_34] : memref<192000xi32, #tpu.memory_space<hbm>> -> memref<80xi32, #tpu.memory_space<hbm>>
      %dma_wait3A_108 = tpu.memref_slice %arg3[%add3A_34] : memref<192000xi32, #tpu.memory_space<hbm>> -> memref<80xi32, #tpu.memory_space<hbm>>
      tpu.wait_dma2 semaphore(%arg12 : memref<!tpu.dma_semaphore, #tpu.memory_space<semaphore_mem>>) src(%dma_wait3A_108 : memref<80xi32, #tpu.memory_space<hbm>>) dst(%arg6 : memref<80xi32, #tpu.memory_space<vmem>>)
      %dma_wait3A_109 = arith.constant 0 : i32
      %dma_wait3A_110 = arith.constant 0 : i32
      %dma_wait3A_111 = arith.constant 0 : i32
      %dma_wait3A_112 = tpu.memref_slice %arg10[%dma_wait3A_109, %dma_wait3A_110, %dma_wait3A_111] : memref<4x80x128xf32, #tpu.memory_space<vmem>> -> memref<1x80x128xf32, #tpu.memory_space<vmem>>
      %dma_wait3A_113 = tpu.memref_squeeze %dma_wait3A_112 : memref<1x80x128xf32, #tpu.memory_space<vmem>> -> memref<80x128xf32, #tpu.memory_space<vmem>>
      %dma_wait3A_114 = arith.constant 0 : i32
      %dma_wait3A_115 = tpu.memref_slice %arg2[%add3A_37, %dma_wait3A_114] : memref<192000x128xf32, #tpu.memory_space<hbm>> -> memref<80x128xf32, #tpu.memory_space<hbm>>
      %dma_wait3A_116 = arith.constant 0 : i32
      %dma_wait3A_117 = arith.constant 0 : i32
      %dma_wait3A_118 = tpu.memref_slice %arg10[%dma_wait3A_109, %dma_wait3A_116, %dma_wait3A_117] : memref<4x80x128xf32, #tpu.memory_space<vmem>> -> memref<1x80x128xf32, #tpu.memory_space<vmem>>
      %dma_wait3A_119 = tpu.memref_squeeze %dma_wait3A_118 : memref<1x80x128xf32, #tpu.memory_space<vmem>> -> memref<80x128xf32, #tpu.memory_space<vmem>>
      %dma_wait3A_120 = arith.constant 0 : i32
      %dma_wait3A_121 = tpu.memref_slice %arg2[%add3A_37, %dma_wait3A_120] : memref<192000x128xf32, #tpu.memory_space<hbm>> -> memref<80x128xf32, #tpu.memory_space<hbm>>
      tpu.wait_dma2 semaphore(%arg12 : memref<!tpu.dma_semaphore, #tpu.memory_space<semaphore_mem>>) src(%dma_wait3A_121 : memref<80x128xf32, #tpu.memory_space<hbm>>) dst(%dma_wait3A_119 : memref<80x128xf32, #tpu.memory_space<vmem>>)
      %dma_wait3A_122 = tpu.memref_slice %arg3[%add3A_52] : memref<192000xi32, #tpu.memory_space<hbm>> -> memref<80xi32, #tpu.memory_space<hbm>>
      %dma_wait3A_123 = tpu.memref_slice %arg3[%add3A_52] : memref<192000xi32, #tpu.memory_space<hbm>> -> memref<80xi32, #tpu.memory_space<hbm>>
      tpu.wait_dma2 semaphore(%arg12 : memref<!tpu.dma_semaphore, #tpu.memory_space<semaphore_mem>>) src(%dma_wait3A_123 : memref<80xi32, #tpu.memory_space<hbm>>) dst(%arg7 : memref<80xi32, #tpu.memory_space<vmem>>)
      %dma_wait3A_124 = arith.constant 1 : i32
      %dma_wait3A_125 = arith.constant 0 : i32
      %dma_wait3A_126 = arith.constant 0 : i32
      %dma_wait3A_127 = tpu.memref_slice %arg10[%dma_wait3A_124, %dma_wait3A_125, %dma_wait3A_126] : memref<4x80x128xf32, #tpu.memory_space<vmem>> -> memref<1x80x128xf32, #tpu.memory_space<vmem>>
      %dma_wait3A_128 = tpu.memref_squeeze %dma_wait3A_127 : memref<1x80x128xf32, #tpu.memory_space<vmem>> -> memref<80x128xf32, #tpu.memory_space<vmem>>
      %dma_wait3A_129 = arith.constant 0 : i32
      %dma_wait3A_130 = tpu.memref_slice %arg2[%add3A_56, %dma_wait3A_129] : memref<192000x128xf32, #tpu.memory_space<hbm>> -> memref<80x128xf32, #tpu.memory_space<hbm>>
      %dma_wait3A_131 = arith.constant 0 : i32
      %dma_wait3A_132 = arith.constant 0 : i32
      %dma_wait3A_133 = tpu.memref_slice %arg10[%dma_wait3A_124, %dma_wait3A_131, %dma_wait3A_132] : memref<4x80x128xf32, #tpu.memory_space<vmem>> -> memref<1x80x128xf32, #tpu.memory_space<vmem>>
      %dma_wait3A_134 = tpu.memref_squeeze %dma_wait3A_133 : memref<1x80x128xf32, #tpu.memory_space<vmem>> -> memref<80x128xf32, #tpu.memory_space<vmem>>
      %dma_wait3A_135 = arith.constant 0 : i32
      %dma_wait3A_136 = tpu.memref_slice %arg2[%add3A_56, %dma_wait3A_135] : memref<192000x128xf32, #tpu.memory_space<hbm>> -> memref<80x128xf32, #tpu.memory_space<hbm>>
      tpu.wait_dma2 semaphore(%arg12 : memref<!tpu.dma_semaphore, #tpu.memory_space<semaphore_mem>>) src(%dma_wait3A_136 : memref<80x128xf32, #tpu.memory_space<hbm>>) dst(%dma_wait3A_134 : memref<80x128xf32, #tpu.memory_space<vmem>>)
      %dma_wait3A_137 = tpu.memref_slice %arg3[%add3A_71] : memref<192000xi32, #tpu.memory_space<hbm>> -> memref<80xi32, #tpu.memory_space<hbm>>
      %dma_wait3A_138 = tpu.memref_slice %arg3[%add3A_71] : memref<192000xi32, #tpu.memory_space<hbm>> -> memref<80xi32, #tpu.memory_space<hbm>>
      tpu.wait_dma2 semaphore(%arg12 : memref<!tpu.dma_semaphore, #tpu.memory_space<semaphore_mem>>) src(%dma_wait3A_138 : memref<80xi32, #tpu.memory_space<hbm>>) dst(%arg8 : memref<80xi32, #tpu.memory_space<vmem>>)
      %dma_wait3A_139 = arith.constant 2 : i32
      %dma_wait3A_140 = arith.constant 0 : i32
      %dma_wait3A_141 = arith.constant 0 : i32
      %dma_wait3A_142 = tpu.memref_slice %arg10[%dma_wait3A_139, %dma_wait3A_140, %dma_wait3A_141] : memref<4x80x128xf32, #tpu.memory_space<vmem>> -> memref<1x80x128xf32, #tpu.memory_space<vmem>>
      %dma_wait3A_143 = tpu.memref_squeeze %dma_wait3A_142 : memref<1x80x128xf32, #tpu.memory_space<vmem>> -> memref<80x128xf32, #tpu.memory_space<vmem>>
      %dma_wait3A_144 = arith.constant 0 : i32
      %dma_wait3A_145 = tpu.memref_slice %arg2[%add3A_75, %dma_wait3A_144] : memref<192000x128xf32, #tpu.memory_space<hbm>> -> memref<80x128xf32, #tpu.memory_space<hbm>>
      %dma_wait3A_146 = arith.constant 0 : i32
      %dma_wait3A_147 = arith.constant 0 : i32
      %dma_wait3A_148 = tpu.memref_slice %arg10[%dma_wait3A_139, %dma_wait3A_146, %dma_wait3A_147] : memref<4x80x128xf32, #tpu.memory_space<vmem>> -> memref<1x80x128xf32, #tpu.memory_space<vmem>>
      %dma_wait3A_149 = tpu.memref_squeeze %dma_wait3A_148 : memref<1x80x128xf32, #tpu.memory_space<vmem>> -> memref<80x128xf32, #tpu.memory_space<vmem>>
      %dma_wait3A_150 = arith.constant 0 : i32
      %dma_wait3A_151 = tpu.memref_slice %arg2[%add3A_75, %dma_wait3A_150] : memref<192000x128xf32, #tpu.memory_space<hbm>> -> memref<80x128xf32, #tpu.memory_space<hbm>>
      tpu.wait_dma2 semaphore(%arg12 : memref<!tpu.dma_semaphore, #tpu.memory_space<semaphore_mem>>) src(%dma_wait3A_151 : memref<80x128xf32, #tpu.memory_space<hbm>>) dst(%dma_wait3A_149 : memref<80x128xf32, #tpu.memory_space<vmem>>)
      %dma_wait3A_152 = tpu.memref_slice %arg3[%add3A_90] : memref<192000xi32, #tpu.memory_space<hbm>> -> memref<80xi32, #tpu.memory_space<hbm>>
      %dma_wait3A_153 = tpu.memref_slice %arg3[%add3A_90] : memref<192000xi32, #tpu.memory_space<hbm>> -> memref<80xi32, #tpu.memory_space<hbm>>
      tpu.wait_dma2 semaphore(%arg12 : memref<!tpu.dma_semaphore, #tpu.memory_space<semaphore_mem>>) src(%dma_wait3A_153 : memref<80xi32, #tpu.memory_space<hbm>>) dst(%arg9 : memref<80xi32, #tpu.memory_space<vmem>>)
      %dma_wait3A_154 = arith.constant 3 : i32
      %dma_wait3A_155 = arith.constant 0 : i32
      %dma_wait3A_156 = arith.constant 0 : i32
      %dma_wait3A_157 = tpu.memref_slice %arg10[%dma_wait3A_154, %dma_wait3A_155, %dma_wait3A_156] : memref<4x80x128xf32, #tpu.memory_space<vmem>> -> memref<1x80x128xf32, #tpu.memory_space<vmem>>
      %dma_wait3A_158 = tpu.memref_squeeze %dma_wait3A_157 : memref<1x80x128xf32, #tpu.memory_space<vmem>> -> memref<80x128xf32, #tpu.memory_space<vmem>>
      %dma_wait3A_159 = arith.constant 0 : i32
      %dma_wait3A_160 = tpu.memref_slice %arg2[%add3A_94, %dma_wait3A_159] : memref<192000x128xf32, #tpu.memory_space<hbm>> -> memref<80x128xf32, #tpu.memory_space<hbm>>
      %dma_wait3A_161 = arith.constant 0 : i32
      %dma_wait3A_162 = arith.constant 0 : i32
      %dma_wait3A_163 = tpu.memref_slice %arg10[%dma_wait3A_154, %dma_wait3A_161, %dma_wait3A_162] : memref<4x80x128xf32, #tpu.memory_space<vmem>> -> memref<1x80x128xf32, #tpu.memory_space<vmem>>
      %dma_wait3A_164 = tpu.memref_squeeze %dma_wait3A_163 : memref<1x80x128xf32, #tpu.memory_space<vmem>> -> memref<80x128xf32, #tpu.memory_space<vmem>>
      %dma_wait3A_165 = arith.constant 0 : i32
      %dma_wait3A_166 = tpu.memref_slice %arg2[%add3A_94, %dma_wait3A_165] : memref<192000x128xf32, #tpu.memory_space<hbm>> -> memref<80x128xf32, #tpu.memory_space<hbm>>
      tpu.wait_dma2 semaphore(%arg12 : memref<!tpu.dma_semaphore, #tpu.memory_space<semaphore_mem>>) src(%dma_wait3A_166 : memref<80x128xf32, #tpu.memory_space<hbm>>) dst(%dma_wait3A_164 : memref<80x128xf32, #tpu.memory_space<vmem>>)
      %run_scoped3A_167 = arith.constant 0 : i32
      "tpu.region"() ({
        %run_scoped3A_171 = tpu.sem_alloc : memref<!tpu.dma_semaphore, #tpu.memory_space<semaphore_mem>>
        %dma_start3A_172 = arith.constant 0 : i32
        %dma_start3A_173 = arith.constant 0 : i32
        %dma_start3A_174 = tpu.memref_slice %arg10[%run_scoped3A_167, %dma_start3A_172, %dma_start3A_173] : memref<4x80x128xf32, #tpu.memory_space<vmem>> -> memref<1x80x128xf32, #tpu.memory_space<vmem>>
        %dma_start3A_175 = tpu.memref_squeeze %dma_start3A_174 : memref<1x80x128xf32, #tpu.memory_space<vmem>> -> memref<80x128xf32, #tpu.memory_space<vmem>>
        %dma_start3A_176 = arith.constant 0 : i32
        %dma_start3A_177 = arith.constant 0 : i32
        %dma_start3A_178 = tpu.memref_slice %arg11[%dma_start3A_176, %dma_start3A_177] : memref<10240x128xf32, #tpu.memory_space<vmem_shared>> -> memref<10240x128xf32, #tpu.memory_space<vmem_shared>>
        tpu.enqueue_indirect_dma source(%dma_start3A_175 : memref<80x128xf32, #tpu.memory_space<vmem>>) target(%dma_start3A_178 : memref<10240x128xf32, #tpu.memory_space<vmem_shared>>) offsets(%arg6 : memref<80xi32, #tpu.memory_space<vmem>>) semaphore(%run_scoped3A_171 : memref<!tpu.dma_semaphore, #tpu.memory_space<semaphore_mem>>) {add = true}
        %dma_wait3A_179 = arith.constant 0 : i32
        %dma_wait3A_180 = arith.constant 0 : i32
        %dma_wait3A_181 = tpu.memref_slice %arg10[%run_scoped3A_167, %dma_wait3A_179, %dma_wait3A_180] : memref<4x80x128xf32, #tpu.memory_space<vmem>> -> memref<1x80x128xf32, #tpu.memory_space<vmem>>
        %dma_wait3A_182 = tpu.memref_squeeze %dma_wait3A_181 : memref<1x80x128xf32, #tpu.memory_space<vmem>> -> memref<80x128xf32, #tpu.memory_space<vmem>>
        %dma_wait3A_183 = arith.constant 0 : i32
        %dma_wait3A_184 = arith.constant 0 : i32
        %dma_wait3A_185 = tpu.memref_slice %arg11[%dma_wait3A_183, %dma_wait3A_184] : memref<10240x128xf32, #tpu.memory_space<vmem_shared>> -> memref<10240x128xf32, #tpu.memory_space<vmem_shared>>
        tpu.wait_indirect_dma semaphore(%run_scoped3A_171 : memref<!tpu.dma_semaphore, #tpu.memory_space<semaphore_mem>>) src(%dma_wait3A_182 : memref<80x128xf32, #tpu.memory_space<vmem>>) dst(%dma_wait3A_185 : memref<10240x128xf32, #tpu.memory_space<vmem_shared>>)
        tpu.yield
      }) : () -> ()
      %run_scoped3A_168 = arith.constant 1 : i32
      "tpu.region"() ({
        %run_scoped3A_171 = tpu.sem_alloc : memref<!tpu.dma_semaphore, #tpu.memory_space<semaphore_mem>>
        %dma_start3A_172 = arith.constant 0 : i32
        %dma_start3A_173 = arith.constant 0 : i32
        %dma_start3A_174 = tpu.memref_slice %arg10[%run_scoped3A_168, %dma_start3A_172, %dma_start3A_173] : memref<4x80x128xf32, #tpu.memory_space<vmem>> -> memref<1x80x128xf32, #tpu.memory_space<vmem>>
        %dma_start3A_175 = tpu.memref_squeeze %dma_start3A_174 : memref<1x80x128xf32, #tpu.memory_space<vmem>> -> memref<80x128xf32, #tpu.memory_space<vmem>>
        %dma_start3A_176 = arith.constant 0 : i32
        %dma_start3A_177 = arith.constant 0 : i32
        %dma_start3A_178 = tpu.memref_slice %arg11[%dma_start3A_176, %dma_start3A_177] : memref<10240x128xf32, #tpu.memory_space<vmem_shared>> -> memref<10240x128xf32, #tpu.memory_space<vmem_shared>>
        tpu.enqueue_indirect_dma source(%dma_start3A_175 : memref<80x128xf32, #tpu.memory_space<vmem>>) target(%dma_start3A_178 : memref<10240x128xf32, #tpu.memory_space<vmem_shared>>) offsets(%arg7 : memref<80xi32, #tpu.memory_space<vmem>>) semaphore(%run_scoped3A_171 : memref<!tpu.dma_semaphore, #tpu.memory_space<semaphore_mem>>) {add = true}
        %dma_wait3A_179 = arith.constant 0 : i32
        %dma_wait3A_180 = arith.constant 0 : i32
        %dma_wait3A_181 = tpu.memref_slice %arg10[%run_scoped3A_168, %dma_wait3A_179, %dma_wait3A_180] : memref<4x80x128xf32, #tpu.memory_space<vmem>> -> memref<1x80x128xf32, #tpu.memory_space<vmem>>
        %dma_wait3A_182 = tpu.memref_squeeze %dma_wait3A_181 : memref<1x80x128xf32, #tpu.memory_space<vmem>> -> memref<80x128xf32, #tpu.memory_space<vmem>>
        %dma_wait3A_183 = arith.constant 0 : i32
        %dma_wait3A_184 = arith.constant 0 : i32
        %dma_wait3A_185 = tpu.memref_slice %arg11[%dma_wait3A_183, %dma_wait3A_184] : memref<10240x128xf32, #tpu.memory_space<vmem_shared>> -> memref<10240x128xf32, #tpu.memory_space<vmem_shared>>
        tpu.wait_indirect_dma semaphore(%run_scoped3A_171 : memref<!tpu.dma_semaphore, #tpu.memory_space<semaphore_mem>>) src(%dma_wait3A_182 : memref<80x128xf32, #tpu.memory_space<vmem>>) dst(%dma_wait3A_185 : memref<10240x128xf32, #tpu.memory_space<vmem_shared>>)
        tpu.yield
      }) : () -> ()
      %run_scoped3A_169 = arith.constant 2 : i32
      "tpu.region"() ({
        %run_scoped3A_171 = tpu.sem_alloc : memref<!tpu.dma_semaphore, #tpu.memory_space<semaphore_mem>>
        %dma_start3A_172 = arith.constant 0 : i32
        %dma_start3A_173 = arith.constant 0 : i32
        %dma_start3A_174 = tpu.memref_slice %arg10[%run_scoped3A_169, %dma_start3A_172, %dma_start3A_173] : memref<4x80x128xf32, #tpu.memory_space<vmem>> -> memref<1x80x128xf32, #tpu.memory_space<vmem>>
        %dma_start3A_175 = tpu.memref_squeeze %dma_start3A_174 : memref<1x80x128xf32, #tpu.memory_space<vmem>> -> memref<80x128xf32, #tpu.memory_space<vmem>>
        %dma_start3A_176 = arith.constant 0 : i32
        %dma_start3A_177 = arith.constant 0 : i32
        %dma_start3A_178 = tpu.memref_slice %arg11[%dma_start3A_176, %dma_start3A_177] : memref<10240x128xf32, #tpu.memory_space<vmem_shared>> -> memref<10240x128xf32, #tpu.memory_space<vmem_shared>>
        tpu.enqueue_indirect_dma source(%dma_start3A_175 : memref<80x128xf32, #tpu.memory_space<vmem>>) target(%dma_start3A_178 : memref<10240x128xf32, #tpu.memory_space<vmem_shared>>) offsets(%arg8 : memref<80xi32, #tpu.memory_space<vmem>>) semaphore(%run_scoped3A_171 : memref<!tpu.dma_semaphore, #tpu.memory_space<semaphore_mem>>) {add = true}
        %dma_wait3A_179 = arith.constant 0 : i32
        %dma_wait3A_180 = arith.constant 0 : i32
        %dma_wait3A_181 = tpu.memref_slice %arg10[%run_scoped3A_169, %dma_wait3A_179, %dma_wait3A_180] : memref<4x80x128xf32, #tpu.memory_space<vmem>> -> memref<1x80x128xf32, #tpu.memory_space<vmem>>
        %dma_wait3A_182 = tpu.memref_squeeze %dma_wait3A_181 : memref<1x80x128xf32, #tpu.memory_space<vmem>> -> memref<80x128xf32, #tpu.memory_space<vmem>>
        %dma_wait3A_183 = arith.constant 0 : i32
        %dma_wait3A_184 = arith.constant 0 : i32
        %dma_wait3A_185 = tpu.memref_slice %arg11[%dma_wait3A_183, %dma_wait3A_184] : memref<10240x128xf32, #tpu.memory_space<vmem_shared>> -> memref<10240x128xf32, #tpu.memory_space<vmem_shared>>
        tpu.wait_indirect_dma semaphore(%run_scoped3A_171 : memref<!tpu.dma_semaphore, #tpu.memory_space<semaphore_mem>>) src(%dma_wait3A_182 : memref<80x128xf32, #tpu.memory_space<vmem>>) dst(%dma_wait3A_185 : memref<10240x128xf32, #tpu.memory_space<vmem_shared>>)
        tpu.yield
      }) : () -> ()
      %run_scoped3A_170 = arith.constant 3 : i32
      "tpu.region"() ({
        %run_scoped3A_171 = tpu.sem_alloc : memref<!tpu.dma_semaphore, #tpu.memory_space<semaphore_mem>>
        %dma_start3A_172 = arith.constant 0 : i32
        %dma_start3A_173 = arith.constant 0 : i32
        %dma_start3A_174 = tpu.memref_slice %arg10[%run_scoped3A_170, %dma_start3A_172, %dma_start3A_173] : memref<4x80x128xf32, #tpu.memory_space<vmem>> -> memref<1x80x128xf32, #tpu.memory_space<vmem>>
        %dma_start3A_175 = tpu.memref_squeeze %dma_start3A_174 : memref<1x80x128xf32, #tpu.memory_space<vmem>> -> memref<80x128xf32, #tpu.memory_space<vmem>>
        %dma_start3A_176 = arith.constant 0 : i32
        %dma_start3A_177 = arith.constant 0 : i32
        %dma_start3A_178 = tpu.memref_slice %arg11[%dma_start3A_176, %dma_start3A_177] : memref<10240x128xf32, #tpu.memory_space<vmem_shared>> -> memref<10240x128xf32, #tpu.memory_space<vmem_shared>>
        tpu.enqueue_indirect_dma source(%dma_start3A_175 : memref<80x128xf32, #tpu.memory_space<vmem>>) target(%dma_start3A_178 : memref<10240x128xf32, #tpu.memory_space<vmem_shared>>) offsets(%arg9 : memref<80xi32, #tpu.memory_space<vmem>>) semaphore(%run_scoped3A_171 : memref<!tpu.dma_semaphore, #tpu.memory_space<semaphore_mem>>) {add = true}
        %dma_wait3A_179 = arith.constant 0 : i32
        %dma_wait3A_180 = arith.constant 0 : i32
        %dma_wait3A_181 = tpu.memref_slice %arg10[%run_scoped3A_170, %dma_wait3A_179, %dma_wait3A_180] : memref<4x80x128xf32, #tpu.memory_space<vmem>> -> memref<1x80x128xf32, #tpu.memory_space<vmem>>
        %dma_wait3A_182 = tpu.memref_squeeze %dma_wait3A_181 : memref<1x80x128xf32, #tpu.memory_space<vmem>> -> memref<80x128xf32, #tpu.memory_space<vmem>>
        %dma_wait3A_183 = arith.constant 0 : i32
        %dma_wait3A_184 = arith.constant 0 : i32
        %dma_wait3A_185 = tpu.memref_slice %arg11[%dma_wait3A_183, %dma_wait3A_184] : memref<10240x128xf32, #tpu.memory_space<vmem_shared>> -> memref<10240x128xf32, #tpu.memory_space<vmem_shared>>
        tpu.wait_indirect_dma semaphore(%run_scoped3A_171 : memref<!tpu.dma_semaphore, #tpu.memory_space<semaphore_mem>>) src(%dma_wait3A_182 : memref<80x128xf32, #tpu.memory_space<vmem>>) dst(%dma_wait3A_185 : memref<10240x128xf32, #tpu.memory_space<vmem_shared>>)
        tpu.yield
      }) : () -> ()
    }
    %scan3A_8 = arith.constant 18 : i32
    %add3A_9 = arith.constant 5760 : i32
    %add3A_10 = arith.addi %mul3A_2, %add3A_9 : i32
    "tpu.region"() ({
      %run_scoped3A_25 = tpu.sem_alloc : memref<!tpu.dma_semaphore, #tpu.memory_space<semaphore_mem>>
      %dma_start3A = tpu.memref_slice %arg3[%add3A_10] : memref<192000xi32, #tpu.memory_space<hbm>> -> memref<80xi32, #tpu.memory_space<hbm>>
      %dma_start3A_26 = tpu.memref_slice %arg3[%add3A_10] : memref<192000xi32, #tpu.memory_space<hbm>> -> memref<80xi32, #tpu.memory_space<hbm>>
      tpu.enqueue_dma source(%dma_start3A_26 : memref<80xi32, #tpu.memory_space<hbm>>) target(%arg6 : memref<80xi32, #tpu.memory_space<vmem>>) target_semaphore(%run_scoped3A_25 : memref<!tpu.dma_semaphore, #tpu.memory_space<semaphore_mem>>)
      %dma_wait3A = tpu.memref_slice %arg3[%add3A_10] : memref<192000xi32, #tpu.memory_space<hbm>> -> memref<80xi32, #tpu.memory_space<hbm>>
      %dma_wait3A_27 = tpu.memref_slice %arg3[%add3A_10] : memref<192000xi32, #tpu.memory_space<hbm>> -> memref<80xi32, #tpu.memory_space<hbm>>
      tpu.wait_dma2 semaphore(%run_scoped3A_25 : memref<!tpu.dma_semaphore, #tpu.memory_space<semaphore_mem>>) src(%dma_wait3A_27 : memref<80xi32, #tpu.memory_space<hbm>>) dst(%arg6 : memref<80xi32, #tpu.memory_space<vmem>>)
      tpu.yield
    }) : () -> ()
    %run_scoped3A = arith.constant 0 : i32
    "tpu.region"() ({
      %run_scoped3A_25 = tpu.sem_alloc : memref<!tpu.dma_semaphore, #tpu.memory_space<semaphore_mem>>
      %dma_start3A = arith.constant 0 : i32
      %dma_start3A_26 = arith.constant 0 : i32
      %dma_start3A_27 = tpu.memref_slice %arg10[%run_scoped3A, %dma_start3A, %dma_start3A_26] : memref<4x80x128xf32, #tpu.memory_space<vmem>> -> memref<1x80x128xf32, #tpu.memory_space<vmem>>
      %dma_start3A_28 = tpu.memref_squeeze %dma_start3A_27 : memref<1x80x128xf32, #tpu.memory_space<vmem>> -> memref<80x128xf32, #tpu.memory_space<vmem>>
      %dma_start3A_29 = arith.constant 0 : i32
      %dma_start3A_30 = tpu.memref_slice %arg2[%add3A_10, %dma_start3A_29] : memref<192000x128xf32, #tpu.memory_space<hbm>> -> memref<80x128xf32, #tpu.memory_space<hbm>>
      %dma_start3A_31 = arith.constant 0 : i32
      %dma_start3A_32 = arith.constant 0 : i32
      %dma_start3A_33 = tpu.memref_slice %arg10[%run_scoped3A, %dma_start3A_31, %dma_start3A_32] : memref<4x80x128xf32, #tpu.memory_space<vmem>> -> memref<1x80x128xf32, #tpu.memory_space<vmem>>
      %dma_start3A_34 = tpu.memref_squeeze %dma_start3A_33 : memref<1x80x128xf32, #tpu.memory_space<vmem>> -> memref<80x128xf32, #tpu.memory_space<vmem>>
      %dma_start3A_35 = arith.constant 0 : i32
      %dma_start3A_36 = tpu.memref_slice %arg2[%add3A_10, %dma_start3A_35] : memref<192000x128xf32, #tpu.memory_space<hbm>> -> memref<80x128xf32, #tpu.memory_space<hbm>>
      tpu.enqueue_dma source(%dma_start3A_36 : memref<80x128xf32, #tpu.memory_space<hbm>>) target(%dma_start3A_34 : memref<80x128xf32, #tpu.memory_space<vmem>>) target_semaphore(%run_scoped3A_25 : memref<!tpu.dma_semaphore, #tpu.memory_space<semaphore_mem>>)
      %dma_wait3A = arith.constant 0 : i32
      %dma_wait3A_37 = arith.constant 0 : i32
      %dma_wait3A_38 = tpu.memref_slice %arg10[%run_scoped3A, %dma_wait3A, %dma_wait3A_37] : memref<4x80x128xf32, #tpu.memory_space<vmem>> -> memref<1x80x128xf32, #tpu.memory_space<vmem>>
      %dma_wait3A_39 = tpu.memref_squeeze %dma_wait3A_38 : memref<1x80x128xf32, #tpu.memory_space<vmem>> -> memref<80x128xf32, #tpu.memory_space<vmem>>
      %dma_wait3A_40 = arith.constant 0 : i32
      %dma_wait3A_41 = tpu.memref_slice %arg2[%add3A_10, %dma_wait3A_40] : memref<192000x128xf32, #tpu.memory_space<hbm>> -> memref<80x128xf32, #tpu.memory_space<hbm>>
      %dma_wait3A_42 = arith.constant 0 : i32
      %dma_wait3A_43 = arith.constant 0 : i32
      %dma_wait3A_44 = tpu.memref_slice %arg10[%run_scoped3A, %dma_wait3A_42, %dma_wait3A_43] : memref<4x80x128xf32, #tpu.memory_space<vmem>> -> memref<1x80x128xf32, #tpu.memory_space<vmem>>
      %dma_wait3A_45 = tpu.memref_squeeze %dma_wait3A_44 : memref<1x80x128xf32, #tpu.memory_space<vmem>> -> memref<80x128xf32, #tpu.memory_space<vmem>>
      %dma_wait3A_46 = arith.constant 0 : i32
      %dma_wait3A_47 = tpu.memref_slice %arg2[%add3A_10, %dma_wait3A_46] : memref<192000x128xf32, #tpu.memory_space<hbm>> -> memref<80x128xf32, #tpu.memory_space<hbm>>
      tpu.wait_dma2 semaphore(%run_scoped3A_25 : memref<!tpu.dma_semaphore, #tpu.memory_space<semaphore_mem>>) src(%dma_wait3A_47 : memref<80x128xf32, #tpu.memory_space<hbm>>) dst(%dma_wait3A_45 : memref<80x128xf32, #tpu.memory_space<vmem>>)
      tpu.yield
    }) : () -> ()
    %run_scoped3A_11 = arith.constant 0 : i32
    "tpu.region"() ({
      %run_scoped3A_25 = tpu.sem_alloc : memref<!tpu.dma_semaphore, #tpu.memory_space<semaphore_mem>>
      %dma_start3A = arith.constant 0 : i32
      %dma_start3A_26 = arith.constant 0 : i32
      %dma_start3A_27 = tpu.memref_slice %arg10[%run_scoped3A_11, %dma_start3A, %dma_start3A_26] : memref<4x80x128xf32, #tpu.memory_space<vmem>> -> memref<1x80x128xf32, #tpu.memory_space<vmem>>
      %dma_start3A_28 = tpu.memref_squeeze %dma_start3A_27 : memref<1x80x128xf32, #tpu.memory_space<vmem>> -> memref<80x128xf32, #tpu.memory_space<vmem>>
      %dma_start3A_29 = arith.constant 0 : i32
      %dma_start3A_30 = arith.constant 0 : i32
      %dma_start3A_31 = tpu.memref_slice %arg11[%dma_start3A_29, %dma_start3A_30] : memref<10240x128xf32, #tpu.memory_space<vmem_shared>> -> memref<10240x128xf32, #tpu.memory_space<vmem_shared>>
      tpu.enqueue_indirect_dma source(%dma_start3A_28 : memref<80x128xf32, #tpu.memory_space<vmem>>) target(%dma_start3A_31 : memref<10240x128xf32, #tpu.memory_space<vmem_shared>>) offsets(%arg6 : memref<80xi32, #tpu.memory_space<vmem>>) semaphore(%run_scoped3A_25 : memref<!tpu.dma_semaphore, #tpu.memory_space<semaphore_mem>>) {add = true}
      %dma_wait3A = arith.constant 0 : i32
      %dma_wait3A_32 = arith.constant 0 : i32
      %dma_wait3A_33 = tpu.memref_slice %arg10[%run_scoped3A_11, %dma_wait3A, %dma_wait3A_32] : memref<4x80x128xf32, #tpu.memory_space<vmem>> -> memref<1x80x128xf32, #tpu.memory_space<vmem>>
      %dma_wait3A_34 = tpu.memref_squeeze %dma_wait3A_33 : memref<1x80x128xf32, #tpu.memory_space<vmem>> -> memref<80x128xf32, #tpu.memory_space<vmem>>
      %dma_wait3A_35 = arith.constant 0 : i32
      %dma_wait3A_36 = arith.constant 0 : i32
      %dma_wait3A_37 = tpu.memref_slice %arg11[%dma_wait3A_35, %dma_wait3A_36] : memref<10240x128xf32, #tpu.memory_space<vmem_shared>> -> memref<10240x128xf32, #tpu.memory_space<vmem_shared>>
      tpu.wait_indirect_dma semaphore(%run_scoped3A_25 : memref<!tpu.dma_semaphore, #tpu.memory_space<semaphore_mem>>) src(%dma_wait3A_34 : memref<80x128xf32, #tpu.memory_space<vmem>>) dst(%dma_wait3A_37 : memref<10240x128xf32, #tpu.memory_space<vmem_shared>>)
      tpu.yield
    }) : () -> ()
    %add3A_12 = arith.constant 5840 : i32
    %add3A_13 = arith.addi %mul3A_2, %add3A_12 : i32
    "tpu.region"() ({
      %run_scoped3A_25 = tpu.sem_alloc : memref<!tpu.dma_semaphore, #tpu.memory_space<semaphore_mem>>
      %dma_start3A = tpu.memref_slice %arg3[%add3A_13] : memref<192000xi32, #tpu.memory_space<hbm>> -> memref<80xi32, #tpu.memory_space<hbm>>
      %dma_start3A_26 = tpu.memref_slice %arg3[%add3A_13] : memref<192000xi32, #tpu.memory_space<hbm>> -> memref<80xi32, #tpu.memory_space<hbm>>
      tpu.enqueue_dma source(%dma_start3A_26 : memref<80xi32, #tpu.memory_space<hbm>>) target(%arg6 : memref<80xi32, #tpu.memory_space<vmem>>) target_semaphore(%run_scoped3A_25 : memref<!tpu.dma_semaphore, #tpu.memory_space<semaphore_mem>>)
      %dma_wait3A = tpu.memref_slice %arg3[%add3A_13] : memref<192000xi32, #tpu.memory_space<hbm>> -> memref<80xi32, #tpu.memory_space<hbm>>
      %dma_wait3A_27 = tpu.memref_slice %arg3[%add3A_13] : memref<192000xi32, #tpu.memory_space<hbm>> -> memref<80xi32, #tpu.memory_space<hbm>>
      tpu.wait_dma2 semaphore(%run_scoped3A_25 : memref<!tpu.dma_semaphore, #tpu.memory_space<semaphore_mem>>) src(%dma_wait3A_27 : memref<80xi32, #tpu.memory_space<hbm>>) dst(%arg6 : memref<80xi32, #tpu.memory_space<vmem>>)
      tpu.yield
    }) : () -> ()
    %run_scoped3A_14 = arith.constant 0 : i32
    "tpu.region"() ({
      %run_scoped3A_25 = tpu.sem_alloc : memref<!tpu.dma_semaphore, #tpu.memory_space<semaphore_mem>>
      %dma_start3A = arith.constant 0 : i32
      %dma_start3A_26 = arith.constant 0 : i32
      %dma_start3A_27 = tpu.memref_slice %arg10[%run_scoped3A_14, %dma_start3A, %dma_start3A_26] : memref<4x80x128xf32, #tpu.memory_space<vmem>> -> memref<1x80x128xf32, #tpu.memory_space<vmem>>
      %dma_start3A_28 = tpu.memref_squeeze %dma_start3A_27 : memref<1x80x128xf32, #tpu.memory_space<vmem>> -> memref<80x128xf32, #tpu.memory_space<vmem>>
      %dma_start3A_29 = arith.constant 0 : i32
      %dma_start3A_30 = tpu.memref_slice %arg2[%add3A_13, %dma_start3A_29] : memref<192000x128xf32, #tpu.memory_space<hbm>> -> memref<80x128xf32, #tpu.memory_space<hbm>>
      %dma_start3A_31 = arith.constant 0 : i32
      %dma_start3A_32 = arith.constant 0 : i32
      %dma_start3A_33 = tpu.memref_slice %arg10[%run_scoped3A_14, %dma_start3A_31, %dma_start3A_32] : memref<4x80x128xf32, #tpu.memory_space<vmem>> -> memref<1x80x128xf32, #tpu.memory_space<vmem>>
      %dma_start3A_34 = tpu.memref_squeeze %dma_start3A_33 : memref<1x80x128xf32, #tpu.memory_space<vmem>> -> memref<80x128xf32, #tpu.memory_space<vmem>>
      %dma_start3A_35 = arith.constant 0 : i32
      %dma_start3A_36 = tpu.memref_slice %arg2[%add3A_13, %dma_start3A_35] : memref<192000x128xf32, #tpu.memory_space<hbm>> -> memref<80x128xf32, #tpu.memory_space<hbm>>
      tpu.enqueue_dma source(%dma_start3A_36 : memref<80x128xf32, #tpu.memory_space<hbm>>) target(%dma_start3A_34 : memref<80x128xf32, #tpu.memory_space<vmem>>) target_semaphore(%run_scoped3A_25 : memref<!tpu.dma_semaphore, #tpu.memory_space<semaphore_mem>>)
      %dma_wait3A = arith.constant 0 : i32
      %dma_wait3A_37 = arith.constant 0 : i32
      %dma_wait3A_38 = tpu.memref_slice %arg10[%run_scoped3A_14, %dma_wait3A, %dma_wait3A_37] : memref<4x80x128xf32, #tpu.memory_space<vmem>> -> memref<1x80x128xf32, #tpu.memory_space<vmem>>
      %dma_wait3A_39 = tpu.memref_squeeze %dma_wait3A_38 : memref<1x80x128xf32, #tpu.memory_space<vmem>> -> memref<80x128xf32, #tpu.memory_space<vmem>>
      %dma_wait3A_40 = arith.constant 0 : i32
      %dma_wait3A_41 = tpu.memref_slice %arg2[%add3A_13, %dma_wait3A_40] : memref<192000x128xf32, #tpu.memory_space<hbm>> -> memref<80x128xf32, #tpu.memory_space<hbm>>
      %dma_wait3A_42 = arith.constant 0 : i32
      %dma_wait3A_43 = arith.constant 0 : i32
      %dma_wait3A_44 = tpu.memref_slice %arg10[%run_scoped3A_14, %dma_wait3A_42, %dma_wait3A_43] : memref<4x80x128xf32, #tpu.memory_space<vmem>> -> memref<1x80x128xf32, #tpu.memory_space<vmem>>
      %dma_wait3A_45 = tpu.memref_squeeze %dma_wait3A_44 : memref<1x80x128xf32, #tpu.memory_space<vmem>> -> memref<80x128xf32, #tpu.memory_space<vmem>>
      %dma_wait3A_46 = arith.constant 0 : i32
      %dma_wait3A_47 = tpu.memref_slice %arg2[%add3A_13, %dma_wait3A_46] : memref<192000x128xf32, #tpu.memory_space<hbm>> -> memref<80x128xf32, #tpu.memory_space<hbm>>
      tpu.wait_dma2 semaphore(%run_scoped3A_25 : memref<!tpu.dma_semaphore, #tpu.memory_space<semaphore_mem>>) src(%dma_wait3A_47 : memref<80x128xf32, #tpu.memory_space<hbm>>) dst(%dma_wait3A_45 : memref<80x128xf32, #tpu.memory_space<vmem>>)
      tpu.yield
    }) : () -> ()
    %run_scoped3A_15 = arith.constant 0 : i32
    "tpu.region"() ({
      %run_scoped3A_25 = tpu.sem_alloc : memref<!tpu.dma_semaphore, #tpu.memory_space<semaphore_mem>>
      %dma_start3A = arith.constant 0 : i32
      %dma_start3A_26 = arith.constant 0 : i32
      %dma_start3A_27 = tpu.memref_slice %arg10[%run_scoped3A_15, %dma_start3A, %dma_start3A_26] : memref<4x80x128xf32, #tpu.memory_space<vmem>> -> memref<1x80x128xf32, #tpu.memory_space<vmem>>
      %dma_start3A_28 = tpu.memref_squeeze %dma_start3A_27 : memref<1x80x128xf32, #tpu.memory_space<vmem>> -> memref<80x128xf32, #tpu.memory_space<vmem>>
      %dma_start3A_29 = arith.constant 0 : i32
      %dma_start3A_30 = arith.constant 0 : i32
      %dma_start3A_31 = tpu.memref_slice %arg11[%dma_start3A_29, %dma_start3A_30] : memref<10240x128xf32, #tpu.memory_space<vmem_shared>> -> memref<10240x128xf32, #tpu.memory_space<vmem_shared>>
      tpu.enqueue_indirect_dma source(%dma_start3A_28 : memref<80x128xf32, #tpu.memory_space<vmem>>) target(%dma_start3A_31 : memref<10240x128xf32, #tpu.memory_space<vmem_shared>>) offsets(%arg6 : memref<80xi32, #tpu.memory_space<vmem>>) semaphore(%run_scoped3A_25 : memref<!tpu.dma_semaphore, #tpu.memory_space<semaphore_mem>>) {add = true}
      %dma_wait3A = arith.constant 0 : i32
      %dma_wait3A_32 = arith.constant 0 : i32
      %dma_wait3A_33 = tpu.memref_slice %arg10[%run_scoped3A_15, %dma_wait3A, %dma_wait3A_32] : memref<4x80x128xf32, #tpu.memory_space<vmem>> -> memref<1x80x128xf32, #tpu.memory_space<vmem>>
      %dma_wait3A_34 = tpu.memref_squeeze %dma_wait3A_33 : memref<1x80x128xf32, #tpu.memory_space<vmem>> -> memref<80x128xf32, #tpu.memory_space<vmem>>
      %dma_wait3A_35 = arith.constant 0 : i32
      %dma_wait3A_36 = arith.constant 0 : i32
      %dma_wait3A_37 = tpu.memref_slice %arg11[%dma_wait3A_35, %dma_wait3A_36] : memref<10240x128xf32, #tpu.memory_space<vmem_shared>> -> memref<10240x128xf32, #tpu.memory_space<vmem_shared>>
      tpu.wait_indirect_dma semaphore(%run_scoped3A_25 : memref<!tpu.dma_semaphore, #tpu.memory_space<semaphore_mem>>) src(%dma_wait3A_34 : memref<80x128xf32, #tpu.memory_space<vmem>>) dst(%dma_wait3A_37 : memref<10240x128xf32, #tpu.memory_space<vmem_shared>>)
      tpu.yield
    }) : () -> ()
    %add3A_16 = arith.constant 5920 : i32
    %add3A_17 = arith.addi %mul3A_2, %add3A_16 : i32
    "tpu.region"() ({
      %run_scoped3A_25 = tpu.sem_alloc : memref<!tpu.dma_semaphore, #tpu.memory_space<semaphore_mem>>
      %dma_start3A = tpu.memref_slice %arg3[%add3A_17] : memref<192000xi32, #tpu.memory_space<hbm>> -> memref<80xi32, #tpu.memory_space<hbm>>
      %dma_start3A_26 = tpu.memref_slice %arg3[%add3A_17] : memref<192000xi32, #tpu.memory_space<hbm>> -> memref<80xi32, #tpu.memory_space<hbm>>
      tpu.enqueue_dma source(%dma_start3A_26 : memref<80xi32, #tpu.memory_space<hbm>>) target(%arg6 : memref<80xi32, #tpu.memory_space<vmem>>) target_semaphore(%run_scoped3A_25 : memref<!tpu.dma_semaphore, #tpu.memory_space<semaphore_mem>>)
      %dma_wait3A = tpu.memref_slice %arg3[%add3A_17] : memref<192000xi32, #tpu.memory_space<hbm>> -> memref<80xi32, #tpu.memory_space<hbm>>
      %dma_wait3A_27 = tpu.memref_slice %arg3[%add3A_17] : memref<192000xi32, #tpu.memory_space<hbm>> -> memref<80xi32, #tpu.memory_space<hbm>>
      tpu.wait_dma2 semaphore(%run_scoped3A_25 : memref<!tpu.dma_semaphore, #tpu.memory_space<semaphore_mem>>) src(%dma_wait3A_27 : memref<80xi32, #tpu.memory_space<hbm>>) dst(%arg6 : memref<80xi32, #tpu.memory_space<vmem>>)
      tpu.yield
    }) : () -> ()
    %run_scoped3A_18 = arith.constant 0 : i32
    "tpu.region"() ({
      %run_scoped3A_25 = tpu.sem_alloc : memref<!tpu.dma_semaphore, #tpu.memory_space<semaphore_mem>>
      %dma_start3A = arith.constant 0 : i32
      %dma_start3A_26 = arith.constant 0 : i32
      %dma_start3A_27 = tpu.memref_slice %arg10[%run_scoped3A_18, %dma_start3A, %dma_start3A_26] : memref<4x80x128xf32, #tpu.memory_space<vmem>> -> memref<1x80x128xf32, #tpu.memory_space<vmem>>
      %dma_start3A_28 = tpu.memref_squeeze %dma_start3A_27 : memref<1x80x128xf32, #tpu.memory_space<vmem>> -> memref<80x128xf32, #tpu.memory_space<vmem>>
      %dma_start3A_29 = arith.constant 0 : i32
      %dma_start3A_30 = tpu.memref_slice %arg2[%add3A_17, %dma_start3A_29] : memref<192000x128xf32, #tpu.memory_space<hbm>> -> memref<80x128xf32, #tpu.memory_space<hbm>>
      %dma_start3A_31 = arith.constant 0 : i32
      %dma_start3A_32 = arith.constant 0 : i32
      %dma_start3A_33 = tpu.memref_slice %arg10[%run_scoped3A_18, %dma_start3A_31, %dma_start3A_32] : memref<4x80x128xf32, #tpu.memory_space<vmem>> -> memref<1x80x128xf32, #tpu.memory_space<vmem>>
      %dma_start3A_34 = tpu.memref_squeeze %dma_start3A_33 : memref<1x80x128xf32, #tpu.memory_space<vmem>> -> memref<80x128xf32, #tpu.memory_space<vmem>>
      %dma_start3A_35 = arith.constant 0 : i32
      %dma_start3A_36 = tpu.memref_slice %arg2[%add3A_17, %dma_start3A_35] : memref<192000x128xf32, #tpu.memory_space<hbm>> -> memref<80x128xf32, #tpu.memory_space<hbm>>
      tpu.enqueue_dma source(%dma_start3A_36 : memref<80x128xf32, #tpu.memory_space<hbm>>) target(%dma_start3A_34 : memref<80x128xf32, #tpu.memory_space<vmem>>) target_semaphore(%run_scoped3A_25 : memref<!tpu.dma_semaphore, #tpu.memory_space<semaphore_mem>>)
      %dma_wait3A = arith.constant 0 : i32
      %dma_wait3A_37 = arith.constant 0 : i32
      %dma_wait3A_38 = tpu.memref_slice %arg10[%run_scoped3A_18, %dma_wait3A, %dma_wait3A_37] : memref<4x80x128xf32, #tpu.memory_space<vmem>> -> memref<1x80x128xf32, #tpu.memory_space<vmem>>
      %dma_wait3A_39 = tpu.memref_squeeze %dma_wait3A_38 : memref<1x80x128xf32, #tpu.memory_space<vmem>> -> memref<80x128xf32, #tpu.memory_space<vmem>>
      %dma_wait3A_40 = arith.constant 0 : i32
      %dma_wait3A_41 = tpu.memref_slice %arg2[%add3A_17, %dma_wait3A_40] : memref<192000x128xf32, #tpu.memory_space<hbm>> -> memref<80x128xf32, #tpu.memory_space<hbm>>
      %dma_wait3A_42 = arith.constant 0 : i32
      %dma_wait3A_43 = arith.constant 0 : i32
      %dma_wait3A_44 = tpu.memref_slice %arg10[%run_scoped3A_18, %dma_wait3A_42, %dma_wait3A_43] : memref<4x80x128xf32, #tpu.memory_space<vmem>> -> memref<1x80x128xf32, #tpu.memory_space<vmem>>
      %dma_wait3A_45 = tpu.memref_squeeze %dma_wait3A_44 : memref<1x80x128xf32, #tpu.memory_space<vmem>> -> memref<80x128xf32, #tpu.memory_space<vmem>>
      %dma_wait3A_46 = arith.constant 0 : i32
      %dma_wait3A_47 = tpu.memref_slice %arg2[%add3A_17, %dma_wait3A_46] : memref<192000x128xf32, #tpu.memory_space<hbm>> -> memref<80x128xf32, #tpu.memory_space<hbm>>
      tpu.wait_dma2 semaphore(%run_scoped3A_25 : memref<!tpu.dma_semaphore, #tpu.memory_space<semaphore_mem>>) src(%dma_wait3A_47 : memref<80x128xf32, #tpu.memory_space<hbm>>) dst(%dma_wait3A_45 : memref<80x128xf32, #tpu.memory_space<vmem>>)
      tpu.yield
    }) : () -> ()
    %run_scoped3A_19 = arith.constant 0 : i32
    "tpu.region"() ({
      %run_scoped3A_25 = tpu.sem_alloc : memref<!tpu.dma_semaphore, #tpu.memory_space<semaphore_mem>>
      %dma_start3A = arith.constant 0 : i32
      %dma_start3A_26 = arith.constant 0 : i32
      %dma_start3A_27 = tpu.memref_slice %arg10[%run_scoped3A_19, %dma_start3A, %dma_start3A_26] : memref<4x80x128xf32, #tpu.memory_space<vmem>> -> memref<1x80x128xf32, #tpu.memory_space<vmem>>
      %dma_start3A_28 = tpu.memref_squeeze %dma_start3A_27 : memref<1x80x128xf32, #tpu.memory_space<vmem>> -> memref<80x128xf32, #tpu.memory_space<vmem>>
      %dma_start3A_29 = arith.constant 0 : i32
      %dma_start3A_30 = arith.constant 0 : i32
      %dma_start3A_31 = tpu.memref_slice %arg11[%dma_start3A_29, %dma_start3A_30] : memref<10240x128xf32, #tpu.memory_space<vmem_shared>> -> memref<10240x128xf32, #tpu.memory_space<vmem_shared>>
      tpu.enqueue_indirect_dma source(%dma_start3A_28 : memref<80x128xf32, #tpu.memory_space<vmem>>) target(%dma_start3A_31 : memref<10240x128xf32, #tpu.memory_space<vmem_shared>>) offsets(%arg6 : memref<80xi32, #tpu.memory_space<vmem>>) semaphore(%run_scoped3A_25 : memref<!tpu.dma_semaphore, #tpu.memory_space<semaphore_mem>>) {add = true}
      %dma_wait3A = arith.constant 0 : i32
      %dma_wait3A_32 = arith.constant 0 : i32
      %dma_wait3A_33 = tpu.memref_slice %arg10[%run_scoped3A_19, %dma_wait3A, %dma_wait3A_32] : memref<4x80x128xf32, #tpu.memory_space<vmem>> -> memref<1x80x128xf32, #tpu.memory_space<vmem>>
      %dma_wait3A_34 = tpu.memref_squeeze %dma_wait3A_33 : memref<1x80x128xf32, #tpu.memory_space<vmem>> -> memref<80x128xf32, #tpu.memory_space<vmem>>
      %dma_wait3A_35 = arith.constant 0 : i32
      %dma_wait3A_36 = arith.constant 0 : i32
      %dma_wait3A_37 = tpu.memref_slice %arg11[%dma_wait3A_35, %dma_wait3A_36] : memref<10240x128xf32, #tpu.memory_space<vmem_shared>> -> memref<10240x128xf32, #tpu.memory_space<vmem_shared>>
      tpu.wait_indirect_dma semaphore(%run_scoped3A_25 : memref<!tpu.dma_semaphore, #tpu.memory_space<semaphore_mem>>) src(%dma_wait3A_34 : memref<80x128xf32, #tpu.memory_space<vmem>>) dst(%dma_wait3A_37 : memref<10240x128xf32, #tpu.memory_space<vmem_shared>>)
      tpu.yield
    }) : () -> ()
    %barrier3A_20 = arith.constant 0 : index
    tpu.barrier barrier_id(%barrier3A_20)
    %mul3A_21 = arith.constant 640 : i32
    %mul3A_22 = arith.muli %arg1, %mul3A_21 : i32
    %mul3A_23 = arith.constant 640 : i32
    %mul3A_24 = arith.muli %arg1, %mul3A_23 : i32
    "tpu.region"() ({
      %run_scoped3A_25 = tpu.sem_alloc : memref<!tpu.dma_semaphore, #tpu.memory_space<semaphore_mem>>
      %dma_start3A = arith.constant 0 : i32
      %dma_start3A_26 = tpu.memref_slice %arg5[%arg0, %mul3A_24, %dma_start3A] : memref<2x10240x128xf32, #tpu.memory_space<hbm>> -> memref<1x640x128xf32, #tpu.memory_space<hbm>>
      %dma_start3A_27 = tpu.memref_squeeze %dma_start3A_26 : memref<1x640x128xf32, #tpu.memory_space<hbm>> -> memref<640x128xf32, #tpu.memory_space<hbm>>
      %dma_start3A_28 = arith.constant 0 : i32
      %dma_start3A_29 = tpu.memref_slice %arg11[%mul3A_22, %dma_start3A_28] : memref<10240x128xf32, #tpu.memory_space<vmem_shared>> -> memref<640x128xf32, #tpu.memory_space<vmem_shared>>
      tpu.enqueue_dma source(%dma_start3A_29 : memref<640x128xf32, #tpu.memory_space<vmem_shared>>) target(%dma_start3A_27 : memref<640x128xf32, #tpu.memory_space<hbm>>) target_semaphore(%run_scoped3A_25 : memref<!tpu.dma_semaphore, #tpu.memory_space<semaphore_mem>>)
      %dma_wait3A = arith.constant 0 : i32
      %dma_wait3A_30 = tpu.memref_slice %arg5[%arg0, %mul3A_24, %dma_wait3A] : memref<2x10240x128xf32, #tpu.memory_space<hbm>> -> memref<1x640x128xf32, #tpu.memory_space<hbm>>
      %dma_wait3A_31 = tpu.memref_squeeze %dma_wait3A_30 : memref<1x640x128xf32, #tpu.memory_space<hbm>> -> memref<640x128xf32, #tpu.memory_space<hbm>>
      %dma_wait3A_32 = arith.constant 0 : i32
      %dma_wait3A_33 = tpu.memref_slice %arg11[%mul3A_22, %dma_wait3A_32] : memref<10240x128xf32, #tpu.memory_space<vmem_shared>> -> memref<640x128xf32, #tpu.memory_space<vmem_shared>>
      tpu.wait_dma2 semaphore(%run_scoped3A_25 : memref<!tpu.dma_semaphore, #tpu.memory_space<semaphore_mem>>) src(%dma_wait3A_33 : memref<640x128xf32, #tpu.memory_space<vmem_shared>>) dst(%dma_wait3A_31 : memref<640x128xf32, #tpu.memory_space<hbm>>)
      tpu.yield
    }) : () -> ()
    return
  }
}

#map = affine_map<(d0, d1) -> (0, 0)>
#map1 = affine_map<(d0, d1) -> (0)>
#map2 = affine_map<(d0, d1) -> (0, 0, 0)>
module attributes {stable_mosaic.version = 14 : i64} {
  func.func @kfn(%arg0: i32, %arg1: i32, %arg2: memref<128000x128xf32, #tpu.memory_space<hbm>>, %arg3: memref<128000xi32, #tpu.memory_space<hbm>>, %arg4: memref<640x128xf32, #tpu.memory_space<hbm>>, %arg5: memref<2x10240x128xf32, #tpu.memory_space<hbm>>, %arg6: memref<80xi32, #tpu.memory_space<vmem>>, %arg7: memref<80xi32, #tpu.memory_space<vmem>>, %arg8: memref<80xi32, #tpu.memory_space<vmem>>, %arg9: memref<80xi32, #tpu.memory_space<vmem>>, %arg10: memref<4x80x128xf32, #tpu.memory_space<vmem>>, %arg11: memref<10240x128xf32, #tpu.memory_space<vmem_shared>>, %arg12: memref<!tpu.dma_semaphore, #tpu.memory_space<semaphore_mem>>) attributes {dimension_semantics = [#tpu.dimension_semantics<core_parallel>, #tpu.dimension_semantics<subcore_parallel>], iteration_bounds = array<i64: 2, 16>, scalar_prefetch = 0 : i64, scratch_operands = 7 : i64, tpu.core_type = #tpu.core_type<sc_vector_subcore>, window_params = [{transform_indices = #map}, {transform_indices = #map1}, {transform_indices = #map}, {transform_indices = #map2}]} {
    %mul3A = arith.constant 16 : i32
    %mul3A_0 = arith.muli %arg0, %mul3A : i32
    %add3A = arith.addi %mul3A_0, %arg1 : i32
    %mul3A_1 = arith.constant 4000 : i32
    %mul3A_2 = arith.muli %add3A, %mul3A_1 : i32
    %mul3A_3 = arith.constant 640 : i32
    %mul3A_4 = arith.muli %arg1, %mul3A_3 : i32
    "tpu.region"() ({
      %run_scoped3A_21 = tpu.sem_alloc : memref<!tpu.dma_semaphore, #tpu.memory_space<semaphore_mem>>
      %dma_start3A = arith.constant 0 : i32
      %dma_start3A_22 = tpu.memref_slice %arg11[%mul3A_4, %dma_start3A] : memref<10240x128xf32, #tpu.memory_space<vmem_shared>> -> memref<640x128xf32, #tpu.memory_space<vmem_shared>>
      tpu.enqueue_dma source(%arg4 : memref<640x128xf32, #tpu.memory_space<hbm>>) target(%dma_start3A_22 : memref<640x128xf32, #tpu.memory_space<vmem_shared>>) target_semaphore(%run_scoped3A_21 : memref<!tpu.dma_semaphore, #tpu.memory_space<semaphore_mem>>)
      %dma_wait3A = arith.constant 0 : i32
      %dma_wait3A_23 = tpu.memref_slice %arg11[%mul3A_4, %dma_wait3A] : memref<10240x128xf32, #tpu.memory_space<vmem_shared>> -> memref<640x128xf32, #tpu.memory_space<vmem_shared>>
      tpu.wait_dma2 semaphore(%run_scoped3A_21 : memref<!tpu.dma_semaphore, #tpu.memory_space<semaphore_mem>>) src(%arg4 : memref<640x128xf32, #tpu.memory_space<hbm>>) dst(%dma_wait3A_23 : memref<640x128xf32, #tpu.memory_space<vmem_shared>>)
      tpu.yield
    }) : () -> ()
    %barrier3A = arith.constant 0 : index
    tpu.barrier barrier_id(%barrier3A)
    %scan3A = arith.constant 0 : i32
    %scan3A_5 = arith.constant 12 : i32
    %scan3A_6 = arith.addi %scan3A, %scan3A_5 : i32
    %scan3A_7 = arith.constant 1 : i32
    scf.for %scan3A_21 = %scan3A to %scan3A_6 step %scan3A_7  : i32 {
      %mul3A_22 = arith.constant 1 : i32
      %mul3A_23 = arith.muli %scan3A_21, %mul3A_22 : i32
      %add3A_24 = arith.constant 0 : i32
      %add3A_25 = arith.addi %add3A_24, %mul3A_23 : i32
      %mul3A_26 = arith.constant 320 : i32
      %mul3A_27 = arith.muli %add3A_25, %mul3A_26 : i32
      %add3A_28 = arith.addi %mul3A_2, %mul3A_27 : i32
      %add3A_29 = arith.constant 0 : i32
      %add3A_30 = arith.addi %add3A_28, %add3A_29 : i32
      %dma_start3A = tpu.memref_slice %arg3[%add3A_30] : memref<128000xi32, #tpu.memory_space<hbm>> -> memref<80xi32, #tpu.memory_space<hbm>>
      %dma_start3A_31 = tpu.memref_slice %arg3[%add3A_30] : memref<128000xi32, #tpu.memory_space<hbm>> -> memref<80xi32, #tpu.memory_space<hbm>>
      tpu.enqueue_dma source(%dma_start3A_31 : memref<80xi32, #tpu.memory_space<hbm>>) target(%arg6 : memref<80xi32, #tpu.memory_space<vmem>>) target_semaphore(%arg12 : memref<!tpu.dma_semaphore, #tpu.memory_space<semaphore_mem>>)
      %add3A_32 = arith.constant 0 : i32
      %add3A_33 = arith.addi %add3A_28, %add3A_32 : i32
      %dma_start3A_34 = arith.constant 0 : i32
      %dma_start3A_35 = arith.constant 0 : i32
      %dma_start3A_36 = arith.constant 0 : i32
      %dma_start3A_37 = tpu.memref_slice %arg10[%dma_start3A_34, %dma_start3A_35, %dma_start3A_36] : memref<4x80x128xf32, #tpu.memory_space<vmem>> -> memref<1x80x128xf32, #tpu.memory_space<vmem>>
      %dma_start3A_38 = tpu.memref_squeeze %dma_start3A_37 : memref<1x80x128xf32, #tpu.memory_space<vmem>> -> memref<80x128xf32, #tpu.memory_space<vmem>>
      %dma_start3A_39 = arith.constant 0 : i32
      %dma_start3A_40 = tpu.memref_slice %arg2[%add3A_33, %dma_start3A_39] : memref<128000x128xf32, #tpu.memory_space<hbm>> -> memref<80x128xf32, #tpu.memory_space<hbm>>
      %dma_start3A_41 = arith.constant 0 : i32
      %dma_start3A_42 = arith.constant 0 : i32
      %dma_start3A_43 = tpu.memref_slice %arg10[%dma_start3A_34, %dma_start3A_41, %dma_start3A_42] : memref<4x80x128xf32, #tpu.memory_space<vmem>> -> memref<1x80x128xf32, #tpu.memory_space<vmem>>
      %dma_start3A_44 = tpu.memref_squeeze %dma_start3A_43 : memref<1x80x128xf32, #tpu.memory_space<vmem>> -> memref<80x128xf32, #tpu.memory_space<vmem>>
      %dma_start3A_45 = arith.constant 0 : i32
      %dma_start3A_46 = tpu.memref_slice %arg2[%add3A_33, %dma_start3A_45] : memref<128000x128xf32, #tpu.memory_space<hbm>> -> memref<80x128xf32, #tpu.memory_space<hbm>>
      tpu.enqueue_dma source(%dma_start3A_46 : memref<80x128xf32, #tpu.memory_space<hbm>>) target(%dma_start3A_44 : memref<80x128xf32, #tpu.memory_space<vmem>>) target_semaphore(%arg12 : memref<!tpu.dma_semaphore, #tpu.memory_space<semaphore_mem>>)
      %add3A_47 = arith.constant 80 : i32
      %add3A_48 = arith.addi %add3A_28, %add3A_47 : i32
      %dma_start3A_49 = tpu.memref_slice %arg3[%add3A_48] : memref<128000xi32, #tpu.memory_space<hbm>> -> memref<80xi32, #tpu.memory_space<hbm>>
      %dma_start3A_50 = tpu.memref_slice %arg3[%add3A_48] : memref<128000xi32, #tpu.memory_space<hbm>> -> memref<80xi32, #tpu.memory_space<hbm>>
      tpu.enqueue_dma source(%dma_start3A_50 : memref<80xi32, #tpu.memory_space<hbm>>) target(%arg7 : memref<80xi32, #tpu.memory_space<vmem>>) target_semaphore(%arg12 : memref<!tpu.dma_semaphore, #tpu.memory_space<semaphore_mem>>)
      %add3A_51 = arith.constant 80 : i32
      %add3A_52 = arith.addi %add3A_28, %add3A_51 : i32
      %dma_start3A_53 = arith.constant 1 : i32
      %dma_start3A_54 = arith.constant 0 : i32
      %dma_start3A_55 = arith.constant 0 : i32
      %dma_start3A_56 = tpu.memref_slice %arg10[%dma_start3A_53, %dma_start3A_54, %dma_start3A_55] : memref<4x80x128xf32, #tpu.memory_space<vmem>> -> memref<1x80x128xf32, #tpu.memory_space<vmem>>
      %dma_start3A_57 = tpu.memref_squeeze %dma_start3A_56 : memref<1x80x128xf32, #tpu.memory_space<vmem>> -> memref<80x128xf32, #tpu.memory_space<vmem>>
      %dma_start3A_58 = arith.constant 0 : i32
      %dma_start3A_59 = tpu.memref_slice %arg2[%add3A_52, %dma_start3A_58] : memref<128000x128xf32, #tpu.memory_space<hbm>> -> memref<80x128xf32, #tpu.memory_space<hbm>>
      %dma_start3A_60 = arith.constant 0 : i32
      %dma_start3A_61 = arith.constant 0 : i32
      %dma_start3A_62 = tpu.memref_slice %arg10[%dma_start3A_53, %dma_start3A_60, %dma_start3A_61] : memref<4x80x128xf32, #tpu.memory_space<vmem>> -> memref<1x80x128xf32, #tpu.memory_space<vmem>>
      %dma_start3A_63 = tpu.memref_squeeze %dma_start3A_62 : memref<1x80x128xf32, #tpu.memory_space<vmem>> -> memref<80x128xf32, #tpu.memory_space<vmem>>
      %dma_start3A_64 = arith.constant 0 : i32
      %dma_start3A_65 = tpu.memref_slice %arg2[%add3A_52, %dma_start3A_64] : memref<128000x128xf32, #tpu.memory_space<hbm>> -> memref<80x128xf32, #tpu.memory_space<hbm>>
      tpu.enqueue_dma source(%dma_start3A_65 : memref<80x128xf32, #tpu.memory_space<hbm>>) target(%dma_start3A_63 : memref<80x128xf32, #tpu.memory_space<vmem>>) target_semaphore(%arg12 : memref<!tpu.dma_semaphore, #tpu.memory_space<semaphore_mem>>)
      %add3A_66 = arith.constant 160 : i32
      %add3A_67 = arith.addi %add3A_28, %add3A_66 : i32
      %dma_start3A_68 = tpu.memref_slice %arg3[%add3A_67] : memref<128000xi32, #tpu.memory_space<hbm>> -> memref<80xi32, #tpu.memory_space<hbm>>
      %dma_start3A_69 = tpu.memref_slice %arg3[%add3A_67] : memref<128000xi32, #tpu.memory_space<hbm>> -> memref<80xi32, #tpu.memory_space<hbm>>
      tpu.enqueue_dma source(%dma_start3A_69 : memref<80xi32, #tpu.memory_space<hbm>>) target(%arg8 : memref<80xi32, #tpu.memory_space<vmem>>) target_semaphore(%arg12 : memref<!tpu.dma_semaphore, #tpu.memory_space<semaphore_mem>>)
      %add3A_70 = arith.constant 160 : i32
      %add3A_71 = arith.addi %add3A_28, %add3A_70 : i32
      %dma_start3A_72 = arith.constant 2 : i32
      %dma_start3A_73 = arith.constant 0 : i32
      %dma_start3A_74 = arith.constant 0 : i32
      %dma_start3A_75 = tpu.memref_slice %arg10[%dma_start3A_72, %dma_start3A_73, %dma_start3A_74] : memref<4x80x128xf32, #tpu.memory_space<vmem>> -> memref<1x80x128xf32, #tpu.memory_space<vmem>>
      %dma_start3A_76 = tpu.memref_squeeze %dma_start3A_75 : memref<1x80x128xf32, #tpu.memory_space<vmem>> -> memref<80x128xf32, #tpu.memory_space<vmem>>
      %dma_start3A_77 = arith.constant 0 : i32
      %dma_start3A_78 = tpu.memref_slice %arg2[%add3A_71, %dma_start3A_77] : memref<128000x128xf32, #tpu.memory_space<hbm>> -> memref<80x128xf32, #tpu.memory_space<hbm>>
      %dma_start3A_79 = arith.constant 0 : i32
      %dma_start3A_80 = arith.constant 0 : i32
      %dma_start3A_81 = tpu.memref_slice %arg10[%dma_start3A_72, %dma_start3A_79, %dma_start3A_80] : memref<4x80x128xf32, #tpu.memory_space<vmem>> -> memref<1x80x128xf32, #tpu.memory_space<vmem>>
      %dma_start3A_82 = tpu.memref_squeeze %dma_start3A_81 : memref<1x80x128xf32, #tpu.memory_space<vmem>> -> memref<80x128xf32, #tpu.memory_space<vmem>>
      %dma_start3A_83 = arith.constant 0 : i32
      %dma_start3A_84 = tpu.memref_slice %arg2[%add3A_71, %dma_start3A_83] : memref<128000x128xf32, #tpu.memory_space<hbm>> -> memref<80x128xf32, #tpu.memory_space<hbm>>
      tpu.enqueue_dma source(%dma_start3A_84 : memref<80x128xf32, #tpu.memory_space<hbm>>) target(%dma_start3A_82 : memref<80x128xf32, #tpu.memory_space<vmem>>) target_semaphore(%arg12 : memref<!tpu.dma_semaphore, #tpu.memory_space<semaphore_mem>>)
      %add3A_85 = arith.constant 240 : i32
      %add3A_86 = arith.addi %add3A_28, %add3A_85 : i32
      %dma_start3A_87 = tpu.memref_slice %arg3[%add3A_86] : memref<128000xi32, #tpu.memory_space<hbm>> -> memref<80xi32, #tpu.memory_space<hbm>>
      %dma_start3A_88 = tpu.memref_slice %arg3[%add3A_86] : memref<128000xi32, #tpu.memory_space<hbm>> -> memref<80xi32, #tpu.memory_space<hbm>>
      tpu.enqueue_dma source(%dma_start3A_88 : memref<80xi32, #tpu.memory_space<hbm>>) target(%arg9 : memref<80xi32, #tpu.memory_space<vmem>>) target_semaphore(%arg12 : memref<!tpu.dma_semaphore, #tpu.memory_space<semaphore_mem>>)
      %add3A_89 = arith.constant 240 : i32
      %add3A_90 = arith.addi %add3A_28, %add3A_89 : i32
      %dma_start3A_91 = arith.constant 3 : i32
      %dma_start3A_92 = arith.constant 0 : i32
      %dma_start3A_93 = arith.constant 0 : i32
      %dma_start3A_94 = tpu.memref_slice %arg10[%dma_start3A_91, %dma_start3A_92, %dma_start3A_93] : memref<4x80x128xf32, #tpu.memory_space<vmem>> -> memref<1x80x128xf32, #tpu.memory_space<vmem>>
      %dma_start3A_95 = tpu.memref_squeeze %dma_start3A_94 : memref<1x80x128xf32, #tpu.memory_space<vmem>> -> memref<80x128xf32, #tpu.memory_space<vmem>>
      %dma_start3A_96 = arith.constant 0 : i32
      %dma_start3A_97 = tpu.memref_slice %arg2[%add3A_90, %dma_start3A_96] : memref<128000x128xf32, #tpu.memory_space<hbm>> -> memref<80x128xf32, #tpu.memory_space<hbm>>
      %dma_start3A_98 = arith.constant 0 : i32
      %dma_start3A_99 = arith.constant 0 : i32
      %dma_start3A_100 = tpu.memref_slice %arg10[%dma_start3A_91, %dma_start3A_98, %dma_start3A_99] : memref<4x80x128xf32, #tpu.memory_space<vmem>> -> memref<1x80x128xf32, #tpu.memory_space<vmem>>
      %dma_start3A_101 = tpu.memref_squeeze %dma_start3A_100 : memref<1x80x128xf32, #tpu.memory_space<vmem>> -> memref<80x128xf32, #tpu.memory_space<vmem>>
      %dma_start3A_102 = arith.constant 0 : i32
      %dma_start3A_103 = tpu.memref_slice %arg2[%add3A_90, %dma_start3A_102] : memref<128000x128xf32, #tpu.memory_space<hbm>> -> memref<80x128xf32, #tpu.memory_space<hbm>>
      tpu.enqueue_dma source(%dma_start3A_103 : memref<80x128xf32, #tpu.memory_space<hbm>>) target(%dma_start3A_101 : memref<80x128xf32, #tpu.memory_space<vmem>>) target_semaphore(%arg12 : memref<!tpu.dma_semaphore, #tpu.memory_space<semaphore_mem>>)
      %dma_wait3A = tpu.memref_slice %arg3[%add3A_30] : memref<128000xi32, #tpu.memory_space<hbm>> -> memref<80xi32, #tpu.memory_space<hbm>>
      %dma_wait3A_104 = tpu.memref_slice %arg3[%add3A_30] : memref<128000xi32, #tpu.memory_space<hbm>> -> memref<80xi32, #tpu.memory_space<hbm>>
      tpu.wait_dma2 semaphore(%arg12 : memref<!tpu.dma_semaphore, #tpu.memory_space<semaphore_mem>>) src(%dma_wait3A_104 : memref<80xi32, #tpu.memory_space<hbm>>) dst(%arg6 : memref<80xi32, #tpu.memory_space<vmem>>)
      %dma_wait3A_105 = arith.constant 0 : i32
      %dma_wait3A_106 = arith.constant 0 : i32
      %dma_wait3A_107 = arith.constant 0 : i32
      %dma_wait3A_108 = tpu.memref_slice %arg10[%dma_wait3A_105, %dma_wait3A_106, %dma_wait3A_107] : memref<4x80x128xf32, #tpu.memory_space<vmem>> -> memref<1x80x128xf32, #tpu.memory_space<vmem>>
      %dma_wait3A_109 = tpu.memref_squeeze %dma_wait3A_108 : memref<1x80x128xf32, #tpu.memory_space<vmem>> -> memref<80x128xf32, #tpu.memory_space<vmem>>
      %dma_wait3A_110 = arith.constant 0 : i32
      %dma_wait3A_111 = tpu.memref_slice %arg2[%add3A_33, %dma_wait3A_110] : memref<128000x128xf32, #tpu.memory_space<hbm>> -> memref<80x128xf32, #tpu.memory_space<hbm>>
      %dma_wait3A_112 = arith.constant 0 : i32
      %dma_wait3A_113 = arith.constant 0 : i32
      %dma_wait3A_114 = tpu.memref_slice %arg10[%dma_wait3A_105, %dma_wait3A_112, %dma_wait3A_113] : memref<4x80x128xf32, #tpu.memory_space<vmem>> -> memref<1x80x128xf32, #tpu.memory_space<vmem>>
      %dma_wait3A_115 = tpu.memref_squeeze %dma_wait3A_114 : memref<1x80x128xf32, #tpu.memory_space<vmem>> -> memref<80x128xf32, #tpu.memory_space<vmem>>
      %dma_wait3A_116 = arith.constant 0 : i32
      %dma_wait3A_117 = tpu.memref_slice %arg2[%add3A_33, %dma_wait3A_116] : memref<128000x128xf32, #tpu.memory_space<hbm>> -> memref<80x128xf32, #tpu.memory_space<hbm>>
      tpu.wait_dma2 semaphore(%arg12 : memref<!tpu.dma_semaphore, #tpu.memory_space<semaphore_mem>>) src(%dma_wait3A_117 : memref<80x128xf32, #tpu.memory_space<hbm>>) dst(%dma_wait3A_115 : memref<80x128xf32, #tpu.memory_space<vmem>>)
      %dma_wait3A_118 = tpu.memref_slice %arg3[%add3A_48] : memref<128000xi32, #tpu.memory_space<hbm>> -> memref<80xi32, #tpu.memory_space<hbm>>
      %dma_wait3A_119 = tpu.memref_slice %arg3[%add3A_48] : memref<128000xi32, #tpu.memory_space<hbm>> -> memref<80xi32, #tpu.memory_space<hbm>>
      tpu.wait_dma2 semaphore(%arg12 : memref<!tpu.dma_semaphore, #tpu.memory_space<semaphore_mem>>) src(%dma_wait3A_119 : memref<80xi32, #tpu.memory_space<hbm>>) dst(%arg7 : memref<80xi32, #tpu.memory_space<vmem>>)
      %dma_wait3A_120 = arith.constant 1 : i32
      %dma_wait3A_121 = arith.constant 0 : i32
      %dma_wait3A_122 = arith.constant 0 : i32
      %dma_wait3A_123 = tpu.memref_slice %arg10[%dma_wait3A_120, %dma_wait3A_121, %dma_wait3A_122] : memref<4x80x128xf32, #tpu.memory_space<vmem>> -> memref<1x80x128xf32, #tpu.memory_space<vmem>>
      %dma_wait3A_124 = tpu.memref_squeeze %dma_wait3A_123 : memref<1x80x128xf32, #tpu.memory_space<vmem>> -> memref<80x128xf32, #tpu.memory_space<vmem>>
      %dma_wait3A_125 = arith.constant 0 : i32
      %dma_wait3A_126 = tpu.memref_slice %arg2[%add3A_52, %dma_wait3A_125] : memref<128000x128xf32, #tpu.memory_space<hbm>> -> memref<80x128xf32, #tpu.memory_space<hbm>>
      %dma_wait3A_127 = arith.constant 0 : i32
      %dma_wait3A_128 = arith.constant 0 : i32
      %dma_wait3A_129 = tpu.memref_slice %arg10[%dma_wait3A_120, %dma_wait3A_127, %dma_wait3A_128] : memref<4x80x128xf32, #tpu.memory_space<vmem>> -> memref<1x80x128xf32, #tpu.memory_space<vmem>>
      %dma_wait3A_130 = tpu.memref_squeeze %dma_wait3A_129 : memref<1x80x128xf32, #tpu.memory_space<vmem>> -> memref<80x128xf32, #tpu.memory_space<vmem>>
      %dma_wait3A_131 = arith.constant 0 : i32
      %dma_wait3A_132 = tpu.memref_slice %arg2[%add3A_52, %dma_wait3A_131] : memref<128000x128xf32, #tpu.memory_space<hbm>> -> memref<80x128xf32, #tpu.memory_space<hbm>>
      tpu.wait_dma2 semaphore(%arg12 : memref<!tpu.dma_semaphore, #tpu.memory_space<semaphore_mem>>) src(%dma_wait3A_132 : memref<80x128xf32, #tpu.memory_space<hbm>>) dst(%dma_wait3A_130 : memref<80x128xf32, #tpu.memory_space<vmem>>)
      %dma_wait3A_133 = tpu.memref_slice %arg3[%add3A_67] : memref<128000xi32, #tpu.memory_space<hbm>> -> memref<80xi32, #tpu.memory_space<hbm>>
      %dma_wait3A_134 = tpu.memref_slice %arg3[%add3A_67] : memref<128000xi32, #tpu.memory_space<hbm>> -> memref<80xi32, #tpu.memory_space<hbm>>
      tpu.wait_dma2 semaphore(%arg12 : memref<!tpu.dma_semaphore, #tpu.memory_space<semaphore_mem>>) src(%dma_wait3A_134 : memref<80xi32, #tpu.memory_space<hbm>>) dst(%arg8 : memref<80xi32, #tpu.memory_space<vmem>>)
      %dma_wait3A_135 = arith.constant 2 : i32
      %dma_wait3A_136 = arith.constant 0 : i32
      %dma_wait3A_137 = arith.constant 0 : i32
      %dma_wait3A_138 = tpu.memref_slice %arg10[%dma_wait3A_135, %dma_wait3A_136, %dma_wait3A_137] : memref<4x80x128xf32, #tpu.memory_space<vmem>> -> memref<1x80x128xf32, #tpu.memory_space<vmem>>
      %dma_wait3A_139 = tpu.memref_squeeze %dma_wait3A_138 : memref<1x80x128xf32, #tpu.memory_space<vmem>> -> memref<80x128xf32, #tpu.memory_space<vmem>>
      %dma_wait3A_140 = arith.constant 0 : i32
      %dma_wait3A_141 = tpu.memref_slice %arg2[%add3A_71, %dma_wait3A_140] : memref<128000x128xf32, #tpu.memory_space<hbm>> -> memref<80x128xf32, #tpu.memory_space<hbm>>
      %dma_wait3A_142 = arith.constant 0 : i32
      %dma_wait3A_143 = arith.constant 0 : i32
      %dma_wait3A_144 = tpu.memref_slice %arg10[%dma_wait3A_135, %dma_wait3A_142, %dma_wait3A_143] : memref<4x80x128xf32, #tpu.memory_space<vmem>> -> memref<1x80x128xf32, #tpu.memory_space<vmem>>
      %dma_wait3A_145 = tpu.memref_squeeze %dma_wait3A_144 : memref<1x80x128xf32, #tpu.memory_space<vmem>> -> memref<80x128xf32, #tpu.memory_space<vmem>>
      %dma_wait3A_146 = arith.constant 0 : i32
      %dma_wait3A_147 = tpu.memref_slice %arg2[%add3A_71, %dma_wait3A_146] : memref<128000x128xf32, #tpu.memory_space<hbm>> -> memref<80x128xf32, #tpu.memory_space<hbm>>
      tpu.wait_dma2 semaphore(%arg12 : memref<!tpu.dma_semaphore, #tpu.memory_space<semaphore_mem>>) src(%dma_wait3A_147 : memref<80x128xf32, #tpu.memory_space<hbm>>) dst(%dma_wait3A_145 : memref<80x128xf32, #tpu.memory_space<vmem>>)
      %dma_wait3A_148 = tpu.memref_slice %arg3[%add3A_86] : memref<128000xi32, #tpu.memory_space<hbm>> -> memref<80xi32, #tpu.memory_space<hbm>>
      %dma_wait3A_149 = tpu.memref_slice %arg3[%add3A_86] : memref<128000xi32, #tpu.memory_space<hbm>> -> memref<80xi32, #tpu.memory_space<hbm>>
      tpu.wait_dma2 semaphore(%arg12 : memref<!tpu.dma_semaphore, #tpu.memory_space<semaphore_mem>>) src(%dma_wait3A_149 : memref<80xi32, #tpu.memory_space<hbm>>) dst(%arg9 : memref<80xi32, #tpu.memory_space<vmem>>)
      %dma_wait3A_150 = arith.constant 3 : i32
      %dma_wait3A_151 = arith.constant 0 : i32
      %dma_wait3A_152 = arith.constant 0 : i32
      %dma_wait3A_153 = tpu.memref_slice %arg10[%dma_wait3A_150, %dma_wait3A_151, %dma_wait3A_152] : memref<4x80x128xf32, #tpu.memory_space<vmem>> -> memref<1x80x128xf32, #tpu.memory_space<vmem>>
      %dma_wait3A_154 = tpu.memref_squeeze %dma_wait3A_153 : memref<1x80x128xf32, #tpu.memory_space<vmem>> -> memref<80x128xf32, #tpu.memory_space<vmem>>
      %dma_wait3A_155 = arith.constant 0 : i32
      %dma_wait3A_156 = tpu.memref_slice %arg2[%add3A_90, %dma_wait3A_155] : memref<128000x128xf32, #tpu.memory_space<hbm>> -> memref<80x128xf32, #tpu.memory_space<hbm>>
      %dma_wait3A_157 = arith.constant 0 : i32
      %dma_wait3A_158 = arith.constant 0 : i32
      %dma_wait3A_159 = tpu.memref_slice %arg10[%dma_wait3A_150, %dma_wait3A_157, %dma_wait3A_158] : memref<4x80x128xf32, #tpu.memory_space<vmem>> -> memref<1x80x128xf32, #tpu.memory_space<vmem>>
      %dma_wait3A_160 = tpu.memref_squeeze %dma_wait3A_159 : memref<1x80x128xf32, #tpu.memory_space<vmem>> -> memref<80x128xf32, #tpu.memory_space<vmem>>
      %dma_wait3A_161 = arith.constant 0 : i32
      %dma_wait3A_162 = tpu.memref_slice %arg2[%add3A_90, %dma_wait3A_161] : memref<128000x128xf32, #tpu.memory_space<hbm>> -> memref<80x128xf32, #tpu.memory_space<hbm>>
      tpu.wait_dma2 semaphore(%arg12 : memref<!tpu.dma_semaphore, #tpu.memory_space<semaphore_mem>>) src(%dma_wait3A_162 : memref<80x128xf32, #tpu.memory_space<hbm>>) dst(%dma_wait3A_160 : memref<80x128xf32, #tpu.memory_space<vmem>>)
      %run_scoped3A_163 = arith.constant 0 : i32
      "tpu.region"() ({
        %run_scoped3A_167 = tpu.sem_alloc : memref<!tpu.dma_semaphore, #tpu.memory_space<semaphore_mem>>
        %dma_start3A_168 = arith.constant 0 : i32
        %dma_start3A_169 = arith.constant 0 : i32
        %dma_start3A_170 = tpu.memref_slice %arg10[%run_scoped3A_163, %dma_start3A_168, %dma_start3A_169] : memref<4x80x128xf32, #tpu.memory_space<vmem>> -> memref<1x80x128xf32, #tpu.memory_space<vmem>>
        %dma_start3A_171 = tpu.memref_squeeze %dma_start3A_170 : memref<1x80x128xf32, #tpu.memory_space<vmem>> -> memref<80x128xf32, #tpu.memory_space<vmem>>
        %dma_start3A_172 = arith.constant 0 : i32
        %dma_start3A_173 = arith.constant 0 : i32
        %dma_start3A_174 = tpu.memref_slice %arg11[%dma_start3A_172, %dma_start3A_173] : memref<10240x128xf32, #tpu.memory_space<vmem_shared>> -> memref<10240x128xf32, #tpu.memory_space<vmem_shared>>
        tpu.enqueue_indirect_dma source(%dma_start3A_171 : memref<80x128xf32, #tpu.memory_space<vmem>>) target(%dma_start3A_174 : memref<10240x128xf32, #tpu.memory_space<vmem_shared>>) offsets(%arg6 : memref<80xi32, #tpu.memory_space<vmem>>) semaphore(%run_scoped3A_167 : memref<!tpu.dma_semaphore, #tpu.memory_space<semaphore_mem>>) {add = true}
        %dma_wait3A_175 = arith.constant 0 : i32
        %dma_wait3A_176 = arith.constant 0 : i32
        %dma_wait3A_177 = tpu.memref_slice %arg10[%run_scoped3A_163, %dma_wait3A_175, %dma_wait3A_176] : memref<4x80x128xf32, #tpu.memory_space<vmem>> -> memref<1x80x128xf32, #tpu.memory_space<vmem>>
        %dma_wait3A_178 = tpu.memref_squeeze %dma_wait3A_177 : memref<1x80x128xf32, #tpu.memory_space<vmem>> -> memref<80x128xf32, #tpu.memory_space<vmem>>
        %dma_wait3A_179 = arith.constant 0 : i32
        %dma_wait3A_180 = arith.constant 0 : i32
        %dma_wait3A_181 = tpu.memref_slice %arg11[%dma_wait3A_179, %dma_wait3A_180] : memref<10240x128xf32, #tpu.memory_space<vmem_shared>> -> memref<10240x128xf32, #tpu.memory_space<vmem_shared>>
        tpu.wait_indirect_dma semaphore(%run_scoped3A_167 : memref<!tpu.dma_semaphore, #tpu.memory_space<semaphore_mem>>) src(%dma_wait3A_178 : memref<80x128xf32, #tpu.memory_space<vmem>>) dst(%dma_wait3A_181 : memref<10240x128xf32, #tpu.memory_space<vmem_shared>>)
        tpu.yield
      }) : () -> ()
      %run_scoped3A_164 = arith.constant 1 : i32
      "tpu.region"() ({
        %run_scoped3A_167 = tpu.sem_alloc : memref<!tpu.dma_semaphore, #tpu.memory_space<semaphore_mem>>
        %dma_start3A_168 = arith.constant 0 : i32
        %dma_start3A_169 = arith.constant 0 : i32
        %dma_start3A_170 = tpu.memref_slice %arg10[%run_scoped3A_164, %dma_start3A_168, %dma_start3A_169] : memref<4x80x128xf32, #tpu.memory_space<vmem>> -> memref<1x80x128xf32, #tpu.memory_space<vmem>>
        %dma_start3A_171 = tpu.memref_squeeze %dma_start3A_170 : memref<1x80x128xf32, #tpu.memory_space<vmem>> -> memref<80x128xf32, #tpu.memory_space<vmem>>
        %dma_start3A_172 = arith.constant 0 : i32
        %dma_start3A_173 = arith.constant 0 : i32
        %dma_start3A_174 = tpu.memref_slice %arg11[%dma_start3A_172, %dma_start3A_173] : memref<10240x128xf32, #tpu.memory_space<vmem_shared>> -> memref<10240x128xf32, #tpu.memory_space<vmem_shared>>
        tpu.enqueue_indirect_dma source(%dma_start3A_171 : memref<80x128xf32, #tpu.memory_space<vmem>>) target(%dma_start3A_174 : memref<10240x128xf32, #tpu.memory_space<vmem_shared>>) offsets(%arg7 : memref<80xi32, #tpu.memory_space<vmem>>) semaphore(%run_scoped3A_167 : memref<!tpu.dma_semaphore, #tpu.memory_space<semaphore_mem>>) {add = true}
        %dma_wait3A_175 = arith.constant 0 : i32
        %dma_wait3A_176 = arith.constant 0 : i32
        %dma_wait3A_177 = tpu.memref_slice %arg10[%run_scoped3A_164, %dma_wait3A_175, %dma_wait3A_176] : memref<4x80x128xf32, #tpu.memory_space<vmem>> -> memref<1x80x128xf32, #tpu.memory_space<vmem>>
        %dma_wait3A_178 = tpu.memref_squeeze %dma_wait3A_177 : memref<1x80x128xf32, #tpu.memory_space<vmem>> -> memref<80x128xf32, #tpu.memory_space<vmem>>
        %dma_wait3A_179 = arith.constant 0 : i32
        %dma_wait3A_180 = arith.constant 0 : i32
        %dma_wait3A_181 = tpu.memref_slice %arg11[%dma_wait3A_179, %dma_wait3A_180] : memref<10240x128xf32, #tpu.memory_space<vmem_shared>> -> memref<10240x128xf32, #tpu.memory_space<vmem_shared>>
        tpu.wait_indirect_dma semaphore(%run_scoped3A_167 : memref<!tpu.dma_semaphore, #tpu.memory_space<semaphore_mem>>) src(%dma_wait3A_178 : memref<80x128xf32, #tpu.memory_space<vmem>>) dst(%dma_wait3A_181 : memref<10240x128xf32, #tpu.memory_space<vmem_shared>>)
        tpu.yield
      }) : () -> ()
      %run_scoped3A_165 = arith.constant 2 : i32
      "tpu.region"() ({
        %run_scoped3A_167 = tpu.sem_alloc : memref<!tpu.dma_semaphore, #tpu.memory_space<semaphore_mem>>
        %dma_start3A_168 = arith.constant 0 : i32
        %dma_start3A_169 = arith.constant 0 : i32
        %dma_start3A_170 = tpu.memref_slice %arg10[%run_scoped3A_165, %dma_start3A_168, %dma_start3A_169] : memref<4x80x128xf32, #tpu.memory_space<vmem>> -> memref<1x80x128xf32, #tpu.memory_space<vmem>>
        %dma_start3A_171 = tpu.memref_squeeze %dma_start3A_170 : memref<1x80x128xf32, #tpu.memory_space<vmem>> -> memref<80x128xf32, #tpu.memory_space<vmem>>
        %dma_start3A_172 = arith.constant 0 : i32
        %dma_start3A_173 = arith.constant 0 : i32
        %dma_start3A_174 = tpu.memref_slice %arg11[%dma_start3A_172, %dma_start3A_173] : memref<10240x128xf32, #tpu.memory_space<vmem_shared>> -> memref<10240x128xf32, #tpu.memory_space<vmem_shared>>
        tpu.enqueue_indirect_dma source(%dma_start3A_171 : memref<80x128xf32, #tpu.memory_space<vmem>>) target(%dma_start3A_174 : memref<10240x128xf32, #tpu.memory_space<vmem_shared>>) offsets(%arg8 : memref<80xi32, #tpu.memory_space<vmem>>) semaphore(%run_scoped3A_167 : memref<!tpu.dma_semaphore, #tpu.memory_space<semaphore_mem>>) {add = true}
        %dma_wait3A_175 = arith.constant 0 : i32
        %dma_wait3A_176 = arith.constant 0 : i32
        %dma_wait3A_177 = tpu.memref_slice %arg10[%run_scoped3A_165, %dma_wait3A_175, %dma_wait3A_176] : memref<4x80x128xf32, #tpu.memory_space<vmem>> -> memref<1x80x128xf32, #tpu.memory_space<vmem>>
        %dma_wait3A_178 = tpu.memref_squeeze %dma_wait3A_177 : memref<1x80x128xf32, #tpu.memory_space<vmem>> -> memref<80x128xf32, #tpu.memory_space<vmem>>
        %dma_wait3A_179 = arith.constant 0 : i32
        %dma_wait3A_180 = arith.constant 0 : i32
        %dma_wait3A_181 = tpu.memref_slice %arg11[%dma_wait3A_179, %dma_wait3A_180] : memref<10240x128xf32, #tpu.memory_space<vmem_shared>> -> memref<10240x128xf32, #tpu.memory_space<vmem_shared>>
        tpu.wait_indirect_dma semaphore(%run_scoped3A_167 : memref<!tpu.dma_semaphore, #tpu.memory_space<semaphore_mem>>) src(%dma_wait3A_178 : memref<80x128xf32, #tpu.memory_space<vmem>>) dst(%dma_wait3A_181 : memref<10240x128xf32, #tpu.memory_space<vmem_shared>>)
        tpu.yield
      }) : () -> ()
      %run_scoped3A_166 = arith.constant 3 : i32
      "tpu.region"() ({
        %run_scoped3A_167 = tpu.sem_alloc : memref<!tpu.dma_semaphore, #tpu.memory_space<semaphore_mem>>
        %dma_start3A_168 = arith.constant 0 : i32
        %dma_start3A_169 = arith.constant 0 : i32
        %dma_start3A_170 = tpu.memref_slice %arg10[%run_scoped3A_166, %dma_start3A_168, %dma_start3A_169] : memref<4x80x128xf32, #tpu.memory_space<vmem>> -> memref<1x80x128xf32, #tpu.memory_space<vmem>>
        %dma_start3A_171 = tpu.memref_squeeze %dma_start3A_170 : memref<1x80x128xf32, #tpu.memory_space<vmem>> -> memref<80x128xf32, #tpu.memory_space<vmem>>
        %dma_start3A_172 = arith.constant 0 : i32
        %dma_start3A_173 = arith.constant 0 : i32
        %dma_start3A_174 = tpu.memref_slice %arg11[%dma_start3A_172, %dma_start3A_173] : memref<10240x128xf32, #tpu.memory_space<vmem_shared>> -> memref<10240x128xf32, #tpu.memory_space<vmem_shared>>
        tpu.enqueue_indirect_dma source(%dma_start3A_171 : memref<80x128xf32, #tpu.memory_space<vmem>>) target(%dma_start3A_174 : memref<10240x128xf32, #tpu.memory_space<vmem_shared>>) offsets(%arg9 : memref<80xi32, #tpu.memory_space<vmem>>) semaphore(%run_scoped3A_167 : memref<!tpu.dma_semaphore, #tpu.memory_space<semaphore_mem>>) {add = true}
        %dma_wait3A_175 = arith.constant 0 : i32
        %dma_wait3A_176 = arith.constant 0 : i32
        %dma_wait3A_177 = tpu.memref_slice %arg10[%run_scoped3A_166, %dma_wait3A_175, %dma_wait3A_176] : memref<4x80x128xf32, #tpu.memory_space<vmem>> -> memref<1x80x128xf32, #tpu.memory_space<vmem>>
        %dma_wait3A_178 = tpu.memref_squeeze %dma_wait3A_177 : memref<1x80x128xf32, #tpu.memory_space<vmem>> -> memref<80x128xf32, #tpu.memory_space<vmem>>
        %dma_wait3A_179 = arith.constant 0 : i32
        %dma_wait3A_180 = arith.constant 0 : i32
        %dma_wait3A_181 = tpu.memref_slice %arg11[%dma_wait3A_179, %dma_wait3A_180] : memref<10240x128xf32, #tpu.memory_space<vmem_shared>> -> memref<10240x128xf32, #tpu.memory_space<vmem_shared>>
        tpu.wait_indirect_dma semaphore(%run_scoped3A_167 : memref<!tpu.dma_semaphore, #tpu.memory_space<semaphore_mem>>) src(%dma_wait3A_178 : memref<80x128xf32, #tpu.memory_space<vmem>>) dst(%dma_wait3A_181 : memref<10240x128xf32, #tpu.memory_space<vmem_shared>>)
        tpu.yield
      }) : () -> ()
    }
    %scan3A_8 = arith.constant 12 : i32
    %add3A_9 = arith.constant 3840 : i32
    %add3A_10 = arith.addi %mul3A_2, %add3A_9 : i32
    "tpu.region"() ({
      %run_scoped3A_21 = tpu.sem_alloc : memref<!tpu.dma_semaphore, #tpu.memory_space<semaphore_mem>>
      %dma_start3A = tpu.memref_slice %arg3[%add3A_10] : memref<128000xi32, #tpu.memory_space<hbm>> -> memref<80xi32, #tpu.memory_space<hbm>>
      %dma_start3A_22 = tpu.memref_slice %arg3[%add3A_10] : memref<128000xi32, #tpu.memory_space<hbm>> -> memref<80xi32, #tpu.memory_space<hbm>>
      tpu.enqueue_dma source(%dma_start3A_22 : memref<80xi32, #tpu.memory_space<hbm>>) target(%arg6 : memref<80xi32, #tpu.memory_space<vmem>>) target_semaphore(%run_scoped3A_21 : memref<!tpu.dma_semaphore, #tpu.memory_space<semaphore_mem>>)
      %dma_wait3A = tpu.memref_slice %arg3[%add3A_10] : memref<128000xi32, #tpu.memory_space<hbm>> -> memref<80xi32, #tpu.memory_space<hbm>>
      %dma_wait3A_23 = tpu.memref_slice %arg3[%add3A_10] : memref<128000xi32, #tpu.memory_space<hbm>> -> memref<80xi32, #tpu.memory_space<hbm>>
      tpu.wait_dma2 semaphore(%run_scoped3A_21 : memref<!tpu.dma_semaphore, #tpu.memory_space<semaphore_mem>>) src(%dma_wait3A_23 : memref<80xi32, #tpu.memory_space<hbm>>) dst(%arg6 : memref<80xi32, #tpu.memory_space<vmem>>)
      tpu.yield
    }) : () -> ()
    %run_scoped3A = arith.constant 0 : i32
    "tpu.region"() ({
      %run_scoped3A_21 = tpu.sem_alloc : memref<!tpu.dma_semaphore, #tpu.memory_space<semaphore_mem>>
      %dma_start3A = arith.constant 0 : i32
      %dma_start3A_22 = arith.constant 0 : i32
      %dma_start3A_23 = tpu.memref_slice %arg10[%run_scoped3A, %dma_start3A, %dma_start3A_22] : memref<4x80x128xf32, #tpu.memory_space<vmem>> -> memref<1x80x128xf32, #tpu.memory_space<vmem>>
      %dma_start3A_24 = tpu.memref_squeeze %dma_start3A_23 : memref<1x80x128xf32, #tpu.memory_space<vmem>> -> memref<80x128xf32, #tpu.memory_space<vmem>>
      %dma_start3A_25 = arith.constant 0 : i32
      %dma_start3A_26 = tpu.memref_slice %arg2[%add3A_10, %dma_start3A_25] : memref<128000x128xf32, #tpu.memory_space<hbm>> -> memref<80x128xf32, #tpu.memory_space<hbm>>
      %dma_start3A_27 = arith.constant 0 : i32
      %dma_start3A_28 = arith.constant 0 : i32
      %dma_start3A_29 = tpu.memref_slice %arg10[%run_scoped3A, %dma_start3A_27, %dma_start3A_28] : memref<4x80x128xf32, #tpu.memory_space<vmem>> -> memref<1x80x128xf32, #tpu.memory_space<vmem>>
      %dma_start3A_30 = tpu.memref_squeeze %dma_start3A_29 : memref<1x80x128xf32, #tpu.memory_space<vmem>> -> memref<80x128xf32, #tpu.memory_space<vmem>>
      %dma_start3A_31 = arith.constant 0 : i32
      %dma_start3A_32 = tpu.memref_slice %arg2[%add3A_10, %dma_start3A_31] : memref<128000x128xf32, #tpu.memory_space<hbm>> -> memref<80x128xf32, #tpu.memory_space<hbm>>
      tpu.enqueue_dma source(%dma_start3A_32 : memref<80x128xf32, #tpu.memory_space<hbm>>) target(%dma_start3A_30 : memref<80x128xf32, #tpu.memory_space<vmem>>) target_semaphore(%run_scoped3A_21 : memref<!tpu.dma_semaphore, #tpu.memory_space<semaphore_mem>>)
      %dma_wait3A = arith.constant 0 : i32
      %dma_wait3A_33 = arith.constant 0 : i32
      %dma_wait3A_34 = tpu.memref_slice %arg10[%run_scoped3A, %dma_wait3A, %dma_wait3A_33] : memref<4x80x128xf32, #tpu.memory_space<vmem>> -> memref<1x80x128xf32, #tpu.memory_space<vmem>>
      %dma_wait3A_35 = tpu.memref_squeeze %dma_wait3A_34 : memref<1x80x128xf32, #tpu.memory_space<vmem>> -> memref<80x128xf32, #tpu.memory_space<vmem>>
      %dma_wait3A_36 = arith.constant 0 : i32
      %dma_wait3A_37 = tpu.memref_slice %arg2[%add3A_10, %dma_wait3A_36] : memref<128000x128xf32, #tpu.memory_space<hbm>> -> memref<80x128xf32, #tpu.memory_space<hbm>>
      %dma_wait3A_38 = arith.constant 0 : i32
      %dma_wait3A_39 = arith.constant 0 : i32
      %dma_wait3A_40 = tpu.memref_slice %arg10[%run_scoped3A, %dma_wait3A_38, %dma_wait3A_39] : memref<4x80x128xf32, #tpu.memory_space<vmem>> -> memref<1x80x128xf32, #tpu.memory_space<vmem>>
      %dma_wait3A_41 = tpu.memref_squeeze %dma_wait3A_40 : memref<1x80x128xf32, #tpu.memory_space<vmem>> -> memref<80x128xf32, #tpu.memory_space<vmem>>
      %dma_wait3A_42 = arith.constant 0 : i32
      %dma_wait3A_43 = tpu.memref_slice %arg2[%add3A_10, %dma_wait3A_42] : memref<128000x128xf32, #tpu.memory_space<hbm>> -> memref<80x128xf32, #tpu.memory_space<hbm>>
      tpu.wait_dma2 semaphore(%run_scoped3A_21 : memref<!tpu.dma_semaphore, #tpu.memory_space<semaphore_mem>>) src(%dma_wait3A_43 : memref<80x128xf32, #tpu.memory_space<hbm>>) dst(%dma_wait3A_41 : memref<80x128xf32, #tpu.memory_space<vmem>>)
      tpu.yield
    }) : () -> ()
    %run_scoped3A_11 = arith.constant 0 : i32
    "tpu.region"() ({
      %run_scoped3A_21 = tpu.sem_alloc : memref<!tpu.dma_semaphore, #tpu.memory_space<semaphore_mem>>
      %dma_start3A = arith.constant 0 : i32
      %dma_start3A_22 = arith.constant 0 : i32
      %dma_start3A_23 = tpu.memref_slice %arg10[%run_scoped3A_11, %dma_start3A, %dma_start3A_22] : memref<4x80x128xf32, #tpu.memory_space<vmem>> -> memref<1x80x128xf32, #tpu.memory_space<vmem>>
      %dma_start3A_24 = tpu.memref_squeeze %dma_start3A_23 : memref<1x80x128xf32, #tpu.memory_space<vmem>> -> memref<80x128xf32, #tpu.memory_space<vmem>>
      %dma_start3A_25 = arith.constant 0 : i32
      %dma_start3A_26 = arith.constant 0 : i32
      %dma_start3A_27 = tpu.memref_slice %arg11[%dma_start3A_25, %dma_start3A_26] : memref<10240x128xf32, #tpu.memory_space<vmem_shared>> -> memref<10240x128xf32, #tpu.memory_space<vmem_shared>>
      tpu.enqueue_indirect_dma source(%dma_start3A_24 : memref<80x128xf32, #tpu.memory_space<vmem>>) target(%dma_start3A_27 : memref<10240x128xf32, #tpu.memory_space<vmem_shared>>) offsets(%arg6 : memref<80xi32, #tpu.memory_space<vmem>>) semaphore(%run_scoped3A_21 : memref<!tpu.dma_semaphore, #tpu.memory_space<semaphore_mem>>) {add = true}
      %dma_wait3A = arith.constant 0 : i32
      %dma_wait3A_28 = arith.constant 0 : i32
      %dma_wait3A_29 = tpu.memref_slice %arg10[%run_scoped3A_11, %dma_wait3A, %dma_wait3A_28] : memref<4x80x128xf32, #tpu.memory_space<vmem>> -> memref<1x80x128xf32, #tpu.memory_space<vmem>>
      %dma_wait3A_30 = tpu.memref_squeeze %dma_wait3A_29 : memref<1x80x128xf32, #tpu.memory_space<vmem>> -> memref<80x128xf32, #tpu.memory_space<vmem>>
      %dma_wait3A_31 = arith.constant 0 : i32
      %dma_wait3A_32 = arith.constant 0 : i32
      %dma_wait3A_33 = tpu.memref_slice %arg11[%dma_wait3A_31, %dma_wait3A_32] : memref<10240x128xf32, #tpu.memory_space<vmem_shared>> -> memref<10240x128xf32, #tpu.memory_space<vmem_shared>>
      tpu.wait_indirect_dma semaphore(%run_scoped3A_21 : memref<!tpu.dma_semaphore, #tpu.memory_space<semaphore_mem>>) src(%dma_wait3A_30 : memref<80x128xf32, #tpu.memory_space<vmem>>) dst(%dma_wait3A_33 : memref<10240x128xf32, #tpu.memory_space<vmem_shared>>)
      tpu.yield
    }) : () -> ()
    %add3A_12 = arith.constant 3920 : i32
    %add3A_13 = arith.addi %mul3A_2, %add3A_12 : i32
    "tpu.region"() ({
      %run_scoped3A_21 = tpu.sem_alloc : memref<!tpu.dma_semaphore, #tpu.memory_space<semaphore_mem>>
      %dma_start3A = tpu.memref_slice %arg3[%add3A_13] : memref<128000xi32, #tpu.memory_space<hbm>> -> memref<80xi32, #tpu.memory_space<hbm>>
      %dma_start3A_22 = tpu.memref_slice %arg3[%add3A_13] : memref<128000xi32, #tpu.memory_space<hbm>> -> memref<80xi32, #tpu.memory_space<hbm>>
      tpu.enqueue_dma source(%dma_start3A_22 : memref<80xi32, #tpu.memory_space<hbm>>) target(%arg6 : memref<80xi32, #tpu.memory_space<vmem>>) target_semaphore(%run_scoped3A_21 : memref<!tpu.dma_semaphore, #tpu.memory_space<semaphore_mem>>)
      %dma_wait3A = tpu.memref_slice %arg3[%add3A_13] : memref<128000xi32, #tpu.memory_space<hbm>> -> memref<80xi32, #tpu.memory_space<hbm>>
      %dma_wait3A_23 = tpu.memref_slice %arg3[%add3A_13] : memref<128000xi32, #tpu.memory_space<hbm>> -> memref<80xi32, #tpu.memory_space<hbm>>
      tpu.wait_dma2 semaphore(%run_scoped3A_21 : memref<!tpu.dma_semaphore, #tpu.memory_space<semaphore_mem>>) src(%dma_wait3A_23 : memref<80xi32, #tpu.memory_space<hbm>>) dst(%arg6 : memref<80xi32, #tpu.memory_space<vmem>>)
      tpu.yield
    }) : () -> ()
    %run_scoped3A_14 = arith.constant 0 : i32
    "tpu.region"() ({
      %run_scoped3A_21 = tpu.sem_alloc : memref<!tpu.dma_semaphore, #tpu.memory_space<semaphore_mem>>
      %dma_start3A = arith.constant 0 : i32
      %dma_start3A_22 = arith.constant 0 : i32
      %dma_start3A_23 = tpu.memref_slice %arg10[%run_scoped3A_14, %dma_start3A, %dma_start3A_22] : memref<4x80x128xf32, #tpu.memory_space<vmem>> -> memref<1x80x128xf32, #tpu.memory_space<vmem>>
      %dma_start3A_24 = tpu.memref_squeeze %dma_start3A_23 : memref<1x80x128xf32, #tpu.memory_space<vmem>> -> memref<80x128xf32, #tpu.memory_space<vmem>>
      %dma_start3A_25 = arith.constant 0 : i32
      %dma_start3A_26 = tpu.memref_slice %arg2[%add3A_13, %dma_start3A_25] : memref<128000x128xf32, #tpu.memory_space<hbm>> -> memref<80x128xf32, #tpu.memory_space<hbm>>
      %dma_start3A_27 = arith.constant 0 : i32
      %dma_start3A_28 = arith.constant 0 : i32
      %dma_start3A_29 = tpu.memref_slice %arg10[%run_scoped3A_14, %dma_start3A_27, %dma_start3A_28] : memref<4x80x128xf32, #tpu.memory_space<vmem>> -> memref<1x80x128xf32, #tpu.memory_space<vmem>>
      %dma_start3A_30 = tpu.memref_squeeze %dma_start3A_29 : memref<1x80x128xf32, #tpu.memory_space<vmem>> -> memref<80x128xf32, #tpu.memory_space<vmem>>
      %dma_start3A_31 = arith.constant 0 : i32
      %dma_start3A_32 = tpu.memref_slice %arg2[%add3A_13, %dma_start3A_31] : memref<128000x128xf32, #tpu.memory_space<hbm>> -> memref<80x128xf32, #tpu.memory_space<hbm>>
      tpu.enqueue_dma source(%dma_start3A_32 : memref<80x128xf32, #tpu.memory_space<hbm>>) target(%dma_start3A_30 : memref<80x128xf32, #tpu.memory_space<vmem>>) target_semaphore(%run_scoped3A_21 : memref<!tpu.dma_semaphore, #tpu.memory_space<semaphore_mem>>)
      %dma_wait3A = arith.constant 0 : i32
      %dma_wait3A_33 = arith.constant 0 : i32
      %dma_wait3A_34 = tpu.memref_slice %arg10[%run_scoped3A_14, %dma_wait3A, %dma_wait3A_33] : memref<4x80x128xf32, #tpu.memory_space<vmem>> -> memref<1x80x128xf32, #tpu.memory_space<vmem>>
      %dma_wait3A_35 = tpu.memref_squeeze %dma_wait3A_34 : memref<1x80x128xf32, #tpu.memory_space<vmem>> -> memref<80x128xf32, #tpu.memory_space<vmem>>
      %dma_wait3A_36 = arith.constant 0 : i32
      %dma_wait3A_37 = tpu.memref_slice %arg2[%add3A_13, %dma_wait3A_36] : memref<128000x128xf32, #tpu.memory_space<hbm>> -> memref<80x128xf32, #tpu.memory_space<hbm>>
      %dma_wait3A_38 = arith.constant 0 : i32
      %dma_wait3A_39 = arith.constant 0 : i32
      %dma_wait3A_40 = tpu.memref_slice %arg10[%run_scoped3A_14, %dma_wait3A_38, %dma_wait3A_39] : memref<4x80x128xf32, #tpu.memory_space<vmem>> -> memref<1x80x128xf32, #tpu.memory_space<vmem>>
      %dma_wait3A_41 = tpu.memref_squeeze %dma_wait3A_40 : memref<1x80x128xf32, #tpu.memory_space<vmem>> -> memref<80x128xf32, #tpu.memory_space<vmem>>
      %dma_wait3A_42 = arith.constant 0 : i32
      %dma_wait3A_43 = tpu.memref_slice %arg2[%add3A_13, %dma_wait3A_42] : memref<128000x128xf32, #tpu.memory_space<hbm>> -> memref<80x128xf32, #tpu.memory_space<hbm>>
      tpu.wait_dma2 semaphore(%run_scoped3A_21 : memref<!tpu.dma_semaphore, #tpu.memory_space<semaphore_mem>>) src(%dma_wait3A_43 : memref<80x128xf32, #tpu.memory_space<hbm>>) dst(%dma_wait3A_41 : memref<80x128xf32, #tpu.memory_space<vmem>>)
      tpu.yield
    }) : () -> ()
    %run_scoped3A_15 = arith.constant 0 : i32
    "tpu.region"() ({
      %run_scoped3A_21 = tpu.sem_alloc : memref<!tpu.dma_semaphore, #tpu.memory_space<semaphore_mem>>
      %dma_start3A = arith.constant 0 : i32
      %dma_start3A_22 = arith.constant 0 : i32
      %dma_start3A_23 = tpu.memref_slice %arg10[%run_scoped3A_15, %dma_start3A, %dma_start3A_22] : memref<4x80x128xf32, #tpu.memory_space<vmem>> -> memref<1x80x128xf32, #tpu.memory_space<vmem>>
      %dma_start3A_24 = tpu.memref_squeeze %dma_start3A_23 : memref<1x80x128xf32, #tpu.memory_space<vmem>> -> memref<80x128xf32, #tpu.memory_space<vmem>>
      %dma_start3A_25 = arith.constant 0 : i32
      %dma_start3A_26 = arith.constant 0 : i32
      %dma_start3A_27 = tpu.memref_slice %arg11[%dma_start3A_25, %dma_start3A_26] : memref<10240x128xf32, #tpu.memory_space<vmem_shared>> -> memref<10240x128xf32, #tpu.memory_space<vmem_shared>>
      tpu.enqueue_indirect_dma source(%dma_start3A_24 : memref<80x128xf32, #tpu.memory_space<vmem>>) target(%dma_start3A_27 : memref<10240x128xf32, #tpu.memory_space<vmem_shared>>) offsets(%arg6 : memref<80xi32, #tpu.memory_space<vmem>>) semaphore(%run_scoped3A_21 : memref<!tpu.dma_semaphore, #tpu.memory_space<semaphore_mem>>) {add = true}
      %dma_wait3A = arith.constant 0 : i32
      %dma_wait3A_28 = arith.constant 0 : i32
      %dma_wait3A_29 = tpu.memref_slice %arg10[%run_scoped3A_15, %dma_wait3A, %dma_wait3A_28] : memref<4x80x128xf32, #tpu.memory_space<vmem>> -> memref<1x80x128xf32, #tpu.memory_space<vmem>>
      %dma_wait3A_30 = tpu.memref_squeeze %dma_wait3A_29 : memref<1x80x128xf32, #tpu.memory_space<vmem>> -> memref<80x128xf32, #tpu.memory_space<vmem>>
      %dma_wait3A_31 = arith.constant 0 : i32
      %dma_wait3A_32 = arith.constant 0 : i32
      %dma_wait3A_33 = tpu.memref_slice %arg11[%dma_wait3A_31, %dma_wait3A_32] : memref<10240x128xf32, #tpu.memory_space<vmem_shared>> -> memref<10240x128xf32, #tpu.memory_space<vmem_shared>>
      tpu.wait_indirect_dma semaphore(%run_scoped3A_21 : memref<!tpu.dma_semaphore, #tpu.memory_space<semaphore_mem>>) src(%dma_wait3A_30 : memref<80x128xf32, #tpu.memory_space<vmem>>) dst(%dma_wait3A_33 : memref<10240x128xf32, #tpu.memory_space<vmem_shared>>)
      tpu.yield
    }) : () -> ()
    %barrier3A_16 = arith.constant 0 : index
    tpu.barrier barrier_id(%barrier3A_16)
    %mul3A_17 = arith.constant 640 : i32
    %mul3A_18 = arith.muli %arg1, %mul3A_17 : i32
    %mul3A_19 = arith.constant 640 : i32
    %mul3A_20 = arith.muli %arg1, %mul3A_19 : i32
    "tpu.region"() ({
      %run_scoped3A_21 = tpu.sem_alloc : memref<!tpu.dma_semaphore, #tpu.memory_space<semaphore_mem>>
      %dma_start3A = arith.constant 0 : i32
      %dma_start3A_22 = tpu.memref_slice %arg5[%arg0, %mul3A_20, %dma_start3A] : memref<2x10240x128xf32, #tpu.memory_space<hbm>> -> memref<1x640x128xf32, #tpu.memory_space<hbm>>
      %dma_start3A_23 = tpu.memref_squeeze %dma_start3A_22 : memref<1x640x128xf32, #tpu.memory_space<hbm>> -> memref<640x128xf32, #tpu.memory_space<hbm>>
      %dma_start3A_24 = arith.constant 0 : i32
      %dma_start3A_25 = tpu.memref_slice %arg11[%mul3A_18, %dma_start3A_24] : memref<10240x128xf32, #tpu.memory_space<vmem_shared>> -> memref<640x128xf32, #tpu.memory_space<vmem_shared>>
      tpu.enqueue_dma source(%dma_start3A_25 : memref<640x128xf32, #tpu.memory_space<vmem_shared>>) target(%dma_start3A_23 : memref<640x128xf32, #tpu.memory_space<hbm>>) target_semaphore(%run_scoped3A_21 : memref<!tpu.dma_semaphore, #tpu.memory_space<semaphore_mem>>)
      %dma_wait3A = arith.constant 0 : i32
      %dma_wait3A_26 = tpu.memref_slice %arg5[%arg0, %mul3A_20, %dma_wait3A] : memref<2x10240x128xf32, #tpu.memory_space<hbm>> -> memref<1x640x128xf32, #tpu.memory_space<hbm>>
      %dma_wait3A_27 = tpu.memref_squeeze %dma_wait3A_26 : memref<1x640x128xf32, #tpu.memory_space<hbm>> -> memref<640x128xf32, #tpu.memory_space<hbm>>
      %dma_wait3A_28 = arith.constant 0 : i32
      %dma_wait3A_29 = tpu.memref_slice %arg11[%mul3A_18, %dma_wait3A_28] : memref<10240x128xf32, #tpu.memory_space<vmem_shared>> -> memref<640x128xf32, #tpu.memory_space<vmem_shared>>
      tpu.wait_dma2 semaphore(%run_scoped3A_21 : memref<!tpu.dma_semaphore, #tpu.memory_space<semaphore_mem>>) src(%dma_wait3A_29 : memref<640x128xf32, #tpu.memory_space<vmem_shared>>) dst(%dma_wait3A_27 : memref<640x128xf32, #tpu.memory_space<hbm>>)
      tpu.yield
    }) : () -> ()
    return
  }
}

module attributes {stable_mosaic.version = 14 : i64} {
  func.func @_node_prep_body(%arg0: i32, %arg1: memref<400x128xf32, #tpu.memory_space<vmem>>, %arg2: memref<400x16xf32, #tpu.memory_space<vmem>>, %arg3: memref<128x128xf32, #tpu.memory_space<vmem>>, %arg4: memref<16x128xf32, #tpu.memory_space<vmem>>, %arg5: memref<16x128x128xf32, #tpu.memory_space<vmem>>, %arg6: memref<400x128xf32, #tpu.memory_space<vmem>>, %arg7: memref<400x128xf32, #tpu.memory_space<vmem>>, %arg8: memref<400x128xf32, #tpu.memory_space<vmem>>) attributes {dimension_semantics = [#tpu.dimension_semantics<arbitrary>], iteration_bounds = array<i64: 25>, scalar_prefetch = 0 : i64, scratch_operands = 0 : i64, tpu.core_type = #tpu.core_type<tc>, window_params = [{transform_indices = @transform_0, window_bounds = array<i64: 400, 128>}, {transform_indices = @transform_1, window_bounds = array<i64: 400, 16>}, {pipeline_mode = #tpu.pipeline_mode<synchronous>, transform_indices = @transform_2, window_bounds = array<i64: 128, 128>}, {pipeline_mode = #tpu.pipeline_mode<synchronous>, transform_indices = @transform_3, window_bounds = array<i64: 16, 128>}, {pipeline_mode = #tpu.pipeline_mode<synchronous>, transform_indices = @transform_4, window_bounds = array<i64: 16, 128, 128>}, {transform_indices = @transform_5, window_bounds = array<i64: 400, 128>}, {transform_indices = @transform_6, window_bounds = array<i64: 400, 128>}, {transform_indices = @transform_7, window_bounds = array<i64: 400, 128>}]} {
    %get3A = arith.constant 0 : index
    %get3A_0 = arith.constant 0 : index
    %get3A_1 = vector.load %arg1[%get3A, %get3A_0] : memref<400x128xf32, #tpu.memory_space<vmem>>, vector<400x128xf32>
    %get3A_2 = arith.constant 0 : index
    %get3A_3 = arith.constant 0 : index
    %get3A_4 = vector.load %arg2[%get3A_2, %get3A_3] : memref<400x16xf32, #tpu.memory_space<vmem>>, vector<400x16xf32>
    %get3A_5 = arith.constant 0 : index
    %get3A_6 = arith.constant 0 : index
    %get3A_7 = vector.load %arg3[%get3A_5, %get3A_6] : memref<128x128xf32, #tpu.memory_space<vmem>>, vector<128x128xf32>
    %dot_general3A = arith.constant dense<0.000000e+00> : vector<400x128xf32>
    %dot_general3A_8 = tpu.matmul %get3A_1, %get3A_7, %dot_general3A {dimension_numbers = #tpu.dot_dimension_numbers<[1], [0], [0], [1], [0, 0, 1, 1], [], []>, transpose_lhs_hint = false} : vector<400x128xf32>, vector<128x128xf32>, vector<400x128xf32> -> vector<400x128xf32>
    %mul3A = arith.constant 0.0883883461 : f32
    %mul3A_9 = vector.broadcast %mul3A : f32 to vector<400x128xf32>
    %mul3A_10 = arith.mulf %dot_general3A_8, %mul3A_9 : vector<400x128xf32>
    %swap3A = arith.constant 0 : index
    %swap3A_11 = arith.constant 0 : index
    %swap3A_12 = vector.load %arg6[%swap3A, %swap3A_11] : memref<400x128xf32, #tpu.memory_space<vmem>>, vector<400x128xf32>
    tpu.vector_store %arg6[%swap3A, %swap3A_11], %mul3A_10 {strides = array<i32>} : memref<400x128xf32, #tpu.memory_space<vmem>>, vector<400x128xf32>,
    %get3A_13 = arith.constant 0 : index
    %get3A_14 = arith.constant 0 : index
    %get3A_15 = vector.load %arg4[%get3A_13, %get3A_14] : memref<16x128xf32, #tpu.memory_space<vmem>>, vector<16x128xf32>
    %dot_general3A_16 = arith.constant dense<0.000000e+00> : vector<400x128xf32>
    %dot_general3A_17 = tpu.matmul %get3A_4, %get3A_15, %dot_general3A_16 {dimension_numbers = #tpu.dot_dimension_numbers<[1], [0], [0], [1], [0, 0, 1, 1], [], []>, transpose_lhs_hint = false} : vector<400x16xf32>, vector<16x128xf32>, vector<400x128xf32> -> vector<400x128xf32>
    %mul3A_18 = arith.constant 2.500000e-01 : f32
    %mul3A_19 = vector.broadcast %mul3A_18 : f32 to vector<400x128xf32>
    %mul3A_20 = arith.mulf %dot_general3A_17, %mul3A_19 : vector<400x128xf32>
    %swap3A_21 = arith.constant 0 : index
    %swap3A_22 = arith.constant 0 : index
    %swap3A_23 = vector.load %arg7[%swap3A_21, %swap3A_22] : memref<400x128xf32, #tpu.memory_space<vmem>>, vector<400x128xf32>
    tpu.vector_store %arg7[%swap3A_21, %swap3A_22], %mul3A_20 {strides = array<i32>} : memref<400x128xf32, #tpu.memory_space<vmem>>, vector<400x128xf32>,
    %broadcast_in_dim3A = arith.constant 0.000000e+00 : f32
    %broadcast_in_dim3A_24 = vector.broadcast %broadcast_in_dim3A : f32 to vector<400x128xf32>
    %slice3A = vector.extract_strided_slice %get3A_4 {offsets = [0, 0], sizes = [400, 1], strides = [1, 1]} : vector<400x16xf32> to vector<400x1xf32>
    %mul3A_25 = vector.broadcast %slice3A : vector<400x1xf32> to vector<400x128xf32>
    %mul3A_26 = arith.mulf %get3A_1, %mul3A_25 : vector<400x128xf32>
    %get3A_27 = arith.constant 0 : index
    %get3A_28 = arith.constant 0 : index
    %get3A_29 = arith.constant 0 : index
    %get3A_30 = vector.load %arg5[%get3A_27, %get3A_28, %get3A_29] : memref<16x128x128xf32, #tpu.memory_space<vmem>>, vector<1x128x128xf32>
    %get3A_31 = vector.shape_cast %get3A_30 : vector<1x128x128xf32> to vector<128x128xf32>
    %dot_general3A_32 = arith.constant dense<0.000000e+00> : vector<400x128xf32>
    %dot_general3A_33 = tpu.matmul %mul3A_26, %get3A_31, %dot_general3A_32 {dimension_numbers = #tpu.dot_dimension_numbers<[1], [0], [0], [1], [0, 0, 1, 1], [], []>, transpose_lhs_hint = false} : vector<400x128xf32>, vector<128x128xf32>, vector<400x128xf32> -> vector<400x128xf32>
    %add3A = arith.addf %broadcast_in_dim3A_24, %dot_general3A_33 : vector<400x128xf32>
    %slice3A_34 = vector.extract_strided_slice %get3A_4 {offsets = [0, 1], sizes = [400, 1], strides = [1, 1]} : vector<400x16xf32> to vector<400x1xf32>
    %mul3A_35 = vector.broadcast %slice3A_34 : vector<400x1xf32> to vector<400x128xf32>
    %mul3A_36 = arith.mulf %get3A_1, %mul3A_35 : vector<400x128xf32>
    %get3A_37 = arith.constant 1 : index
    %get3A_38 = arith.constant 0 : index
    %get3A_39 = arith.constant 0 : index
    %get3A_40 = vector.load %arg5[%get3A_37, %get3A_38, %get3A_39] : memref<16x128x128xf32, #tpu.memory_space<vmem>>, vector<1x128x128xf32>
    %get3A_41 = vector.shape_cast %get3A_40 : vector<1x128x128xf32> to vector<128x128xf32>
    %dot_general3A_42 = arith.constant dense<0.000000e+00> : vector<400x128xf32>
    %dot_general3A_43 = tpu.matmul %mul3A_36, %get3A_41, %dot_general3A_42 {dimension_numbers = #tpu.dot_dimension_numbers<[1], [0], [0], [1], [0, 0, 1, 1], [], []>, transpose_lhs_hint = false} : vector<400x128xf32>, vector<128x128xf32>, vector<400x128xf32> -> vector<400x128xf32>
    %add3A_44 = arith.addf %add3A, %dot_general3A_43 : vector<400x128xf32>
    %slice3A_45 = vector.extract_strided_slice %get3A_4 {offsets = [0, 2], sizes = [400, 1], strides = [1, 1]} : vector<400x16xf32> to vector<400x1xf32>
    %mul3A_46 = vector.broadcast %slice3A_45 : vector<400x1xf32> to vector<400x128xf32>
    %mul3A_47 = arith.mulf %get3A_1, %mul3A_46 : vector<400x128xf32>
    %get3A_48 = arith.constant 2 : index
    %get3A_49 = arith.constant 0 : index
    %get3A_50 = arith.constant 0 : index
    %get3A_51 = vector.load %arg5[%get3A_48, %get3A_49, %get3A_50] : memref<16x128x128xf32, #tpu.memory_space<vmem>>, vector<1x128x128xf32>
    %get3A_52 = vector.shape_cast %get3A_51 : vector<1x128x128xf32> to vector<128x128xf32>
    %dot_general3A_53 = arith.constant dense<0.000000e+00> : vector<400x128xf32>
    %dot_general3A_54 = tpu.matmul %mul3A_47, %get3A_52, %dot_general3A_53 {dimension_numbers = #tpu.dot_dimension_numbers<[1], [0], [0], [1], [0, 0, 1, 1], [], []>, transpose_lhs_hint = false} : vector<400x128xf32>, vector<128x128xf32>, vector<400x128xf32> -> vector<400x128xf32>
    %add3A_55 = arith.addf %add3A_44, %dot_general3A_54 : vector<400x128xf32>
    %slice3A_56 = vector.extract_strided_slice %get3A_4 {offsets = [0, 3], sizes = [400, 1], strides = [1, 1]} : vector<400x16xf32> to vector<400x1xf32>
    %mul3A_57 = vector.broadcast %slice3A_56 : vector<400x1xf32> to vector<400x128xf32>
    %mul3A_58 = arith.mulf %get3A_1, %mul3A_57 : vector<400x128xf32>
    %get3A_59 = arith.constant 3 : index
    %get3A_60 = arith.constant 0 : index
    %get3A_61 = arith.constant 0 : index
    %get3A_62 = vector.load %arg5[%get3A_59, %get3A_60, %get3A_61] : memref<16x128x128xf32, #tpu.memory_space<vmem>>, vector<1x128x128xf32>
    %get3A_63 = vector.shape_cast %get3A_62 : vector<1x128x128xf32> to vector<128x128xf32>
    %dot_general3A_64 = arith.constant dense<0.000000e+00> : vector<400x128xf32>
    %dot_general3A_65 = tpu.matmul %mul3A_58, %get3A_63, %dot_general3A_64 {dimension_numbers = #tpu.dot_dimension_numbers<[1], [0], [0], [1], [0, 0, 1, 1], [], []>, transpose_lhs_hint = false} : vector<400x128xf32>, vector<128x128xf32>, vector<400x128xf32> -> vector<400x128xf32>
    %add3A_66 = arith.addf %add3A_55, %dot_general3A_65 : vector<400x128xf32>
    %slice3A_67 = vector.extract_strided_slice %get3A_4 {offsets = [0, 4], sizes = [400, 1], strides = [1, 1]} : vector<400x16xf32> to vector<400x1xf32>
    %mul3A_68 = vector.broadcast %slice3A_67 : vector<400x1xf32> to vector<400x128xf32>
    %mul3A_69 = arith.mulf %get3A_1, %mul3A_68 : vector<400x128xf32>
    %get3A_70 = arith.constant 4 : index
    %get3A_71 = arith.constant 0 : index
    %get3A_72 = arith.constant 0 : index
    %get3A_73 = vector.load %arg5[%get3A_70, %get3A_71, %get3A_72] : memref<16x128x128xf32, #tpu.memory_space<vmem>>, vector<1x128x128xf32>
    %get3A_74 = vector.shape_cast %get3A_73 : vector<1x128x128xf32> to vector<128x128xf32>
    %dot_general3A_75 = arith.constant dense<0.000000e+00> : vector<400x128xf32>
    %dot_general3A_76 = tpu.matmul %mul3A_69, %get3A_74, %dot_general3A_75 {dimension_numbers = #tpu.dot_dimension_numbers<[1], [0], [0], [1], [0, 0, 1, 1], [], []>, transpose_lhs_hint = false} : vector<400x128xf32>, vector<128x128xf32>, vector<400x128xf32> -> vector<400x128xf32>
    %add3A_77 = arith.addf %add3A_66, %dot_general3A_76 : vector<400x128xf32>
    %slice3A_78 = vector.extract_strided_slice %get3A_4 {offsets = [0, 5], sizes = [400, 1], strides = [1, 1]} : vector<400x16xf32> to vector<400x1xf32>
    %mul3A_79 = vector.broadcast %slice3A_78 : vector<400x1xf32> to vector<400x128xf32>
    %mul3A_80 = arith.mulf %get3A_1, %mul3A_79 : vector<400x128xf32>
    %get3A_81 = arith.constant 5 : index
    %get3A_82 = arith.constant 0 : index
    %get3A_83 = arith.constant 0 : index
    %get3A_84 = vector.load %arg5[%get3A_81, %get3A_82, %get3A_83] : memref<16x128x128xf32, #tpu.memory_space<vmem>>, vector<1x128x128xf32>
    %get3A_85 = vector.shape_cast %get3A_84 : vector<1x128x128xf32> to vector<128x128xf32>
    %dot_general3A_86 = arith.constant dense<0.000000e+00> : vector<400x128xf32>
    %dot_general3A_87 = tpu.matmul %mul3A_80, %get3A_85, %dot_general3A_86 {dimension_numbers = #tpu.dot_dimension_numbers<[1], [0], [0], [1], [0, 0, 1, 1], [], []>, transpose_lhs_hint = false} : vector<400x128xf32>, vector<128x128xf32>, vector<400x128xf32> -> vector<400x128xf32>
    %add3A_88 = arith.addf %add3A_77, %dot_general3A_87 : vector<400x128xf32>
    %slice3A_89 = vector.extract_strided_slice %get3A_4 {offsets = [0, 6], sizes = [400, 1], strides = [1, 1]} : vector<400x16xf32> to vector<400x1xf32>
    %mul3A_90 = vector.broadcast %slice3A_89 : vector<400x1xf32> to vector<400x128xf32>
    %mul3A_91 = arith.mulf %get3A_1, %mul3A_90 : vector<400x128xf32>
    %get3A_92 = arith.constant 6 : index
    %get3A_93 = arith.constant 0 : index
    %get3A_94 = arith.constant 0 : index
    %get3A_95 = vector.load %arg5[%get3A_92, %get3A_93, %get3A_94] : memref<16x128x128xf32, #tpu.memory_space<vmem>>, vector<1x128x128xf32>
    %get3A_96 = vector.shape_cast %get3A_95 : vector<1x128x128xf32> to vector<128x128xf32>
    %dot_general3A_97 = arith.constant dense<0.000000e+00> : vector<400x128xf32>
    %dot_general3A_98 = tpu.matmul %mul3A_91, %get3A_96, %dot_general3A_97 {dimension_numbers = #tpu.dot_dimension_numbers<[1], [0], [0], [1], [0, 0, 1, 1], [], []>, transpose_lhs_hint = false} : vector<400x128xf32>, vector<128x128xf32>, vector<400x128xf32> -> vector<400x128xf32>
    %add3A_99 = arith.addf %add3A_88, %dot_general3A_98 : vector<400x128xf32>
    %slice3A_100 = vector.extract_strided_slice %get3A_4 {offsets = [0, 7], sizes = [400, 1], strides = [1, 1]} : vector<400x16xf32> to vector<400x1xf32>
    %mul3A_101 = vector.broadcast %slice3A_100 : vector<400x1xf32> to vector<400x128xf32>
    %mul3A_102 = arith.mulf %get3A_1, %mul3A_101 : vector<400x128xf32>
    %get3A_103 = arith.constant 7 : index
    %get3A_104 = arith.constant 0 : index
    %get3A_105 = arith.constant 0 : index
    %get3A_106 = vector.load %arg5[%get3A_103, %get3A_104, %get3A_105] : memref<16x128x128xf32, #tpu.memory_space<vmem>>, vector<1x128x128xf32>
    %get3A_107 = vector.shape_cast %get3A_106 : vector<1x128x128xf32> to vector<128x128xf32>
    %dot_general3A_108 = arith.constant dense<0.000000e+00> : vector<400x128xf32>
    %dot_general3A_109 = tpu.matmul %mul3A_102, %get3A_107, %dot_general3A_108 {dimension_numbers = #tpu.dot_dimension_numbers<[1], [0], [0], [1], [0, 0, 1, 1], [], []>, transpose_lhs_hint = false} : vector<400x128xf32>, vector<128x128xf32>, vector<400x128xf32> -> vector<400x128xf32>
    %add3A_110 = arith.addf %add3A_99, %dot_general3A_109 : vector<400x128xf32>
    %slice3A_111 = vector.extract_strided_slice %get3A_4 {offsets = [0, 8], sizes = [400, 1], strides = [1, 1]} : vector<400x16xf32> to vector<400x1xf32>
    %mul3A_112 = vector.broadcast %slice3A_111 : vector<400x1xf32> to vector<400x128xf32>
    %mul3A_113 = arith.mulf %get3A_1, %mul3A_112 : vector<400x128xf32>
    %get3A_114 = arith.constant 8 : index
    %get3A_115 = arith.constant 0 : index
    %get3A_116 = arith.constant 0 : index
    %get3A_117 = vector.load %arg5[%get3A_114, %get3A_115, %get3A_116] : memref<16x128x128xf32, #tpu.memory_space<vmem>>, vector<1x128x128xf32>
    %get3A_118 = vector.shape_cast %get3A_117 : vector<1x128x128xf32> to vector<128x128xf32>
    %dot_general3A_119 = arith.constant dense<0.000000e+00> : vector<400x128xf32>
    %dot_general3A_120 = tpu.matmul %mul3A_113, %get3A_118, %dot_general3A_119 {dimension_numbers = #tpu.dot_dimension_numbers<[1], [0], [0], [1], [0, 0, 1, 1], [], []>, transpose_lhs_hint = false} : vector<400x128xf32>, vector<128x128xf32>, vector<400x128xf32> -> vector<400x128xf32>
    %add3A_121 = arith.addf %add3A_110, %dot_general3A_120 : vector<400x128xf32>
    %slice3A_122 = vector.extract_strided_slice %get3A_4 {offsets = [0, 9], sizes = [400, 1], strides = [1, 1]} : vector<400x16xf32> to vector<400x1xf32>
    %mul3A_123 = vector.broadcast %slice3A_122 : vector<400x1xf32> to vector<400x128xf32>
    %mul3A_124 = arith.mulf %get3A_1, %mul3A_123 : vector<400x128xf32>
    %get3A_125 = arith.constant 9 : index
    %get3A_126 = arith.constant 0 : index
    %get3A_127 = arith.constant 0 : index
    %get3A_128 = vector.load %arg5[%get3A_125, %get3A_126, %get3A_127] : memref<16x128x128xf32, #tpu.memory_space<vmem>>, vector<1x128x128xf32>
    %get3A_129 = vector.shape_cast %get3A_128 : vector<1x128x128xf32> to vector<128x128xf32>
    %dot_general3A_130 = arith.constant dense<0.000000e+00> : vector<400x128xf32>
    %dot_general3A_131 = tpu.matmul %mul3A_124, %get3A_129, %dot_general3A_130 {dimension_numbers = #tpu.dot_dimension_numbers<[1], [0], [0], [1], [0, 0, 1, 1], [], []>, transpose_lhs_hint = false} : vector<400x128xf32>, vector<128x128xf32>, vector<400x128xf32> -> vector<400x128xf32>
    %add3A_132 = arith.addf %add3A_121, %dot_general3A_131 : vector<400x128xf32>
    %slice3A_133 = vector.extract_strided_slice %get3A_4 {offsets = [0, 10], sizes = [400, 1], strides = [1, 1]} : vector<400x16xf32> to vector<400x1xf32>
    %mul3A_134 = vector.broadcast %slice3A_133 : vector<400x1xf32> to vector<400x128xf32>
    %mul3A_135 = arith.mulf %get3A_1, %mul3A_134 : vector<400x128xf32>
    %get3A_136 = arith.constant 10 : index
    %get3A_137 = arith.constant 0 : index
    %get3A_138 = arith.constant 0 : index
    %get3A_139 = vector.load %arg5[%get3A_136, %get3A_137, %get3A_138] : memref<16x128x128xf32, #tpu.memory_space<vmem>>, vector<1x128x128xf32>
    %get3A_140 = vector.shape_cast %get3A_139 : vector<1x128x128xf32> to vector<128x128xf32>
    %dot_general3A_141 = arith.constant dense<0.000000e+00> : vector<400x128xf32>
    %dot_general3A_142 = tpu.matmul %mul3A_135, %get3A_140, %dot_general3A_141 {dimension_numbers = #tpu.dot_dimension_numbers<[1], [0], [0], [1], [0, 0, 1, 1], [], []>, transpose_lhs_hint = false} : vector<400x128xf32>, vector<128x128xf32>, vector<400x128xf32> -> vector<400x128xf32>
    %add3A_143 = arith.addf %add3A_132, %dot_general3A_142 : vector<400x128xf32>
    %slice3A_144 = vector.extract_strided_slice %get3A_4 {offsets = [0, 11], sizes = [400, 1], strides = [1, 1]} : vector<400x16xf32> to vector<400x1xf32>
    %mul3A_145 = vector.broadcast %slice3A_144 : vector<400x1xf32> to vector<400x128xf32>
    %mul3A_146 = arith.mulf %get3A_1, %mul3A_145 : vector<400x128xf32>
    %get3A_147 = arith.constant 11 : index
    %get3A_148 = arith.constant 0 : index
    %get3A_149 = arith.constant 0 : index
    %get3A_150 = vector.load %arg5[%get3A_147, %get3A_148, %get3A_149] : memref<16x128x128xf32, #tpu.memory_space<vmem>>, vector<1x128x128xf32>
    %get3A_151 = vector.shape_cast %get3A_150 : vector<1x128x128xf32> to vector<128x128xf32>
    %dot_general3A_152 = arith.constant dense<0.000000e+00> : vector<400x128xf32>
    %dot_general3A_153 = tpu.matmul %mul3A_146, %get3A_151, %dot_general3A_152 {dimension_numbers = #tpu.dot_dimension_numbers<[1], [0], [0], [1], [0, 0, 1, 1], [], []>, transpose_lhs_hint = false} : vector<400x128xf32>, vector<128x128xf32>, vector<400x128xf32> -> vector<400x128xf32>
    %add3A_154 = arith.addf %add3A_143, %dot_general3A_153 : vector<400x128xf32>
    %slice3A_155 = vector.extract_strided_slice %get3A_4 {offsets = [0, 12], sizes = [400, 1], strides = [1, 1]} : vector<400x16xf32> to vector<400x1xf32>
    %mul3A_156 = vector.broadcast %slice3A_155 : vector<400x1xf32> to vector<400x128xf32>
    %mul3A_157 = arith.mulf %get3A_1, %mul3A_156 : vector<400x128xf32>
    %get3A_158 = arith.constant 12 : index
    %get3A_159 = arith.constant 0 : index
    %get3A_160 = arith.constant 0 : index
    %get3A_161 = vector.load %arg5[%get3A_158, %get3A_159, %get3A_160] : memref<16x128x128xf32, #tpu.memory_space<vmem>>, vector<1x128x128xf32>
    %get3A_162 = vector.shape_cast %get3A_161 : vector<1x128x128xf32> to vector<128x128xf32>
    %dot_general3A_163 = arith.constant dense<0.000000e+00> : vector<400x128xf32>
    %dot_general3A_164 = tpu.matmul %mul3A_157, %get3A_162, %dot_general3A_163 {dimension_numbers = #tpu.dot_dimension_numbers<[1], [0], [0], [1], [0, 0, 1, 1], [], []>, transpose_lhs_hint = false} : vector<400x128xf32>, vector<128x128xf32>, vector<400x128xf32> -> vector<400x128xf32>
    %add3A_165 = arith.addf %add3A_154, %dot_general3A_164 : vector<400x128xf32>
    %slice3A_166 = vector.extract_strided_slice %get3A_4 {offsets = [0, 13], sizes = [400, 1], strides = [1, 1]} : vector<400x16xf32> to vector<400x1xf32>
    %mul3A_167 = vector.broadcast %slice3A_166 : vector<400x1xf32> to vector<400x128xf32>
    %mul3A_168 = arith.mulf %get3A_1, %mul3A_167 : vector<400x128xf32>
    %get3A_169 = arith.constant 13 : index
    %get3A_170 = arith.constant 0 : index
    %get3A_171 = arith.constant 0 : index
    %get3A_172 = vector.load %arg5[%get3A_169, %get3A_170, %get3A_171] : memref<16x128x128xf32, #tpu.memory_space<vmem>>, vector<1x128x128xf32>
    %get3A_173 = vector.shape_cast %get3A_172 : vector<1x128x128xf32> to vector<128x128xf32>
    %dot_general3A_174 = arith.constant dense<0.000000e+00> : vector<400x128xf32>
    %dot_general3A_175 = tpu.matmul %mul3A_168, %get3A_173, %dot_general3A_174 {dimension_numbers = #tpu.dot_dimension_numbers<[1], [0], [0], [1], [0, 0, 1, 1], [], []>, transpose_lhs_hint = false} : vector<400x128xf32>, vector<128x128xf32>, vector<400x128xf32> -> vector<400x128xf32>
    %add3A_176 = arith.addf %add3A_165, %dot_general3A_175 : vector<400x128xf32>
    %slice3A_177 = vector.extract_strided_slice %get3A_4 {offsets = [0, 14], sizes = [400, 1], strides = [1, 1]} : vector<400x16xf32> to vector<400x1xf32>
    %mul3A_178 = vector.broadcast %slice3A_177 : vector<400x1xf32> to vector<400x128xf32>
    %mul3A_179 = arith.mulf %get3A_1, %mul3A_178 : vector<400x128xf32>
    %get3A_180 = arith.constant 14 : index
    %get3A_181 = arith.constant 0 : index
    %get3A_182 = arith.constant 0 : index
    %get3A_183 = vector.load %arg5[%get3A_180, %get3A_181, %get3A_182] : memref<16x128x128xf32, #tpu.memory_space<vmem>>, vector<1x128x128xf32>
    %get3A_184 = vector.shape_cast %get3A_183 : vector<1x128x128xf32> to vector<128x128xf32>
    %dot_general3A_185 = arith.constant dense<0.000000e+00> : vector<400x128xf32>
    %dot_general3A_186 = tpu.matmul %mul3A_179, %get3A_184, %dot_general3A_185 {dimension_numbers = #tpu.dot_dimension_numbers<[1], [0], [0], [1], [0, 0, 1, 1], [], []>, transpose_lhs_hint = false} : vector<400x128xf32>, vector<128x128xf32>, vector<400x128xf32> -> vector<400x128xf32>
    %add3A_187 = arith.addf %add3A_176, %dot_general3A_186 : vector<400x128xf32>
    %slice3A_188 = vector.extract_strided_slice %get3A_4 {offsets = [0, 15], sizes = [400, 1], strides = [1, 1]} : vector<400x16xf32> to vector<400x1xf32>
    %mul3A_189 = vector.broadcast %slice3A_188 : vector<400x1xf32> to vector<400x128xf32>
    %mul3A_190 = arith.mulf %get3A_1, %mul3A_189 : vector<400x128xf32>
    %get3A_191 = arith.constant 15 : index
    %get3A_192 = arith.constant 0 : index
    %get3A_193 = arith.constant 0 : index
    %get3A_194 = vector.load %arg5[%get3A_191, %get3A_192, %get3A_193] : memref<16x128x128xf32, #tpu.memory_space<vmem>>, vector<1x128x128xf32>
    %get3A_195 = vector.shape_cast %get3A_194 : vector<1x128x128xf32> to vector<128x128xf32>
    %dot_general3A_196 = arith.constant dense<0.000000e+00> : vector<400x128xf32>
    %dot_general3A_197 = tpu.matmul %mul3A_190, %get3A_195, %dot_general3A_196 {dimension_numbers = #tpu.dot_dimension_numbers<[1], [0], [0], [1], [0, 0, 1, 1], [], []>, transpose_lhs_hint = false} : vector<400x128xf32>, vector<128x128xf32>, vector<400x128xf32> -> vector<400x128xf32>
    %add3A_198 = arith.addf %add3A_187, %dot_general3A_197 : vector<400x128xf32>
    %mul3A_199 = arith.constant 0.0220970865 : f32
    %mul3A_200 = vector.broadcast %mul3A_199 : f32 to vector<400x128xf32>
    %mul3A_201 = arith.mulf %add3A_198, %mul3A_200 : vector<400x128xf32>
    %swap3A_202 = arith.constant 0 : index
    %swap3A_203 = arith.constant 0 : index
    %swap3A_204 = vector.load %arg8[%swap3A_202, %swap3A_203] : memref<400x128xf32, #tpu.memory_space<vmem>>, vector<400x128xf32>
    tpu.vector_store %arg8[%swap3A_202, %swap3A_203], %mul3A_201 {strides = array<i32>} : memref<400x128xf32, #tpu.memory_space<vmem>>, vector<400x128xf32>,
    return
  }
  func.func @transform_0(%arg0: i32) -> (i32, i32) {
    %c0_i32 = arith.constant 0 : i32
    %c0_i32_0 = arith.constant 0 : i32
    return %arg0, %c0_i32 : i32, i32
  }
  func.func @transform_1(%arg0: i32) -> (i32, i32) {
    %c0_i32 = arith.constant 0 : i32
    %c0_i32_0 = arith.constant 0 : i32
    return %arg0, %c0_i32 : i32, i32
  }
  func.func @transform_2(%arg0: i32) -> (i32, i32) {
    %c0_i32 = arith.constant 0 : i32
    %c0_i32_0 = arith.constant 0 : i32
    %c0_i32_1 = arith.constant 0 : i32
    return %c0_i32, %c0_i32_0 : i32, i32
  }
  func.func @transform_3(%arg0: i32) -> (i32, i32) {
    %c0_i32 = arith.constant 0 : i32
    %c0_i32_0 = arith.constant 0 : i32
    %c0_i32_1 = arith.constant 0 : i32
    return %c0_i32, %c0_i32_0 : i32, i32
  }
  func.func @transform_4(%arg0: i32) -> (i32, i32, i32) {
    %c0_i32 = arith.constant 0 : i32
    %c0_i32_0 = arith.constant 0 : i32
    %c0_i32_1 = arith.constant 0 : i32
    %c0_i32_2 = arith.constant 0 : i32
    return %c0_i32, %c0_i32_0, %c0_i32_1 : i32, i32, i32
  }
  func.func @transform_5(%arg0: i32) -> (i32, i32) {
    %c0_i32 = arith.constant 0 : i32
    %c0_i32_0 = arith.constant 0 : i32
    return %arg0, %c0_i32 : i32, i32
  }
  func.func @transform_6(%arg0: i32) -> (i32, i32) {
    %c0_i32 = arith.constant 0 : i32
    %c0_i32_0 = arith.constant 0 : i32
    return %arg0, %c0_i32 : i32, i32
  }
  func.func @transform_7(%arg0: i32) -> (i32, i32) {
    %c0_i32 = arith.constant 0 : i32
    %c0_i32_0 = arith.constant 0 : i32
    return %arg0, %c0_i32 : i32, i32
  }
}

module attributes {stable_mosaic.version = 14 : i64} {
  func.func @_edge_body(%arg0: i32, %arg1: memref<3200x128xf32, #tpu.memory_space<vmem>>, %arg2: memref<400x128xf32, #tpu.memory_space<vmem>>, %arg3: memref<400x8xf32, #tpu.memory_space<vmem>>, %arg4: memref<128x64xf32, #tpu.memory_space<vmem>>, %arg5: memref<8x64xf32, #tpu.memory_space<vmem>>, %arg6: memref<64x1024xf32, #tpu.memory_space<vmem>>, %arg7: memref<128x128xf32, #tpu.memory_space<vmem>>, %arg8: memref<3200x128xf32, #tpu.memory_space<vmem>>) attributes {dimension_semantics = [#tpu.dimension_semantics<arbitrary>], iteration_bounds = array<i64: 60>, scalar_prefetch = 0 : i64, scratch_operands = 0 : i64, tpu.core_type = #tpu.core_type<tc>, window_params = [{transform_indices = @transform_0, window_bounds = array<i64: 3200, 128>}, {transform_indices = @transform_1, window_bounds = array<i64: 400, 128>}, {transform_indices = @transform_2, window_bounds = array<i64: 400, 8>}, {pipeline_mode = #tpu.pipeline_mode<synchronous>, transform_indices = @transform_3, window_bounds = array<i64: 128, 64>}, {pipeline_mode = #tpu.pipeline_mode<synchronous>, transform_indices = @transform_4, window_bounds = array<i64: 8, 64>}, {pipeline_mode = #tpu.pipeline_mode<synchronous>, transform_indices = @transform_5, window_bounds = array<i64: 64, 1024>}, {pipeline_mode = #tpu.pipeline_mode<synchronous>, transform_indices = @transform_6, window_bounds = array<i64: 128, 128>}, {transform_indices = @transform_7, window_bounds = array<i64: 3200, 128>}]} {
    %get3A = arith.constant 0 : index
    %get3A_0 = arith.constant 0 : index
    %get3A_1 = vector.load %arg2[%get3A, %get3A_0] : memref<400x128xf32, #tpu.memory_space<vmem>>, vector<400x128xf32>
    %get3A_2 = arith.constant 0 : index
    %get3A_3 = arith.constant 0 : index
    %get3A_4 = vector.load %arg4[%get3A_2, %get3A_3] : memref<128x64xf32, #tpu.memory_space<vmem>>, vector<128x64xf32>
    %dot_general3A = arith.constant dense<0.000000e+00> : vector<400x64xf32>
    %dot_general3A_5 = tpu.matmul %get3A_1, %get3A_4, %dot_general3A {dimension_numbers = #tpu.dot_dimension_numbers<[1], [0], [0], [1], [0, 0, 1, 1], [], []>, transpose_lhs_hint = false} : vector<400x128xf32>, vector<128x64xf32>, vector<400x64xf32> -> vector<400x64xf32>
    %mul3A = arith.constant 2.500000e-01 : f32
    %mul3A_6 = vector.broadcast %mul3A : f32 to vector<400x64xf32>
    %mul3A_7 = arith.mulf %dot_general3A_5, %mul3A_6 : vector<400x64xf32>
    %logistic3A = arith.negf %mul3A_7 : vector<400x64xf32>
    %logistic3A_8 = math.exp %logistic3A : vector<400x64xf32>
    %logistic3A_9 = arith.constant 1.000000e+00 : f32
    %logistic3A_10 = vector.broadcast %logistic3A_9 : f32 to vector<400x64xf32>
    %logistic3A_11 = arith.addf %logistic3A_10, %logistic3A_8 : vector<400x64xf32>
    %logistic3A_12 = arith.divf %logistic3A_10, %logistic3A_11 : vector<400x64xf32>
    %mul3A_13 = arith.mulf %mul3A_7, %logistic3A_12 : vector<400x64xf32>
    %get3A_14 = arith.constant 0 : index
    %get3A_15 = arith.constant 0 : index
    %get3A_16 = vector.load %arg3[%get3A_14, %get3A_15] : memref<400x8xf32, #tpu.memory_space<vmem>>, vector<400x8xf32>
    %get3A_17 = arith.constant 0 : index
    %get3A_18 = arith.constant 0 : index
    %get3A_19 = vector.load %arg5[%get3A_17, %get3A_18] : memref<8x64xf32, #tpu.memory_space<vmem>>, vector<8x64xf32>
    %dot_general3A_20 = arith.constant dense<0.000000e+00> : vector<400x64xf32>
    %dot_general3A_21 = tpu.matmul %get3A_16, %get3A_19, %dot_general3A_20 {dimension_numbers = #tpu.dot_dimension_numbers<[1], [0], [0], [1], [0, 0, 1, 1], [], []>, transpose_lhs_hint = false} : vector<400x8xf32>, vector<8x64xf32>, vector<400x64xf32> -> vector<400x64xf32>
    %mul3A_22 = arith.mulf %mul3A_13, %dot_general3A_21 : vector<400x64xf32>
    %get3A_23 = arith.constant 0 : index
    %get3A_24 = arith.constant 0 : index
    %get3A_25 = vector.load %arg6[%get3A_23, %get3A_24] : memref<64x1024xf32, #tpu.memory_space<vmem>>, vector<64x1024xf32>
    %dot_general3A_26 = arith.constant dense<0.000000e+00> : vector<400x1024xf32>
    %dot_general3A_27 = tpu.matmul %mul3A_22, %get3A_25, %dot_general3A_26 {dimension_numbers = #tpu.dot_dimension_numbers<[1], [0], [0], [1], [0, 0, 1, 1], [], []>, transpose_lhs_hint = false} : vector<400x64xf32>, vector<64x1024xf32>, vector<400x1024xf32> -> vector<400x1024xf32>
    %mul3A_28 = arith.constant 0.353553385 : f32
    %mul3A_29 = vector.broadcast %mul3A_28 : f32 to vector<400x1024xf32>
    %mul3A_30 = arith.mulf %dot_general3A_27, %mul3A_29 : vector<400x1024xf32>
    %slice3A = vector.extract_strided_slice %mul3A_30 {offsets = [0, 0], sizes = [400, 128], strides = [1, 1]} : vector<400x1024xf32> to vector<400x128xf32>
    %get3A_31 = arith.constant 0 : index
    %get3A_32 = arith.constant 0 : index
    %get3A_33 = vector.load %arg1[%get3A_31, %get3A_32] : memref<3200x128xf32, #tpu.memory_space<vmem>>, vector<400x128xf32>
    %mul3A_34 = arith.mulf %get3A_33, %slice3A : vector<400x128xf32>
    %get3A_35 = arith.constant 0 : index
    %get3A_36 = arith.constant 0 : index
    %get3A_37 = vector.load %arg7[%get3A_35, %get3A_36] : memref<128x128xf32, #tpu.memory_space<vmem>>, vector<128x128xf32>
    %dot_general3A_38 = arith.constant dense<0.000000e+00> : vector<400x128xf32>
    %dot_general3A_39 = tpu.matmul %mul3A_34, %get3A_37, %dot_general3A_38 {dimension_numbers = #tpu.dot_dimension_numbers<[1], [0], [0], [1], [0, 0, 1, 1], [], []>, transpose_lhs_hint = false} : vector<400x128xf32>, vector<128x128xf32>, vector<400x128xf32> -> vector<400x128xf32>
    %mul3A_40 = arith.constant 0.0883883461 : f32
    %mul3A_41 = vector.broadcast %mul3A_40 : f32 to vector<400x128xf32>
    %mul3A_42 = arith.mulf %dot_general3A_39, %mul3A_41 : vector<400x128xf32>
    %logistic3A_43 = arith.negf %mul3A_42 : vector<400x128xf32>
    %logistic3A_44 = math.exp %logistic3A_43 : vector<400x128xf32>
    %logistic3A_45 = arith.constant 1.000000e+00 : f32
    %logistic3A_46 = vector.broadcast %logistic3A_45 : f32 to vector<400x128xf32>
    %logistic3A_47 = arith.addf %logistic3A_46, %logistic3A_44 : vector<400x128xf32>
    %logistic3A_48 = arith.divf %logistic3A_46, %logistic3A_47 : vector<400x128xf32>
    %mul3A_49 = arith.mulf %mul3A_42, %logistic3A_48 : vector<400x128xf32>
    %swap3A = arith.constant 0 : index
    %swap3A_50 = arith.constant 0 : index
    %swap3A_51 = vector.load %arg8[%swap3A, %swap3A_50] : memref<3200x128xf32, #tpu.memory_space<vmem>>, vector<400x128xf32>
    tpu.vector_store %arg8[%swap3A, %swap3A_50], %mul3A_49 {strides = array<i32>} : memref<3200x128xf32, #tpu.memory_space<vmem>>, vector<400x128xf32>,
    %slice3A_52 = vector.extract_strided_slice %mul3A_30 {offsets = [0, 128], sizes = [400, 128], strides = [1, 1]} : vector<400x1024xf32> to vector<400x128xf32>
    %get3A_53 = arith.constant 400 : index
    %get3A_54 = arith.constant 0 : index
    %get3A_55 = vector.load %arg1[%get3A_53, %get3A_54] : memref<3200x128xf32, #tpu.memory_space<vmem>>, vector<400x128xf32>
    %mul3A_56 = arith.mulf %get3A_55, %slice3A_52 : vector<400x128xf32>
    %get3A_57 = arith.constant 0 : index
    %get3A_58 = arith.constant 0 : index
    %get3A_59 = vector.load %arg7[%get3A_57, %get3A_58] : memref<128x128xf32, #tpu.memory_space<vmem>>, vector<128x128xf32>
    %dot_general3A_60 = arith.constant dense<0.000000e+00> : vector<400x128xf32>
    %dot_general3A_61 = tpu.matmul %mul3A_56, %get3A_59, %dot_general3A_60 {dimension_numbers = #tpu.dot_dimension_numbers<[1], [0], [0], [1], [0, 0, 1, 1], [], []>, transpose_lhs_hint = false} : vector<400x128xf32>, vector<128x128xf32>, vector<400x128xf32> -> vector<400x128xf32>
    %mul3A_62 = arith.constant 0.0883883461 : f32
    %mul3A_63 = vector.broadcast %mul3A_62 : f32 to vector<400x128xf32>
    %mul3A_64 = arith.mulf %dot_general3A_61, %mul3A_63 : vector<400x128xf32>
    %logistic3A_65 = arith.negf %mul3A_64 : vector<400x128xf32>
    %logistic3A_66 = math.exp %logistic3A_65 : vector<400x128xf32>
    %logistic3A_67 = arith.constant 1.000000e+00 : f32
    %logistic3A_68 = vector.broadcast %logistic3A_67 : f32 to vector<400x128xf32>
    %logistic3A_69 = arith.addf %logistic3A_68, %logistic3A_66 : vector<400x128xf32>
    %logistic3A_70 = arith.divf %logistic3A_68, %logistic3A_69 : vector<400x128xf32>
    %mul3A_71 = arith.mulf %mul3A_64, %logistic3A_70 : vector<400x128xf32>
    %swap3A_72 = arith.constant 400 : index
    %swap3A_73 = arith.constant 0 : index
    %swap3A_74 = vector.load %arg8[%swap3A_72, %swap3A_73] : memref<3200x128xf32, #tpu.memory_space<vmem>>, vector<400x128xf32>
    tpu.vector_store %arg8[%swap3A_72, %swap3A_73], %mul3A_71 {strides = array<i32>} : memref<3200x128xf32, #tpu.memory_space<vmem>>, vector<400x128xf32>,
    %slice3A_75 = vector.extract_strided_slice %mul3A_30 {offsets = [0, 256], sizes = [400, 128], strides = [1, 1]} : vector<400x1024xf32> to vector<400x128xf32>
    %get3A_76 = arith.constant 800 : index
    %get3A_77 = arith.constant 0 : index
    %get3A_78 = vector.load %arg1[%get3A_76, %get3A_77] : memref<3200x128xf32, #tpu.memory_space<vmem>>, vector<400x128xf32>
    %mul3A_79 = arith.mulf %get3A_78, %slice3A_75 : vector<400x128xf32>
    %get3A_80 = arith.constant 0 : index
    %get3A_81 = arith.constant 0 : index
    %get3A_82 = vector.load %arg7[%get3A_80, %get3A_81] : memref<128x128xf32, #tpu.memory_space<vmem>>, vector<128x128xf32>
    %dot_general3A_83 = arith.constant dense<0.000000e+00> : vector<400x128xf32>
    %dot_general3A_84 = tpu.matmul %mul3A_79, %get3A_82, %dot_general3A_83 {dimension_numbers = #tpu.dot_dimension_numbers<[1], [0], [0], [1], [0, 0, 1, 1], [], []>, transpose_lhs_hint = false} : vector<400x128xf32>, vector<128x128xf32>, vector<400x128xf32> -> vector<400x128xf32>
    %mul3A_85 = arith.constant 0.0883883461 : f32
    %mul3A_86 = vector.broadcast %mul3A_85 : f32 to vector<400x128xf32>
    %mul3A_87 = arith.mulf %dot_general3A_84, %mul3A_86 : vector<400x128xf32>
    %logistic3A_88 = arith.negf %mul3A_87 : vector<400x128xf32>
    %logistic3A_89 = math.exp %logistic3A_88 : vector<400x128xf32>
    %logistic3A_90 = arith.constant 1.000000e+00 : f32
    %logistic3A_91 = vector.broadcast %logistic3A_90 : f32 to vector<400x128xf32>
    %logistic3A_92 = arith.addf %logistic3A_91, %logistic3A_89 : vector<400x128xf32>
    %logistic3A_93 = arith.divf %logistic3A_91, %logistic3A_92 : vector<400x128xf32>
    %mul3A_94 = arith.mulf %mul3A_87, %logistic3A_93 : vector<400x128xf32>
    %swap3A_95 = arith.constant 800 : index
    %swap3A_96 = arith.constant 0 : index
    %swap3A_97 = vector.load %arg8[%swap3A_95, %swap3A_96] : memref<3200x128xf32, #tpu.memory_space<vmem>>, vector<400x128xf32>
    tpu.vector_store %arg8[%swap3A_95, %swap3A_96], %mul3A_94 {strides = array<i32>} : memref<3200x128xf32, #tpu.memory_space<vmem>>, vector<400x128xf32>,
    %slice3A_98 = vector.extract_strided_slice %mul3A_30 {offsets = [0, 384], sizes = [400, 128], strides = [1, 1]} : vector<400x1024xf32> to vector<400x128xf32>
    %get3A_99 = arith.constant 1200 : index
    %get3A_100 = arith.constant 0 : index
    %get3A_101 = vector.load %arg1[%get3A_99, %get3A_100] : memref<3200x128xf32, #tpu.memory_space<vmem>>, vector<400x128xf32>
    %mul3A_102 = arith.mulf %get3A_101, %slice3A_98 : vector<400x128xf32>
    %get3A_103 = arith.constant 0 : index
    %get3A_104 = arith.constant 0 : index
    %get3A_105 = vector.load %arg7[%get3A_103, %get3A_104] : memref<128x128xf32, #tpu.memory_space<vmem>>, vector<128x128xf32>
    %dot_general3A_106 = arith.constant dense<0.000000e+00> : vector<400x128xf32>
    %dot_general3A_107 = tpu.matmul %mul3A_102, %get3A_105, %dot_general3A_106 {dimension_numbers = #tpu.dot_dimension_numbers<[1], [0], [0], [1], [0, 0, 1, 1], [], []>, transpose_lhs_hint = false} : vector<400x128xf32>, vector<128x128xf32>, vector<400x128xf32> -> vector<400x128xf32>
    %mul3A_108 = arith.constant 0.0883883461 : f32
    %mul3A_109 = vector.broadcast %mul3A_108 : f32 to vector<400x128xf32>
    %mul3A_110 = arith.mulf %dot_general3A_107, %mul3A_109 : vector<400x128xf32>
    %logistic3A_111 = arith.negf %mul3A_110 : vector<400x128xf32>
    %logistic3A_112 = math.exp %logistic3A_111 : vector<400x128xf32>
    %logistic3A_113 = arith.constant 1.000000e+00 : f32
    %logistic3A_114 = vector.broadcast %logistic3A_113 : f32 to vector<400x128xf32>
    %logistic3A_115 = arith.addf %logistic3A_114, %logistic3A_112 : vector<400x128xf32>
    %logistic3A_116 = arith.divf %logistic3A_114, %logistic3A_115 : vector<400x128xf32>
    %mul3A_117 = arith.mulf %mul3A_110, %logistic3A_116 : vector<400x128xf32>
    %swap3A_118 = arith.constant 1200 : index
    %swap3A_119 = arith.constant 0 : index
    %swap3A_120 = vector.load %arg8[%swap3A_118, %swap3A_119] : memref<3200x128xf32, #tpu.memory_space<vmem>>, vector<400x128xf32>
    tpu.vector_store %arg8[%swap3A_118, %swap3A_119], %mul3A_117 {strides = array<i32>} : memref<3200x128xf32, #tpu.memory_space<vmem>>, vector<400x128xf32>,
    %slice3A_121 = vector.extract_strided_slice %mul3A_30 {offsets = [0, 512], sizes = [400, 128], strides = [1, 1]} : vector<400x1024xf32> to vector<400x128xf32>
    %get3A_122 = arith.constant 1600 : index
    %get3A_123 = arith.constant 0 : index
    %get3A_124 = vector.load %arg1[%get3A_122, %get3A_123] : memref<3200x128xf32, #tpu.memory_space<vmem>>, vector<400x128xf32>
    %mul3A_125 = arith.mulf %get3A_124, %slice3A_121 : vector<400x128xf32>
    %get3A_126 = arith.constant 0 : index
    %get3A_127 = arith.constant 0 : index
    %get3A_128 = vector.load %arg7[%get3A_126, %get3A_127] : memref<128x128xf32, #tpu.memory_space<vmem>>, vector<128x128xf32>
    %dot_general3A_129 = arith.constant dense<0.000000e+00> : vector<400x128xf32>
    %dot_general3A_130 = tpu.matmul %mul3A_125, %get3A_128, %dot_general3A_129 {dimension_numbers = #tpu.dot_dimension_numbers<[1], [0], [0], [1], [0, 0, 1, 1], [], []>, transpose_lhs_hint = false} : vector<400x128xf32>, vector<128x128xf32>, vector<400x128xf32> -> vector<400x128xf32>
    %mul3A_131 = arith.constant 0.0883883461 : f32
    %mul3A_132 = vector.broadcast %mul3A_131 : f32 to vector<400x128xf32>
    %mul3A_133 = arith.mulf %dot_general3A_130, %mul3A_132 : vector<400x128xf32>
    %logistic3A_134 = arith.negf %mul3A_133 : vector<400x128xf32>
    %logistic3A_135 = math.exp %logistic3A_134 : vector<400x128xf32>
    %logistic3A_136 = arith.constant 1.000000e+00 : f32
    %logistic3A_137 = vector.broadcast %logistic3A_136 : f32 to vector<400x128xf32>
    %logistic3A_138 = arith.addf %logistic3A_137, %logistic3A_135 : vector<400x128xf32>
    %logistic3A_139 = arith.divf %logistic3A_137, %logistic3A_138 : vector<400x128xf32>
    %mul3A_140 = arith.mulf %mul3A_133, %logistic3A_139 : vector<400x128xf32>
    %swap3A_141 = arith.constant 1600 : index
    %swap3A_142 = arith.constant 0 : index
    %swap3A_143 = vector.load %arg8[%swap3A_141, %swap3A_142] : memref<3200x128xf32, #tpu.memory_space<vmem>>, vector<400x128xf32>
    tpu.vector_store %arg8[%swap3A_141, %swap3A_142], %mul3A_140 {strides = array<i32>} : memref<3200x128xf32, #tpu.memory_space<vmem>>, vector<400x128xf32>,
    %slice3A_144 = vector.extract_strided_slice %mul3A_30 {offsets = [0, 640], sizes = [400, 128], strides = [1, 1]} : vector<400x1024xf32> to vector<400x128xf32>
    %get3A_145 = arith.constant 2000 : index
    %get3A_146 = arith.constant 0 : index
    %get3A_147 = vector.load %arg1[%get3A_145, %get3A_146] : memref<3200x128xf32, #tpu.memory_space<vmem>>, vector<400x128xf32>
    %mul3A_148 = arith.mulf %get3A_147, %slice3A_144 : vector<400x128xf32>
    %get3A_149 = arith.constant 0 : index
    %get3A_150 = arith.constant 0 : index
    %get3A_151 = vector.load %arg7[%get3A_149, %get3A_150] : memref<128x128xf32, #tpu.memory_space<vmem>>, vector<128x128xf32>
    %dot_general3A_152 = arith.constant dense<0.000000e+00> : vector<400x128xf32>
    %dot_general3A_153 = tpu.matmul %mul3A_148, %get3A_151, %dot_general3A_152 {dimension_numbers = #tpu.dot_dimension_numbers<[1], [0], [0], [1], [0, 0, 1, 1], [], []>, transpose_lhs_hint = false} : vector<400x128xf32>, vector<128x128xf32>, vector<400x128xf32> -> vector<400x128xf32>
    %mul3A_154 = arith.constant 0.0883883461 : f32
    %mul3A_155 = vector.broadcast %mul3A_154 : f32 to vector<400x128xf32>
    %mul3A_156 = arith.mulf %dot_general3A_153, %mul3A_155 : vector<400x128xf32>
    %logistic3A_157 = arith.negf %mul3A_156 : vector<400x128xf32>
    %logistic3A_158 = math.exp %logistic3A_157 : vector<400x128xf32>
    %logistic3A_159 = arith.constant 1.000000e+00 : f32
    %logistic3A_160 = vector.broadcast %logistic3A_159 : f32 to vector<400x128xf32>
    %logistic3A_161 = arith.addf %logistic3A_160, %logistic3A_158 : vector<400x128xf32>
    %logistic3A_162 = arith.divf %logistic3A_160, %logistic3A_161 : vector<400x128xf32>
    %mul3A_163 = arith.mulf %mul3A_156, %logistic3A_162 : vector<400x128xf32>
    %swap3A_164 = arith.constant 2000 : index
    %swap3A_165 = arith.constant 0 : index
    %swap3A_166 = vector.load %arg8[%swap3A_164, %swap3A_165] : memref<3200x128xf32, #tpu.memory_space<vmem>>, vector<400x128xf32>
    tpu.vector_store %arg8[%swap3A_164, %swap3A_165], %mul3A_163 {strides = array<i32>} : memref<3200x128xf32, #tpu.memory_space<vmem>>, vector<400x128xf32>,
    %slice3A_167 = vector.extract_strided_slice %mul3A_30 {offsets = [0, 768], sizes = [400, 128], strides = [1, 1]} : vector<400x1024xf32> to vector<400x128xf32>
    %get3A_168 = arith.constant 2400 : index
    %get3A_169 = arith.constant 0 : index
    %get3A_170 = vector.load %arg1[%get3A_168, %get3A_169] : memref<3200x128xf32, #tpu.memory_space<vmem>>, vector<400x128xf32>
    %mul3A_171 = arith.mulf %get3A_170, %slice3A_167 : vector<400x128xf32>
    %get3A_172 = arith.constant 0 : index
    %get3A_173 = arith.constant 0 : index
    %get3A_174 = vector.load %arg7[%get3A_172, %get3A_173] : memref<128x128xf32, #tpu.memory_space<vmem>>, vector<128x128xf32>
    %dot_general3A_175 = arith.constant dense<0.000000e+00> : vector<400x128xf32>
    %dot_general3A_176 = tpu.matmul %mul3A_171, %get3A_174, %dot_general3A_175 {dimension_numbers = #tpu.dot_dimension_numbers<[1], [0], [0], [1], [0, 0, 1, 1], [], []>, transpose_lhs_hint = false} : vector<400x128xf32>, vector<128x128xf32>, vector<400x128xf32> -> vector<400x128xf32>
    %mul3A_177 = arith.constant 0.0883883461 : f32
    %mul3A_178 = vector.broadcast %mul3A_177 : f32 to vector<400x128xf32>
    %mul3A_179 = arith.mulf %dot_general3A_176, %mul3A_178 : vector<400x128xf32>
    %logistic3A_180 = arith.negf %mul3A_179 : vector<400x128xf32>
    %logistic3A_181 = math.exp %logistic3A_180 : vector<400x128xf32>
    %logistic3A_182 = arith.constant 1.000000e+00 : f32
    %logistic3A_183 = vector.broadcast %logistic3A_182 : f32 to vector<400x128xf32>
    %logistic3A_184 = arith.addf %logistic3A_183, %logistic3A_181 : vector<400x128xf32>
    %logistic3A_185 = arith.divf %logistic3A_183, %logistic3A_184 : vector<400x128xf32>
    %mul3A_186 = arith.mulf %mul3A_179, %logistic3A_185 : vector<400x128xf32>
    %swap3A_187 = arith.constant 2400 : index
    %swap3A_188 = arith.constant 0 : index
    %swap3A_189 = vector.load %arg8[%swap3A_187, %swap3A_188] : memref<3200x128xf32, #tpu.memory_space<vmem>>, vector<400x128xf32>
    tpu.vector_store %arg8[%swap3A_187, %swap3A_188], %mul3A_186 {strides = array<i32>} : memref<3200x128xf32, #tpu.memory_space<vmem>>, vector<400x128xf32>,
    %slice3A_190 = vector.extract_strided_slice %mul3A_30 {offsets = [0, 896], sizes = [400, 128], strides = [1, 1]} : vector<400x1024xf32> to vector<400x128xf32>
    %get3A_191 = arith.constant 2800 : index
    %get3A_192 = arith.constant 0 : index
    %get3A_193 = vector.load %arg1[%get3A_191, %get3A_192] : memref<3200x128xf32, #tpu.memory_space<vmem>>, vector<400x128xf32>
    %mul3A_194 = arith.mulf %get3A_193, %slice3A_190 : vector<400x128xf32>
    %get3A_195 = arith.constant 0 : index
    %get3A_196 = arith.constant 0 : index
    %get3A_197 = vector.load %arg7[%get3A_195, %get3A_196] : memref<128x128xf32, #tpu.memory_space<vmem>>, vector<128x128xf32>
    %dot_general3A_198 = arith.constant dense<0.000000e+00> : vector<400x128xf32>
    %dot_general3A_199 = tpu.matmul %mul3A_194, %get3A_197, %dot_general3A_198 {dimension_numbers = #tpu.dot_dimension_numbers<[1], [0], [0], [1], [0, 0, 1, 1], [], []>, transpose_lhs_hint = false} : vector<400x128xf32>, vector<128x128xf32>, vector<400x128xf32> -> vector<400x128xf32>
    %mul3A_200 = arith.constant 0.0883883461 : f32
    %mul3A_201 = vector.broadcast %mul3A_200 : f32 to vector<400x128xf32>
    %mul3A_202 = arith.mulf %dot_general3A_199, %mul3A_201 : vector<400x128xf32>
    %logistic3A_203 = arith.negf %mul3A_202 : vector<400x128xf32>
    %logistic3A_204 = math.exp %logistic3A_203 : vector<400x128xf32>
    %logistic3A_205 = arith.constant 1.000000e+00 : f32
    %logistic3A_206 = vector.broadcast %logistic3A_205 : f32 to vector<400x128xf32>
    %logistic3A_207 = arith.addf %logistic3A_206, %logistic3A_204 : vector<400x128xf32>
    %logistic3A_208 = arith.divf %logistic3A_206, %logistic3A_207 : vector<400x128xf32>
    %mul3A_209 = arith.mulf %mul3A_202, %logistic3A_208 : vector<400x128xf32>
    %swap3A_210 = arith.constant 2800 : index
    %swap3A_211 = arith.constant 0 : index
    %swap3A_212 = vector.load %arg8[%swap3A_210, %swap3A_211] : memref<3200x128xf32, #tpu.memory_space<vmem>>, vector<400x128xf32>
    tpu.vector_store %arg8[%swap3A_210, %swap3A_211], %mul3A_209 {strides = array<i32>} : memref<3200x128xf32, #tpu.memory_space<vmem>>, vector<400x128xf32>,
    return
  }
  func.func @transform_0(%arg0: i32) -> (i32, i32) {
    %c0_i32 = arith.constant 0 : i32
    %c0_i32_0 = arith.constant 0 : i32
    return %arg0, %c0_i32 : i32, i32
  }
  func.func @transform_1(%arg0: i32) -> (i32, i32) {
    %c0_i32 = arith.constant 0 : i32
    %c0_i32_0 = arith.constant 0 : i32
    return %arg0, %c0_i32 : i32, i32
  }
  func.func @transform_2(%arg0: i32) -> (i32, i32) {
    %add3A = arith.constant 0 : i32
    %add3A_0 = arith.addi %arg0, %add3A : i32
    %c0_i32 = arith.constant 0 : i32
    %c0_i32_1 = arith.constant 0 : i32
    return %add3A_0, %c0_i32 : i32, i32
  }
  func.func @transform_3(%arg0: i32) -> (i32, i32) {
    %c0_i32 = arith.constant 0 : i32
    %c0_i32_0 = arith.constant 0 : i32
    %c0_i32_1 = arith.constant 0 : i32
    return %c0_i32, %c0_i32_0 : i32, i32
  }
  func.func @transform_4(%arg0: i32) -> (i32, i32) {
    %c0_i32 = arith.constant 0 : i32
    %c0_i32_0 = arith.constant 0 : i32
    %c0_i32_1 = arith.constant 0 : i32
    return %c0_i32, %c0_i32_0 : i32, i32
  }
  func.func @transform_5(%arg0: i32) -> (i32, i32) {
    %c0_i32 = arith.constant 0 : i32
    %c0_i32_0 = arith.constant 0 : i32
    %c0_i32_1 = arith.constant 0 : i32
    return %c0_i32, %c0_i32_0 : i32, i32
  }
  func.func @transform_6(%arg0: i32) -> (i32, i32) {
    %c0_i32 = arith.constant 0 : i32
    %c0_i32_0 = arith.constant 0 : i32
    %c0_i32_1 = arith.constant 0 : i32
    return %c0_i32, %c0_i32_0 : i32, i32
  }
  func.func @transform_7(%arg0: i32) -> (i32, i32) {
    %c0_i32 = arith.constant 0 : i32
    %c0_i32_0 = arith.constant 0 : i32
    return %arg0, %c0_i32 : i32, i32
  }
}

module attributes {stable_mosaic.version = 14 : i64} {
  func.func @_edge_body(%arg0: i32, %arg1: memref<3200x128xf32, #tpu.memory_space<vmem>>, %arg2: memref<400x128xf32, #tpu.memory_space<vmem>>, %arg3: memref<400x8xf32, #tpu.memory_space<vmem>>, %arg4: memref<128x64xf32, #tpu.memory_space<vmem>>, %arg5: memref<8x64xf32, #tpu.memory_space<vmem>>, %arg6: memref<64x1024xf32, #tpu.memory_space<vmem>>, %arg7: memref<128x128xf32, #tpu.memory_space<vmem>>, %arg8: memref<3200x128xf32, #tpu.memory_space<vmem>>) attributes {dimension_semantics = [#tpu.dimension_semantics<arbitrary>], iteration_bounds = array<i64: 40>, scalar_prefetch = 0 : i64, scratch_operands = 0 : i64, tpu.core_type = #tpu.core_type<tc>, window_params = [{transform_indices = @transform_0, window_bounds = array<i64: 3200, 128>}, {transform_indices = @transform_1, window_bounds = array<i64: 400, 128>}, {transform_indices = @transform_2, window_bounds = array<i64: 400, 8>}, {pipeline_mode = #tpu.pipeline_mode<synchronous>, transform_indices = @transform_3, window_bounds = array<i64: 128, 64>}, {pipeline_mode = #tpu.pipeline_mode<synchronous>, transform_indices = @transform_4, window_bounds = array<i64: 8, 64>}, {pipeline_mode = #tpu.pipeline_mode<synchronous>, transform_indices = @transform_5, window_bounds = array<i64: 64, 1024>}, {pipeline_mode = #tpu.pipeline_mode<synchronous>, transform_indices = @transform_6, window_bounds = array<i64: 128, 128>}, {transform_indices = @transform_7, window_bounds = array<i64: 3200, 128>}]} {
    %get3A = arith.constant 0 : index
    %get3A_0 = arith.constant 0 : index
    %get3A_1 = vector.load %arg2[%get3A, %get3A_0] : memref<400x128xf32, #tpu.memory_space<vmem>>, vector<400x128xf32>
    %get3A_2 = arith.constant 0 : index
    %get3A_3 = arith.constant 0 : index
    %get3A_4 = vector.load %arg4[%get3A_2, %get3A_3] : memref<128x64xf32, #tpu.memory_space<vmem>>, vector<128x64xf32>
    %dot_general3A = arith.constant dense<0.000000e+00> : vector<400x64xf32>
    %dot_general3A_5 = tpu.matmul %get3A_1, %get3A_4, %dot_general3A {dimension_numbers = #tpu.dot_dimension_numbers<[1], [0], [0], [1], [0, 0, 1, 1], [], []>, transpose_lhs_hint = false} : vector<400x128xf32>, vector<128x64xf32>, vector<400x64xf32> -> vector<400x64xf32>
    %mul3A = arith.constant 2.500000e-01 : f32
    %mul3A_6 = vector.broadcast %mul3A : f32 to vector<400x64xf32>
    %mul3A_7 = arith.mulf %dot_general3A_5, %mul3A_6 : vector<400x64xf32>
    %logistic3A = arith.negf %mul3A_7 : vector<400x64xf32>
    %logistic3A_8 = math.exp %logistic3A : vector<400x64xf32>
    %logistic3A_9 = arith.constant 1.000000e+00 : f32
    %logistic3A_10 = vector.broadcast %logistic3A_9 : f32 to vector<400x64xf32>
    %logistic3A_11 = arith.addf %logistic3A_10, %logistic3A_8 : vector<400x64xf32>
    %logistic3A_12 = arith.divf %logistic3A_10, %logistic3A_11 : vector<400x64xf32>
    %mul3A_13 = arith.mulf %mul3A_7, %logistic3A_12 : vector<400x64xf32>
    %get3A_14 = arith.constant 0 : index
    %get3A_15 = arith.constant 0 : index
    %get3A_16 = vector.load %arg3[%get3A_14, %get3A_15] : memref<400x8xf32, #tpu.memory_space<vmem>>, vector<400x8xf32>
    %get3A_17 = arith.constant 0 : index
    %get3A_18 = arith.constant 0 : index
    %get3A_19 = vector.load %arg5[%get3A_17, %get3A_18] : memref<8x64xf32, #tpu.memory_space<vmem>>, vector<8x64xf32>
    %dot_general3A_20 = arith.constant dense<0.000000e+00> : vector<400x64xf32>
    %dot_general3A_21 = tpu.matmul %get3A_16, %get3A_19, %dot_general3A_20 {dimension_numbers = #tpu.dot_dimension_numbers<[1], [0], [0], [1], [0, 0, 1, 1], [], []>, transpose_lhs_hint = false} : vector<400x8xf32>, vector<8x64xf32>, vector<400x64xf32> -> vector<400x64xf32>
    %mul3A_22 = arith.mulf %mul3A_13, %dot_general3A_21 : vector<400x64xf32>
    %get3A_23 = arith.constant 0 : index
    %get3A_24 = arith.constant 0 : index
    %get3A_25 = vector.load %arg6[%get3A_23, %get3A_24] : memref<64x1024xf32, #tpu.memory_space<vmem>>, vector<64x1024xf32>
    %dot_general3A_26 = arith.constant dense<0.000000e+00> : vector<400x1024xf32>
    %dot_general3A_27 = tpu.matmul %mul3A_22, %get3A_25, %dot_general3A_26 {dimension_numbers = #tpu.dot_dimension_numbers<[1], [0], [0], [1], [0, 0, 1, 1], [], []>, transpose_lhs_hint = false} : vector<400x64xf32>, vector<64x1024xf32>, vector<400x1024xf32> -> vector<400x1024xf32>
    %mul3A_28 = arith.constant 0.353553385 : f32
    %mul3A_29 = vector.broadcast %mul3A_28 : f32 to vector<400x1024xf32>
    %mul3A_30 = arith.mulf %dot_general3A_27, %mul3A_29 : vector<400x1024xf32>
    %slice3A = vector.extract_strided_slice %mul3A_30 {offsets = [0, 0], sizes = [400, 128], strides = [1, 1]} : vector<400x1024xf32> to vector<400x128xf32>
    %get3A_31 = arith.constant 0 : index
    %get3A_32 = arith.constant 0 : index
    %get3A_33 = vector.load %arg1[%get3A_31, %get3A_32] : memref<3200x128xf32, #tpu.memory_space<vmem>>, vector<400x128xf32>
    %mul3A_34 = arith.mulf %get3A_33, %slice3A : vector<400x128xf32>
    %get3A_35 = arith.constant 0 : index
    %get3A_36 = arith.constant 0 : index
    %get3A_37 = vector.load %arg7[%get3A_35, %get3A_36] : memref<128x128xf32, #tpu.memory_space<vmem>>, vector<128x128xf32>
    %dot_general3A_38 = arith.constant dense<0.000000e+00> : vector<400x128xf32>
    %dot_general3A_39 = tpu.matmul %mul3A_34, %get3A_37, %dot_general3A_38 {dimension_numbers = #tpu.dot_dimension_numbers<[1], [0], [0], [1], [0, 0, 1, 1], [], []>, transpose_lhs_hint = false} : vector<400x128xf32>, vector<128x128xf32>, vector<400x128xf32> -> vector<400x128xf32>
    %mul3A_40 = arith.constant 0.0883883461 : f32
    %mul3A_41 = vector.broadcast %mul3A_40 : f32 to vector<400x128xf32>
    %mul3A_42 = arith.mulf %dot_general3A_39, %mul3A_41 : vector<400x128xf32>
    %logistic3A_43 = arith.negf %mul3A_42 : vector<400x128xf32>
    %logistic3A_44 = math.exp %logistic3A_43 : vector<400x128xf32>
    %logistic3A_45 = arith.constant 1.000000e+00 : f32
    %logistic3A_46 = vector.broadcast %logistic3A_45 : f32 to vector<400x128xf32>
    %logistic3A_47 = arith.addf %logistic3A_46, %logistic3A_44 : vector<400x128xf32>
    %logistic3A_48 = arith.divf %logistic3A_46, %logistic3A_47 : vector<400x128xf32>
    %mul3A_49 = arith.mulf %mul3A_42, %logistic3A_48 : vector<400x128xf32>
    %swap3A = arith.constant 0 : index
    %swap3A_50 = arith.constant 0 : index
    %swap3A_51 = vector.load %arg8[%swap3A, %swap3A_50] : memref<3200x128xf32, #tpu.memory_space<vmem>>, vector<400x128xf32>
    tpu.vector_store %arg8[%swap3A, %swap3A_50], %mul3A_49 {strides = array<i32>} : memref<3200x128xf32, #tpu.memory_space<vmem>>, vector<400x128xf32>,
    %slice3A_52 = vector.extract_strided_slice %mul3A_30 {offsets = [0, 128], sizes = [400, 128], strides = [1, 1]} : vector<400x1024xf32> to vector<400x128xf32>
    %get3A_53 = arith.constant 400 : index
    %get3A_54 = arith.constant 0 : index
    %get3A_55 = vector.load %arg1[%get3A_53, %get3A_54] : memref<3200x128xf32, #tpu.memory_space<vmem>>, vector<400x128xf32>
    %mul3A_56 = arith.mulf %get3A_55, %slice3A_52 : vector<400x128xf32>
    %get3A_57 = arith.constant 0 : index
    %get3A_58 = arith.constant 0 : index
    %get3A_59 = vector.load %arg7[%get3A_57, %get3A_58] : memref<128x128xf32, #tpu.memory_space<vmem>>, vector<128x128xf32>
    %dot_general3A_60 = arith.constant dense<0.000000e+00> : vector<400x128xf32>
    %dot_general3A_61 = tpu.matmul %mul3A_56, %get3A_59, %dot_general3A_60 {dimension_numbers = #tpu.dot_dimension_numbers<[1], [0], [0], [1], [0, 0, 1, 1], [], []>, transpose_lhs_hint = false} : vector<400x128xf32>, vector<128x128xf32>, vector<400x128xf32> -> vector<400x128xf32>
    %mul3A_62 = arith.constant 0.0883883461 : f32
    %mul3A_63 = vector.broadcast %mul3A_62 : f32 to vector<400x128xf32>
    %mul3A_64 = arith.mulf %dot_general3A_61, %mul3A_63 : vector<400x128xf32>
    %logistic3A_65 = arith.negf %mul3A_64 : vector<400x128xf32>
    %logistic3A_66 = math.exp %logistic3A_65 : vector<400x128xf32>
    %logistic3A_67 = arith.constant 1.000000e+00 : f32
    %logistic3A_68 = vector.broadcast %logistic3A_67 : f32 to vector<400x128xf32>
    %logistic3A_69 = arith.addf %logistic3A_68, %logistic3A_66 : vector<400x128xf32>
    %logistic3A_70 = arith.divf %logistic3A_68, %logistic3A_69 : vector<400x128xf32>
    %mul3A_71 = arith.mulf %mul3A_64, %logistic3A_70 : vector<400x128xf32>
    %swap3A_72 = arith.constant 400 : index
    %swap3A_73 = arith.constant 0 : index
    %swap3A_74 = vector.load %arg8[%swap3A_72, %swap3A_73] : memref<3200x128xf32, #tpu.memory_space<vmem>>, vector<400x128xf32>
    tpu.vector_store %arg8[%swap3A_72, %swap3A_73], %mul3A_71 {strides = array<i32>} : memref<3200x128xf32, #tpu.memory_space<vmem>>, vector<400x128xf32>,
    %slice3A_75 = vector.extract_strided_slice %mul3A_30 {offsets = [0, 256], sizes = [400, 128], strides = [1, 1]} : vector<400x1024xf32> to vector<400x128xf32>
    %get3A_76 = arith.constant 800 : index
    %get3A_77 = arith.constant 0 : index
    %get3A_78 = vector.load %arg1[%get3A_76, %get3A_77] : memref<3200x128xf32, #tpu.memory_space<vmem>>, vector<400x128xf32>
    %mul3A_79 = arith.mulf %get3A_78, %slice3A_75 : vector<400x128xf32>
    %get3A_80 = arith.constant 0 : index
    %get3A_81 = arith.constant 0 : index
    %get3A_82 = vector.load %arg7[%get3A_80, %get3A_81] : memref<128x128xf32, #tpu.memory_space<vmem>>, vector<128x128xf32>
    %dot_general3A_83 = arith.constant dense<0.000000e+00> : vector<400x128xf32>
    %dot_general3A_84 = tpu.matmul %mul3A_79, %get3A_82, %dot_general3A_83 {dimension_numbers = #tpu.dot_dimension_numbers<[1], [0], [0], [1], [0, 0, 1, 1], [], []>, transpose_lhs_hint = false} : vector<400x128xf32>, vector<128x128xf32>, vector<400x128xf32> -> vector<400x128xf32>
    %mul3A_85 = arith.constant 0.0883883461 : f32
    %mul3A_86 = vector.broadcast %mul3A_85 : f32 to vector<400x128xf32>
    %mul3A_87 = arith.mulf %dot_general3A_84, %mul3A_86 : vector<400x128xf32>
    %logistic3A_88 = arith.negf %mul3A_87 : vector<400x128xf32>
    %logistic3A_89 = math.exp %logistic3A_88 : vector<400x128xf32>
    %logistic3A_90 = arith.constant 1.000000e+00 : f32
    %logistic3A_91 = vector.broadcast %logistic3A_90 : f32 to vector<400x128xf32>
    %logistic3A_92 = arith.addf %logistic3A_91, %logistic3A_89 : vector<400x128xf32>
    %logistic3A_93 = arith.divf %logistic3A_91, %logistic3A_92 : vector<400x128xf32>
    %mul3A_94 = arith.mulf %mul3A_87, %logistic3A_93 : vector<400x128xf32>
    %swap3A_95 = arith.constant 800 : index
    %swap3A_96 = arith.constant 0 : index
    %swap3A_97 = vector.load %arg8[%swap3A_95, %swap3A_96] : memref<3200x128xf32, #tpu.memory_space<vmem>>, vector<400x128xf32>
    tpu.vector_store %arg8[%swap3A_95, %swap3A_96], %mul3A_94 {strides = array<i32>} : memref<3200x128xf32, #tpu.memory_space<vmem>>, vector<400x128xf32>,
    %slice3A_98 = vector.extract_strided_slice %mul3A_30 {offsets = [0, 384], sizes = [400, 128], strides = [1, 1]} : vector<400x1024xf32> to vector<400x128xf32>
    %get3A_99 = arith.constant 1200 : index
    %get3A_100 = arith.constant 0 : index
    %get3A_101 = vector.load %arg1[%get3A_99, %get3A_100] : memref<3200x128xf32, #tpu.memory_space<vmem>>, vector<400x128xf32>
    %mul3A_102 = arith.mulf %get3A_101, %slice3A_98 : vector<400x128xf32>
    %get3A_103 = arith.constant 0 : index
    %get3A_104 = arith.constant 0 : index
    %get3A_105 = vector.load %arg7[%get3A_103, %get3A_104] : memref<128x128xf32, #tpu.memory_space<vmem>>, vector<128x128xf32>
    %dot_general3A_106 = arith.constant dense<0.000000e+00> : vector<400x128xf32>
    %dot_general3A_107 = tpu.matmul %mul3A_102, %get3A_105, %dot_general3A_106 {dimension_numbers = #tpu.dot_dimension_numbers<[1], [0], [0], [1], [0, 0, 1, 1], [], []>, transpose_lhs_hint = false} : vector<400x128xf32>, vector<128x128xf32>, vector<400x128xf32> -> vector<400x128xf32>
    %mul3A_108 = arith.constant 0.0883883461 : f32
    %mul3A_109 = vector.broadcast %mul3A_108 : f32 to vector<400x128xf32>
    %mul3A_110 = arith.mulf %dot_general3A_107, %mul3A_109 : vector<400x128xf32>
    %logistic3A_111 = arith.negf %mul3A_110 : vector<400x128xf32>
    %logistic3A_112 = math.exp %logistic3A_111 : vector<400x128xf32>
    %logistic3A_113 = arith.constant 1.000000e+00 : f32
    %logistic3A_114 = vector.broadcast %logistic3A_113 : f32 to vector<400x128xf32>
    %logistic3A_115 = arith.addf %logistic3A_114, %logistic3A_112 : vector<400x128xf32>
    %logistic3A_116 = arith.divf %logistic3A_114, %logistic3A_115 : vector<400x128xf32>
    %mul3A_117 = arith.mulf %mul3A_110, %logistic3A_116 : vector<400x128xf32>
    %swap3A_118 = arith.constant 1200 : index
    %swap3A_119 = arith.constant 0 : index
    %swap3A_120 = vector.load %arg8[%swap3A_118, %swap3A_119] : memref<3200x128xf32, #tpu.memory_space<vmem>>, vector<400x128xf32>
    tpu.vector_store %arg8[%swap3A_118, %swap3A_119], %mul3A_117 {strides = array<i32>} : memref<3200x128xf32, #tpu.memory_space<vmem>>, vector<400x128xf32>,
    %slice3A_121 = vector.extract_strided_slice %mul3A_30 {offsets = [0, 512], sizes = [400, 128], strides = [1, 1]} : vector<400x1024xf32> to vector<400x128xf32>
    %get3A_122 = arith.constant 1600 : index
    %get3A_123 = arith.constant 0 : index
    %get3A_124 = vector.load %arg1[%get3A_122, %get3A_123] : memref<3200x128xf32, #tpu.memory_space<vmem>>, vector<400x128xf32>
    %mul3A_125 = arith.mulf %get3A_124, %slice3A_121 : vector<400x128xf32>
    %get3A_126 = arith.constant 0 : index
    %get3A_127 = arith.constant 0 : index
    %get3A_128 = vector.load %arg7[%get3A_126, %get3A_127] : memref<128x128xf32, #tpu.memory_space<vmem>>, vector<128x128xf32>
    %dot_general3A_129 = arith.constant dense<0.000000e+00> : vector<400x128xf32>
    %dot_general3A_130 = tpu.matmul %mul3A_125, %get3A_128, %dot_general3A_129 {dimension_numbers = #tpu.dot_dimension_numbers<[1], [0], [0], [1], [0, 0, 1, 1], [], []>, transpose_lhs_hint = false} : vector<400x128xf32>, vector<128x128xf32>, vector<400x128xf32> -> vector<400x128xf32>
    %mul3A_131 = arith.constant 0.0883883461 : f32
    %mul3A_132 = vector.broadcast %mul3A_131 : f32 to vector<400x128xf32>
    %mul3A_133 = arith.mulf %dot_general3A_130, %mul3A_132 : vector<400x128xf32>
    %logistic3A_134 = arith.negf %mul3A_133 : vector<400x128xf32>
    %logistic3A_135 = math.exp %logistic3A_134 : vector<400x128xf32>
    %logistic3A_136 = arith.constant 1.000000e+00 : f32
    %logistic3A_137 = vector.broadcast %logistic3A_136 : f32 to vector<400x128xf32>
    %logistic3A_138 = arith.addf %logistic3A_137, %logistic3A_135 : vector<400x128xf32>
    %logistic3A_139 = arith.divf %logistic3A_137, %logistic3A_138 : vector<400x128xf32>
    %mul3A_140 = arith.mulf %mul3A_133, %logistic3A_139 : vector<400x128xf32>
    %swap3A_141 = arith.constant 1600 : index
    %swap3A_142 = arith.constant 0 : index
    %swap3A_143 = vector.load %arg8[%swap3A_141, %swap3A_142] : memref<3200x128xf32, #tpu.memory_space<vmem>>, vector<400x128xf32>
    tpu.vector_store %arg8[%swap3A_141, %swap3A_142], %mul3A_140 {strides = array<i32>} : memref<3200x128xf32, #tpu.memory_space<vmem>>, vector<400x128xf32>,
    %slice3A_144 = vector.extract_strided_slice %mul3A_30 {offsets = [0, 640], sizes = [400, 128], strides = [1, 1]} : vector<400x1024xf32> to vector<400x128xf32>
    %get3A_145 = arith.constant 2000 : index
    %get3A_146 = arith.constant 0 : index
    %get3A_147 = vector.load %arg1[%get3A_145, %get3A_146] : memref<3200x128xf32, #tpu.memory_space<vmem>>, vector<400x128xf32>
    %mul3A_148 = arith.mulf %get3A_147, %slice3A_144 : vector<400x128xf32>
    %get3A_149 = arith.constant 0 : index
    %get3A_150 = arith.constant 0 : index
    %get3A_151 = vector.load %arg7[%get3A_149, %get3A_150] : memref<128x128xf32, #tpu.memory_space<vmem>>, vector<128x128xf32>
    %dot_general3A_152 = arith.constant dense<0.000000e+00> : vector<400x128xf32>
    %dot_general3A_153 = tpu.matmul %mul3A_148, %get3A_151, %dot_general3A_152 {dimension_numbers = #tpu.dot_dimension_numbers<[1], [0], [0], [1], [0, 0, 1, 1], [], []>, transpose_lhs_hint = false} : vector<400x128xf32>, vector<128x128xf32>, vector<400x128xf32> -> vector<400x128xf32>
    %mul3A_154 = arith.constant 0.0883883461 : f32
    %mul3A_155 = vector.broadcast %mul3A_154 : f32 to vector<400x128xf32>
    %mul3A_156 = arith.mulf %dot_general3A_153, %mul3A_155 : vector<400x128xf32>
    %logistic3A_157 = arith.negf %mul3A_156 : vector<400x128xf32>
    %logistic3A_158 = math.exp %logistic3A_157 : vector<400x128xf32>
    %logistic3A_159 = arith.constant 1.000000e+00 : f32
    %logistic3A_160 = vector.broadcast %logistic3A_159 : f32 to vector<400x128xf32>
    %logistic3A_161 = arith.addf %logistic3A_160, %logistic3A_158 : vector<400x128xf32>
    %logistic3A_162 = arith.divf %logistic3A_160, %logistic3A_161 : vector<400x128xf32>
    %mul3A_163 = arith.mulf %mul3A_156, %logistic3A_162 : vector<400x128xf32>
    %swap3A_164 = arith.constant 2000 : index
    %swap3A_165 = arith.constant 0 : index
    %swap3A_166 = vector.load %arg8[%swap3A_164, %swap3A_165] : memref<3200x128xf32, #tpu.memory_space<vmem>>, vector<400x128xf32>
    tpu.vector_store %arg8[%swap3A_164, %swap3A_165], %mul3A_163 {strides = array<i32>} : memref<3200x128xf32, #tpu.memory_space<vmem>>, vector<400x128xf32>,
    %slice3A_167 = vector.extract_strided_slice %mul3A_30 {offsets = [0, 768], sizes = [400, 128], strides = [1, 1]} : vector<400x1024xf32> to vector<400x128xf32>
    %get3A_168 = arith.constant 2400 : index
    %get3A_169 = arith.constant 0 : index
    %get3A_170 = vector.load %arg1[%get3A_168, %get3A_169] : memref<3200x128xf32, #tpu.memory_space<vmem>>, vector<400x128xf32>
    %mul3A_171 = arith.mulf %get3A_170, %slice3A_167 : vector<400x128xf32>
    %get3A_172 = arith.constant 0 : index
    %get3A_173 = arith.constant 0 : index
    %get3A_174 = vector.load %arg7[%get3A_172, %get3A_173] : memref<128x128xf32, #tpu.memory_space<vmem>>, vector<128x128xf32>
    %dot_general3A_175 = arith.constant dense<0.000000e+00> : vector<400x128xf32>
    %dot_general3A_176 = tpu.matmul %mul3A_171, %get3A_174, %dot_general3A_175 {dimension_numbers = #tpu.dot_dimension_numbers<[1], [0], [0], [1], [0, 0, 1, 1], [], []>, transpose_lhs_hint = false} : vector<400x128xf32>, vector<128x128xf32>, vector<400x128xf32> -> vector<400x128xf32>
    %mul3A_177 = arith.constant 0.0883883461 : f32
    %mul3A_178 = vector.broadcast %mul3A_177 : f32 to vector<400x128xf32>
    %mul3A_179 = arith.mulf %dot_general3A_176, %mul3A_178 : vector<400x128xf32>
    %logistic3A_180 = arith.negf %mul3A_179 : vector<400x128xf32>
    %logistic3A_181 = math.exp %logistic3A_180 : vector<400x128xf32>
    %logistic3A_182 = arith.constant 1.000000e+00 : f32
    %logistic3A_183 = vector.broadcast %logistic3A_182 : f32 to vector<400x128xf32>
    %logistic3A_184 = arith.addf %logistic3A_183, %logistic3A_181 : vector<400x128xf32>
    %logistic3A_185 = arith.divf %logistic3A_183, %logistic3A_184 : vector<400x128xf32>
    %mul3A_186 = arith.mulf %mul3A_179, %logistic3A_185 : vector<400x128xf32>
    %swap3A_187 = arith.constant 2400 : index
    %swap3A_188 = arith.constant 0 : index
    %swap3A_189 = vector.load %arg8[%swap3A_187, %swap3A_188] : memref<3200x128xf32, #tpu.memory_space<vmem>>, vector<400x128xf32>
    tpu.vector_store %arg8[%swap3A_187, %swap3A_188], %mul3A_186 {strides = array<i32>} : memref<3200x128xf32, #tpu.memory_space<vmem>>, vector<400x128xf32>,
    %slice3A_190 = vector.extract_strided_slice %mul3A_30 {offsets = [0, 896], sizes = [400, 128], strides = [1, 1]} : vector<400x1024xf32> to vector<400x128xf32>
    %get3A_191 = arith.constant 2800 : index
    %get3A_192 = arith.constant 0 : index
    %get3A_193 = vector.load %arg1[%get3A_191, %get3A_192] : memref<3200x128xf32, #tpu.memory_space<vmem>>, vector<400x128xf32>
    %mul3A_194 = arith.mulf %get3A_193, %slice3A_190 : vector<400x128xf32>
    %get3A_195 = arith.constant 0 : index
    %get3A_196 = arith.constant 0 : index
    %get3A_197 = vector.load %arg7[%get3A_195, %get3A_196] : memref<128x128xf32, #tpu.memory_space<vmem>>, vector<128x128xf32>
    %dot_general3A_198 = arith.constant dense<0.000000e+00> : vector<400x128xf32>
    %dot_general3A_199 = tpu.matmul %mul3A_194, %get3A_197, %dot_general3A_198 {dimension_numbers = #tpu.dot_dimension_numbers<[1], [0], [0], [1], [0, 0, 1, 1], [], []>, transpose_lhs_hint = false} : vector<400x128xf32>, vector<128x128xf32>, vector<400x128xf32> -> vector<400x128xf32>
    %mul3A_200 = arith.constant 0.0883883461 : f32
    %mul3A_201 = vector.broadcast %mul3A_200 : f32 to vector<400x128xf32>
    %mul3A_202 = arith.mulf %dot_general3A_199, %mul3A_201 : vector<400x128xf32>
    %logistic3A_203 = arith.negf %mul3A_202 : vector<400x128xf32>
    %logistic3A_204 = math.exp %logistic3A_203 : vector<400x128xf32>
    %logistic3A_205 = arith.constant 1.000000e+00 : f32
    %logistic3A_206 = vector.broadcast %logistic3A_205 : f32 to vector<400x128xf32>
    %logistic3A_207 = arith.addf %logistic3A_206, %logistic3A_204 : vector<400x128xf32>
    %logistic3A_208 = arith.divf %logistic3A_206, %logistic3A_207 : vector<400x128xf32>
    %mul3A_209 = arith.mulf %mul3A_202, %logistic3A_208 : vector<400x128xf32>
    %swap3A_210 = arith.constant 2800 : index
    %swap3A_211 = arith.constant 0 : index
    %swap3A_212 = vector.load %arg8[%swap3A_210, %swap3A_211] : memref<3200x128xf32, #tpu.memory_space<vmem>>, vector<400x128xf32>
    tpu.vector_store %arg8[%swap3A_210, %swap3A_211], %mul3A_209 {strides = array<i32>} : memref<3200x128xf32, #tpu.memory_space<vmem>>, vector<400x128xf32>,
    return
  }
  func.func @transform_0(%arg0: i32) -> (i32, i32) {
    %c0_i32 = arith.constant 0 : i32
    %c0_i32_0 = arith.constant 0 : i32
    return %arg0, %c0_i32 : i32, i32
  }
  func.func @transform_1(%arg0: i32) -> (i32, i32) {
    %c0_i32 = arith.constant 0 : i32
    %c0_i32_0 = arith.constant 0 : i32
    return %arg0, %c0_i32 : i32, i32
  }
  func.func @transform_2(%arg0: i32) -> (i32, i32) {
    %add3A = arith.constant 60 : i32
    %add3A_0 = arith.addi %arg0, %add3A : i32
    %c0_i32 = arith.constant 0 : i32
    %c0_i32_1 = arith.constant 0 : i32
    return %add3A_0, %c0_i32 : i32, i32
  }
  func.func @transform_3(%arg0: i32) -> (i32, i32) {
    %c0_i32 = arith.constant 0 : i32
    %c0_i32_0 = arith.constant 0 : i32
    %c0_i32_1 = arith.constant 0 : i32
    return %c0_i32, %c0_i32_0 : i32, i32
  }
  func.func @transform_4(%arg0: i32) -> (i32, i32) {
    %c0_i32 = arith.constant 0 : i32
    %c0_i32_0 = arith.constant 0 : i32
    %c0_i32_1 = arith.constant 0 : i32
    return %c0_i32, %c0_i32_0 : i32, i32
  }
  func.func @transform_5(%arg0: i32) -> (i32, i32) {
    %c0_i32 = arith.constant 0 : i32
    %c0_i32_0 = arith.constant 0 : i32
    %c0_i32_1 = arith.constant 0 : i32
    return %c0_i32, %c0_i32_0 : i32, i32
  }
  func.func @transform_6(%arg0: i32) -> (i32, i32) {
    %c0_i32 = arith.constant 0 : i32
    %c0_i32_0 = arith.constant 0 : i32
    %c0_i32_1 = arith.constant 0 : i32
    return %c0_i32, %c0_i32_0 : i32, i32
  }
  func.func @transform_7(%arg0: i32) -> (i32, i32) {
    %c0_i32 = arith.constant 0 : i32
    %c0_i32_0 = arith.constant 0 : i32
    return %arg0, %c0_i32 : i32, i32
  }
}

module attributes {stable_mosaic.version = 14 : i64} {
  func.func @_final_body(%arg0: i32, %arg1: memref<2x400x128xf32, #tpu.memory_space<vmem>>, %arg2: memref<2x400x128xf32, #tpu.memory_space<vmem>>, %arg3: memref<400x128xf32, #tpu.memory_space<vmem>>, %arg4: memref<400x128xf32, #tpu.memory_space<vmem>>, %arg5: memref<128x128xf32, #tpu.memory_space<vmem>>, %arg6: memref<400x128xf32, #tpu.memory_space<vmem>>) attributes {dimension_semantics = [#tpu.dimension_semantics<arbitrary>], iteration_bounds = array<i64: 25>, scalar_prefetch = 0 : i64, scratch_operands = 0 : i64, tpu.core_type = #tpu.core_type<tc>, window_params = [{transform_indices = @transform_0, window_bounds = array<i64: 2, 400, 128>}, {transform_indices = @transform_1, window_bounds = array<i64: 2, 400, 128>}, {transform_indices = @transform_2, window_bounds = array<i64: 400, 128>}, {transform_indices = @transform_3, window_bounds = array<i64: 400, 128>}, {pipeline_mode = #tpu.pipeline_mode<synchronous>, transform_indices = @transform_4, window_bounds = array<i64: 128, 128>}, {transform_indices = @transform_5, window_bounds = array<i64: 400, 128>}]} {
    %get3A = arith.constant 0 : index
    %get3A_0 = arith.constant 0 : index
    %get3A_1 = arith.constant 0 : index
    %get3A_2 = vector.load %arg1[%get3A, %get3A_0, %get3A_1] : memref<2x400x128xf32, #tpu.memory_space<vmem>>, vector<1x400x128xf32>
    %get3A_3 = vector.shape_cast %get3A_2 : vector<1x400x128xf32> to vector<400x128xf32>
    %get3A_4 = arith.constant 1 : index
    %get3A_5 = arith.constant 0 : index
    %get3A_6 = arith.constant 0 : index
    %get3A_7 = vector.load %arg1[%get3A_4, %get3A_5, %get3A_6] : memref<2x400x128xf32, #tpu.memory_space<vmem>>, vector<1x400x128xf32>
    %get3A_8 = vector.shape_cast %get3A_7 : vector<1x400x128xf32> to vector<400x128xf32>
    %add3A = arith.addf %get3A_3, %get3A_8 : vector<400x128xf32>
    %get3A_9 = arith.constant 0 : index
    %get3A_10 = arith.constant 0 : index
    %get3A_11 = arith.constant 0 : index
    %get3A_12 = vector.load %arg2[%get3A_9, %get3A_10, %get3A_11] : memref<2x400x128xf32, #tpu.memory_space<vmem>>, vector<1x400x128xf32>
    %get3A_13 = vector.shape_cast %get3A_12 : vector<1x400x128xf32> to vector<400x128xf32>
    %add3A_14 = arith.addf %add3A, %get3A_13 : vector<400x128xf32>
    %get3A_15 = arith.constant 1 : index
    %get3A_16 = arith.constant 0 : index
    %get3A_17 = arith.constant 0 : index
    %get3A_18 = vector.load %arg2[%get3A_15, %get3A_16, %get3A_17] : memref<2x400x128xf32, #tpu.memory_space<vmem>>, vector<1x400x128xf32>
    %get3A_19 = vector.shape_cast %get3A_18 : vector<1x400x128xf32> to vector<400x128xf32>
    %add3A_20 = arith.addf %add3A_14, %get3A_19 : vector<400x128xf32>
    %mul3A = arith.constant 0.176776692 : f32
    %mul3A_21 = vector.broadcast %mul3A : f32 to vector<400x128xf32>
    %mul3A_22 = arith.mulf %add3A_20, %mul3A_21 : vector<400x128xf32>
    %get3A_23 = arith.constant 0 : index
    %get3A_24 = arith.constant 0 : index
    %get3A_25 = vector.load %arg3[%get3A_23, %get3A_24] : memref<400x128xf32, #tpu.memory_space<vmem>>, vector<400x128xf32>
    %mul3A_26 = arith.mulf %mul3A_22, %get3A_25 : vector<400x128xf32>
    %get3A_27 = arith.constant 0 : index
    %get3A_28 = arith.constant 0 : index
    %get3A_29 = vector.load %arg5[%get3A_27, %get3A_28] : memref<128x128xf32, #tpu.memory_space<vmem>>, vector<128x128xf32>
    %dot_general3A = arith.constant dense<0.000000e+00> : vector<400x128xf32>
    %dot_general3A_30 = tpu.matmul %mul3A_26, %get3A_29, %dot_general3A {dimension_numbers = #tpu.dot_dimension_numbers<[1], [0], [0], [1], [0, 0, 1, 1], [], []>, transpose_lhs_hint = false} : vector<400x128xf32>, vector<128x128xf32>, vector<400x128xf32> -> vector<400x128xf32>
    %mul3A_31 = arith.constant 0.0883883461 : f32
    %mul3A_32 = vector.broadcast %mul3A_31 : f32 to vector<400x128xf32>
    %mul3A_33 = arith.mulf %dot_general3A_30, %mul3A_32 : vector<400x128xf32>
    %logistic3A = arith.negf %mul3A_33 : vector<400x128xf32>
    %logistic3A_34 = math.exp %logistic3A : vector<400x128xf32>
    %logistic3A_35 = arith.constant 1.000000e+00 : f32
    %logistic3A_36 = vector.broadcast %logistic3A_35 : f32 to vector<400x128xf32>
    %logistic3A_37 = arith.addf %logistic3A_36, %logistic3A_34 : vector<400x128xf32>
    %logistic3A_38 = arith.divf %logistic3A_36, %logistic3A_37 : vector<400x128xf32>
    %mul3A_39 = arith.mulf %mul3A_33, %logistic3A_38 : vector<400x128xf32>
    %get3A_40 = arith.constant 0 : index
    %get3A_41 = arith.constant 0 : index
    %get3A_42 = vector.load %arg4[%get3A_40, %get3A_41] : memref<400x128xf32, #tpu.memory_space<vmem>>, vector<400x128xf32>
    %add3A_43 = arith.addf %mul3A_39, %get3A_42 : vector<400x128xf32>
    %swap3A = arith.constant 0 : index
    %swap3A_44 = arith.constant 0 : index
    %swap3A_45 = vector.load %arg6[%swap3A, %swap3A_44] : memref<400x128xf32, #tpu.memory_space<vmem>>, vector<400x128xf32>
    tpu.vector_store %arg6[%swap3A, %swap3A_44], %add3A_43 {strides = array<i32>} : memref<400x128xf32, #tpu.memory_space<vmem>>, vector<400x128xf32>,
    return
  }
  func.func @transform_0(%arg0: i32) -> (i32, i32, i32) {
    %c0_i32 = arith.constant 0 : i32
    %c0_i32_0 = arith.constant 0 : i32
    %c0_i32_1 = arith.constant 0 : i32
    return %c0_i32, %arg0, %c0_i32_0 : i32, i32, i32
  }
  func.func @transform_1(%arg0: i32) -> (i32, i32, i32) {
    %c0_i32 = arith.constant 0 : i32
    %c0_i32_0 = arith.constant 0 : i32
    %c0_i32_1 = arith.constant 0 : i32
    return %c0_i32, %arg0, %c0_i32_0 : i32, i32, i32
  }
  func.func @transform_2(%arg0: i32) -> (i32, i32) {
    %c0_i32 = arith.constant 0 : i32
    %c0_i32_0 = arith.constant 0 : i32
    return %arg0, %c0_i32 : i32, i32
  }
  func.func @transform_3(%arg0: i32) -> (i32, i32) {
    %c0_i32 = arith.constant 0 : i32
    %c0_i32_0 = arith.constant 0 : i32
    return %arg0, %c0_i32 : i32, i32
  }
  func.func @transform_4(%arg0: i32) -> (i32, i32) {
    %c0_i32 = arith.constant 0 : i32
    %c0_i32_0 = arith.constant 0 : i32
    %c0_i32_1 = arith.constant 0 : i32
    return %c0_i32, %c0_i32_0 : i32, i32
  }
  func.func @transform_5(%arg0: i32) -> (i32, i32) {
    %c0_i32 = arith.constant 0 : i32
    %c0_i32_0 = arith.constant 0 : i32
    return %arg0, %c0_i32 : i32, i32
  }
}

</mosaic_0001>

<sc_bundles>
// kernel: gather_offload_async_start.1
scs
__scs_entry_jumppad:
0x0: {  	(pc) =	sbr.rel $0x88, $3  }
0x1: {  	(tag) =	ssettag $0x0;
	lr =	simm.s32 $0x1  }
0x2: {  	[smem:$0x3F95] =	sst lr;
	_ =	strace $0xD0000000  }
0x3: {  	_ = 	snop  }
0x4: {  	_ = 	snop  }
0x5: {  	_ = 	snop  }
0x6: {  	_ = 	snop  }
0x7: {  	_ = 	snop  }
__scs_overlays_trampoline_lowered:
0x8: {  	[smem:$0x3FA4] =	sst s0  }
0x9: {  	[smem:$0x3FA5] =	sst s1  }
0xa: {  	[smem:$0x3FA6] =	sst s2  }
0xb: {  	[smem:$0x3FA7] =	sst s3  }
0xc: {  	[smem:$0x3FA8] =	sst s4  }
0xd: {  	[smem:$0x3FA9] =	sst s5  }
0xe: {  	[smem:$0x3FAA] =	sst s6  }
0xf: {  	[smem:$0x3FAB] =	sst s7  }
0x10: {  	[smem:$0x3FAC] =	sst s8  }
0x11: {  	[smem:$0x3FAD] =	sst s9;
	s0 =	simm.s32 @!p0 $0x0  }
0x12: {  	s1 =	sld [smem:$0x3F93];
	s0 =	simm.s32 @p0 $0x1  }
0x13: {  	[smem:$0x3FAE] =	sst s0;
	s0 =	simm.s32 @!p1 $0x0  }
0x14: {  	s2 =	sld [smem:$0x3F92];
	s0 =	simm.s32 @p1 $0x1  }
0x15: {  	[smem:$0x3FAF] =	sst s0;
	s0 =	simm.s32 @!p2 $0x0  }
0x16: {  	s3 =	sld [smem:$0x3FDB];
	s0 =	simm.s32 @p2 $0x1  }
0x17: {  	s4 =	simm.s32 $0x1BF5;
	[smem:$0x3FB1] =	sst s0  }
0x18: {  	s0 =	sld [smem:$0x3F94];
	_ =	swait.ge [sflag:s4], $0x0  }
0x19: {  	s7 =	sld [smem:$0x3F95]  }
0x1a: {  	s8 =	sadd.s32 $0xFFFFE003, lr  }
0x1b: {  	s9 =	sadd.s32 $0xFFFFFEF7, lr;
	s5 =	simm.s32 $0xFFFFFFFF;
	p2 =	slt.u32 s8, $0xFFFFF086  }
0x1c: {  	p1 =	slt.u32 s9, $0xF7A;
	s5 =	simm.s32 @!p2 $0x0  }
0x1d: {  	s5 =	simm.s32 @p1 $0x1;
	p0 =	seq.s32 s7, s2  }
0x1e: {  	s7 =	smul.u32 @!p0 $0xF7A, s2;
	p2 =	seq.s32 @!p0 s5, $0x0  }
0x1f: {  	s9 =	smul.u32 $0xF7A, s1;
	s8 =	simm.s32 @!p0 $0x1BF5;
	p2 =	por !p2, p0  }
0x20: {  	[sflag:s8] =	ssyncset.s32 @!p0 $0xFFFFF086;
	s6 =	sadd.s32 @!p0 s3, s7;
	s7 =	simm.s32 @!p0 $0x108  }
0x21: {  	s3 =	sadd.s32 s3, s9;
	s6 =	sadd.s32 @!p0 $0x88, s6;
	s7 =	simm.s32 @p2 $0x1082  }
0x22: {  	[simem:s7], [sflag:s8] =	dma.local @!p0 [hbm:s6], $0xF7A  }
0x23: {  	s9 =	sor.u32 $0xD0000000, s2;
	s6 =	simm.s32 $0x108;
	_ =	swait.ge @!p0 [sflag:s8], $0x0  }
0x24: {  	s3 =	sadd.s32 $0x88, s3;
	s6 =	simm.s32 @!p1 $0x1082;
	[sflag:s4] =	ssyncset.s32 $0xFFFFF086  }
0x25: {  	[simem:s6], [sflag:s4] =	dma.local [hbm:s3], $0xF7A  }
0x26: {  	[smem:$0x3F95] =	sst s1;
	(tag) =	ssettag s2;
	_ =	strace s9  }
0x27: {  	s1 =	sld [smem:$0x3FA5]  }
0x28: {  	s2 =	sld [smem:$0x3FA6]  }
0x29: {  	s4 =	sld [smem:$0x3FA8]  }
0x2a: {  	p0 =	seq.s32 s5, $0x0;
	s5 =	sld [smem:$0x3FA9]  }
0x2b: {  	s6 =	sld [smem:$0x3FAA]  }
0x2c: {  	s7 =	sld [smem:$0x3FAB]  }
0x2d: {  	s3 =	simm.s32 $0x108;
	s8 =	sld [smem:$0x3FAC]  }
0x2e: {  	s3 =	simm.s32 @!p0 $0x1082;
	s9 =	sld [smem:$0x3FAD]  }
0x2f: {  	lr =	sadd.s32 s0, s3;
	s0 =	sld [smem:$0x3FA4]  }
0x30: {  	s3 =	sld [smem:$0x3FA7]  }
0x31: {  	[smem:$0x3FB0] =	sst s10  }
0x32: {  	s10 =	sld [smem:$0x3FAE];
	_ =	sdelay $0x3  }
0x33: {  	p0 =	seq.s32 s10, $0x1;
	s10 =	sld [smem:$0x3FB0];
	_ =	sdelay $0x3  }
0x34: {  	[smem:$0x3FB0] =	sst s10  }
0x35: {  	s10 =	sld [smem:$0x3FAF];
	_ =	sdelay $0x3  }
0x36: {  	p1 =	seq.s32 s10, $0x1;
	s10 =	sld [smem:$0x3FB0];
	_ =	sdelay $0x3  }
0x37: {  	[smem:$0x3FB0] =	sst s10  }
0x38: {  	s10 =	sld [smem:$0x3FB1]  }
0x39: {  	_ = 	snop;
	(pc) =	sbr.ind lr, $3  }
0x3a: {  	_ = 	snop  }
0x3b: {  	_ = 	snop  }
0x3c: {  	p2 =	seq.s32 s10, $0x1;
	s10 =	sld [smem:$0x3FB0]  }
0x3d: {  	_ =	shalt  }
0x3e: {  	_ =	shalt  }
0x3f: {  	_ =	shalt  }
0x40: {  	_ =	shalt  }
0x41: {  	_ =	shalt  }
0x42: {  	_ =	shalt  }
0x43: {  	_ =	shalt  }
0x44: {  	_ =	shalt  }
0x45: {  	_ =	shalt  }
0x46: {  	_ =	shalt  }
0x47: {  	_ =	shalt  }
0x48: {  	_ =	shalt  }
0x49: {  	_ =	shalt  }
0x4a: {  	_ =	shalt  }
0x4b: {  	_ =	shalt  }
0x4c: {  	_ =	shalt  }
0x4d: {  	_ =	shalt  }
0x4e: {  	_ =	shalt  }
0x4f: {  	_ =	shalt  }
0x50: {  	_ =	shalt  }
0x51: {  	_ =	shalt  }
0x52: {  	_ =	shalt  }
0x53: {  	_ =	shalt  }
0x54: {  	_ =	shalt  }
0x55: {  	_ =	shalt  }
0x56: {  	_ =	shalt  }
0x57: {  	_ =	shalt  }
0x58: {  	_ =	shalt  }
0x59: {  	_ =	shalt  }
0x5a: {  	_ =	shalt  }
0x5b: {  	_ =	shalt  }
0x5c: {  	_ =	shalt  }
0x5d: {  	_ =	shalt  }
0x5e: {  	_ =	shalt  }
0x5f: {  	_ =	shalt  }
0x60: {  	_ =	shalt  }
0x61: {  	_ =	shalt  }
0x62: {  	_ =	shalt  }
0x63: {  	_ =	shalt  }
0x64: {  	_ =	shalt  }
0x65: {  	_ =	shalt  }
0x66: {  	_ =	shalt  }
0x67: {  	_ =	shalt  }
0x68: {  	_ =	shalt  }
0x69: {  	_ =	shalt  }
0x6a: {  	_ =	shalt  }
0x6b: {  	_ =	shalt  }
0x6c: {  	_ =	shalt  }
0x6d: {  	_ =	shalt  }
0x6e: {  	_ =	shalt  }
0x6f: {  	_ =	shalt  }
0x70: {  	_ =	shalt  }
0x71: {  	_ =	shalt  }
0x72: {  	_ =	shalt  }
0x73: {  	_ =	shalt  }
0x74: {  	_ =	shalt  }
0x75: {  	_ =	shalt  }
0x76: {  	_ =	shalt  }
0x77: {  	_ =	shalt  }
0x78: {  	_ =	shalt  }
0x79: {  	_ =	shalt  }
0x7a: {  	_ =	shalt  }
0x7b: {  	_ =	shalt  }
0x7c: {  	_ =	shalt  }
0x7d: {  	_ =	shalt  }
0x7e: {  	_ =	shalt  }
0x7f: {  	_ =	shalt  }
0x80: {  	_ =	shalt  }
0x81: {  	_ =	shalt  }
0x82: {  	_ =	shalt  }
0x83: {  	_ =	shalt  }
0x84: {  	_ =	shalt  }
0x85: {  	_ =	shalt  }
0x86: {  	_ =	shalt  }
0x87: {  	_ =	shalt  }
.Lfunc_end0:
.L_simem_size_0:
called_computation.1_lowered:
.L_overlay_start_0:
0x88: {  	s2 =	sld [smem:$0x3FD9]  }
0x89: {  	s3 =	sld [smem:$0x3FFE];
	_ =	sdelay $0x1  }
0x8a: {  	s1 =	srdreg.scid  }
0x8b: {  	s0 =	sand.u32 $0x1, s1  }
0x8c: {  	s16 =	sshll.u32 s0, $0xA;
	s2 =	sadd.s32 s3, s2  }
0x8d: {  	s2 =	sadd.s32 s2, s16  }
0x8e: {  	[smem:$0x3FBC] =	sst s2  }
0x8f: {  	_ = 	snop  }
0x90: {  	(tm) =	ssettm $0x1  }
0x91: {  	s17 =	sld [smem:$0x3FFB];
	_ =	sdelay $0x3  }
0x92: {  	_ =	strace s17  }
0x93: {  	s2 =	sld [smem:$0x3FFC];
	_ =	sdelay $0x3  }
0x94: {  	_ =	strace s2  }
0x95: {  	s2 =	sld [smem:$0x3FFD];
	_ =	sdelay $0x3  }
0x96: {  	_ =	strace s2  }
0x97: {  	_ =	strace $0x8FFFFFFF  }
0x98: {  	s18 =	sld [smem:$0x3FDB];
	_ =	sdelay $0x1  }
0x99: {  	s19 =	simm.s32 $_scs_section_size  }
0x9a: {  	s4 =	simm.s32 $_size__tile_overlayer_lowered;
	s5 =	simm.s32 $_tile_overlayer_lowered  }
0x9b: {  	s22 =	simm.s32 $0x1BFF;
	s21 =	sshll.u32 s5, $0x1;
	s2 =	sadd.s32 s19, s18  }
0x9c: {  	s6 =	simm.s32 $0x0;
	s20 =	sshll.u32 s4, $0x1;
	s4 =	sadd.s32 s21, s2  }
0x9d: {  	[timem:s6], [sflag:s22] =	dma.local [hbm:s4], s20  }
0x9e: {  	_ =	swait.ge [sflag:s22], s20  }
0x9f: {  	s3 =	ssub.s32 $0x0, s20;
	[sflag:s22] =	ssyncset.done $0x0  }
0xa0: {  	[sflag:s22] =	ssyncadd.s32 s3;
	_ =	sdelay $0x1  }
0xa1: {  	s23 =	simm.s32 $0x1B8B  }
0xa2: {  	_ =	swait.ge [sflag:s23], $0x1  }
0xa3: {  	[sflag:s23] =	ssyncset.done $0x0  }
0xa4: {  	s25 =	simm.s32 $0x1B8E;
	s24 =	sld [smem:$0x3FFE];
	[sflag:s23] =	ssyncadd.s32 $0xFFFFFFFF  }
0xa5: {  	s26 =	simm.s32 $execute0_lowered;
	[smem:$0x3FD2] =	sst s25  }
0xa6: {  	s4 =	sshll.u32 s26, $0x1;
	_ =	strace $0x80000049;
	[dreg:$0x1] =	wrdreg $0xFFFFFFFF  }
0xa7: {  	s28 =	simm.s32 $_size_execute0_lowered;
	s2 =	sadd.s32 s2, s4;
	[dreg:$0x0] =	wrdreg $0x0  }
0xa8: {  	s4 =	sshll.u32 s28, $0x1;
	[dreg:$0x2] =	wrdreg s2  }
0xa9: {  	[dreg:$0x3] =	wrdreg s4  }
0xaa: {  	[dreg:$0x4] =	wrdreg $0xC0  }
0xab: {  	_ =	task [dreg:s6], $0x5FFFF  }
0xac: {  	[dreg:$0x1] =	wrdreg $0xFFFFFFFF  }
0xad: {  	[dreg:$0x0] =	wrdreg $0x60  }
0xae: {  	[dreg:$0x2] =	wrdreg s24  }
0xaf: {  	[dreg:$0x3] =	wrdreg $0xA  }
0xb0: {  	_ =	task.clear_ibuf [dreg:s6], $0x4FFFF;
	_ =	strace $0x90000049  }
0xb1: {  	s29 =	simm.s32 $0xA;
	_ =	strace $0x8000004B  }
0xb2: {  	_ =	swait.ge [sflag:s29], $0x1  }
0xb3: {  	[sflag:s29] =	ssyncadd.s32 $0xFFFFFFFF  }
0xb4: {  	_ =	strace $0x9000004B  }
0xb5: {  	_ =	sfence  }
0xb6: {  	s30 =	sld [smem:$0x0];
	_ =	sdelay $0x2  }
0xb7: {  	s31 =	sshll.u32 s1, $0xD;
	s1 =	sshrl.u32 s1, $0x2  }
0xb8: {  	s3 =	sand.u32 $0x4000, s31;
	s1 =	sadd.s32 s1, s30  }
0xb9: {  	s0 =	sor.u32 s3, s0;
	s1 =	sshll.u32 s1, $0x11  }
0xba: {  	s0 =	sor.u32 s1, s0  }
0xbb: {  	s0 =	sadd.s32 $0x8F2B, s0  }
0xbc: {  	[sflag:s0] =	ssyncadd.remote.s32 $0x1  }
0xbd: {  	_ =	sfence.sel $0xFFFF  }
0xbe: {  	[dreg:$0x0] =	wrdreg $0xFFFFFFFF;
	(pc) =	sbr.abs _section_cstart, $3  }
0xbf: {  	[dreg:$0x1] =	wrdreg $0xFFFFFFFF  }
0xc0: {  	_ =	task.clear_ibuf [dreg:s6], $0x2FFFF;
	_ =	strace $0x9FFFFFFF  }
0xc1: {  	(tm) =	ssettm $0x7FFFFFFF  }
tec
execute0_lowered:
.L_overlay_start_1:
0x0: {  	(tag) =	ssettag $0x1  }
0x1: {  	s8 =	rddreg [dreg:$0x0]  }
0x2: {  	s0 =	rddreg [dreg:$0x1];
	_ =	strace $0x8000004A;
	s1 =	stileid.u32  }
0x3: {  	s3 =	srdreg.scid;
	s4 =	simm.s32 $0x1;
	s7 =	simm.s32 $0x1  }
0x4: {  	s9 =	simm.s32 $0x1;
	s10 =	simm.s32 $0x3;
	s13 =	simm.s32 $0x0  }
0x5: {  	s12 =	simm.s32 $0x0;
	s5 =	sand.u32 $0x1, s3;
	s6 =	sshll.u32 s1, $0x1  }
0x6: {  	s2 =	sadd.s32 $0x16200, s8;
	s3 =	sadd.s32 $0x20000, s8;
	s5 =	sor.u32 s6, s5  }
.Ltmp0:
0x7: {  	[sflag:s4] =	ssyncpa.u1 $0x0;
	p0 =	slt.u32 s5, $0x9;
	(pc) =	sbr.rel .LBB2_1-.Ltmp0, $4  }
0x8: {  	s6 =	simm.s32 $0x2;
	s7 =	simm.s32 @!p0 $0x0;
	p0 =	sne.s32 s5, $0x8  }
0x9: {  	[sflag:s6] =	ssyncpa.u1 $0x0;
	s5 =	smul.u32 $0x1F40, s5;
	s9 =	simm.s32 @!p0 $0x0  }
0xa: {  	s8 =	sadd.s32 $0xA200, s8;
	[sflag:s10] =	ssyncpa.u1 $0x0;
	s7 =	sadd.s32 s9, s7  }
0xb: {  	vm0 =	vmmov $0xffff;
	s10 =	simm.s32 $0x0;
	s11 =	smov.u32 s5;
	s9 =	sadd.s32 $0x1, s7  }
.LBB2_4:
0xc: {  	v2 =	vnsel vm1, $0x0, v2  }
0xd: {  	vm1 =	vgt.s32 v0, $0x0;
	v2 =	vmin.u32 v2, $0x4E1FF  }
0xe: {  	v0 =	vnsel vm1, $0x0, v0  }
0xf: {  	v0 =	vmin.u32 v0, $0x4E1FF  }
0x10: {  	[tilespmem:s18], [sflag:$0x1] =	stream.indirect_vreg.gather [hbm4b:s2+s10], $0x1, v1, vm0, $0x4038;
	[tilespmem:$0x7D00] =	vst v63  }
0x11: {  	(ifvalue) =	ssetifvalue $0x7FFFFFFF  }
0x12: {  	[tilespmem:s15], [sflag:$0x1] =	stream.indirect_vreg.gather [hbm4b:s2+s10], $0x1, v2, vm0, $0x4038;
	[tilespmem:$0x7D00] =	vst v63  }
0x13: {  	s29 =	sadd.s32 $0x10, s15;
	(ifvalue) =	ssetifvalue $0x7FFFFFFF  }
0x14: {  	[tilespmem:s29], [sflag:$0x1] =	stream.indirect_vreg.gather [hbm4b:s2+s10], $0x1, v0, vm0, $0x4038;
	[tilespmem:$0x7D00] =	vst v63  }
0x15: {  	_ =	swait.ge [sflag:s4], $0x1F40  }
0x16: {  	s30 =	sshrl.u32 s13, $0x3;
	[sflag:s4] =	ssyncset.done $0x0  }
0x17: {  	s31 =	sand.u32 $0x7, s13;
	s15 =	sadd.s32 s8, s30;
	[sflag:s4] =	ssyncadd.s32 $0xFFFFE0C0  }
0x18: {  	[hbm4b:s15+s31] =	stream.linear.scatter [tilespmem:s14], [sflag:$0x3], $0x1F40, $0x38;
	[tilespmem:$0x7D00] =	vst v63  }
.LBB2_5:
0x19: {  	s15 =	sadd.s32 $0x3E800, s11  }
0x1a: {  	p1 =	sgt.s32 s15, $0x4E1FF  }
0x1b: {  	s15 =	smov.u32 @p1 s5;
	p1 =	sne.s32 s12, s9  }
.Ltmp1:
0x1c: {  	p0 =	slt.u32 s12, $0x2;
	(pc) =	sbr.rel @!p1 .LBB2_6-.Ltmp1, $4  }
0x1d: {  	s14 =	simm.s32 @!p0 $0x3  }
0x1e: {  	_ =	swait.ge @!p0 [sflag:s14], $0x1F40  }
0x1f: {  	s16 =	sadd.s32 $0x1, s12;
	s13 =	smov.u32 s11;
	[sflag:s14] =	ssyncset.done @!p0 $0x0  }
0x20: {  	s12 =	smov.u32 s16;
	s11 =	smov.u32 s15;
	[sflag:s14] =	ssyncadd.s32 @!p0 $0xFFFFE0C0  }
.LBB2_1:
0x21: {  	p0 =	sge.u32 s12, s7  }
0x22: {  	s14 =	sxor.u32 @!p0 $0x1, s12  }
0x23: {  	s14 =	smul.u32 @!p0 $0x7D00, s14  }
0x24: {  	s31 =	sadd.s32 $0xFFFFFFFF, s12;
	s15 =	sshrl.u32 @!p0 s11, $0x3  }
0x25: {  	s16 =	sand.u32 @!p0 $0x7, s11;
	s15 =	sadd.s32 @!p0 s3, s15;
	s14 =	sshra.s32 @!p0 s14, $0x2  }
0x26: {  	[tilespmem:s14], [sflag:$0x2] =	stream.linear.gather @!p0 [hbm4b:s15+s16], $0x1F40, $0x38;
	[tilespmem:$0x7D00] =	vst v63  }
0x27: {  	p0 =	sge.u32 s31, s7  }
.Ltmp2:
0x28: {  	_ = 	snop;
	(pc) =	sbr.rel @p0 .LBB2_5-.Ltmp2, $1  }
0x29: {  	_ =	sdelay $0x3  }
0x2a: {  	s14 =	sand.u32 $0x1, s12  }
0x2b: {  	_ =	swait.ge [sflag:s6], $0x1F40;
	p0 =	seq.s32 s14, $0x1;
	s14 =	simm.s32 $0x1F40  }
0x2c: {  	[sflag:s6] =	ssyncset.done $0x0;
	s14 =	simm.s32 @!p0 $0x0  }
0x2d: {  	[sflag:s6] =	ssyncadd.s32 $0xFFFFE0C0;
	(ifvalue) =	ssetifvalue $0x7FFFFFFF;
	v0 =	vld.msk [tilespmem:s14+$0x0 ss:$0x1], $0xffff;
	_ =	sdelay $0x4  }
0x2e: {  	s15 =	sadd.s32 $0x10, s14;
	vm1 =	vgt.s32 v0, $0x0  }
0x2f: {  	v2 =	vld.msk [tilespmem:s15+$0x0 ss:$0x1], $0xffff;
	v1 =	vnsel vm1, $0x0, v0  }
0x30: {  	v1 =	vmin.u32 v1, $0x4E1FF;
	_ =	sdelay $0x2  }
0x31: {  	s17 =	simm.s32 $0x20;
	s14 =	sadd.s32 $0x3E80, s14;
	s16 =	sadd.s32 $0x10, s15  }
0x32: {  	s15 =	sadd.s32 $0x10, s14;
	s18 =	smov.u32 s14;
	v0 =	vld.msk [tilespmem:s16+$0x0 ss:$0x1], $0xffff;
	vm1 =	vgt.s32 v2, $0x0;
	(ifvalue) =	ssetifvalue $0x7FFFFFFF  }
.LBB2_3:
0x33: {  	[tilespmem:s18], [sflag:$0x1] =	stream.indirect_vreg.gather [hbm4b:s2+s10], $0x1, v1, vm0, $0x4038;
	[tilespmem:$0x7D00] =	vst v63  }
0x34: {  	s17 =	sadd.s32 $0x10, s17  }
0x35: {  	v2 =	vnsel vm1, $0x0, v2;
	p0 =	slt.u32 s17, $0x1F30  }
.Ltmp3:
0x36: {  	s18 =	smov.u32 s15;
	v1 =	vmin.u32 v2, $0x4E1FF;
	(pc) =	sbr.rel @p0 .LBB2_3-.Ltmp3, $3  }
0x37: {  	_ =	sdelay $0x1  }
0x38: {  	s16 =	sadd.s32 $0x10, s16  }
0x39: {  	vm1 =	vgt.s32 v0, $0x0;
	s15 =	sadd.s32 $0x10, s15;
	v2 =	vmov v0;
	(ifvalue) =	ssetifvalue $0x7FFFFFFF;
	v0 =	vld.msk [tilespmem:s16+$0x0 ss:$0x1], $0xffff  }
.Ltmp4:
0x3a: {  	_ = 	snop;
	(pc) =	sbr.rel .LBB2_4-.Ltmp4, $1  }
0x3b: {  	_ =	sdelay $0x3  }
.LBB2_6:
0x3c: {  	_ =	sfence.sel $0x180000  }
0x3d: {  	s2 =	simm.s32 $0x2;
	[bflag:$0x0] =	sbarrier.arrive $0xFFFF  }
0x3e: {  	s30 =	simm.s32 $0x3;
	[sflag:s2] =	ssyncpa.u1 $0x1  }
0x3f: {  	s31 =	simm.s32 $0x1;
	[sflag:s30] =	ssyncpa.u1 $0x1  }
0x40: {  	[sflag:s31] =	ssyncpa.u1 $0x1  }
0x41: {  	p0 =	sne.s32 s1, $0x0;
	_ =	strace $0x9000004A  }
0x42: {  	s0 =	sadd.s32 @!p0 $0x100000, s0;
	[bflag:$0x2] =	sbarrier.arrive $0xFFFF  }
0x43: {  	[sflag:s0] =	ssyncadd.tile.s32 @!p0 $0x1;
	_ =	shalt  }
.Lfunc_end2:
_tile_overlayer_lowered:
.L_overlay_start_2:
0x44: {  	(tag) =	ssettag $0x2  }
0x45: {  	s0 =	rddreg [dreg:$0x0];
	s2 =	stileid.u32  }
0x46: {  	s1 =	rddreg [dreg:$0x1];
	p0 =	sne.s32 s2, $0x0  }
0x47: {  	s3 =	rddreg [dreg:$0x2];
	[bflag:$0x3] =	sbarrier.arrive $0xFFFF;
	s2 =	simm.s32 @!p0 $0x1C01  }
0x48: {  	[timem:s3], [sflag:s2] =	dma.local @!p0 [hbm:s0], s1  }
0x49: {  	s0 =	simm.s32 @!p0 $0x1  }
0x4a: {  	_ =	swait.ge @!p0 [sflag:s0], s1  }
0x4b: {  	s1 =	ssub.s32 @!p0 $0x0, s1;
	[sflag:s0] =	ssyncset.done @!p0 $0x0  }
0x4c: {  	[sflag:s0] =	ssyncadd.s32 @!p0 s1  }
0x4d: {  	[bflag:$0x3] =	sbarrier.arrive $0xFFFF  }
0x4e: {  	_ =	shalt  }

// kernel: gather_offload_async_start
scs
__scs_entry_jumppad:
0x0: {  	(pc) =	sbr.rel $0x88, $3  }
0x1: {  	(tag) =	ssettag $0x0;
	lr =	simm.s32 $0x1  }
0x2: {  	[smem:$0x3F95] =	sst lr;
	_ =	strace $0xD0000000  }
0x3: {  	_ = 	snop  }
0x4: {  	_ = 	snop  }
0x5: {  	_ = 	snop  }
0x6: {  	_ = 	snop  }
0x7: {  	_ = 	snop  }
__scs_overlays_trampoline_lowered:
0x8: {  	[smem:$0x3FA4] =	sst s0  }
0x9: {  	[smem:$0x3FA5] =	sst s1  }
0xa: {  	[smem:$0x3FA6] =	sst s2  }
0xb: {  	[smem:$0x3FA7] =	sst s3  }
0xc: {  	[smem:$0x3FA8] =	sst s4  }
0xd: {  	[smem:$0x3FA9] =	sst s5  }
0xe: {  	[smem:$0x3FAA] =	sst s6  }
0xf: {  	[smem:$0x3FAB] =	sst s7  }
0x10: {  	[smem:$0x3FAC] =	sst s8  }
0x11: {  	[smem:$0x3FAD] =	sst s9;
	s0 =	simm.s32 @!p0 $0x0  }
0x12: {  	s1 =	sld [smem:$0x3F93];
	s0 =	simm.s32 @p0 $0x1  }
0x13: {  	[smem:$0x3FAE] =	sst s0;
	s0 =	simm.s32 @!p1 $0x0  }
0x14: {  	s2 =	sld [smem:$0x3F92];
	s0 =	simm.s32 @p1 $0x1  }
0x15: {  	[smem:$0x3FAF] =	sst s0;
	s0 =	simm.s32 @!p2 $0x0  }
0x16: {  	s3 =	sld [smem:$0x3FDB];
	s0 =	simm.s32 @p2 $0x1  }
0x17: {  	s4 =	simm.s32 $0x1BF5;
	[smem:$0x3FB1] =	sst s0  }
0x18: {  	s0 =	sld [smem:$0x3F94];
	_ =	swait.ge [sflag:s4], $0x0  }
0x19: {  	s7 =	sld [smem:$0x3F95]  }
0x1a: {  	s8 =	sadd.s32 $0xFFFFE003, lr  }
0x1b: {  	s9 =	sadd.s32 $0xFFFFFEF7, lr;
	s5 =	simm.s32 $0xFFFFFFFF;
	p2 =	slt.u32 s8, $0xFFFFF086  }
0x1c: {  	p1 =	slt.u32 s9, $0xF7A;
	s5 =	simm.s32 @!p2 $0x0  }
0x1d: {  	s5 =	simm.s32 @p1 $0x1;
	p0 =	seq.s32 s7, s2  }
0x1e: {  	s7 =	smul.u32 @!p0 $0xF7A, s2;
	p2 =	seq.s32 @!p0 s5, $0x0  }
0x1f: {  	s9 =	smul.u32 $0xF7A, s1;
	s8 =	simm.s32 @!p0 $0x1BF5;
	p2 =	por !p2, p0  }
0x20: {  	[sflag:s8] =	ssyncset.s32 @!p0 $0xFFFFF086;
	s6 =	sadd.s32 @!p0 s3, s7;
	s7 =	simm.s32 @!p0 $0x108  }
0x21: {  	s3 =	sadd.s32 s3, s9;
	s6 =	sadd.s32 @!p0 $0x88, s6;
	s7 =	simm.s32 @p2 $0x1082  }
0x22: {  	[simem:s7], [sflag:s8] =	dma.local @!p0 [hbm:s6], $0xF7A  }
0x23: {  	s9 =	sor.u32 $0xD0000000, s2;
	s6 =	simm.s32 $0x108;
	_ =	swait.ge @!p0 [sflag:s8], $0x0  }
0x24: {  	s3 =	sadd.s32 $0x88, s3;
	s6 =	simm.s32 @!p1 $0x1082;
	[sflag:s4] =	ssyncset.s32 $0xFFFFF086  }
0x25: {  	[simem:s6], [sflag:s4] =	dma.local [hbm:s3], $0xF7A  }
0x26: {  	[smem:$0x3F95] =	sst s1;
	(tag) =	ssettag s2;
	_ =	strace s9  }
0x27: {  	s1 =	sld [smem:$0x3FA5]  }
0x28: {  	s2 =	sld [smem:$0x3FA6]  }
0x29: {  	s4 =	sld [smem:$0x3FA8]  }
0x2a: {  	p0 =	seq.s32 s5, $0x0;
	s5 =	sld [smem:$0x3FA9]  }
0x2b: {  	s6 =	sld [smem:$0x3FAA]  }
0x2c: {  	s7 =	sld [smem:$0x3FAB]  }
0x2d: {  	s3 =	simm.s32 $0x108;
	s8 =	sld [smem:$0x3FAC]  }
0x2e: {  	s3 =	simm.s32 @!p0 $0x1082;
	s9 =	sld [smem:$0x3FAD]  }
0x2f: {  	lr =	sadd.s32 s0, s3;
	s0 =	sld [smem:$0x3FA4]  }
0x30: {  	s3 =	sld [smem:$0x3FA7]  }
0x31: {  	[smem:$0x3FB0] =	sst s10  }
0x32: {  	s10 =	sld [smem:$0x3FAE];
	_ =	sdelay $0x3  }
0x33: {  	p0 =	seq.s32 s10, $0x1;
	s10 =	sld [smem:$0x3FB0];
	_ =	sdelay $0x3  }
0x34: {  	[smem:$0x3FB0] =	sst s10  }
0x35: {  	s10 =	sld [smem:$0x3FAF];
	_ =	sdelay $0x3  }
0x36: {  	p1 =	seq.s32 s10, $0x1;
	s10 =	sld [smem:$0x3FB0];
	_ =	sdelay $0x3  }
0x37: {  	[smem:$0x3FB0] =	sst s10  }
0x38: {  	s10 =	sld [smem:$0x3FB1]  }
0x39: {  	_ = 	snop;
	(pc) =	sbr.ind lr, $3  }
0x3a: {  	_ = 	snop  }
0x3b: {  	_ = 	snop  }
0x3c: {  	p2 =	seq.s32 s10, $0x1;
	s10 =	sld [smem:$0x3FB0]  }
0x3d: {  	_ =	shalt  }
0x3e: {  	_ =	shalt  }
0x3f: {  	_ =	shalt  }
0x40: {  	_ =	shalt  }
0x41: {  	_ =	shalt  }
0x42: {  	_ =	shalt  }
0x43: {  	_ =	shalt  }
0x44: {  	_ =	shalt  }
0x45: {  	_ =	shalt  }
0x46: {  	_ =	shalt  }
0x47: {  	_ =	shalt  }
0x48: {  	_ =	shalt  }
0x49: {  	_ =	shalt  }
0x4a: {  	_ =	shalt  }
0x4b: {  	_ =	shalt  }
0x4c: {  	_ =	shalt  }
0x4d: {  	_ =	shalt  }
0x4e: {  	_ =	shalt  }
0x4f: {  	_ =	shalt  }
0x50: {  	_ =	shalt  }
0x51: {  	_ =	shalt  }
0x52: {  	_ =	shalt  }
0x53: {  	_ =	shalt  }
0x54: {  	_ =	shalt  }
0x55: {  	_ =	shalt  }
0x56: {  	_ =	shalt  }
0x57: {  	_ =	shalt  }
0x58: {  	_ =	shalt  }
0x59: {  	_ =	shalt  }
0x5a: {  	_ =	shalt  }
0x5b: {  	_ =	shalt  }
0x5c: {  	_ =	shalt  }
0x5d: {  	_ =	shalt  }
0x5e: {  	_ =	shalt  }
0x5f: {  	_ =	shalt  }
0x60: {  	_ =	shalt  }
0x61: {  	_ =	shalt  }
0x62: {  	_ =	shalt  }
0x63: {  	_ =	shalt  }
0x64: {  	_ =	shalt  }
0x65: {  	_ =	shalt  }
0x66: {  	_ =	shalt  }
0x67: {  	_ =	shalt  }
0x68: {  	_ =	shalt  }
0x69: {  	_ =	shalt  }
0x6a: {  	_ =	shalt  }
0x6b: {  	_ =	shalt  }
0x6c: {  	_ =	shalt  }
0x6d: {  	_ =	shalt  }
0x6e: {  	_ =	shalt  }
0x6f: {  	_ =	shalt  }
0x70: {  	_ =	shalt  }
0x71: {  	_ =	shalt  }
0x72: {  	_ =	shalt  }
0x73: {  	_ =	shalt  }
0x74: {  	_ =	shalt  }
0x75: {  	_ =	shalt  }
0x76: {  	_ =	shalt  }
0x77: {  	_ =	shalt  }
0x78: {  	_ =	shalt  }
0x79: {  	_ =	shalt  }
0x7a: {  	_ =	shalt  }
0x7b: {  	_ =	shalt  }
0x7c: {  	_ =	shalt  }
0x7d: {  	_ =	shalt  }
0x7e: {  	_ =	shalt  }
0x7f: {  	_ =	shalt  }
0x80: {  	_ =	shalt  }
0x81: {  	_ =	shalt  }
0x82: {  	_ =	shalt  }
0x83: {  	_ =	shalt  }
0x84: {  	_ =	shalt  }
0x85: {  	_ =	shalt  }
0x86: {  	_ =	shalt  }
0x87: {  	_ =	shalt  }
.Lfunc_end0:
.L_simem_size_0:
called_computation_lowered:
.L_overlay_start_0:
0x88: {  	s2 =	sld [smem:$0x3FD9]  }
0x89: {  	s3 =	sld [smem:$0x3FFE];
	_ =	sdelay $0x1  }
0x8a: {  	s1 =	srdreg.scid  }
0x8b: {  	s0 =	sand.u32 $0x1, s1  }
0x8c: {  	s16 =	sshll.u32 s0, $0xA;
	s2 =	sadd.s32 s3, s2  }
0x8d: {  	s2 =	sadd.s32 s2, s16  }
0x8e: {  	[smem:$0x3FBC] =	sst s2  }
0x8f: {  	_ = 	snop  }
0x90: {  	(tm) =	ssettm $0x1  }
0x91: {  	s17 =	sld [smem:$0x3FFB];
	_ =	sdelay $0x3  }
0x92: {  	_ =	strace s17  }
0x93: {  	s2 =	sld [smem:$0x3FFC];
	_ =	sdelay $0x3  }
0x94: {  	_ =	strace s2  }
0x95: {  	s2 =	sld [smem:$0x3FFD];
	_ =	sdelay $0x3  }
0x96: {  	_ =	strace s2  }
0x97: {  	_ =	strace $0x8FFFFFFF  }
0x98: {  	s18 =	sld [smem:$0x3FDB];
	_ =	sdelay $0x1  }
0x99: {  	s19 =	simm.s32 $_scs_section_size  }
0x9a: {  	s4 =	simm.s32 $_size__tile_overlayer_lowered;
	s5 =	simm.s32 $_tile_overlayer_lowered  }
0x9b: {  	s22 =	simm.s32 $0x1BFF;
	s21 =	sshll.u32 s5, $0x1;
	s2 =	sadd.s32 s19, s18  }
0x9c: {  	s6 =	simm.s32 $0x0;
	s20 =	sshll.u32 s4, $0x1;
	s4 =	sadd.s32 s21, s2  }
0x9d: {  	[timem:s6], [sflag:s22] =	dma.local [hbm:s4], s20  }
0x9e: {  	_ =	swait.ge [sflag:s22], s20  }
0x9f: {  	s3 =	ssub.s32 $0x0, s20;
	[sflag:s22] =	ssyncset.done $0x0  }
0xa0: {  	[sflag:s22] =	ssyncadd.s32 s3;
	_ =	sdelay $0x1  }
0xa1: {  	s23 =	simm.s32 $0x1B8B  }
0xa2: {  	_ =	swait.ge [sflag:s23], $0x1  }
0xa3: {  	[sflag:s23] =	ssyncset.done $0x0  }
0xa4: {  	s25 =	simm.s32 $0x1B8E;
	s24 =	sld [smem:$0x3FFE];
	[sflag:s23] =	ssyncadd.s32 $0xFFFFFFFF  }
0xa5: {  	s26 =	simm.s32 $execute0_lowered;
	[smem:$0x3FD2] =	sst s25  }
0xa6: {  	s4 =	sshll.u32 s26, $0x1;
	_ =	strace $0x80000046;
	[dreg:$0x1] =	wrdreg $0xFFFFFFFF  }
0xa7: {  	s28 =	simm.s32 $_size_execute0_lowered;
	s2 =	sadd.s32 s2, s4;
	[dreg:$0x0] =	wrdreg $0x0  }
0xa8: {  	s4 =	sshll.u32 s28, $0x1;
	[dreg:$0x2] =	wrdreg s2  }
0xa9: {  	[dreg:$0x3] =	wrdreg s4  }
0xaa: {  	[dreg:$0x4] =	wrdreg $0xC0  }
0xab: {  	_ =	task [dreg:s6], $0x5FFFF  }
0xac: {  	[dreg:$0x1] =	wrdreg $0xFFFFFFFF  }
0xad: {  	[dreg:$0x0] =	wrdreg $0x60  }
0xae: {  	[dreg:$0x2] =	wrdreg s24  }
0xaf: {  	[dreg:$0x3] =	wrdreg $0x9  }
0xb0: {  	_ =	task.clear_ibuf [dreg:s6], $0x4FFFF;
	_ =	strace $0x90000046  }
0xb1: {  	s29 =	simm.s32 $0x9;
	_ =	strace $0x80000048  }
0xb2: {  	_ =	swait.ge [sflag:s29], $0x1  }
0xb3: {  	[sflag:s29] =	ssyncadd.s32 $0xFFFFFFFF  }
0xb4: {  	_ =	strace $0x90000048  }
0xb5: {  	_ =	sfence  }
0xb6: {  	s30 =	sld [smem:$0x0];
	_ =	sdelay $0x2  }
0xb7: {  	s31 =	sshll.u32 s1, $0xD;
	s1 =	sshrl.u32 s1, $0x2  }
0xb8: {  	s3 =	sand.u32 $0x4000, s31;
	s1 =	sadd.s32 s1, s30  }
0xb9: {  	s0 =	sor.u32 s3, s0;
	s1 =	sshll.u32 s1, $0x11  }
0xba: {  	s0 =	sor.u32 s1, s0  }
0xbb: {  	s0 =	sadd.s32 $0x8F2B, s0  }
0xbc: {  	[sflag:s0] =	ssyncadd.remote.s32 $0x1  }
0xbd: {  	_ =	sfence.sel $0xFFFF  }
0xbe: {  	[dreg:$0x0] =	wrdreg $0xFFFFFFFF;
	(pc) =	sbr.abs _section_cstart, $3  }
0xbf: {  	[dreg:$0x1] =	wrdreg $0xFFFFFFFF  }
0xc0: {  	_ =	task.clear_ibuf [dreg:s6], $0x2FFFF;
	_ =	strace $0x9FFFFFFF  }
0xc1: {  	(tm) =	ssettm $0x7FFFFFFF  }
tec
execute0_lowered:
.L_overlay_start_1:
0x0: {  	(tag) =	ssettag $0x1  }
0x1: {  	s8 =	rddreg [dreg:$0x0]  }
0x2: {  	s0 =	rddreg [dreg:$0x1];
	_ =	strace $0x80000047;
	s1 =	stileid.u32  }
0x3: {  	s3 =	srdreg.scid;
	s4 =	simm.s32 $0x1;
	s7 =	simm.s32 $0x1  }
0x4: {  	s9 =	simm.s32 $0x1;
	s10 =	simm.s32 $0x3;
	s13 =	simm.s32 $0x0  }
0x5: {  	s12 =	simm.s32 $0x0;
	s5 =	sand.u32 $0x1, s3;
	s6 =	sshll.u32 s1, $0x1  }
0x6: {  	s2 =	sadd.s32 $0xC400, s8;
	s3 =	sadd.s32 $0x20000, s8;
	s5 =	sor.u32 s6, s5  }
.Ltmp0:
0x7: {  	[sflag:s4] =	ssyncpa.u1 $0x0;
	p0 =	slt.u32 s5, $0x9;
	(pc) =	sbr.rel .LBB2_1-.Ltmp0, $4  }
0x8: {  	s6 =	simm.s32 $0x2;
	s7 =	simm.s32 @!p0 $0x0;
	p0 =	sne.s32 s5, $0x8  }
0x9: {  	[sflag:s6] =	ssyncpa.u1 $0x0;
	s5 =	smul.u32 $0x1F40, s5;
	s9 =	simm.s32 @!p0 $0x0  }
0xa: {  	s8 =	sadd.s32 $0x29E00, s8;
	[sflag:s10] =	ssyncpa.u1 $0x0;
	s7 =	sadd.s32 s9, s7  }
0xb: {  	vm0 =	vmmov $0xffff;
	s10 =	simm.s32 $0x0;
	s11 =	smov.u32 s5;
	s9 =	sadd.s32 $0x1, s7  }
.LBB2_4:
0xc: {  	v2 =	vnsel vm1, $0x0, v2  }
0xd: {  	vm1 =	vgt.s32 v0, $0x0;
	v2 =	vmin.u32 v2, $0x4E1FF  }
0xe: {  	v0 =	vnsel vm1, $0x0, v0  }
0xf: {  	v0 =	vmin.u32 v0, $0x4E1FF  }
0x10: {  	[tilespmem:s18], [sflag:$0x1] =	stream.indirect_vreg.gather [hbm4b:s2+s10], $0x1, v1, vm0, $0x4038;
	[tilespmem:$0x7D00] =	vst v63  }
0x11: {  	(ifvalue) =	ssetifvalue $0x7FFFFFFF  }
0x12: {  	[tilespmem:s15], [sflag:$0x1] =	stream.indirect_vreg.gather [hbm4b:s2+s10], $0x1, v2, vm0, $0x4038;
	[tilespmem:$0x7D00] =	vst v63  }
0x13: {  	s29 =	sadd.s32 $0x10, s15;
	(ifvalue) =	ssetifvalue $0x7FFFFFFF  }
0x14: {  	[tilespmem:s29], [sflag:$0x1] =	stream.indirect_vreg.gather [hbm4b:s2+s10], $0x1, v0, vm0, $0x4038;
	[tilespmem:$0x7D00] =	vst v63  }
0x15: {  	_ =	swait.ge [sflag:s4], $0x1F40  }
0x16: {  	s30 =	sshrl.u32 s13, $0x3;
	[sflag:s4] =	ssyncset.done $0x0  }
0x17: {  	s31 =	sand.u32 $0x7, s13;
	s15 =	sadd.s32 s8, s30;
	[sflag:s4] =	ssyncadd.s32 $0xFFFFE0C0  }
0x18: {  	[hbm4b:s15+s31] =	stream.linear.scatter [tilespmem:s14], [sflag:$0x3], $0x1F40, $0x38;
	[tilespmem:$0x7D00] =	vst v63  }
.LBB2_5:
0x19: {  	s15 =	sadd.s32 $0x3E800, s11  }
0x1a: {  	p1 =	sgt.s32 s15, $0x4E1FF  }
0x1b: {  	s15 =	smov.u32 @p1 s5;
	p1 =	sne.s32 s12, s9  }
.Ltmp1:
0x1c: {  	p0 =	slt.u32 s12, $0x2;
	(pc) =	sbr.rel @!p1 .LBB2_6-.Ltmp1, $4  }
0x1d: {  	s14 =	simm.s32 @!p0 $0x3  }
0x1e: {  	_ =	swait.ge @!p0 [sflag:s14], $0x1F40  }
0x1f: {  	s16 =	sadd.s32 $0x1, s12;
	s13 =	smov.u32 s11;
	[sflag:s14] =	ssyncset.done @!p0 $0x0  }
0x20: {  	s12 =	smov.u32 s16;
	s11 =	smov.u32 s15;
	[sflag:s14] =	ssyncadd.s32 @!p0 $0xFFFFE0C0  }
.LBB2_1:
0x21: {  	p0 =	sge.u32 s12, s7  }
0x22: {  	s14 =	sxor.u32 @!p0 $0x1, s12  }
0x23: {  	s14 =	smul.u32 @!p0 $0x7D00, s14  }
0x24: {  	s31 =	sadd.s32 $0xFFFFFFFF, s12;
	s15 =	sshrl.u32 @!p0 s11, $0x3  }
0x25: {  	s16 =	sand.u32 @!p0 $0x7, s11;
	s15 =	sadd.s32 @!p0 s3, s15;
	s14 =	sshra.s32 @!p0 s14, $0x2  }
0x26: {  	[tilespmem:s14], [sflag:$0x2] =	stream.linear.gather @!p0 [hbm4b:s15+s16], $0x1F40, $0x38;
	[tilespmem:$0x7D00] =	vst v63  }
0x27: {  	p0 =	sge.u32 s31, s7  }
.Ltmp2:
0x28: {  	_ = 	snop;
	(pc) =	sbr.rel @p0 .LBB2_5-.Ltmp2, $1  }
0x29: {  	_ =	sdelay $0x3  }
0x2a: {  	s14 =	sand.u32 $0x1, s12  }
0x2b: {  	_ =	swait.ge [sflag:s6], $0x1F40;
	p0 =	seq.s32 s14, $0x1;
	s14 =	simm.s32 $0x1F40  }
0x2c: {  	[sflag:s6] =	ssyncset.done $0x0;
	s14 =	simm.s32 @!p0 $0x0  }
0x2d: {  	[sflag:s6] =	ssyncadd.s32 $0xFFFFE0C0;
	(ifvalue) =	ssetifvalue $0x7FFFFFFF;
	v0 =	vld.msk [tilespmem:s14+$0x0 ss:$0x1], $0xffff;
	_ =	sdelay $0x4  }
0x2e: {  	s15 =	sadd.s32 $0x10, s14;
	vm1 =	vgt.s32 v0, $0x0  }
0x2f: {  	v2 =	vld.msk [tilespmem:s15+$0x0 ss:$0x1], $0xffff;
	v1 =	vnsel vm1, $0x0, v0  }
0x30: {  	v1 =	vmin.u32 v1, $0x4E1FF;
	_ =	sdelay $0x2  }
0x31: {  	s17 =	simm.s32 $0x20;
	s14 =	sadd.s32 $0x3E80, s14;
	s16 =	sadd.s32 $0x10, s15  }
0x32: {  	s15 =	sadd.s32 $0x10, s14;
	s18 =	smov.u32 s14;
	v0 =	vld.msk [tilespmem:s16+$0x0 ss:$0x1], $0xffff;
	vm1 =	vgt.s32 v2, $0x0;
	(ifvalue) =	ssetifvalue $0x7FFFFFFF  }
.LBB2_3:
0x33: {  	[tilespmem:s18], [sflag:$0x1] =	stream.indirect_vreg.gather [hbm4b:s2+s10], $0x1, v1, vm0, $0x4038;
	[tilespmem:$0x7D00] =	vst v63  }
0x34: {  	s17 =	sadd.s32 $0x10, s17  }
0x35: {  	v2 =	vnsel vm1, $0x0, v2;
	p0 =	slt.u32 s17, $0x1F30  }
.Ltmp3:
0x36: {  	s18 =	smov.u32 s15;
	v1 =	vmin.u32 v2, $0x4E1FF;
	(pc) =	sbr.rel @p0 .LBB2_3-.Ltmp3, $3  }
0x37: {  	_ =	sdelay $0x1  }
0x38: {  	s16 =	sadd.s32 $0x10, s16  }
0x39: {  	vm1 =	vgt.s32 v0, $0x0;
	s15 =	sadd.s32 $0x10, s15;
	v2 =	vmov v0;
	(ifvalue) =	ssetifvalue $0x7FFFFFFF;
	v0 =	vld.msk [tilespmem:s16+$0x0 ss:$0x1], $0xffff  }
.Ltmp4:
0x3a: {  	_ = 	snop;
	(pc) =	sbr.rel .LBB2_4-.Ltmp4, $1  }
0x3b: {  	_ =	sdelay $0x3  }
.LBB2_6:
0x3c: {  	_ =	sfence.sel $0x180000  }
0x3d: {  	s2 =	simm.s32 $0x2;
	[bflag:$0x0] =	sbarrier.arrive $0xFFFF  }
0x3e: {  	s30 =	simm.s32 $0x3;
	[sflag:s2] =	ssyncpa.u1 $0x1  }
0x3f: {  	s31 =	simm.s32 $0x1;
	[sflag:s30] =	ssyncpa.u1 $0x1  }
0x40: {  	[sflag:s31] =	ssyncpa.u1 $0x1  }
0x41: {  	p0 =	sne.s32 s1, $0x0;
	_ =	strace $0x90000047  }
0x42: {  	s0 =	sadd.s32 @!p0 $0x100000, s0;
	[bflag:$0x2] =	sbarrier.arrive $0xFFFF  }
0x43: {  	[sflag:s0] =	ssyncadd.tile.s32 @!p0 $0x1;
	_ =	shalt  }
.Lfunc_end2:
_tile_overlayer_lowered:
.L_overlay_start_2:
0x44: {  	(tag) =	ssettag $0x2  }
0x45: {  	s0 =	rddreg [dreg:$0x0];
	s2 =	stileid.u32  }
0x46: {  	s1 =	rddreg [dreg:$0x1];
	p0 =	sne.s32 s2, $0x0  }
0x47: {  	s3 =	rddreg [dreg:$0x2];
	[bflag:$0x3] =	sbarrier.arrive $0xFFFF;
	s2 =	simm.s32 @!p0 $0x1C01  }
0x48: {  	[timem:s3], [sflag:s2] =	dma.local @!p0 [hbm:s0], s1  }
0x49: {  	s0 =	simm.s32 @!p0 $0x1  }
0x4a: {  	_ =	swait.ge @!p0 [sflag:s0], s1  }
0x4b: {  	s1 =	ssub.s32 @!p0 $0x0, s1;
	[sflag:s0] =	ssyncset.done @!p0 $0x0  }
0x4c: {  	[sflag:s0] =	ssyncadd.s32 @!p0 s1  }
0x4d: {  	[bflag:$0x3] =	sbarrier.arrive $0xFFFF  }
0x4e: {  	_ =	shalt  }

// kernel: kernel.10.cloned.1.call-start
scs
__scs_entry_jumppad:
0x0: {  	(pc) =	sbr.rel $0x88, $3  }
0x1: {  	(tag) =	ssettag $0x0;
	lr =	simm.s32 $0x1  }
0x2: {  	[smem:$0x3F95] =	sst lr;
	_ =	strace $0xD0000000  }
0x3: {  	_ = 	snop  }
0x4: {  	_ = 	snop  }
0x5: {  	_ = 	snop  }
0x6: {  	_ = 	snop  }
0x7: {  	_ = 	snop  }
__scs_overlays_trampoline_lowered:
0x8: {  	[smem:$0x3FA4] =	sst s0  }
0x9: {  	[smem:$0x3FA5] =	sst s1  }
0xa: {  	[smem:$0x3FA6] =	sst s2  }
0xb: {  	[smem:$0x3FA7] =	sst s3  }
0xc: {  	[smem:$0x3FA8] =	sst s4  }
0xd: {  	[smem:$0x3FA9] =	sst s5  }
0xe: {  	[smem:$0x3FAA] =	sst s6  }
0xf: {  	[smem:$0x3FAB] =	sst s7  }
0x10: {  	[smem:$0x3FAC] =	sst s8  }
0x11: {  	[smem:$0x3FAD] =	sst s9;
	s0 =	simm.s32 @!p0 $0x0  }
0x12: {  	s1 =	sld [smem:$0x3F93];
	s0 =	simm.s32 @p0 $0x1  }
0x13: {  	[smem:$0x3FAE] =	sst s0;
	s0 =	simm.s32 @!p1 $0x0  }
0x14: {  	s2 =	sld [smem:$0x3F92];
	s0 =	simm.s32 @p1 $0x1  }
0x15: {  	[smem:$0x3FAF] =	sst s0;
	s0 =	simm.s32 @!p2 $0x0  }
0x16: {  	s3 =	sld [smem:$0x3FDB];
	s0 =	simm.s32 @p2 $0x1  }
0x17: {  	s4 =	simm.s32 $0x1BF5;
	[smem:$0x3FB1] =	sst s0  }
0x18: {  	s0 =	sld [smem:$0x3F94];
	_ =	swait.ge [sflag:s4], $0x0  }
0x19: {  	s7 =	sld [smem:$0x3F95]  }
0x1a: {  	s8 =	sadd.s32 $0xFFFFE003, lr  }
0x1b: {  	s9 =	sadd.s32 $0xFFFFFEF7, lr;
	s5 =	simm.s32 $0xFFFFFFFF;
	p2 =	slt.u32 s8, $0xFFFFF086  }
0x1c: {  	p1 =	slt.u32 s9, $0xF7A;
	s5 =	simm.s32 @!p2 $0x0  }
0x1d: {  	s5 =	simm.s32 @p1 $0x1;
	p0 =	seq.s32 s7, s2  }
0x1e: {  	s7 =	smul.u32 @!p0 $0xF7A, s2;
	p2 =	seq.s32 @!p0 s5, $0x0  }
0x1f: {  	s9 =	smul.u32 $0xF7A, s1;
	s8 =	simm.s32 @!p0 $0x1BF5;
	p2 =	por !p2, p0  }
0x20: {  	[sflag:s8] =	ssyncset.s32 @!p0 $0xFFFFF086;
	s6 =	sadd.s32 @!p0 s3, s7;
	s7 =	simm.s32 @!p0 $0x108  }
0x21: {  	s3 =	sadd.s32 s3, s9;
	s6 =	sadd.s32 @!p0 $0x88, s6;
	s7 =	simm.s32 @p2 $0x1082  }
0x22: {  	[simem:s7], [sflag:s8] =	dma.local @!p0 [hbm:s6], $0xF7A  }
0x23: {  	s9 =	sor.u32 $0xD0000000, s2;
	s6 =	simm.s32 $0x108;
	_ =	swait.ge @!p0 [sflag:s8], $0x0  }
0x24: {  	s3 =	sadd.s32 $0x88, s3;
	s6 =	simm.s32 @!p1 $0x1082;
	[sflag:s4] =	ssyncset.s32 $0xFFFFF086  }
0x25: {  	[simem:s6], [sflag:s4] =	dma.local [hbm:s3], $0xF7A  }
0x26: {  	[smem:$0x3F95] =	sst s1;
	(tag) =	ssettag s2;
	_ =	strace s9  }
0x27: {  	s1 =	sld [smem:$0x3FA5]  }
0x28: {  	s2 =	sld [smem:$0x3FA6]  }
0x29: {  	s4 =	sld [smem:$0x3FA8]  }
0x2a: {  	p0 =	seq.s32 s5, $0x0;
	s5 =	sld [smem:$0x3FA9]  }
0x2b: {  	s6 =	sld [smem:$0x3FAA]  }
0x2c: {  	s7 =	sld [smem:$0x3FAB]  }
0x2d: {  	s3 =	simm.s32 $0x108;
	s8 =	sld [smem:$0x3FAC]  }
0x2e: {  	s3 =	simm.s32 @!p0 $0x1082;
	s9 =	sld [smem:$0x3FAD]  }
0x2f: {  	lr =	sadd.s32 s0, s3;
	s0 =	sld [smem:$0x3FA4]  }
0x30: {  	s3 =	sld [smem:$0x3FA7]  }
0x31: {  	[smem:$0x3FB0] =	sst s10  }
0x32: {  	s10 =	sld [smem:$0x3FAE];
	_ =	sdelay $0x3  }
0x33: {  	p0 =	seq.s32 s10, $0x1;
	s10 =	sld [smem:$0x3FB0];
	_ =	sdelay $0x3  }
0x34: {  	[smem:$0x3FB0] =	sst s10  }
0x35: {  	s10 =	sld [smem:$0x3FAF];
	_ =	sdelay $0x3  }
0x36: {  	p1 =	seq.s32 s10, $0x1;
	s10 =	sld [smem:$0x3FB0];
	_ =	sdelay $0x3  }
0x37: {  	[smem:$0x3FB0] =	sst s10  }
0x38: {  	s10 =	sld [smem:$0x3FB1]  }
0x39: {  	_ = 	snop;
	(pc) =	sbr.ind lr, $3  }
0x3a: {  	_ = 	snop  }
0x3b: {  	_ = 	snop  }
0x3c: {  	p2 =	seq.s32 s10, $0x1;
	s10 =	sld [smem:$0x3FB0]  }
0x3d: {  	_ =	shalt  }
0x3e: {  	_ =	shalt  }
0x3f: {  	_ =	shalt  }
0x40: {  	_ =	shalt  }
0x41: {  	_ =	shalt  }
0x42: {  	_ =	shalt  }
0x43: {  	_ =	shalt  }
0x44: {  	_ =	shalt  }
0x45: {  	_ =	shalt  }
0x46: {  	_ =	shalt  }
0x47: {  	_ =	shalt  }
0x48: {  	_ =	shalt  }
0x49: {  	_ =	shalt  }
0x4a: {  	_ =	shalt  }
0x4b: {  	_ =	shalt  }
0x4c: {  	_ =	shalt  }
0x4d: {  	_ =	shalt  }
0x4e: {  	_ =	shalt  }
0x4f: {  	_ =	shalt  }
0x50: {  	_ =	shalt  }
0x51: {  	_ =	shalt  }
0x52: {  	_ =	shalt  }
0x53: {  	_ =	shalt  }
0x54: {  	_ =	shalt  }
0x55: {  	_ =	shalt  }
0x56: {  	_ =	shalt  }
0x57: {  	_ =	shalt  }
0x58: {  	_ =	shalt  }
0x59: {  	_ =	shalt  }
0x5a: {  	_ =	shalt  }
0x5b: {  	_ =	shalt  }
0x5c: {  	_ =	shalt  }
0x5d: {  	_ =	shalt  }
0x5e: {  	_ =	shalt  }
0x5f: {  	_ =	shalt  }
0x60: {  	_ =	shalt  }
0x61: {  	_ =	shalt  }
0x62: {  	_ =	shalt  }
0x63: {  	_ =	shalt  }
0x64: {  	_ =	shalt  }
0x65: {  	_ =	shalt  }
0x66: {  	_ =	shalt  }
0x67: {  	_ =	shalt  }
0x68: {  	_ =	shalt  }
0x69: {  	_ =	shalt  }
0x6a: {  	_ =	shalt  }
0x6b: {  	_ =	shalt  }
0x6c: {  	_ =	shalt  }
0x6d: {  	_ =	shalt  }
0x6e: {  	_ =	shalt  }
0x6f: {  	_ =	shalt  }
0x70: {  	_ =	shalt  }
0x71: {  	_ =	shalt  }
0x72: {  	_ =	shalt  }
0x73: {  	_ =	shalt  }
0x74: {  	_ =	shalt  }
0x75: {  	_ =	shalt  }
0x76: {  	_ =	shalt  }
0x77: {  	_ =	shalt  }
0x78: {  	_ =	shalt  }
0x79: {  	_ =	shalt  }
0x7a: {  	_ =	shalt  }
0x7b: {  	_ =	shalt  }
0x7c: {  	_ =	shalt  }
0x7d: {  	_ =	shalt  }
0x7e: {  	_ =	shalt  }
0x7f: {  	_ =	shalt  }
0x80: {  	_ =	shalt  }
0x81: {  	_ =	shalt  }
0x82: {  	_ =	shalt  }
0x83: {  	_ =	shalt  }
0x84: {  	_ =	shalt  }
0x85: {  	_ =	shalt  }
0x86: {  	_ =	shalt  }
0x87: {  	_ =	shalt  }
.Lfunc_end0:
.L_simem_size_0:
called_computation.2_lowered:
.L_overlay_start_0:
0x88: {  	s2 =	sld [smem:$0x3FD9]  }
0x89: {  	s3 =	sld [smem:$0x3FFE];
	_ =	sdelay $0x1  }
0x8a: {  	s1 =	srdreg.scid  }
0x8b: {  	s0 =	sand.u32 $0x1, s1  }
0x8c: {  	s17 =	sshll.u32 s0, $0xA;
	s2 =	sadd.s32 s3, s2  }
0x8d: {  	s2 =	sadd.s32 s2, s17  }
0x8e: {  	[smem:$0x3FBC] =	sst s2  }
0x8f: {  	_ = 	snop  }
0x90: {  	s18 =	sld [smem:$0x3FD0];
	(tm) =	ssettm $0x1  }
0x91: {  	s19 =	sld [smem:$0x3FFB];
	_ =	sdelay $0x3  }
0x92: {  	_ =	strace s19  }
0x93: {  	s2 =	sld [smem:$0x3FFC];
	_ =	sdelay $0x3  }
0x94: {  	_ =	strace s2  }
0x95: {  	s2 =	sld [smem:$0x3FFD];
	_ =	sdelay $0x3  }
0x96: {  	_ =	strace s2  }
0x97: {  	_ =	strace $0x8FFFFFFF  }
0x98: {  	s20 =	sld [smem:$0x3FDB];
	_ =	sdelay $0x1  }
0x99: {  	s4 =	simm.s32 $_scs_section_size  }
0x9a: {  	s5 =	simm.s32 $_size__tile_overlayer_lowered;
	s6 =	simm.s32 $_tile_overlayer_lowered  }
0x9b: {  	s7 =	simm.s32 $0x1BFF;
	s21 =	sshll.u32 s6, $0x1;
	s4 =	sadd.s32 s4, s20  }
0x9c: {  	s22 =	simm.s32 $0x0;
	s5 =	sshll.u32 s5, $0x1;
	s6 =	sadd.s32 s21, s4  }
0x9d: {  	[timem:s22], [sflag:s7] =	dma.local [hbm:s6], s5  }
0x9e: {  	_ =	swait.ge [sflag:s7], s5  }
0x9f: {  	s5 =	ssub.s32 $0x0, s5;
	[sflag:s7] =	ssyncset.done $0x0  }
0xa0: {  	[sflag:s7] =	ssyncadd.s32 s5;
	_ =	sdelay $0x1  }
0xa1: {  	s23 =	simm.s32 $0x1B8B  }
0xa2: {  	_ =	swait.ge [sflag:s23], $0x1  }
0xa3: {  	[sflag:s23] =	ssyncset.done $0x0  }
0xa4: {  	[sflag:s23] =	ssyncadd.s32 $0xFFFFFFFF  }
0xa5: {  	s5 =	sld [smem:$0x0]  }
0xa6: {  	s6 =	sand.u32 $0xFFFFFFFE, s1  }
0xa7: {  	p0 =	sne.s32 s1, s6  }
0xa8: {  	s6 =	sshll.u32 @p0 s6, $0xE  }
0xa9: {  	s6 =	sadd.s32 @p0 $0x11B8D, s6;
	s7 =	sshll.u32 @p0 s5, $0x11  }
0xaa: {  	s6 =	sor.u32 @p0 s7, s6  }
0xab: {  	[sflag:s6] =	ssyncadd.remote.s32 @p0 $0x1;
	_ =	sdelay $0x1  }
0xac: {  	s6 =	simm.s32 @p0 $0x1B8D  }
0xad: {  	_ =	swait.eq @p0 [sflag:s6], $0x1  }
0xae: {  	[sflag:s6] =	ssyncadd.s32 @p0 $0xFFFFFFFF  }
0xaf: {  	s7 =	sshll.u32 @!p0 s1, $0xE  }
0xb0: {  	s7 =	sor.u32 @!p0 $0x4000, s7;
	s6 =	simm.s32 @!p0 $0x1B8D  }
0xb1: {  	s5 =	sshll.u32 @!p0 s5, $0x11;
	s7 =	sadd.s32 @!p0 $0x11B8D, s7;
	_ =	swait.eq @!p0 [sflag:s6], $0x1  }
0xb2: {  	s5 =	sor.u32 @!p0 s5, s7;
	[sflag:s6] =	ssyncadd.s32 @!p0 $0xFFFFFFFF  }
0xb3: {  	s25 =	simm.s32 $0x1B8E;
	s24 =	sld [smem:$0x3FFE];
	[sflag:s5] =	ssyncadd.remote.s32 @!p0 $0x1  }
0xb4: {  	s26 =	simm.s32 $execute0_lowered;
	[smem:$0x3FD2] =	sst s25  }
0xb5: {  	s6 =	sshll.u32 s26, $0x1;
	_ =	strace $0x8000004C;
	[dreg:$0x1] =	wrdreg $0xFFFFFFFF  }
0xb6: {  	s28 =	simm.s32 $_size_execute0_lowered;
	s4 =	sadd.s32 s4, s6;
	[dreg:$0x0] =	wrdreg $0x0  }
0xb7: {  	s6 =	sshll.u32 s28, $0x1;
	[dreg:$0x2] =	wrdreg s4  }
0xb8: {  	[dreg:$0x3] =	wrdreg s6  }
0xb9: {  	[dreg:$0x4] =	wrdreg $0xC0  }
0xba: {  	_ =	task [dreg:s22], $0x5FFFF  }
0xbb: {  	[dreg:$0x1] =	wrdreg $0xFFFFFFFF  }
0xbc: {  	[dreg:$0x0] =	wrdreg $0x60  }
0xbd: {  	[dreg:$0x2] =	wrdreg s18  }
0xbe: {  	[dreg:$0x3] =	wrdreg s24  }
0xbf: {  	[dreg:$0x4] =	wrdreg $0xB  }
0xc0: {  	_ =	task.clear_ibuf [dreg:s22], $0x5FFFF;
	_ =	strace $0x9000004C  }
0xc1: {  	s29 =	simm.s32 $0xB;
	_ =	strace $0x8000004E  }
0xc2: {  	_ =	swait.ge [sflag:s29], $0x1  }
0xc3: {  	[sflag:s29] =	ssyncadd.s32 $0xFFFFFFFF  }
0xc4: {  	_ =	strace $0x9000004E  }
0xc5: {  	_ =	sfence  }
0xc6: {  	s30 =	sld [smem:$0x0];
	_ =	sdelay $0x2  }
0xc7: {  	s31 =	sshll.u32 s1, $0xD;
	s1 =	sshrl.u32 s1, $0x2  }
0xc8: {  	s4 =	sand.u32 $0x4000, s31;
	s1 =	sadd.s32 s1, s30  }
0xc9: {  	s0 =	sor.u32 s4, s0;
	s1 =	sshll.u32 s1, $0x11  }
0xca: {  	s0 =	sor.u32 s1, s0  }
0xcb: {  	s0 =	sadd.s32 $0x8F2B, s0  }
0xcc: {  	[sflag:s0] =	ssyncadd.remote.s32 $0x1  }
0xcd: {  	_ =	sfence.sel $0xFFFF  }
0xce: {  	[dreg:$0x0] =	wrdreg $0xFFFFFFFF;
	(pc) =	sbr.abs _section_cstart, $3  }
0xcf: {  	[dreg:$0x1] =	wrdreg $0xFFFFFFFF  }
0xd0: {  	_ =	task.clear_ibuf [dreg:s22], $0x2FFFF;
	_ =	strace $0x9FFFFFFF  }
0xd1: {  	(tm) =	ssettm $0x7FFFFFFF  }
tec
execute0_lowered:
.L_overlay_start_1:
0x0: {  	(tag) =	ssettag $0x1  }
0x1: {  	s0 =	srdreg.scid;
	s2 =	rddreg [dreg:$0x0]  }
0x2: {  	s5 =	rddreg [dreg:$0x1];
	s1 =	stileid.u32  }
0x3: {  	s3 =	simm.s32 $0x0;
	s9 =	simm.s32 $0x1780;
	s10 =	simm.s32 $0x3F80  }
0x4: {  	s11 =	simm.s32 $0x6780;
	s12 =	simm.s32 $0x8F80;
	s4 =	sand.u32 $0x1, s0  }
0x5: {  	s13 =	simm.s32 $0xB780;
	s14 =	simm.s32 $0x1;
	s6 =	sshll.u32 s4, $0x4  }
0x6: {  	s15 =	simm.s32 $0x2;
	s8 =	smul.u32 $0x17700, s1;
	s6 =	sor.u32 s1, s6  }
0x7: {  	s16 =	simm.s32 $0x0;
	s0 =	rddreg [dreg:$0x2];
	s6 =	smul.u32 $0x1770, s6  }
0x8: {  	[smem:$0x7FF] =	sst s3;
	s7 =	smul.u32 $0x177000, s4;
	s4 =	ssub.s32 $0x2, s4  }
0x9: {  	_ =	strace $0x8000004D;
	s30 =	sshrl.u32 s4, $0x1;
	s6 =	sshrl.u32 s6, $0x3  }
0xa: {  	s6 =	sadd.s32 s6, s5;
	s5 =	sadd.s32 s7, s5;
	s7 =	ssub.s32 s4, s30  }
0xb: {  	s4 =	sadd.s32 $0x4400, s6;
	s31 =	sadd.s32 s8, s5;
	s5 =	smax.u32 s7, $0x1  }
0xc: {  	s7 =	simm.s32 $0x3;
	s8 =	simm.s32 $0x50;
	s6 =	sadd.s32 $0x83400, s31  }
.LBB2_1:
0xd: {  	[tilespmem:s3], [sflag:$0x3] =	stream.linear.gather [hbm4b:s4+s3], $0x1770, $0x38;
	[tilespmem:$0xDF80] =	vst v63  }
0xe: {  	_ =	swait.ge [sflag:s7], $0x1770  }
0xf: {  	[sflag:s7] =	ssyncset.done $0x0  }
0x10: {  	s17 =	simm.s32 $0x0;
	[sflag:s7] =	ssyncadd.s32 $0xFFFFE890  }
0x11: {  	[tilespmem:s9], [sflag:$0x1] =	stream.indirect.gather [hbm4b:s2+s8], $0x80, s17, s8, $0xb8;
	[tilespmem:$0xDF80] =	vst v63  }
0x12: {  	s23 =	simm.s32 $0x50  }
0x13: {  	[tilespmem:s10], [sflag:$0x1] =	stream.indirect.gather [hbm4b:s2+s8], $0x80, s23, s8, $0xb8;
	[tilespmem:$0xDF80] =	vst v63  }
0x14: {  	s24 =	simm.s32 $0xA0  }
0x15: {  	[tilespmem:s11], [sflag:$0x1] =	stream.indirect.gather [hbm4b:s2+s8], $0x80, s24, s8, $0xb8;
	[tilespmem:$0xDF80] =	vst v63  }
0x16: {  	s25 =	simm.s32 $0xF0  }
0x17: {  	[tilespmem:s12], [sflag:$0x1] =	stream.indirect.gather [hbm4b:s2+s8], $0x80, s25, s8, $0xb8;
	[tilespmem:$0xDF80] =	vst v63  }
0x18: {  	s26 =	simm.s32 $0x140  }
0x19: {  	[tilespmem:s13], [sflag:$0x1] =	stream.indirect.gather [hbm4b:s2+s8], $0x80, s26, s8, $0xb8;
	[tilespmem:$0xDF80] =	vst v63  }
0x1a: {  	_ =	swait.ge [sflag:s14], $0x2800  }
0x1b: {  	[sflag:s14] =	ssyncset.done $0x0  }
0x1c: {  	[sflag:s14] =	ssyncadd.s32 $0xFFFFD800  }
0x1d: {  	_ =	swait.ge [sflag:s14], $0x2800  }
0x1e: {  	[sflag:s14] =	ssyncset.done $0x0  }
0x1f: {  	[sflag:s14] =	ssyncadd.s32 $0xFFFFD800  }
0x20: {  	_ =	swait.ge [sflag:s14], $0x2800  }
0x21: {  	[sflag:s14] =	ssyncset.done $0x0  }
0x22: {  	[sflag:s14] =	ssyncadd.s32 $0xFFFFD800  }
0x23: {  	_ =	swait.ge [sflag:s14], $0x2800  }
0x24: {  	[sflag:s14] =	ssyncset.done $0x0  }
0x25: {  	[sflag:s14] =	ssyncadd.s32 $0xFFFFD800  }
0x26: {  	_ =	swait.ge [sflag:s14], $0x2800  }
0x27: {  	[sflag:s14] =	ssyncset.done $0x0  }
0x28: {  	s28 =	sadd.s32 $0xFFFFEC00, s6;
	[sflag:s14] =	ssyncadd.s32 $0xFFFFD800  }
0x29: {  	[hbm4b:s28+s3] =	stream.linear.scatter [tilespmem:s9], [sflag:$0x2], $0x2800, $0x38;
	[tilespmem:$0xDF80] =	vst v63  }
0x2a: {  	s29 =	sadd.s32 $0xFFFFF100, s6  }
0x2b: {  	[hbm4b:s29+s3] =	stream.linear.scatter [tilespmem:s10], [sflag:$0x2], $0x2800, $0x38;
	[tilespmem:$0xDF80] =	vst v63  }
0x2c: {  	s30 =	sadd.s32 $0xFFFFF600, s6  }
0x2d: {  	[hbm4b:s30+s3] =	stream.linear.scatter [tilespmem:s11], [sflag:$0x2], $0x2800, $0x38;
	[tilespmem:$0xDF80] =	vst v63  }
0x2e: {  	s31 =	sadd.s32 $0xFFFFFB00, s6  }
0x2f: {  	[hbm4b:s31+s3] =	stream.linear.scatter [tilespmem:s12], [sflag:$0x2], $0x2800, $0x38;
	[tilespmem:$0xDF80] =	vst v63  }
0x30: {  	_ = 	snop  }
0x31: {  	[hbm4b:s6+s3] =	stream.linear.scatter [tilespmem:s13], [sflag:$0x2], $0x2800, $0x38;
	[tilespmem:$0xDF80] =	vst v63  }
0x32: {  	_ =	swait.ge [sflag:s15], $0x2800  }
0x33: {  	[sflag:s15] =	ssyncset.done $0x0  }
0x34: {  	[sflag:s15] =	ssyncadd.s32 $0xFFFFD800  }
0x35: {  	_ =	swait.ge [sflag:s15], $0x2800  }
0x36: {  	[sflag:s15] =	ssyncset.done $0x0  }
0x37: {  	[sflag:s15] =	ssyncadd.s32 $0xFFFFD800  }
0x38: {  	_ =	swait.ge [sflag:s15], $0x2800  }
0x39: {  	[sflag:s15] =	ssyncset.done $0x0  }
0x3a: {  	[sflag:s15] =	ssyncadd.s32 $0xFFFFD800  }
0x3b: {  	_ =	swait.ge [sflag:s15], $0x2800  }
0x3c: {  	[sflag:s15] =	ssyncset.done $0x0  }
0x3d: {  	[sflag:s15] =	ssyncadd.s32 $0xFFFFD800  }
0x3e: {  	s18 =	simm.s32 $0x640;
	_ =	swait.ge [sflag:s15], $0x2800  }
0x3f: {  	s20 =	simm.s32 $0xC80;
	s17 =	sadd.s32 $0x1900, s6;
	[sflag:s15] =	ssyncset.done $0x0  }
.LBB2_2:
0x40: {  	s21 =	sshra.s32 s18, $0x2  }
0x41: {  	[sflag:s15] =	ssyncadd.s32 $0xFFFFD800;
	s18 =	smov.u32 s20;
	s19 =	sadd.s32 $0x640, s20  }
0x42: {  	[tilespmem:s9], [sflag:$0x1] =	stream.indirect.gather [hbm4b:s2+s8], $0x80, s21, s8, $0xb8;
	[tilespmem:$0xDF80] =	vst v63  }
0x43: {  	p0 =	sne.s32 s20, $0x5780;
	s20 =	sadd.s32 $0x50, s21  }
0x44: {  	[tilespmem:s10], [sflag:$0x1] =	stream.indirect.gather [hbm4b:s2+s8], $0x80, s20, s8, $0xb8;
	[tilespmem:$0xDF80] =	vst v63  }
0x45: {  	s20 =	sadd.s32 $0xA0, s21  }
0x46: {  	[tilespmem:s11], [sflag:$0x1] =	stream.indirect.gather [hbm4b:s2+s8], $0x80, s20, s8, $0xb8;
	[tilespmem:$0xDF80] =	vst v63  }
0x47: {  	s20 =	sadd.s32 $0xF0, s21  }
0x48: {  	[tilespmem:s12], [sflag:$0x1] =	stream.indirect.gather [hbm4b:s2+s8], $0x80, s20, s8, $0xb8;
	[tilespmem:$0xDF80] =	vst v63  }
0x49: {  	s20 =	sadd.s32 $0x140, s21  }
0x4a: {  	[tilespmem:s13], [sflag:$0x1] =	stream.indirect.gather [hbm4b:s2+s8], $0x80, s20, s8, $0xb8;
	[tilespmem:$0xDF80] =	vst v63  }
0x4b: {  	_ =	swait.ge [sflag:s14], $0x2800  }
0x4c: {  	[sflag:s14] =	ssyncset.done $0x0  }
0x4d: {  	[sflag:s14] =	ssyncadd.s32 $0xFFFFD800  }
0x4e: {  	_ =	swait.ge [sflag:s14], $0x2800  }
0x4f: {  	[sflag:s14] =	ssyncset.done $0x0  }
0x50: {  	[sflag:s14] =	ssyncadd.s32 $0xFFFFD800  }
0x51: {  	_ =	swait.ge [sflag:s14], $0x2800  }
0x52: {  	[sflag:s14] =	ssyncset.done $0x0  }
0x53: {  	[sflag:s14] =	ssyncadd.s32 $0xFFFFD800  }
0x54: {  	_ =	swait.ge [sflag:s14], $0x2800  }
0x55: {  	[sflag:s14] =	ssyncset.done $0x0  }
0x56: {  	[sflag:s14] =	ssyncadd.s32 $0xFFFFD800  }
0x57: {  	_ =	swait.ge [sflag:s14], $0x2800  }
0x58: {  	[sflag:s14] =	ssyncset.done $0x0  }
0x59: {  	s20 =	sadd.s32 $0xFFFFEC00, s17;
	[sflag:s14] =	ssyncadd.s32 $0xFFFFD800  }
0x5a: {  	[hbm4b:s20+s3] =	stream.linear.scatter [tilespmem:s9], [sflag:$0x2], $0x2800, $0x38;
	[tilespmem:$0xDF80] =	vst v63  }
0x5b: {  	s20 =	sadd.s32 $0xFFFFF100, s17  }
0x5c: {  	[hbm4b:s20+s3] =	stream.linear.scatter [tilespmem:s10], [sflag:$0x2], $0x2800, $0x38;
	[tilespmem:$0xDF80] =	vst v63  }
0x5d: {  	s20 =	sadd.s32 $0xFFFFF600, s17  }
0x5e: {  	[hbm4b:s20+s3] =	stream.linear.scatter [tilespmem:s11], [sflag:$0x2], $0x2800, $0x38;
	[tilespmem:$0xDF80] =	vst v63  }
0x5f: {  	s20 =	sadd.s32 $0xFFFFFB00, s17  }
0x60: {  	[hbm4b:s20+s3] =	stream.linear.scatter [tilespmem:s12], [sflag:$0x2], $0x2800, $0x38;
	[tilespmem:$0xDF80] =	vst v63  }
0x61: {  	_ = 	snop  }
0x62: {  	[hbm4b:s17+s3] =	stream.linear.scatter [tilespmem:s13], [sflag:$0x2], $0x2800, $0x38;
	[tilespmem:$0xDF80] =	vst v63  }
0x63: {  	_ =	swait.ge [sflag:s15], $0x2800  }
0x64: {  	[sflag:s15] =	ssyncset.done $0x0  }
0x65: {  	[sflag:s15] =	ssyncadd.s32 $0xFFFFD800  }
0x66: {  	_ =	swait.ge [sflag:s15], $0x2800  }
0x67: {  	[sflag:s15] =	ssyncset.done $0x0  }
0x68: {  	[sflag:s15] =	ssyncadd.s32 $0xFFFFD800  }
0x69: {  	_ =	swait.ge [sflag:s15], $0x2800  }
0x6a: {  	[sflag:s15] =	ssyncset.done $0x0  }
0x6b: {  	[sflag:s15] =	ssyncadd.s32 $0xFFFFD800  }
.Ltmp0:
0x6c: {  	_ =	swait.ge [sflag:s15], $0x2800;
	(pc) =	sbr.rel @p0 .LBB2_2-.Ltmp0, $4  }
0x6d: {  	[sflag:s15] =	ssyncset.done $0x0  }
0x6e: {  	[sflag:s15] =	ssyncadd.s32 $0xFFFFD800  }
0x6f: {  	_ =	swait.ge [sflag:s15], $0x2800  }
0x70: {  	s20 =	smov.u32 s19;
	s17 =	sadd.s32 $0x1900, s17;
	[sflag:s15] =	ssyncset.done $0x0  }
0x71: {  	s18 =	sshra.s32 s18, $0x2;
	[sflag:s15] =	ssyncadd.s32 $0xFFFFD800  }
0x72: {  	[tilespmem:s9], [sflag:$0x1] =	stream.indirect.gather [hbm4b:s2+s8], $0x80, s18, s8, $0xb8;
	[tilespmem:$0xDF80] =	vst v63  }
0x73: {  	s19 =	sadd.s32 $0x50, s18  }
0x74: {  	[tilespmem:s10], [sflag:$0x1] =	stream.indirect.gather [hbm4b:s2+s8], $0x80, s19, s8, $0xb8;
	[tilespmem:$0xDF80] =	vst v63  }
0x75: {  	s25 =	sadd.s32 $0xA0, s18  }
0x76: {  	[tilespmem:s11], [sflag:$0x1] =	stream.indirect.gather [hbm4b:s2+s8], $0x80, s25, s8, $0xb8;
	[tilespmem:$0xDF80] =	vst v63  }
0x77: {  	s26 =	sadd.s32 $0xF0, s18  }
0x78: {  	[tilespmem:s12], [sflag:$0x1] =	stream.indirect.gather [hbm4b:s2+s8], $0x80, s26, s8, $0xb8;
	[tilespmem:$0xDF80] =	vst v63  }
0x79: {  	s18 =	sadd.s32 $0x140, s18  }
0x7a: {  	[tilespmem:s13], [sflag:$0x1] =	stream.indirect.gather [hbm4b:s2+s8], $0x80, s18, s8, $0xb8;
	[tilespmem:$0xDF80] =	vst v63  }
0x7b: {  	_ =	swait.ge [sflag:s14], $0x2800  }
0x7c: {  	[sflag:s14] =	ssyncset.done $0x0  }
0x7d: {  	[sflag:s14] =	ssyncadd.s32 $0xFFFFD800  }
0x7e: {  	_ =	swait.ge [sflag:s14], $0x2800  }
0x7f: {  	[sflag:s14] =	ssyncset.done $0x0  }
0x80: {  	[sflag:s14] =	ssyncadd.s32 $0xFFFFD800  }
0x81: {  	_ =	swait.ge [sflag:s14], $0x2800  }
0x82: {  	[sflag:s14] =	ssyncset.done $0x0  }
0x83: {  	[sflag:s14] =	ssyncadd.s32 $0xFFFFD800  }
0x84: {  	_ =	swait.ge [sflag:s14], $0x2800  }
0x85: {  	[sflag:s14] =	ssyncset.done $0x0  }
0x86: {  	[sflag:s14] =	ssyncadd.s32 $0xFFFFD800  }
0x87: {  	_ =	swait.ge [sflag:s14], $0x2800  }
0x88: {  	[sflag:s14] =	ssyncset.done $0x0  }
0x89: {  	s28 =	sadd.s32 $0xFFFFEC00, s17;
	[sflag:s14] =	ssyncadd.s32 $0xFFFFD800  }
0x8a: {  	[hbm4b:s28+s3] =	stream.linear.scatter [tilespmem:s9], [sflag:$0x2], $0x2800, $0x38;
	[tilespmem:$0xDF80] =	vst v63  }
0x8b: {  	s29 =	sadd.s32 $0xFFFFF100, s17  }
0x8c: {  	[hbm4b:s29+s3] =	stream.linear.scatter [tilespmem:s10], [sflag:$0x2], $0x2800, $0x38;
	[tilespmem:$0xDF80] =	vst v63  }
0x8d: {  	s30 =	sadd.s32 $0xFFFFF600, s17  }
0x8e: {  	[hbm4b:s30+s3] =	stream.linear.scatter [tilespmem:s11], [sflag:$0x2], $0x2800, $0x38;
	[tilespmem:$0xDF80] =	vst v63  }
0x8f: {  	s31 =	sadd.s32 $0xFFFFFB00, s17  }
0x90: {  	[hbm4b:s31+s3] =	stream.linear.scatter [tilespmem:s12], [sflag:$0x2], $0x2800, $0x38;
	[tilespmem:$0xDF80] =	vst v63  }
0x91: {  	_ = 	snop  }
0x92: {  	[hbm4b:s17+s3] =	stream.linear.scatter [tilespmem:s13], [sflag:$0x2], $0x2800, $0x38;
	[tilespmem:$0xDF80] =	vst v63  }
0x93: {  	_ =	swait.ge [sflag:s15], $0x2800  }
0x94: {  	[sflag:s15] =	ssyncset.done $0x0  }
0x95: {  	[sflag:s15] =	ssyncadd.s32 $0xFFFFD800  }
0x96: {  	_ =	swait.ge [sflag:s15], $0x2800  }
0x97: {  	[sflag:s15] =	ssyncset.done $0x0  }
0x98: {  	[sflag:s15] =	ssyncadd.s32 $0xFFFFD800  }
0x99: {  	_ =	swait.ge [sflag:s15], $0x2800  }
0x9a: {  	[sflag:s15] =	ssyncset.done $0x0  }
0x9b: {  	s16 =	sadd.s32 $0x1, s16;
	[sflag:s15] =	ssyncadd.s32 $0xFFFFD800  }
0x9c: {  	p0 =	sne.s32 s16, s5;
	_ =	swait.ge [sflag:s15], $0x2800  }
.Ltmp1:
0x9d: {  	[sflag:s15] =	ssyncset.done $0x0;
	(pc) =	sbr.rel @p0 .LBB2_1-.Ltmp1, $4  }
0x9e: {  	[sflag:s15] =	ssyncadd.s32 $0xFFFFD800  }
0x9f: {  	_ =	swait.ge [sflag:s15], $0x2800  }
0xa0: {  	[sflag:s15] =	ssyncset.done $0x0  }
0xa1: {  	[sflag:s15] =	ssyncadd.s32 $0xFFFFD800  }
0xa2: {  	_ =	sfence.sel $0x180000  }
0xa3: {  	[bflag:$0x0] =	sbarrier.arrive $0xFFFF  }
0xa4: {  	p0 =	sne.s32 s1, $0x0;
	_ =	strace $0x9000004D  }
0xa5: {  	s0 =	sadd.s32 @!p0 $0x100000, s0;
	[bflag:$0x2] =	sbarrier.arrive $0xFFFF  }
0xa6: {  	[sflag:s0] =	ssyncadd.tile.s32 @!p0 $0x1;
	_ =	shalt  }
.Lfunc_end2:
_tile_overlayer_lowered:
.L_overlay_start_2:
0xa7: {  	(tag) =	ssettag $0x2  }
0xa8: {  	s0 =	rddreg [dreg:$0x0];
	s2 =	stileid.u32  }
0xa9: {  	s1 =	rddreg [dreg:$0x1];
	p0 =	sne.s32 s2, $0x0  }
0xaa: {  	s3 =	rddreg [dreg:$0x2];
	[bflag:$0x3] =	sbarrier.arrive $0xFFFF;
	s2 =	simm.s32 @!p0 $0x1C03  }
0xab: {  	[timem:s3], [sflag:s2] =	dma.local @!p0 [hbm:s0], s1  }
0xac: {  	s0 =	simm.s32 @!p0 $0x3  }
0xad: {  	_ =	swait.ge @!p0 [sflag:s0], s1  }
0xae: {  	s1 =	ssub.s32 @!p0 $0x0, s1;
	[sflag:s0] =	ssyncset.done @!p0 $0x0  }
0xaf: {  	[sflag:s0] =	ssyncadd.s32 @!p0 s1  }
0xb0: {  	[bflag:$0x3] =	sbarrier.arrive $0xFFFF  }
0xb1: {  	_ =	shalt  }

// kernel: kernel.13.cloned.1.call-start
scs
__scs_entry_jumppad:
0x0: {  	(pc) =	sbr.rel $0x88, $3  }
0x1: {  	(tag) =	ssettag $0x0;
	lr =	simm.s32 $0x1  }
0x2: {  	[smem:$0x3F95] =	sst lr;
	_ =	strace $0xD0000000  }
0x3: {  	_ = 	snop  }
0x4: {  	_ = 	snop  }
0x5: {  	_ = 	snop  }
0x6: {  	_ = 	snop  }
0x7: {  	_ = 	snop  }
__scs_overlays_trampoline_lowered:
0x8: {  	[smem:$0x3FA4] =	sst s0  }
0x9: {  	[smem:$0x3FA5] =	sst s1  }
0xa: {  	[smem:$0x3FA6] =	sst s2  }
0xb: {  	[smem:$0x3FA7] =	sst s3  }
0xc: {  	[smem:$0x3FA8] =	sst s4  }
0xd: {  	[smem:$0x3FA9] =	sst s5  }
0xe: {  	[smem:$0x3FAA] =	sst s6  }
0xf: {  	[smem:$0x3FAB] =	sst s7  }
0x10: {  	[smem:$0x3FAC] =	sst s8  }
0x11: {  	[smem:$0x3FAD] =	sst s9;
	s0 =	simm.s32 @!p0 $0x0  }
0x12: {  	s1 =	sld [smem:$0x3F93];
	s0 =	simm.s32 @p0 $0x1  }
0x13: {  	[smem:$0x3FAE] =	sst s0;
	s0 =	simm.s32 @!p1 $0x0  }
0x14: {  	s2 =	sld [smem:$0x3F92];
	s0 =	simm.s32 @p1 $0x1  }
0x15: {  	[smem:$0x3FAF] =	sst s0;
	s0 =	simm.s32 @!p2 $0x0  }
0x16: {  	s3 =	sld [smem:$0x3FDB];
	s0 =	simm.s32 @p2 $0x1  }
0x17: {  	s4 =	simm.s32 $0x1BF5;
	[smem:$0x3FB1] =	sst s0  }
0x18: {  	s0 =	sld [smem:$0x3F94];
	_ =	swait.ge [sflag:s4], $0x0  }
0x19: {  	s7 =	sld [smem:$0x3F95]  }
0x1a: {  	s8 =	sadd.s32 $0xFFFFE003, lr  }
0x1b: {  	s9 =	sadd.s32 $0xFFFFFEF7, lr;
	s5 =	simm.s32 $0xFFFFFFFF;
	p2 =	slt.u32 s8, $0xFFFFF086  }
0x1c: {  	p1 =	slt.u32 s9, $0xF7A;
	s5 =	simm.s32 @!p2 $0x0  }
0x1d: {  	s5 =	simm.s32 @p1 $0x1;
	p0 =	seq.s32 s7, s2  }
0x1e: {  	s7 =	smul.u32 @!p0 $0xF7A, s2;
	p2 =	seq.s32 @!p0 s5, $0x0  }
0x1f: {  	s9 =	smul.u32 $0xF7A, s1;
	s8 =	simm.s32 @!p0 $0x1BF5;
	p2 =	por !p2, p0  }
0x20: {  	[sflag:s8] =	ssyncset.s32 @!p0 $0xFFFFF086;
	s6 =	sadd.s32 @!p0 s3, s7;
	s7 =	simm.s32 @!p0 $0x108  }
0x21: {  	s3 =	sadd.s32 s3, s9;
	s6 =	sadd.s32 @!p0 $0x88, s6;
	s7 =	simm.s32 @p2 $0x1082  }
0x22: {  	[simem:s7], [sflag:s8] =	dma.local @!p0 [hbm:s6], $0xF7A  }
0x23: {  	s9 =	sor.u32 $0xD0000000, s2;
	s6 =	simm.s32 $0x108;
	_ =	swait.ge @!p0 [sflag:s8], $0x0  }
0x24: {  	s3 =	sadd.s32 $0x88, s3;
	s6 =	simm.s32 @!p1 $0x1082;
	[sflag:s4] =	ssyncset.s32 $0xFFFFF086  }
0x25: {  	[simem:s6], [sflag:s4] =	dma.local [hbm:s3], $0xF7A  }
0x26: {  	[smem:$0x3F95] =	sst s1;
	(tag) =	ssettag s2;
	_ =	strace s9  }
0x27: {  	s1 =	sld [smem:$0x3FA5]  }
0x28: {  	s2 =	sld [smem:$0x3FA6]  }
0x29: {  	s4 =	sld [smem:$0x3FA8]  }
0x2a: {  	p0 =	seq.s32 s5, $0x0;
	s5 =	sld [smem:$0x3FA9]  }
0x2b: {  	s6 =	sld [smem:$0x3FAA]  }
0x2c: {  	s7 =	sld [smem:$0x3FAB]  }
0x2d: {  	s3 =	simm.s32 $0x108;
	s8 =	sld [smem:$0x3FAC]  }
0x2e: {  	s3 =	simm.s32 @!p0 $0x1082;
	s9 =	sld [smem:$0x3FAD]  }
0x2f: {  	lr =	sadd.s32 s0, s3;
	s0 =	sld [smem:$0x3FA4]  }
0x30: {  	s3 =	sld [smem:$0x3FA7]  }
0x31: {  	[smem:$0x3FB0] =	sst s10  }
0x32: {  	s10 =	sld [smem:$0x3FAE];
	_ =	sdelay $0x3  }
0x33: {  	p0 =	seq.s32 s10, $0x1;
	s10 =	sld [smem:$0x3FB0];
	_ =	sdelay $0x3  }
0x34: {  	[smem:$0x3FB0] =	sst s10  }
0x35: {  	s10 =	sld [smem:$0x3FAF];
	_ =	sdelay $0x3  }
0x36: {  	p1 =	seq.s32 s10, $0x1;
	s10 =	sld [smem:$0x3FB0];
	_ =	sdelay $0x3  }
0x37: {  	[smem:$0x3FB0] =	sst s10  }
0x38: {  	s10 =	sld [smem:$0x3FB1]  }
0x39: {  	_ = 	snop;
	(pc) =	sbr.ind lr, $3  }
0x3a: {  	_ = 	snop  }
0x3b: {  	_ = 	snop  }
0x3c: {  	p2 =	seq.s32 s10, $0x1;
	s10 =	sld [smem:$0x3FB0]  }
0x3d: {  	_ =	shalt  }
0x3e: {  	_ =	shalt  }
0x3f: {  	_ =	shalt  }
0x40: {  	_ =	shalt  }
0x41: {  	_ =	shalt  }
0x42: {  	_ =	shalt  }
0x43: {  	_ =	shalt  }
0x44: {  	_ =	shalt  }
0x45: {  	_ =	shalt  }
0x46: {  	_ =	shalt  }
0x47: {  	_ =	shalt  }
0x48: {  	_ =	shalt  }
0x49: {  	_ =	shalt  }
0x4a: {  	_ =	shalt  }
0x4b: {  	_ =	shalt  }
0x4c: {  	_ =	shalt  }
0x4d: {  	_ =	shalt  }
0x4e: {  	_ =	shalt  }
0x4f: {  	_ =	shalt  }
0x50: {  	_ =	shalt  }
0x51: {  	_ =	shalt  }
0x52: {  	_ =	shalt  }
0x53: {  	_ =	shalt  }
0x54: {  	_ =	shalt  }
0x55: {  	_ =	shalt  }
0x56: {  	_ =	shalt  }
0x57: {  	_ =	shalt  }
0x58: {  	_ =	shalt  }
0x59: {  	_ =	shalt  }
0x5a: {  	_ =	shalt  }
0x5b: {  	_ =	shalt  }
0x5c: {  	_ =	shalt  }
0x5d: {  	_ =	shalt  }
0x5e: {  	_ =	shalt  }
0x5f: {  	_ =	shalt  }
0x60: {  	_ =	shalt  }
0x61: {  	_ =	shalt  }
0x62: {  	_ =	shalt  }
0x63: {  	_ =	shalt  }
0x64: {  	_ =	shalt  }
0x65: {  	_ =	shalt  }
0x66: {  	_ =	shalt  }
0x67: {  	_ =	shalt  }
0x68: {  	_ =	shalt  }
0x69: {  	_ =	shalt  }
0x6a: {  	_ =	shalt  }
0x6b: {  	_ =	shalt  }
0x6c: {  	_ =	shalt  }
0x6d: {  	_ =	shalt  }
0x6e: {  	_ =	shalt  }
0x6f: {  	_ =	shalt  }
0x70: {  	_ =	shalt  }
0x71: {  	_ =	shalt  }
0x72: {  	_ =	shalt  }
0x73: {  	_ =	shalt  }
0x74: {  	_ =	shalt  }
0x75: {  	_ =	shalt  }
0x76: {  	_ =	shalt  }
0x77: {  	_ =	shalt  }
0x78: {  	_ =	shalt  }
0x79: {  	_ =	shalt  }
0x7a: {  	_ =	shalt  }
0x7b: {  	_ =	shalt  }
0x7c: {  	_ =	shalt  }
0x7d: {  	_ =	shalt  }
0x7e: {  	_ =	shalt  }
0x7f: {  	_ =	shalt  }
0x80: {  	_ =	shalt  }
0x81: {  	_ =	shalt  }
0x82: {  	_ =	shalt  }
0x83: {  	_ =	shalt  }
0x84: {  	_ =	shalt  }
0x85: {  	_ =	shalt  }
0x86: {  	_ =	shalt  }
0x87: {  	_ =	shalt  }
.Lfunc_end0:
.L_simem_size_0:
called_computation.3_lowered:
.L_overlay_start_0:
0x88: {  	s2 =	sld [smem:$0x3FD9]  }
0x89: {  	s3 =	sld [smem:$0x3FFE];
	_ =	sdelay $0x1  }
0x8a: {  	s1 =	srdreg.scid  }
0x8b: {  	s0 =	sand.u32 $0x1, s1  }
0x8c: {  	s17 =	sshll.u32 s0, $0xA;
	s2 =	sadd.s32 s3, s2  }
0x8d: {  	s2 =	sadd.s32 s2, s17  }
0x8e: {  	[smem:$0x3FBC] =	sst s2  }
0x8f: {  	_ = 	snop  }
0x90: {  	s18 =	sld [smem:$0x3FD0];
	(tm) =	ssettm $0x1  }
0x91: {  	s19 =	sld [smem:$0x3FFB];
	_ =	sdelay $0x3  }
0x92: {  	_ =	strace s19  }
0x93: {  	s2 =	sld [smem:$0x3FFC];
	_ =	sdelay $0x3  }
0x94: {  	_ =	strace s2  }
0x95: {  	s2 =	sld [smem:$0x3FFD];
	_ =	sdelay $0x3  }
0x96: {  	_ =	strace s2  }
0x97: {  	_ =	strace $0x8FFFFFFF  }
0x98: {  	s20 =	sld [smem:$0x3FDB];
	_ =	sdelay $0x1  }
0x99: {  	s4 =	simm.s32 $_scs_section_size  }
0x9a: {  	s5 =	simm.s32 $_size__tile_overlayer_lowered;
	s6 =	simm.s32 $_tile_overlayer_lowered  }
0x9b: {  	s7 =	simm.s32 $0x1BFF;
	s21 =	sshll.u32 s6, $0x1;
	s4 =	sadd.s32 s4, s20  }
0x9c: {  	s22 =	simm.s32 $0x0;
	s5 =	sshll.u32 s5, $0x1;
	s6 =	sadd.s32 s21, s4  }
0x9d: {  	[timem:s22], [sflag:s7] =	dma.local [hbm:s6], s5  }
0x9e: {  	_ =	swait.ge [sflag:s7], s5  }
0x9f: {  	s5 =	ssub.s32 $0x0, s5;
	[sflag:s7] =	ssyncset.done $0x0  }
0xa0: {  	[sflag:s7] =	ssyncadd.s32 s5;
	_ =	sdelay $0x1  }
0xa1: {  	s23 =	simm.s32 $0x1B8B  }
0xa2: {  	_ =	swait.ge [sflag:s23], $0x1  }
0xa3: {  	[sflag:s23] =	ssyncset.done $0x0  }
0xa4: {  	[sflag:s23] =	ssyncadd.s32 $0xFFFFFFFF  }
0xa5: {  	s5 =	sld [smem:$0x0]  }
0xa6: {  	s6 =	sand.u32 $0xFFFFFFFE, s1  }
0xa7: {  	p0 =	sne.s32 s1, s6  }
0xa8: {  	s6 =	sshll.u32 @p0 s6, $0xE  }
0xa9: {  	s6 =	sadd.s32 @p0 $0x11B8D, s6;
	s7 =	sshll.u32 @p0 s5, $0x11  }
0xaa: {  	s6 =	sor.u32 @p0 s7, s6  }
0xab: {  	[sflag:s6] =	ssyncadd.remote.s32 @p0 $0x1;
	_ =	sdelay $0x1  }
0xac: {  	s6 =	simm.s32 @p0 $0x1B8D  }
0xad: {  	_ =	swait.eq @p0 [sflag:s6], $0x1  }
0xae: {  	[sflag:s6] =	ssyncadd.s32 @p0 $0xFFFFFFFF  }
0xaf: {  	s7 =	sshll.u32 @!p0 s1, $0xE  }
0xb0: {  	s7 =	sor.u32 @!p0 $0x4000, s7;
	s6 =	simm.s32 @!p0 $0x1B8D  }
0xb1: {  	s5 =	sshll.u32 @!p0 s5, $0x11;
	s7 =	sadd.s32 @!p0 $0x11B8D, s7;
	_ =	swait.eq @!p0 [sflag:s6], $0x1  }
0xb2: {  	s5 =	sor.u32 @!p0 s5, s7;
	[sflag:s6] =	ssyncadd.s32 @!p0 $0xFFFFFFFF  }
0xb3: {  	s25 =	simm.s32 $0x1B8E;
	s24 =	sld [smem:$0x3FFE];
	[sflag:s5] =	ssyncadd.remote.s32 @!p0 $0x1  }
0xb4: {  	s26 =	simm.s32 $execute0_lowered;
	[smem:$0x3FD2] =	sst s25  }
0xb5: {  	s6 =	sshll.u32 s26, $0x1;
	_ =	strace $0x8000004F;
	[dreg:$0x1] =	wrdreg $0xFFFFFFFF  }
0xb6: {  	s28 =	simm.s32 $_size_execute0_lowered;
	s4 =	sadd.s32 s4, s6;
	[dreg:$0x0] =	wrdreg $0x0  }
0xb7: {  	s6 =	sshll.u32 s28, $0x1;
	[dreg:$0x2] =	wrdreg s4  }
0xb8: {  	[dreg:$0x3] =	wrdreg s6  }
0xb9: {  	[dreg:$0x4] =	wrdreg $0xC0  }
0xba: {  	_ =	task [dreg:s22], $0x5FFFF  }
0xbb: {  	[dreg:$0x1] =	wrdreg $0xFFFFFFFF  }
0xbc: {  	[dreg:$0x0] =	wrdreg $0x60  }
0xbd: {  	[dreg:$0x2] =	wrdreg s18  }
0xbe: {  	[dreg:$0x3] =	wrdreg s24  }
0xbf: {  	[dreg:$0x4] =	wrdreg $0x9  }
0xc0: {  	_ =	task.clear_ibuf [dreg:s22], $0x5FFFF;
	_ =	strace $0x9000004F  }
0xc1: {  	s29 =	simm.s32 $0x9;
	_ =	strace $0x80000051  }
0xc2: {  	_ =	swait.ge [sflag:s29], $0x1  }
0xc3: {  	[sflag:s29] =	ssyncadd.s32 $0xFFFFFFFF  }
0xc4: {  	_ =	strace $0x90000051  }
0xc5: {  	_ =	sfence  }
0xc6: {  	s30 =	sld [smem:$0x0];
	_ =	sdelay $0x2  }
0xc7: {  	s31 =	sshll.u32 s1, $0xD;
	s1 =	sshrl.u32 s1, $0x2  }
0xc8: {  	s4 =	sand.u32 $0x4000, s31;
	s1 =	sadd.s32 s1, s30  }
0xc9: {  	s0 =	sor.u32 s4, s0;
	s1 =	sshll.u32 s1, $0x11  }
0xca: {  	s0 =	sor.u32 s1, s0  }
0xcb: {  	s0 =	sadd.s32 $0x8F2B, s0  }
0xcc: {  	[sflag:s0] =	ssyncadd.remote.s32 $0x1  }
0xcd: {  	_ =	sfence.sel $0xFFFF  }
0xce: {  	[dreg:$0x0] =	wrdreg $0xFFFFFFFF;
	(pc) =	sbr.abs _section_cstart, $3  }
0xcf: {  	[dreg:$0x1] =	wrdreg $0xFFFFFFFF  }
0xd0: {  	_ =	task.clear_ibuf [dreg:s22], $0x2FFFF;
	_ =	strace $0x9FFFFFFF  }
0xd1: {  	(tm) =	ssettm $0x7FFFFFFF  }
tec
execute0_lowered:
.L_overlay_start_1:
0x0: {  	(tag) =	ssettag $0x1  }
0x1: {  	s0 =	srdreg.scid;
	s2 =	rddreg [dreg:$0x0]  }
0x2: {  	s5 =	rddreg [dreg:$0x1];
	s1 =	stileid.u32  }
0x3: {  	s3 =	simm.s32 $0x0;
	s9 =	simm.s32 $0x1000;
	s10 =	simm.s32 $0x3800  }
0x4: {  	s11 =	simm.s32 $0x6000;
	s12 =	simm.s32 $0x8800;
	s4 =	sand.u32 $0x1, s0  }
0x5: {  	s13 =	simm.s32 $0xB000;
	s14 =	simm.s32 $0x1;
	s6 =	sshll.u32 s4, $0x4  }
0x6: {  	s15 =	simm.s32 $0x2;
	s8 =	smul.u32 $0xFA00, s1;
	s6 =	sor.u32 s1, s6  }
0x7: {  	s16 =	simm.s32 $0x0;
	s0 =	rddreg [dreg:$0x2];
	s6 =	smul.u32 $0xFA0, s6  }
0x8: {  	[smem:$0x7FF] =	sst s3;
	s7 =	smul.u32 $0xFA000, s4;
	s4 =	ssub.s32 $0x2, s4  }
0x9: {  	_ =	strace $0x80000050;
	s30 =	sshrl.u32 s4, $0x1;
	s6 =	sshrl.u32 s6, $0x3  }
0xa: {  	s6 =	sadd.s32 s6, s5;
	s5 =	sadd.s32 s7, s5;
	s7 =	ssub.s32 s4, s30  }
0xb: {  	s4 =	sadd.s32 $0x370000, s6;
	s31 =	sadd.s32 s8, s5;
	s5 =	smax.u32 s7, $0x1  }
0xc: {  	s7 =	simm.s32 $0x3;
	s8 =	simm.s32 $0x50;
	s6 =	sadd.s32 $0x375400, s31  }
.LBB2_1:
0xd: {  	[tilespmem:s3], [sflag:$0x3] =	stream.linear.gather [hbm4b:s4+s3], $0xFA0, $0x38;
	[tilespmem:$0xD800] =	vst v63  }
0xe: {  	_ =	swait.ge [sflag:s7], $0xFA0  }
0xf: {  	[sflag:s7] =	ssyncset.done $0x0  }
0x10: {  	s17 =	simm.s32 $0x0;
	[sflag:s7] =	ssyncadd.s32 $0xFFFFF060  }
0x11: {  	[tilespmem:s9], [sflag:$0x1] =	stream.indirect.gather [hbm4b:s2+s8], $0x80, s17, s8, $0xb8;
	[tilespmem:$0xD800] =	vst v63  }
0x12: {  	s23 =	simm.s32 $0x50  }
0x13: {  	[tilespmem:s10], [sflag:$0x1] =	stream.indirect.gather [hbm4b:s2+s8], $0x80, s23, s8, $0xb8;
	[tilespmem:$0xD800] =	vst v63  }
0x14: {  	s24 =	simm.s32 $0xA0  }
0x15: {  	[tilespmem:s11], [sflag:$0x1] =	stream.indirect.gather [hbm4b:s2+s8], $0x80, s24, s8, $0xb8;
	[tilespmem:$0xD800] =	vst v63  }
0x16: {  	s25 =	simm.s32 $0xF0  }
0x17: {  	[tilespmem:s12], [sflag:$0x1] =	stream.indirect.gather [hbm4b:s2+s8], $0x80, s25, s8, $0xb8;
	[tilespmem:$0xD800] =	vst v63  }
0x18: {  	s26 =	simm.s32 $0x140  }
0x19: {  	[tilespmem:s13], [sflag:$0x1] =	stream.indirect.gather [hbm4b:s2+s8], $0x80, s26, s8, $0xb8;
	[tilespmem:$0xD800] =	vst v63  }
0x1a: {  	_ =	swait.ge [sflag:s14], $0x2800  }
0x1b: {  	[sflag:s14] =	ssyncset.done $0x0  }
0x1c: {  	[sflag:s14] =	ssyncadd.s32 $0xFFFFD800  }
0x1d: {  	_ =	swait.ge [sflag:s14], $0x2800  }
0x1e: {  	[sflag:s14] =	ssyncset.done $0x0  }
0x1f: {  	[sflag:s14] =	ssyncadd.s32 $0xFFFFD800  }
0x20: {  	_ =	swait.ge [sflag:s14], $0x2800  }
0x21: {  	[sflag:s14] =	ssyncset.done $0x0  }
0x22: {  	[sflag:s14] =	ssyncadd.s32 $0xFFFFD800  }
0x23: {  	_ =	swait.ge [sflag:s14], $0x2800  }
0x24: {  	[sflag:s14] =	ssyncset.done $0x0  }
0x25: {  	[sflag:s14] =	ssyncadd.s32 $0xFFFFD800  }
0x26: {  	_ =	swait.ge [sflag:s14], $0x2800  }
0x27: {  	[sflag:s14] =	ssyncset.done $0x0  }
0x28: {  	s28 =	sadd.s32 $0xFFFFEC00, s6;
	[sflag:s14] =	ssyncadd.s32 $0xFFFFD800  }
0x29: {  	[hbm4b:s28+s3] =	stream.linear.scatter [tilespmem:s9], [sflag:$0x2], $0x2800, $0x38;
	[tilespmem:$0xD800] =	vst v63  }
0x2a: {  	s29 =	sadd.s32 $0xFFFFF100, s6  }
0x2b: {  	[hbm4b:s29+s3] =	stream.linear.scatter [tilespmem:s10], [sflag:$0x2], $0x2800, $0x38;
	[tilespmem:$0xD800] =	vst v63  }
0x2c: {  	s30 =	sadd.s32 $0xFFFFF600, s6  }
0x2d: {  	[hbm4b:s30+s3] =	stream.linear.scatter [tilespmem:s11], [sflag:$0x2], $0x2800, $0x38;
	[tilespmem:$0xD800] =	vst v63  }
0x2e: {  	s31 =	sadd.s32 $0xFFFFFB00, s6  }
0x2f: {  	[hbm4b:s31+s3] =	stream.linear.scatter [tilespmem:s12], [sflag:$0x2], $0x2800, $0x38;
	[tilespmem:$0xD800] =	vst v63  }
0x30: {  	_ = 	snop  }
0x31: {  	[hbm4b:s6+s3] =	stream.linear.scatter [tilespmem:s13], [sflag:$0x2], $0x2800, $0x38;
	[tilespmem:$0xD800] =	vst v63  }
0x32: {  	_ =	swait.ge [sflag:s15], $0x2800  }
0x33: {  	[sflag:s15] =	ssyncset.done $0x0  }
0x34: {  	[sflag:s15] =	ssyncadd.s32 $0xFFFFD800  }
0x35: {  	_ =	swait.ge [sflag:s15], $0x2800  }
0x36: {  	[sflag:s15] =	ssyncset.done $0x0  }
0x37: {  	[sflag:s15] =	ssyncadd.s32 $0xFFFFD800  }
0x38: {  	_ =	swait.ge [sflag:s15], $0x2800  }
0x39: {  	[sflag:s15] =	ssyncset.done $0x0  }
0x3a: {  	[sflag:s15] =	ssyncadd.s32 $0xFFFFD800  }
0x3b: {  	_ =	swait.ge [sflag:s15], $0x2800  }
0x3c: {  	[sflag:s15] =	ssyncset.done $0x0  }
0x3d: {  	[sflag:s15] =	ssyncadd.s32 $0xFFFFD800  }
0x3e: {  	s18 =	simm.s32 $0x640;
	_ =	swait.ge [sflag:s15], $0x2800  }
0x3f: {  	s20 =	simm.s32 $0xC80;
	s17 =	sadd.s32 $0x1900, s6;
	[sflag:s15] =	ssyncset.done $0x0  }
.LBB2_2:
0x40: {  	s21 =	sshra.s32 s18, $0x2  }
0x41: {  	[sflag:s15] =	ssyncadd.s32 $0xFFFFD800;
	s18 =	smov.u32 s20;
	s19 =	sadd.s32 $0x640, s20  }
0x42: {  	[tilespmem:s9], [sflag:$0x1] =	stream.indirect.gather [hbm4b:s2+s8], $0x80, s21, s8, $0xb8;
	[tilespmem:$0xD800] =	vst v63  }
0x43: {  	p0 =	sne.s32 s20, $0x3840;
	s20 =	sadd.s32 $0x50, s21  }
0x44: {  	[tilespmem:s10], [sflag:$0x1] =	stream.indirect.gather [hbm4b:s2+s8], $0x80, s20, s8, $0xb8;
	[tilespmem:$0xD800] =	vst v63  }
0x45: {  	s20 =	sadd.s32 $0xA0, s21  }
0x46: {  	[tilespmem:s11], [sflag:$0x1] =	stream.indirect.gather [hbm4b:s2+s8], $0x80, s20, s8, $0xb8;
	[tilespmem:$0xD800] =	vst v63  }
0x47: {  	s20 =	sadd.s32 $0xF0, s21  }
0x48: {  	[tilespmem:s12], [sflag:$0x1] =	stream.indirect.gather [hbm4b:s2+s8], $0x80, s20, s8, $0xb8;
	[tilespmem:$0xD800] =	vst v63  }
0x49: {  	s20 =	sadd.s32 $0x140, s21  }
0x4a: {  	[tilespmem:s13], [sflag:$0x1] =	stream.indirect.gather [hbm4b:s2+s8], $0x80, s20, s8, $0xb8;
	[tilespmem:$0xD800] =	vst v63  }
0x4b: {  	_ =	swait.ge [sflag:s14], $0x2800  }
0x4c: {  	[sflag:s14] =	ssyncset.done $0x0  }
0x4d: {  	[sflag:s14] =	ssyncadd.s32 $0xFFFFD800  }
0x4e: {  	_ =	swait.ge [sflag:s14], $0x2800  }
0x4f: {  	[sflag:s14] =	ssyncset.done $0x0  }
0x50: {  	[sflag:s14] =	ssyncadd.s32 $0xFFFFD800  }
0x51: {  	_ =	swait.ge [sflag:s14], $0x2800  }
0x52: {  	[sflag:s14] =	ssyncset.done $0x0  }
0x53: {  	[sflag:s14] =	ssyncadd.s32 $0xFFFFD800  }
0x54: {  	_ =	swait.ge [sflag:s14], $0x2800  }
0x55: {  	[sflag:s14] =	ssyncset.done $0x0  }
0x56: {  	[sflag:s14] =	ssyncadd.s32 $0xFFFFD800  }
0x57: {  	_ =	swait.ge [sflag:s14], $0x2800  }
0x58: {  	[sflag:s14] =	ssyncset.done $0x0  }
0x59: {  	s20 =	sadd.s32 $0xFFFFEC00, s17;
	[sflag:s14] =	ssyncadd.s32 $0xFFFFD800  }
0x5a: {  	[hbm4b:s20+s3] =	stream.linear.scatter [tilespmem:s9], [sflag:$0x2], $0x2800, $0x38;
	[tilespmem:$0xD800] =	vst v63  }
0x5b: {  	s20 =	sadd.s32 $0xFFFFF100, s17  }
0x5c: {  	[hbm4b:s20+s3] =	stream.linear.scatter [tilespmem:s10], [sflag:$0x2], $0x2800, $0x38;
	[tilespmem:$0xD800] =	vst v63  }
0x5d: {  	s20 =	sadd.s32 $0xFFFFF600, s17  }
0x5e: {  	[hbm4b:s20+s3] =	stream.linear.scatter [tilespmem:s11], [sflag:$0x2], $0x2800, $0x38;
	[tilespmem:$0xD800] =	vst v63  }
0x5f: {  	s20 =	sadd.s32 $0xFFFFFB00, s17  }
0x60: {  	[hbm4b:s20+s3] =	stream.linear.scatter [tilespmem:s12], [sflag:$0x2], $0x2800, $0x38;
	[tilespmem:$0xD800] =	vst v63  }
0x61: {  	_ = 	snop  }
0x62: {  	[hbm4b:s17+s3] =	stream.linear.scatter [tilespmem:s13], [sflag:$0x2], $0x2800, $0x38;
	[tilespmem:$0xD800] =	vst v63  }
0x63: {  	_ =	swait.ge [sflag:s15], $0x2800  }
0x64: {  	[sflag:s15] =	ssyncset.done $0x0  }
0x65: {  	[sflag:s15] =	ssyncadd.s32 $0xFFFFD800  }
0x66: {  	_ =	swait.ge [sflag:s15], $0x2800  }
0x67: {  	[sflag:s15] =	ssyncset.done $0x0  }
0x68: {  	[sflag:s15] =	ssyncadd.s32 $0xFFFFD800  }
0x69: {  	_ =	swait.ge [sflag:s15], $0x2800  }
0x6a: {  	[sflag:s15] =	ssyncset.done $0x0  }
0x6b: {  	[sflag:s15] =	ssyncadd.s32 $0xFFFFD800  }
.Ltmp0:
0x6c: {  	_ =	swait.ge [sflag:s15], $0x2800;
	(pc) =	sbr.rel @p0 .LBB2_2-.Ltmp0, $4  }
0x6d: {  	[sflag:s15] =	ssyncset.done $0x0  }
0x6e: {  	[sflag:s15] =	ssyncadd.s32 $0xFFFFD800  }
0x6f: {  	_ =	swait.ge [sflag:s15], $0x2800  }
0x70: {  	s20 =	smov.u32 s19;
	s17 =	sadd.s32 $0x1900, s17;
	[sflag:s15] =	ssyncset.done $0x0  }
0x71: {  	s18 =	sshra.s32 s18, $0x2;
	[sflag:s15] =	ssyncadd.s32 $0xFFFFD800  }
0x72: {  	[tilespmem:s9], [sflag:$0x1] =	stream.indirect.gather [hbm4b:s2+s8], $0x80, s18, s8, $0xb8;
	[tilespmem:$0xD800] =	vst v63  }
0x73: {  	s19 =	sadd.s32 $0x50, s18  }
0x74: {  	[tilespmem:s10], [sflag:$0x1] =	stream.indirect.gather [hbm4b:s2+s8], $0x80, s19, s8, $0xb8;
	[tilespmem:$0xD800] =	vst v63  }
0x75: {  	s25 =	sadd.s32 $0xA0, s18  }
0x76: {  	[tilespmem:s11], [sflag:$0x1] =	stream.indirect.gather [hbm4b:s2+s8], $0x80, s25, s8, $0xb8;
	[tilespmem:$0xD800] =	vst v63  }
0x77: {  	s26 =	sadd.s32 $0xF0, s18  }
0x78: {  	[tilespmem:s12], [sflag:$0x1] =	stream.indirect.gather [hbm4b:s2+s8], $0x80, s26, s8, $0xb8;
	[tilespmem:$0xD800] =	vst v63  }
0x79: {  	s18 =	sadd.s32 $0x140, s18  }
0x7a: {  	[tilespmem:s13], [sflag:$0x1] =	stream.indirect.gather [hbm4b:s2+s8], $0x80, s18, s8, $0xb8;
	[tilespmem:$0xD800] =	vst v63  }
0x7b: {  	_ =	swait.ge [sflag:s14], $0x2800  }
0x7c: {  	[sflag:s14] =	ssyncset.done $0x0  }
0x7d: {  	[sflag:s14] =	ssyncadd.s32 $0xFFFFD800  }
0x7e: {  	_ =	swait.ge [sflag:s14], $0x2800  }
0x7f: {  	[sflag:s14] =	ssyncset.done $0x0  }
0x80: {  	[sflag:s14] =	ssyncadd.s32 $0xFFFFD800  }
0x81: {  	_ =	swait.ge [sflag:s14], $0x2800  }
0x82: {  	[sflag:s14] =	ssyncset.done $0x0  }
0x83: {  	[sflag:s14] =	ssyncadd.s32 $0xFFFFD800  }
0x84: {  	_ =	swait.ge [sflag:s14], $0x2800  }
0x85: {  	[sflag:s14] =	ssyncset.done $0x0  }
0x86: {  	[sflag:s14] =	ssyncadd.s32 $0xFFFFD800  }
0x87: {  	_ =	swait.ge [sflag:s14], $0x2800  }
0x88: {  	[sflag:s14] =	ssyncset.done $0x0  }
0x89: {  	s28 =	sadd.s32 $0xFFFFEC00, s17;
	[sflag:s14] =	ssyncadd.s32 $0xFFFFD800  }
0x8a: {  	[hbm4b:s28+s3] =	stream.linear.scatter [tilespmem:s9], [sflag:$0x2], $0x2800, $0x38;
	[tilespmem:$0xD800] =	vst v63  }
0x8b: {  	s29 =	sadd.s32 $0xFFFFF100, s17  }
0x8c: {  	[hbm4b:s29+s3] =	stream.linear.scatter [tilespmem:s10], [sflag:$0x2], $0x2800, $0x38;
	[tilespmem:$0xD800] =	vst v63  }
0x8d: {  	s30 =	sadd.s32 $0xFFFFF600, s17  }
0x8e: {  	[hbm4b:s30+s3] =	stream.linear.scatter [tilespmem:s11], [sflag:$0x2], $0x2800, $0x38;
	[tilespmem:$0xD800] =	vst v63  }
0x8f: {  	s31 =	sadd.s32 $0xFFFFFB00, s17  }
0x90: {  	[hbm4b:s31+s3] =	stream.linear.scatter [tilespmem:s12], [sflag:$0x2], $0x2800, $0x38;
	[tilespmem:$0xD800] =	vst v63  }
0x91: {  	_ = 	snop  }
0x92: {  	[hbm4b:s17+s3] =	stream.linear.scatter [tilespmem:s13], [sflag:$0x2], $0x2800, $0x38;
	[tilespmem:$0xD800] =	vst v63  }
0x93: {  	_ =	swait.ge [sflag:s15], $0x2800  }
0x94: {  	[sflag:s15] =	ssyncset.done $0x0  }
0x95: {  	[sflag:s15] =	ssyncadd.s32 $0xFFFFD800  }
0x96: {  	_ =	swait.ge [sflag:s15], $0x2800  }
0x97: {  	[sflag:s15] =	ssyncset.done $0x0  }
0x98: {  	[sflag:s15] =	ssyncadd.s32 $0xFFFFD800  }
0x99: {  	_ =	swait.ge [sflag:s15], $0x2800  }
0x9a: {  	[sflag:s15] =	ssyncset.done $0x0  }
0x9b: {  	s16 =	sadd.s32 $0x1, s16;
	[sflag:s15] =	ssyncadd.s32 $0xFFFFD800  }
0x9c: {  	p0 =	sne.s32 s16, s5;
	_ =	swait.ge [sflag:s15], $0x2800  }
.Ltmp1:
0x9d: {  	[sflag:s15] =	ssyncset.done $0x0;
	(pc) =	sbr.rel @p0 .LBB2_1-.Ltmp1, $4  }
0x9e: {  	[sflag:s15] =	ssyncadd.s32 $0xFFFFD800  }
0x9f: {  	_ =	swait.ge [sflag:s15], $0x2800  }
0xa0: {  	[sflag:s15] =	ssyncset.done $0x0  }
0xa1: {  	[sflag:s15] =	ssyncadd.s32 $0xFFFFD800  }
0xa2: {  	_ =	sfence.sel $0x180000  }
0xa3: {  	[bflag:$0x0] =	sbarrier.arrive $0xFFFF  }
0xa4: {  	p0 =	sne.s32 s1, $0x0;
	_ =	strace $0x90000050  }
0xa5: {  	s0 =	sadd.s32 @!p0 $0x100000, s0;
	[bflag:$0x2] =	sbarrier.arrive $0xFFFF  }
0xa6: {  	[sflag:s0] =	ssyncadd.tile.s32 @!p0 $0x1;
	_ =	shalt  }
.Lfunc_end2:
_tile_overlayer_lowered:
.L_overlay_start_2:
0xa7: {  	(tag) =	ssettag $0x2  }
0xa8: {  	s0 =	rddreg [dreg:$0x0];
	s2 =	stileid.u32  }
0xa9: {  	s1 =	rddreg [dreg:$0x1];
	p0 =	sne.s32 s2, $0x0  }
0xaa: {  	s3 =	rddreg [dreg:$0x2];
	[bflag:$0x3] =	sbarrier.arrive $0xFFFF;
	s2 =	simm.s32 @!p0 $0x1C03  }
0xab: {  	[timem:s3], [sflag:s2] =	dma.local @!p0 [hbm:s0], s1  }
0xac: {  	s0 =	simm.s32 @!p0 $0x3  }
0xad: {  	_ =	swait.ge @!p0 [sflag:s0], s1  }
0xae: {  	s1 =	ssub.s32 @!p0 $0x0, s1;
	[sflag:s0] =	ssyncset.done @!p0 $0x0  }
0xaf: {  	[sflag:s0] =	ssyncadd.s32 @!p0 s1  }
0xb0: {  	[bflag:$0x3] =	sbarrier.arrive $0xFFFF  }
0xb1: {  	_ =	shalt  }

// kernel: kernel.16.cloned.1.call-start
scs
__scs_entry_jumppad:
0x0: {  	(pc) =	sbr.rel $0x88, $3  }
0x1: {  	(tag) =	ssettag $0x0;
	lr =	simm.s32 $0x1  }
0x2: {  	[smem:$0x3F95] =	sst lr;
	_ =	strace $0xD0000000  }
0x3: {  	_ = 	snop  }
0x4: {  	_ = 	snop  }
0x5: {  	_ = 	snop  }
0x6: {  	_ = 	snop  }
0x7: {  	_ = 	snop  }
__scs_overlays_trampoline_lowered:
0x8: {  	[smem:$0x3FA4] =	sst s0  }
0x9: {  	[smem:$0x3FA5] =	sst s1  }
0xa: {  	[smem:$0x3FA6] =	sst s2  }
0xb: {  	[smem:$0x3FA7] =	sst s3  }
0xc: {  	[smem:$0x3FA8] =	sst s4  }
0xd: {  	[smem:$0x3FA9] =	sst s5  }
0xe: {  	[smem:$0x3FAA] =	sst s6  }
0xf: {  	[smem:$0x3FAB] =	sst s7  }
0x10: {  	[smem:$0x3FAC] =	sst s8  }
0x11: {  	[smem:$0x3FAD] =	sst s9;
	s0 =	simm.s32 @!p0 $0x0  }
0x12: {  	s1 =	sld [smem:$0x3F93];
	s0 =	simm.s32 @p0 $0x1  }
0x13: {  	[smem:$0x3FAE] =	sst s0;
	s0 =	simm.s32 @!p1 $0x0  }
0x14: {  	s2 =	sld [smem:$0x3F92];
	s0 =	simm.s32 @p1 $0x1  }
0x15: {  	[smem:$0x3FAF] =	sst s0;
	s0 =	simm.s32 @!p2 $0x0  }
0x16: {  	s3 =	sld [smem:$0x3FDB];
	s0 =	simm.s32 @p2 $0x1  }
0x17: {  	s4 =	simm.s32 $0x1BF5;
	[smem:$0x3FB1] =	sst s0  }
0x18: {  	s0 =	sld [smem:$0x3F94];
	_ =	swait.ge [sflag:s4], $0x0  }
0x19: {  	s7 =	sld [smem:$0x3F95]  }
0x1a: {  	s8 =	sadd.s32 $0xFFFFE003, lr  }
0x1b: {  	s9 =	sadd.s32 $0xFFFFFEF7, lr;
	s5 =	simm.s32 $0xFFFFFFFF;
	p2 =	slt.u32 s8, $0xFFFFF086  }
0x1c: {  	p1 =	slt.u32 s9, $0xF7A;
	s5 =	simm.s32 @!p2 $0x0  }
0x1d: {  	s5 =	simm.s32 @p1 $0x1;
	p0 =	seq.s32 s7, s2  }
0x1e: {  	s7 =	smul.u32 @!p0 $0xF7A, s2;
	p2 =	seq.s32 @!p0 s5, $0x0  }
0x1f: {  	s9 =	smul.u32 $0xF7A, s1;
	s8 =	simm.s32 @!p0 $0x1BF5;
	p2 =	por !p2, p0  }
0x20: {  	[sflag:s8] =	ssyncset.s32 @!p0 $0xFFFFF086;
	s6 =	sadd.s32 @!p0 s3, s7;
	s7 =	simm.s32 @!p0 $0x108  }
0x21: {  	s3 =	sadd.s32 s3, s9;
	s6 =	sadd.s32 @!p0 $0x88, s6;
	s7 =	simm.s32 @p2 $0x1082  }
0x22: {  	[simem:s7], [sflag:s8] =	dma.local @!p0 [hbm:s6], $0xF7A  }
0x23: {  	s9 =	sor.u32 $0xD0000000, s2;
	s6 =	simm.s32 $0x108;
	_ =	swait.ge @!p0 [sflag:s8], $0x0  }
0x24: {  	s3 =	sadd.s32 $0x88, s3;
	s6 =	simm.s32 @!p1 $0x1082;
	[sflag:s4] =	ssyncset.s32 $0xFFFFF086  }
0x25: {  	[simem:s6], [sflag:s4] =	dma.local [hbm:s3], $0xF7A  }
0x26: {  	[smem:$0x3F95] =	sst s1;
	(tag) =	ssettag s2;
	_ =	strace s9  }
0x27: {  	s1 =	sld [smem:$0x3FA5]  }
0x28: {  	s2 =	sld [smem:$0x3FA6]  }
0x29: {  	s4 =	sld [smem:$0x3FA8]  }
0x2a: {  	p0 =	seq.s32 s5, $0x0;
	s5 =	sld [smem:$0x3FA9]  }
0x2b: {  	s6 =	sld [smem:$0x3FAA]  }
0x2c: {  	s7 =	sld [smem:$0x3FAB]  }
0x2d: {  	s3 =	simm.s32 $0x108;
	s8 =	sld [smem:$0x3FAC]  }
0x2e: {  	s3 =	simm.s32 @!p0 $0x1082;
	s9 =	sld [smem:$0x3FAD]  }
0x2f: {  	lr =	sadd.s32 s0, s3;
	s0 =	sld [smem:$0x3FA4]  }
0x30: {  	s3 =	sld [smem:$0x3FA7]  }
0x31: {  	[smem:$0x3FB0] =	sst s10  }
0x32: {  	s10 =	sld [smem:$0x3FAE];
	_ =	sdelay $0x3  }
0x33: {  	p0 =	seq.s32 s10, $0x1;
	s10 =	sld [smem:$0x3FB0];
	_ =	sdelay $0x3  }
0x34: {  	[smem:$0x3FB0] =	sst s10  }
0x35: {  	s10 =	sld [smem:$0x3FAF];
	_ =	sdelay $0x3  }
0x36: {  	p1 =	seq.s32 s10, $0x1;
	s10 =	sld [smem:$0x3FB0];
	_ =	sdelay $0x3  }
0x37: {  	[smem:$0x3FB0] =	sst s10  }
0x38: {  	s10 =	sld [smem:$0x3FB1]  }
0x39: {  	_ = 	snop;
	(pc) =	sbr.ind lr, $3  }
0x3a: {  	_ = 	snop  }
0x3b: {  	_ = 	snop  }
0x3c: {  	p2 =	seq.s32 s10, $0x1;
	s10 =	sld [smem:$0x3FB0]  }
0x3d: {  	_ =	shalt  }
0x3e: {  	_ =	shalt  }
0x3f: {  	_ =	shalt  }
0x40: {  	_ =	shalt  }
0x41: {  	_ =	shalt  }
0x42: {  	_ =	shalt  }
0x43: {  	_ =	shalt  }
0x44: {  	_ =	shalt  }
0x45: {  	_ =	shalt  }
0x46: {  	_ =	shalt  }
0x47: {  	_ =	shalt  }
0x48: {  	_ =	shalt  }
0x49: {  	_ =	shalt  }
0x4a: {  	_ =	shalt  }
0x4b: {  	_ =	shalt  }
0x4c: {  	_ =	shalt  }
0x4d: {  	_ =	shalt  }
0x4e: {  	_ =	shalt  }
0x4f: {  	_ =	shalt  }
0x50: {  	_ =	shalt  }
0x51: {  	_ =	shalt  }
0x52: {  	_ =	shalt  }
0x53: {  	_ =	shalt  }
0x54: {  	_ =	shalt  }
0x55: {  	_ =	shalt  }
0x56: {  	_ =	shalt  }
0x57: {  	_ =	shalt  }
0x58: {  	_ =	shalt  }
0x59: {  	_ =	shalt  }
0x5a: {  	_ =	shalt  }
0x5b: {  	_ =	shalt  }
0x5c: {  	_ =	shalt  }
0x5d: {  	_ =	shalt  }
0x5e: {  	_ =	shalt  }
0x5f: {  	_ =	shalt  }
0x60: {  	_ =	shalt  }
0x61: {  	_ =	shalt  }
0x62: {  	_ =	shalt  }
0x63: {  	_ =	shalt  }
0x64: {  	_ =	shalt  }
0x65: {  	_ =	shalt  }
0x66: {  	_ =	shalt  }
0x67: {  	_ =	shalt  }
0x68: {  	_ =	shalt  }
0x69: {  	_ =	shalt  }
0x6a: {  	_ =	shalt  }
0x6b: {  	_ =	shalt  }
0x6c: {  	_ =	shalt  }
0x6d: {  	_ =	shalt  }
0x6e: {  	_ =	shalt  }
0x6f: {  	_ =	shalt  }
0x70: {  	_ =	shalt  }
0x71: {  	_ =	shalt  }
0x72: {  	_ =	shalt  }
0x73: {  	_ =	shalt  }
0x74: {  	_ =	shalt  }
0x75: {  	_ =	shalt  }
0x76: {  	_ =	shalt  }
0x77: {  	_ =	shalt  }
0x78: {  	_ =	shalt  }
0x79: {  	_ =	shalt  }
0x7a: {  	_ =	shalt  }
0x7b: {  	_ =	shalt  }
0x7c: {  	_ =	shalt  }
0x7d: {  	_ =	shalt  }
0x7e: {  	_ =	shalt  }
0x7f: {  	_ =	shalt  }
0x80: {  	_ =	shalt  }
0x81: {  	_ =	shalt  }
0x82: {  	_ =	shalt  }
0x83: {  	_ =	shalt  }
0x84: {  	_ =	shalt  }
0x85: {  	_ =	shalt  }
0x86: {  	_ =	shalt  }
0x87: {  	_ =	shalt  }
.Lfunc_end0:
.L_simem_size_0:
called_computation.4_lowered:
.L_overlay_start_0:
0x88: {  	s2 =	sld [smem:$0x3FD9]  }
0x89: {  	s3 =	sld [smem:$0x3FFE];
	_ =	sdelay $0x1  }
0x8a: {  	s1 =	srdreg.scid  }
0x8b: {  	s0 =	sand.u32 $0x1, s1  }
0x8c: {  	s17 =	sshll.u32 s0, $0xA;
	s2 =	sadd.s32 s3, s2  }
0x8d: {  	s2 =	sadd.s32 s2, s17  }
0x8e: {  	[smem:$0x3FBC] =	sst s2  }
0x8f: {  	_ = 	snop  }
0x90: {  	(tm) =	ssettm $0x1  }
0x91: {  	s18 =	sld [smem:$0x3FFB];
	_ =	sdelay $0x3  }
0x92: {  	_ =	strace s18  }
0x93: {  	s2 =	sld [smem:$0x3FFC];
	_ =	sdelay $0x3  }
0x94: {  	_ =	strace s2  }
0x95: {  	s2 =	sld [smem:$0x3FFD];
	_ =	sdelay $0x3  }
0x96: {  	_ =	strace s2  }
0x97: {  	_ =	strace $0x8FFFFFFF  }
0x98: {  	s19 =	sld [smem:$0x3FDB];
	_ =	sdelay $0x1  }
0x99: {  	s20 =	simm.s32 $_scs_section_size  }
0x9a: {  	s4 =	simm.s32 $_size__tile_overlayer_lowered;
	s5 =	simm.s32 $_tile_overlayer_lowered  }
0x9b: {  	s6 =	simm.s32 $0x1BFF;
	s21 =	sshll.u32 s5, $0x1;
	s3 =	sadd.s32 s20, s19  }
0x9c: {  	s22 =	simm.s32 $0x0;
	s4 =	sshll.u32 s4, $0x1;
	s5 =	sadd.s32 s21, s3  }
0x9d: {  	[timem:s22], [sflag:s6] =	dma.local [hbm:s5], s4  }
0x9e: {  	_ =	swait.ge [sflag:s6], s4  }
0x9f: {  	s4 =	ssub.s32 $0x0, s4;
	[sflag:s6] =	ssyncset.done $0x0  }
0xa0: {  	[sflag:s6] =	ssyncadd.s32 s4;
	_ =	sdelay $0x1  }
0xa1: {  	s23 =	simm.s32 $0x1B8B  }
0xa2: {  	_ =	swait.ge [sflag:s23], $0x1  }
0xa3: {  	[sflag:s23] =	ssyncset.done $0x0  }
0xa4: {  	[sflag:s23] =	ssyncadd.s32 $0xFFFFFFFF  }
0xa5: {  	s4 =	sld [smem:$0x0]  }
0xa6: {  	s5 =	sand.u32 $0xFFFFFFFE, s1  }
0xa7: {  	p0 =	sne.s32 s1, s5  }
0xa8: {  	s5 =	sshll.u32 @p0 s5, $0xE  }
0xa9: {  	s5 =	sadd.s32 @p0 $0x11B8D, s5;
	s6 =	sshll.u32 @p0 s4, $0x11  }
0xaa: {  	s5 =	sor.u32 @p0 s6, s5  }
0xab: {  	[sflag:s5] =	ssyncadd.remote.s32 @p0 $0x1;
	_ =	sdelay $0x1  }
0xac: {  	s5 =	simm.s32 @p0 $0x1B8D  }
0xad: {  	_ =	swait.eq @p0 [sflag:s5], $0x1  }
0xae: {  	[sflag:s5] =	ssyncadd.s32 @p0 $0xFFFFFFFF  }
0xaf: {  	s6 =	sshll.u32 @!p0 s1, $0xE  }
0xb0: {  	s6 =	sor.u32 @!p0 $0x4000, s6;
	s5 =	simm.s32 @!p0 $0x1B8D  }
0xb1: {  	s4 =	sshll.u32 @!p0 s4, $0x11;
	s6 =	sadd.s32 @!p0 $0x11B8D, s6;
	_ =	swait.eq @!p0 [sflag:s5], $0x1  }
0xb2: {  	s4 =	sor.u32 @!p0 s4, s6;
	[sflag:s5] =	ssyncadd.s32 @!p0 $0xFFFFFFFF  }
0xb3: {  	s25 =	simm.s32 $0x1B8E;
	s24 =	sld [smem:$0x3FFE];
	[sflag:s4] =	ssyncadd.remote.s32 @!p0 $0x1  }
0xb4: {  	s26 =	simm.s32 $execute0_lowered;
	[smem:$0x3FD2] =	sst s25  }
0xb5: {  	s5 =	sshll.u32 s26, $0x1;
	_ =	strace $0x80000052;
	[dreg:$0x1] =	wrdreg $0xFFFFFFFF  }
0xb6: {  	s28 =	simm.s32 $_size_execute0_lowered;
	s3 =	sadd.s32 s3, s5;
	[dreg:$0x0] =	wrdreg $0x0  }
0xb7: {  	s5 =	sshll.u32 s28, $0x1;
	[dreg:$0x2] =	wrdreg s3  }
0xb8: {  	[dreg:$0x3] =	wrdreg s5  }
0xb9: {  	[dreg:$0x4] =	wrdreg $0xC0  }
0xba: {  	_ =	task [dreg:s22], $0x5FFFF  }
0xbb: {  	[dreg:$0x1] =	wrdreg $0xFFFFFFFF  }
0xbc: {  	[dreg:$0x0] =	wrdreg $0x60  }
0xbd: {  	[dreg:$0x2] =	wrdreg s24  }
0xbe: {  	[dreg:$0x3] =	wrdreg $0xA2000  }
0xbf: {  	[dreg:$0x4] =	wrdreg $0xA  }
0xc0: {  	_ =	task.clear_ibuf [dreg:s22], $0x5FFFF;
	_ =	strace $0x90000052  }
0xc1: {  	s29 =	simm.s32 $0xA;
	_ =	strace $0x80000054  }
0xc2: {  	_ =	swait.ge [sflag:s29], $0x1  }
0xc3: {  	[sflag:s29] =	ssyncadd.s32 $0xFFFFFFFF  }
0xc4: {  	_ =	strace $0x90000054  }
0xc5: {  	_ =	sfence  }
0xc6: {  	s30 =	sld [smem:$0x0];
	_ =	sdelay $0x2  }
0xc7: {  	s31 =	sshll.u32 s1, $0xD;
	s1 =	sshrl.u32 s1, $0x2  }
0xc8: {  	s4 =	sand.u32 $0x4000, s31;
	s1 =	sadd.s32 s1, s30  }
0xc9: {  	s0 =	sor.u32 s4, s0;
	s1 =	sshll.u32 s1, $0x11  }
0xca: {  	s0 =	sor.u32 s1, s0  }
0xcb: {  	s0 =	sadd.s32 $0x8F2B, s0  }
0xcc: {  	[sflag:s0] =	ssyncadd.remote.s32 $0x1  }
0xcd: {  	_ =	sfence.sel $0xFFFF  }
0xce: {  	[dreg:$0x0] =	wrdreg $0xFFFFFFFF;
	(pc) =	sbr.abs _section_cstart, $3  }
0xcf: {  	[dreg:$0x1] =	wrdreg $0xFFFFFFFF  }
0xd0: {  	_ =	task.clear_ibuf [dreg:s22], $0x2FFFF;
	_ =	strace $0x9FFFFFFF  }
0xd1: {  	(tm) =	ssettm $0x7FFFFFFF  }
tec
execute0_lowered:
.L_overlay_start_1:
0x0: {  	(tag) =	ssettag $0x1  }
0x1: {  	s0 =	rddreg [dreg:$0x0]  }
0x2: {  	s1 =	rddreg [dreg:$0x1];
	s2 =	srdreg.scid;
	s3 =	simm.s32 $0x0  }
0x3: {  	s14 =	stileid.u32;
	s28 =	simm.s32 $0x7A00;
	s29 =	simm.s32 $0x1  }
0x4: {  	s30 =	simm.s32 $0x50;
	s31 =	simm.s32 $0x0;
	s5 =	smul.u32 $0x14000, s14  }
0x5: {  	s2 =	sand.u32 $0x1, s2;
	[smem:$0x7FF] =	sst s3;
	s25 =	smul.u32 $0x50000, s14  }
0x6: {  	s6 =	sadd.s32 $0x604400, s0;
	s15 =	sadd.s32 $0x14000, s0;
	s21 =	smul.u32 $0x17700, s14  }
0x7: {  	s7 =	sadd.s32 $0x4400, s0;
	s10 =	sshll.u32 s14, $0x6;
	s4 =	smul.u32 $0x140000, s2  }
0x8: {  	_ =	strace $0x80000053;
	[dreg:$0x3] =	wrdreg s7;
	s24 =	sshll.u32 s2, $0x4  }
0x9: {  	s26 =	ssub.s32 $0x2, s2;
	s4 =	sadd.s32 s5, s4;
	s5 =	sor.u32 s14, s24  }
0xa: {  	s8 =	sshrl.u32 s26, $0x1;
	s7 =	sshrl.u32 s25, $0x2;
	s9 =	smul.u32 $0x1770, s5  }
0xb: {  	s16 =	sadd.s32 s7, s1;
	s4 =	sshrl.u32 s4, $0x3;
	s5 =	sor.u32 $0x1C02, s10  }
0xc: {  	s0 =	sadd.s32 s4, s0;
	s4 =	ssub.s32 s26, s8;
	s11 =	sadd.s32 $0x1680, s9  }
0xd: {  	s10 =	sadd.s32 $0x16D0, s9;
	s18 =	sadd.s32 $0x1720, s9;
	s12 =	sshrl.u32 s11, $0x3  }
0xe: {  	s7 =	sshll.u32 s11, $0x4;
	s11 =	sshrl.u32 s10, $0x3;
	s17 =	sshll.u32 s10, $0x4  }
0xf: {  	s19 =	sshrl.u32 s18, $0x3;
	s20 =	sshll.u32 s18, $0x4;
	s8 =	sadd.s32 s15, s12  }
0x10: {  	s7 =	sadd.s32 s6, s7;
	s13 =	sadd.s32 s15, s11;
	s12 =	smul.u32 $0x17700, s2  }
0x11: {  	s10 =	sadd.s32 s15, s19;
	s2 =	smul.u32 $0x177000, s2;
	[dreg:$0x4] =	wrdreg s8  }
0x12: {  	s11 =	sadd.s32 s6, s20;
	s19 =	sshrl.u32 s16, $0x3;
	[dreg:$0x5] =	wrdreg s7  }
0x13: {  	[dreg:$0x6] =	wrdreg s13;
	s7 =	sadd.s32 s6, s17;
	s13 =	smul.u32 $0x1770, s14  }
0x14: {  	s20 =	simm.s32 $0x2;
	[dreg:$0x7] =	wrdreg s7;
	s22 =	sadd.s32 s2, s6  }
0x15: {  	s17 =	sadd.s32 s13, s12;
	s12 =	sadd.s32 $0x82000, s0;
	s13 =	smax.u32 s4, $0x1  }
0x16: {  	s14 =	sadd.s32 s21, s22;
	s21 =	simm.s32 $0x200;
	s22 =	simm.s32 $0x80  }
0x17: {  	s23 =	sshrl.u32 s17, $0x3;
	s24 =	sadd.s32 $0xF0, s17;
	s25 =	sadd.s32 $0xA0, s17  }
0x18: {  	s26 =	sadd.s32 $0x50, s17;
	s6 =	sadd.s32 s23, s15;
	s0 =	sshrl.u32 s24, $0x3  }
0x19: {  	s2 =	sshrl.u32 s25, $0x3;
	s4 =	sshrl.u32 s26, $0x3;
	s23 =	simm.s32 $0x2A00  }
0x1a: {  	s24 =	simm.s32 $0x100;
	s25 =	simm.s32 $0x5200;
	s26 =	simm.s32 $0x180  }
0x1b: {  	s7 =	sadd.s32 s0, s15;
	s17 =	sadd.s32 s2, s15;
	s18 =	sadd.s32 s4, s15  }
.LBB2_1:
0x1c: {  	s0 =	rddreg [dreg:$0x3]  }
0x1d: {  	[spmem:s19], [sflag:s5] =	dma.local [hbm:s0], $0x2800  }
0x1e: {  	_ =	swait.ge [sflag:s20], $0x2800  }
0x1f: {  	[sflag:s20] =	ssyncset.done $0x0  }
0x20: {  	[sflag:s20] =	ssyncadd.s32 $0xFFFFD800  }
0x21: {  	[bflag:$0x0] =	sbarrier.arrive $0xFFFF  }
0x22: {  	[tilespmem:s3], [sflag:$0x1] =	stream.linear.gather [hbm4b:s6+s3], $0x50, $0x38;
	[tilespmem:$0x1E200] =	vst v63  }
0x23: {  	s15 =	sadd.s32 $0x0, s14  }
0x24: {  	[tilespmem:s21], [sflag:$0x1] =	stream.linear.gather [hbm4b:s15+s3], $0x2800, $0x38;
	[tilespmem:$0x1E200] =	vst v63  }
0x25: {  	_ = 	snop  }
0x26: {  	[tilespmem:s22], [sflag:$0x1] =	stream.linear.gather [hbm4b:s18+s3], $0x50, $0x38;
	[tilespmem:$0x1E200] =	vst v63  }
0x27: {  	s2 =	sadd.s32 $0x500, s15  }
0x28: {  	[tilespmem:s23], [sflag:$0x1] =	stream.linear.gather [hbm4b:s2+s3], $0x2800, $0x38;
	[tilespmem:$0x1E200] =	vst v63  }
0x29: {  	_ = 	snop  }
0x2a: {  	[tilespmem:s24], [sflag:$0x1] =	stream.linear.gather [hbm4b:s17+s3], $0x50, $0x38;
	[tilespmem:$0x1E200] =	vst v63  }
0x2b: {  	s16 =	sadd.s32 $0xA00, s15  }
0x2c: {  	[tilespmem:s25], [sflag:$0x1] =	stream.linear.gather [hbm4b:s16+s3], $0x2800, $0x38;
	[tilespmem:$0x1E200] =	vst v63  }
0x2d: {  	_ = 	snop  }
0x2e: {  	[tilespmem:s26], [sflag:$0x1] =	stream.linear.gather [hbm4b:s7+s3], $0x50, $0x38;
	[tilespmem:$0x1E200] =	vst v63  }
0x2f: {  	s0 =	sadd.s32 $0xF00, s15  }
0x30: {  	[tilespmem:s28], [sflag:$0x1] =	stream.linear.gather [hbm4b:s0+s3], $0x2800, $0x38;
	[tilespmem:$0x1E200] =	vst v63  }
0x31: {  	_ =	swait.ge [sflag:s29], $0x50  }
0x32: {  	[sflag:s29] =	ssyncset.done $0x0  }
0x33: {  	[sflag:s29] =	ssyncadd.s32 $0xFFFFFFB0  }
0x34: {  	_ =	swait.ge [sflag:s29], $0x2800  }
0x35: {  	[sflag:s29] =	ssyncset.done $0x0  }
0x36: {  	[sflag:s29] =	ssyncadd.s32 $0xFFFFD800  }
0x37: {  	_ =	swait.ge [sflag:s29], $0x50  }
0x38: {  	[sflag:s29] =	ssyncset.done $0x0  }
0x39: {  	[sflag:s29] =	ssyncadd.s32 $0xFFFFFFB0  }
0x3a: {  	_ =	swait.ge [sflag:s29], $0x2800  }
0x3b: {  	[sflag:s29] =	ssyncset.done $0x0  }
0x3c: {  	[sflag:s29] =	ssyncadd.s32 $0xFFFFD800  }
0x3d: {  	_ =	swait.ge [sflag:s29], $0x50  }
0x3e: {  	[sflag:s29] =	ssyncset.done $0x0  }
0x3f: {  	[sflag:s29] =	ssyncadd.s32 $0xFFFFFFB0  }
0x40: {  	_ =	swait.ge [sflag:s29], $0x2800  }
0x41: {  	[sflag:s29] =	ssyncset.done $0x0  }
0x42: {  	[sflag:s29] =	ssyncadd.s32 $0xFFFFD800  }
0x43: {  	_ =	swait.ge [sflag:s29], $0x50  }
0x44: {  	[sflag:s29] =	ssyncset.done $0x0  }
0x45: {  	[sflag:s29] =	ssyncadd.s32 $0xFFFFFFB0  }
0x46: {  	_ =	swait.ge [sflag:s29], $0x2800  }
0x47: {  	[sflag:s29] =	ssyncset.done $0x0  }
0x48: {  	[sflag:s29] =	ssyncadd.s32 $0xFFFFD800  }
0x49: {  	[spmem:s1] =	stream.indirect.scatter.add.f32 [tilespmem:s21], [sflag:$0x2], $0x80, s3, s30, $0xb8;
	[tilespmem:$0x1E200] =	vst v63  }
0x4a: {  	_ =	swait.ge [sflag:s20], $0x2800  }
0x4b: {  	[sflag:s20] =	ssyncset.done $0x0  }
0x4c: {  	[sflag:s20] =	ssyncadd.s32 $0xFFFFD800  }
0x4d: {  	[spmem:s1] =	stream.indirect.scatter.add.f32 [tilespmem:s23], [sflag:$0x2], $0x80, s22, s30, $0xb8;
	[tilespmem:$0x1E200] =	vst v63  }
0x4e: {  	_ =	swait.ge [sflag:s20], $0x2800  }
0x4f: {  	[sflag:s20] =	ssyncset.done $0x0  }
0x50: {  	[sflag:s20] =	ssyncadd.s32 $0xFFFFD800  }
0x51: {  	[spmem:s1] =	stream.indirect.scatter.add.f32 [tilespmem:s25], [sflag:$0x2], $0x80, s24, s30, $0xb8;
	[tilespmem:$0x1E200] =	vst v63  }
0x52: {  	_ =	swait.ge [sflag:s20], $0x2800  }
0x53: {  	[sflag:s20] =	ssyncset.done $0x0  }
0x54: {  	s4 =	sadd.s32 $0x28, s18;
	[sflag:s20] =	ssyncadd.s32 $0xFFFFD800  }
0x55: {  	[spmem:s1] =	stream.indirect.scatter.add.f32 [tilespmem:s28], [sflag:$0x2], $0x80, s26, s30, $0xb8;
	[tilespmem:$0x1E200] =	vst v63  }
0x56: {  	s15 =	smov.u32 s6;
	s2 =	sadd.s32 $0x28, s17;
	_ =	swait.ge [sflag:s20], $0x2800  }
0x57: {  	s16 =	smov.u32 s7;
	s0 =	simm.s32 $0x1400;
	[sflag:s20] =	ssyncset.done $0x0  }
.LBB2_2:
0x58: {  	[sflag:s20] =	ssyncadd.s32 $0xFFFFD800;
	s15 =	sadd.s32 $0x28, s15;
	s16 =	sadd.s32 $0x28, s16  }
0x59: {  	[tilespmem:s3], [sflag:$0x1] =	stream.linear.gather [hbm4b:s15+s3], $0x50, $0x38;
	[tilespmem:$0x1E200] =	vst v63  }
0x5a: {  	s8 =	sadd.s32 s0, s14;
	p0 =	sne.s32 s0, $0x15400;
	s0 =	sadd.s32 $0x1400, s0  }
0x5b: {  	[tilespmem:s21], [sflag:$0x1] =	stream.linear.gather [hbm4b:s8+s3], $0x2800, $0x38;
	[tilespmem:$0x1E200] =	vst v63  }
0x5c: {  	_ = 	snop  }
0x5d: {  	[tilespmem:s22], [sflag:$0x1] =	stream.linear.gather [hbm4b:s4+s3], $0x50, $0x38;
	[tilespmem:$0x1E200] =	vst v63  }
0x5e: {  	s9 =	sadd.s32 $0x500, s8  }
0x5f: {  	[tilespmem:s23], [sflag:$0x1] =	stream.linear.gather [hbm4b:s9+s3], $0x2800, $0x38;
	[tilespmem:$0x1E200] =	vst v63  }
0x60: {  	_ = 	snop  }
0x61: {  	[tilespmem:s24], [sflag:$0x1] =	stream.linear.gather [hbm4b:s2+s3], $0x50, $0x38;
	[tilespmem:$0x1E200] =	vst v63  }
0x62: {  	s9 =	sadd.s32 $0xA00, s8  }
0x63: {  	[tilespmem:s25], [sflag:$0x1] =	stream.linear.gather [hbm4b:s9+s3], $0x2800, $0x38;
	[tilespmem:$0x1E200] =	vst v63  }
0x64: {  	_ = 	snop  }
0x65: {  	[tilespmem:s26], [sflag:$0x1] =	stream.linear.gather [hbm4b:s16+s3], $0x50, $0x38;
	[tilespmem:$0x1E200] =	vst v63  }
0x66: {  	s8 =	sadd.s32 $0xF00, s8  }
0x67: {  	[tilespmem:s28], [sflag:$0x1] =	stream.linear.gather [hbm4b:s8+s3], $0x2800, $0x38;
	[tilespmem:$0x1E200] =	vst v63  }
0x68: {  	_ =	swait.ge [sflag:s29], $0x50  }
0x69: {  	[sflag:s29] =	ssyncset.done $0x0  }
0x6a: {  	[sflag:s29] =	ssyncadd.s32 $0xFFFFFFB0  }
0x6b: {  	_ =	swait.ge [sflag:s29], $0x2800  }
0x6c: {  	[sflag:s29] =	ssyncset.done $0x0  }
0x6d: {  	[sflag:s29] =	ssyncadd.s32 $0xFFFFD800  }
0x6e: {  	_ =	swait.ge [sflag:s29], $0x50  }
0x6f: {  	[sflag:s29] =	ssyncset.done $0x0  }
0x70: {  	[sflag:s29] =	ssyncadd.s32 $0xFFFFFFB0  }
0x71: {  	_ =	swait.ge [sflag:s29], $0x2800  }
0x72: {  	[sflag:s29] =	ssyncset.done $0x0  }
0x73: {  	[sflag:s29] =	ssyncadd.s32 $0xFFFFD800  }
0x74: {  	_ =	swait.ge [sflag:s29], $0x50  }
0x75: {  	[sflag:s29] =	ssyncset.done $0x0  }
0x76: {  	[sflag:s29] =	ssyncadd.s32 $0xFFFFFFB0  }
0x77: {  	_ =	swait.ge [sflag:s29], $0x2800  }
0x78: {  	[sflag:s29] =	ssyncset.done $0x0  }
0x79: {  	[sflag:s29] =	ssyncadd.s32 $0xFFFFD800  }
0x7a: {  	_ =	swait.ge [sflag:s29], $0x50  }
0x7b: {  	[sflag:s29] =	ssyncset.done $0x0  }
0x7c: {  	[sflag:s29] =	ssyncadd.s32 $0xFFFFFFB0  }
0x7d: {  	_ =	swait.ge [sflag:s29], $0x2800  }
0x7e: {  	[sflag:s29] =	ssyncset.done $0x0  }
0x7f: {  	[sflag:s29] =	ssyncadd.s32 $0xFFFFD800  }
0x80: {  	[spmem:s1] =	stream.indirect.scatter.add.f32 [tilespmem:s21], [sflag:$0x2], $0x80, s3, s30, $0xb8;
	[tilespmem:$0x1E200] =	vst v63  }
0x81: {  	_ =	swait.ge [sflag:s20], $0x2800  }
0x82: {  	[sflag:s20] =	ssyncset.done $0x0  }
0x83: {  	[sflag:s20] =	ssyncadd.s32 $0xFFFFD800  }
0x84: {  	[spmem:s1] =	stream.indirect.scatter.add.f32 [tilespmem:s23], [sflag:$0x2], $0x80, s22, s30, $0xb8;
	[tilespmem:$0x1E200] =	vst v63  }
0x85: {  	_ =	swait.ge [sflag:s20], $0x2800  }
0x86: {  	[sflag:s20] =	ssyncset.done $0x0  }
0x87: {  	[sflag:s20] =	ssyncadd.s32 $0xFFFFD800  }
0x88: {  	[spmem:s1] =	stream.indirect.scatter.add.f32 [tilespmem:s25], [sflag:$0x2], $0x80, s24, s30, $0xb8;
	[tilespmem:$0x1E200] =	vst v63  }
0x89: {  	_ =	swait.ge [sflag:s20], $0x2800  }
.Ltmp0:
0x8a: {  	[sflag:s20] =	ssyncset.done $0x0;
	(pc) =	sbr.rel @p0 .LBB2_2-.Ltmp0, $4  }
0x8b: {  	[sflag:s20] =	ssyncadd.s32 $0xFFFFD800  }
0x8c: {  	[spmem:s1] =	stream.indirect.scatter.add.f32 [tilespmem:s28], [sflag:$0x2], $0x80, s26, s30, $0xb8;
	[tilespmem:$0x1E200] =	vst v63  }
0x8d: {  	_ =	swait.ge [sflag:s20], $0x2800  }
0x8e: {  	s4 =	sadd.s32 $0x28, s4;
	s2 =	sadd.s32 $0x28, s2;
	[sflag:s20] =	ssyncset.done $0x0  }
0x8f: {  	[sflag:s20] =	ssyncadd.s32 $0xFFFFD800;
	s0 =	rddreg [dreg:$0x4]  }
0x90: {  	[tilespmem:s3], [sflag:$0x2] =	stream.linear.gather [hbm4b:s0+s3], $0x50, $0x38;
	[tilespmem:$0x1E200] =	vst v63  }
0x91: {  	_ =	swait.ge [sflag:s20], $0x50  }
0x92: {  	[sflag:s20] =	ssyncset.done $0x0  }
0x93: {  	s9 =	rddreg [dreg:$0x5];
	[sflag:s20] =	ssyncadd.s32 $0xFFFFFFB0  }
0x94: {  	[tilespmem:s21], [sflag:$0x2] =	stream.linear.gather [hbm4b:s9+s3], $0x2800, $0x38;
	[tilespmem:$0x1E200] =	vst v63  }
0x95: {  	_ =	swait.ge [sflag:s20], $0x2800  }
0x96: {  	[sflag:s20] =	ssyncset.done $0x0  }
0x97: {  	[sflag:s20] =	ssyncadd.s32 $0xFFFFD800  }
0x98: {  	[spmem:s1] =	stream.indirect.scatter.add.f32 [tilespmem:s21], [sflag:$0x2], $0x80, s3, s30, $0xb8;
	[tilespmem:$0x1E200] =	vst v63  }
0x99: {  	_ =	swait.ge [sflag:s20], $0x2800  }
0x9a: {  	[sflag:s20] =	ssyncset.done $0x0  }
0x9b: {  	s15 =	rddreg [dreg:$0x6];
	[sflag:s20] =	ssyncadd.s32 $0xFFFFD800  }
0x9c: {  	[tilespmem:s3], [sflag:$0x2] =	stream.linear.gather [hbm4b:s15+s3], $0x50, $0x38;
	[tilespmem:$0x1E200] =	vst v63  }
0x9d: {  	_ =	swait.ge [sflag:s20], $0x50  }
0x9e: {  	[sflag:s20] =	ssyncset.done $0x0  }
0x9f: {  	s16 =	rddreg [dreg:$0x7];
	[sflag:s20] =	ssyncadd.s32 $0xFFFFFFB0  }
0xa0: {  	[tilespmem:s21], [sflag:$0x2] =	stream.linear.gather [hbm4b:s16+s3], $0x2800, $0x38;
	[tilespmem:$0x1E200] =	vst v63  }
0xa1: {  	_ =	swait.ge [sflag:s20], $0x2800  }
0xa2: {  	[sflag:s20] =	ssyncset.done $0x0  }
0xa3: {  	[sflag:s20] =	ssyncadd.s32 $0xFFFFD800  }
0xa4: {  	[spmem:s1] =	stream.indirect.scatter.add.f32 [tilespmem:s21], [sflag:$0x2], $0x80, s3, s30, $0xb8;
	[tilespmem:$0x1E200] =	vst v63  }
0xa5: {  	_ =	swait.ge [sflag:s20], $0x2800  }
0xa6: {  	[sflag:s20] =	ssyncset.done $0x0  }
0xa7: {  	[sflag:s20] =	ssyncadd.s32 $0xFFFFD800  }
0xa8: {  	[tilespmem:s3], [sflag:$0x2] =	stream.linear.gather [hbm4b:s10+s3], $0x50, $0x38;
	[tilespmem:$0x1E200] =	vst v63  }
0xa9: {  	_ =	swait.ge [sflag:s20], $0x50  }
0xaa: {  	[sflag:s20] =	ssyncset.done $0x0  }
0xab: {  	[sflag:s20] =	ssyncadd.s32 $0xFFFFFFB0  }
0xac: {  	[tilespmem:s21], [sflag:$0x2] =	stream.linear.gather [hbm4b:s11+s3], $0x2800, $0x38;
	[tilespmem:$0x1E200] =	vst v63  }
0xad: {  	_ =	swait.ge [sflag:s20], $0x2800  }
0xae: {  	[sflag:s20] =	ssyncset.done $0x0  }
0xaf: {  	[sflag:s20] =	ssyncadd.s32 $0xFFFFD800  }
0xb0: {  	[spmem:s1] =	stream.indirect.scatter.add.f32 [tilespmem:s21], [sflag:$0x2], $0x80, s3, s30, $0xb8;
	[tilespmem:$0x1E200] =	vst v63  }
0xb1: {  	_ =	swait.ge [sflag:s20], $0x2800  }
0xb2: {  	s31 =	sadd.s32 $0x1, s31;
	[sflag:s20] =	ssyncset.done $0x0  }
0xb3: {  	p0 =	sne.s32 s31, s13;
	[sflag:s20] =	ssyncadd.s32 $0xFFFFD800  }
.Ltmp1:
0xb4: {  	[bflag:$0x0] =	sbarrier.arrive $0xFFFF;
	(pc) =	sbr.rel @p0 .LBB2_1-.Ltmp1, $4  }
0xb5: {  	[hbm:s12], [sflag:s5] =	dma.local [spmem:s19], $0x2800  }
0xb6: {  	_ =	swait.ge [sflag:s20], $0x2800  }
0xb7: {  	[sflag:s20] =	ssyncset.done $0x0  }
0xb8: {  	[sflag:s20] =	ssyncadd.s32 $0xFFFFD800  }
0xb9: {  	_ =	sfence.sel $0x180000  }
0xba: {  	[bflag:$0x0] =	sbarrier.arrive $0xFFFF  }
0xbb: {  	_ =	strace $0x90000053  }
0xbc: {  	s0 =	stileid.u32;
	[bflag:$0x2] =	sbarrier.arrive $0xFFFF  }
0xbd: {  	p0 =	sne.s32 s0, $0x0;
	s0 =	rddreg [dreg:$0x2]  }
0xbe: {  	s0 =	sadd.s32 @!p0 $0x100000, s0  }
0xbf: {  	[sflag:s0] =	ssyncadd.tile.s32 @!p0 $0x1;
	_ =	shalt  }
.Lfunc_end2:
_tile_overlayer_lowered:
.L_overlay_start_2:
0xc0: {  	(tag) =	ssettag $0x2  }
0xc1: {  	s0 =	rddreg [dreg:$0x0];
	s2 =	stileid.u32  }
0xc2: {  	s1 =	rddreg [dreg:$0x1];
	p0 =	sne.s32 s2, $0x0  }
0xc3: {  	s3 =	rddreg [dreg:$0x2];
	[bflag:$0x3] =	sbarrier.arrive $0xFFFF;
	s2 =	simm.s32 @!p0 $0x1C02  }
0xc4: {  	[timem:s3], [sflag:s2] =	dma.local @!p0 [hbm:s0], s1  }
0xc5: {  	s0 =	simm.s32 @!p0 $0x2  }
0xc6: {  	_ =	swait.ge @!p0 [sflag:s0], s1  }
0xc7: {  	s1 =	ssub.s32 @!p0 $0x0, s1;
	[sflag:s0] =	ssyncset.done @!p0 $0x0  }
0xc8: {  	[sflag:s0] =	ssyncadd.s32 @!p0 s1  }
0xc9: {  	[bflag:$0x3] =	sbarrier.arrive $0xFFFF  }
0xca: {  	_ =	shalt  }

// kernel: kernel.19.cloned.1.call-start
scs
__scs_entry_jumppad:
0x0: {  	(pc) =	sbr.rel $0x88, $3  }
0x1: {  	(tag) =	ssettag $0x0;
	lr =	simm.s32 $0x1  }
0x2: {  	[smem:$0x3F95] =	sst lr;
	_ =	strace $0xD0000000  }
0x3: {  	_ = 	snop  }
0x4: {  	_ = 	snop  }
0x5: {  	_ = 	snop  }
0x6: {  	_ = 	snop  }
0x7: {  	_ = 	snop  }
__scs_overlays_trampoline_lowered:
0x8: {  	[smem:$0x3FA4] =	sst s0  }
0x9: {  	[smem:$0x3FA5] =	sst s1  }
0xa: {  	[smem:$0x3FA6] =	sst s2  }
0xb: {  	[smem:$0x3FA7] =	sst s3  }
0xc: {  	[smem:$0x3FA8] =	sst s4  }
0xd: {  	[smem:$0x3FA9] =	sst s5  }
0xe: {  	[smem:$0x3FAA] =	sst s6  }
0xf: {  	[smem:$0x3FAB] =	sst s7  }
0x10: {  	[smem:$0x3FAC] =	sst s8  }
0x11: {  	[smem:$0x3FAD] =	sst s9;
	s0 =	simm.s32 @!p0 $0x0  }
0x12: {  	s1 =	sld [smem:$0x3F93];
	s0 =	simm.s32 @p0 $0x1  }
0x13: {  	[smem:$0x3FAE] =	sst s0;
	s0 =	simm.s32 @!p1 $0x0  }
0x14: {  	s2 =	sld [smem:$0x3F92];
	s0 =	simm.s32 @p1 $0x1  }
0x15: {  	[smem:$0x3FAF] =	sst s0;
	s0 =	simm.s32 @!p2 $0x0  }
0x16: {  	s3 =	sld [smem:$0x3FDB];
	s0 =	simm.s32 @p2 $0x1  }
0x17: {  	s4 =	simm.s32 $0x1BF5;
	[smem:$0x3FB1] =	sst s0  }
0x18: {  	s0 =	sld [smem:$0x3F94];
	_ =	swait.ge [sflag:s4], $0x0  }
0x19: {  	s7 =	sld [smem:$0x3F95]  }
0x1a: {  	s8 =	sadd.s32 $0xFFFFE003, lr  }
0x1b: {  	s9 =	sadd.s32 $0xFFFFFEF7, lr;
	s5 =	simm.s32 $0xFFFFFFFF;
	p2 =	slt.u32 s8, $0xFFFFF086  }
0x1c: {  	p1 =	slt.u32 s9, $0xF7A;
	s5 =	simm.s32 @!p2 $0x0  }
0x1d: {  	s5 =	simm.s32 @p1 $0x1;
	p0 =	seq.s32 s7, s2  }
0x1e: {  	s7 =	smul.u32 @!p0 $0xF7A, s2;
	p2 =	seq.s32 @!p0 s5, $0x0  }
0x1f: {  	s9 =	smul.u32 $0xF7A, s1;
	s8 =	simm.s32 @!p0 $0x1BF5;
	p2 =	por !p2, p0  }
0x20: {  	[sflag:s8] =	ssyncset.s32 @!p0 $0xFFFFF086;
	s6 =	sadd.s32 @!p0 s3, s7;
	s7 =	simm.s32 @!p0 $0x108  }
0x21: {  	s3 =	sadd.s32 s3, s9;
	s6 =	sadd.s32 @!p0 $0x88, s6;
	s7 =	simm.s32 @p2 $0x1082  }
0x22: {  	[simem:s7], [sflag:s8] =	dma.local @!p0 [hbm:s6], $0xF7A  }
0x23: {  	s9 =	sor.u32 $0xD0000000, s2;
	s6 =	simm.s32 $0x108;
	_ =	swait.ge @!p0 [sflag:s8], $0x0  }
0x24: {  	s3 =	sadd.s32 $0x88, s3;
	s6 =	simm.s32 @!p1 $0x1082;
	[sflag:s4] =	ssyncset.s32 $0xFFFFF086  }
0x25: {  	[simem:s6], [sflag:s4] =	dma.local [hbm:s3], $0xF7A  }
0x26: {  	[smem:$0x3F95] =	sst s1;
	(tag) =	ssettag s2;
	_ =	strace s9  }
0x27: {  	s1 =	sld [smem:$0x3FA5]  }
0x28: {  	s2 =	sld [smem:$0x3FA6]  }
0x29: {  	s4 =	sld [smem:$0x3FA8]  }
0x2a: {  	p0 =	seq.s32 s5, $0x0;
	s5 =	sld [smem:$0x3FA9]  }
0x2b: {  	s6 =	sld [smem:$0x3FAA]  }
0x2c: {  	s7 =	sld [smem:$0x3FAB]  }
0x2d: {  	s3 =	simm.s32 $0x108;
	s8 =	sld [smem:$0x3FAC]  }
0x2e: {  	s3 =	simm.s32 @!p0 $0x1082;
	s9 =	sld [smem:$0x3FAD]  }
0x2f: {  	lr =	sadd.s32 s0, s3;
	s0 =	sld [smem:$0x3FA4]  }
0x30: {  	s3 =	sld [smem:$0x3FA7]  }
0x31: {  	[smem:$0x3FB0] =	sst s10  }
0x32: {  	s10 =	sld [smem:$0x3FAE];
	_ =	sdelay $0x3  }
0x33: {  	p0 =	seq.s32 s10, $0x1;
	s10 =	sld [smem:$0x3FB0];
	_ =	sdelay $0x3  }
0x34: {  	[smem:$0x3FB0] =	sst s10  }
0x35: {  	s10 =	sld [smem:$0x3FAF];
	_ =	sdelay $0x3  }
0x36: {  	p1 =	seq.s32 s10, $0x1;
	s10 =	sld [smem:$0x3FB0];
	_ =	sdelay $0x3  }
0x37: {  	[smem:$0x3FB0] =	sst s10  }
0x38: {  	s10 =	sld [smem:$0x3FB1]  }
0x39: {  	_ = 	snop;
	(pc) =	sbr.ind lr, $3  }
0x3a: {  	_ = 	snop  }
0x3b: {  	_ = 	snop  }
0x3c: {  	p2 =	seq.s32 s10, $0x1;
	s10 =	sld [smem:$0x3FB0]  }
0x3d: {  	_ =	shalt  }
0x3e: {  	_ =	shalt  }
0x3f: {  	_ =	shalt  }
0x40: {  	_ =	shalt  }
0x41: {  	_ =	shalt  }
0x42: {  	_ =	shalt  }
0x43: {  	_ =	shalt  }
0x44: {  	_ =	shalt  }
0x45: {  	_ =	shalt  }
0x46: {  	_ =	shalt  }
0x47: {  	_ =	shalt  }
0x48: {  	_ =	shalt  }
0x49: {  	_ =	shalt  }
0x4a: {  	_ =	shalt  }
0x4b: {  	_ =	shalt  }
0x4c: {  	_ =	shalt  }
0x4d: {  	_ =	shalt  }
0x4e: {  	_ =	shalt  }
0x4f: {  	_ =	shalt  }
0x50: {  	_ =	shalt  }
0x51: {  	_ =	shalt  }
0x52: {  	_ =	shalt  }
0x53: {  	_ =	shalt  }
0x54: {  	_ =	shalt  }
0x55: {  	_ =	shalt  }
0x56: {  	_ =	shalt  }
0x57: {  	_ =	shalt  }
0x58: {  	_ =	shalt  }
0x59: {  	_ =	shalt  }
0x5a: {  	_ =	shalt  }
0x5b: {  	_ =	shalt  }
0x5c: {  	_ =	shalt  }
0x5d: {  	_ =	shalt  }
0x5e: {  	_ =	shalt  }
0x5f: {  	_ =	shalt  }
0x60: {  	_ =	shalt  }
0x61: {  	_ =	shalt  }
0x62: {  	_ =	shalt  }
0x63: {  	_ =	shalt  }
0x64: {  	_ =	shalt  }
0x65: {  	_ =	shalt  }
0x66: {  	_ =	shalt  }
0x67: {  	_ =	shalt  }
0x68: {  	_ =	shalt  }
0x69: {  	_ =	shalt  }
0x6a: {  	_ =	shalt  }
0x6b: {  	_ =	shalt  }
0x6c: {  	_ =	shalt  }
0x6d: {  	_ =	shalt  }
0x6e: {  	_ =	shalt  }
0x6f: {  	_ =	shalt  }
0x70: {  	_ =	shalt  }
0x71: {  	_ =	shalt  }
0x72: {  	_ =	shalt  }
0x73: {  	_ =	shalt  }
0x74: {  	_ =	shalt  }
0x75: {  	_ =	shalt  }
0x76: {  	_ =	shalt  }
0x77: {  	_ =	shalt  }
0x78: {  	_ =	shalt  }
0x79: {  	_ =	shalt  }
0x7a: {  	_ =	shalt  }
0x7b: {  	_ =	shalt  }
0x7c: {  	_ =	shalt  }
0x7d: {  	_ =	shalt  }
0x7e: {  	_ =	shalt  }
0x7f: {  	_ =	shalt  }
0x80: {  	_ =	shalt  }
0x81: {  	_ =	shalt  }
0x82: {  	_ =	shalt  }
0x83: {  	_ =	shalt  }
0x84: {  	_ =	shalt  }
0x85: {  	_ =	shalt  }
0x86: {  	_ =	shalt  }
0x87: {  	_ =	shalt  }
.Lfunc_end0:
.L_simem_size_0:
called_computation.5_lowered:
.L_overlay_start_0:
0x88: {  	s2 =	sld [smem:$0x3FD9]  }
0x89: {  	s3 =	sld [smem:$0x3FFE];
	_ =	sdelay $0x1  }
0x8a: {  	s1 =	srdreg.scid  }
0x8b: {  	s0 =	sand.u32 $0x1, s1  }
0x8c: {  	s17 =	sshll.u32 s0, $0xA;
	s2 =	sadd.s32 s3, s2  }
0x8d: {  	s2 =	sadd.s32 s2, s17  }
0x8e: {  	[smem:$0x3FBC] =	sst s2  }
0x8f: {  	_ = 	snop  }
0x90: {  	(tm) =	ssettm $0x1  }
0x91: {  	s18 =	sld [smem:$0x3FFB];
	_ =	sdelay $0x3  }
0x92: {  	_ =	strace s18  }
0x93: {  	s2 =	sld [smem:$0x3FFC];
	_ =	sdelay $0x3  }
0x94: {  	_ =	strace s2  }
0x95: {  	s2 =	sld [smem:$0x3FFD];
	_ =	sdelay $0x3  }
0x96: {  	_ =	strace s2  }
0x97: {  	_ =	strace $0x8FFFFFFF  }
0x98: {  	s19 =	sld [smem:$0x3FDB];
	_ =	sdelay $0x1  }
0x99: {  	s20 =	simm.s32 $_scs_section_size  }
0x9a: {  	s4 =	simm.s32 $_size__tile_overlayer_lowered;
	s5 =	simm.s32 $_tile_overlayer_lowered  }
0x9b: {  	s6 =	simm.s32 $0x1BFF;
	s21 =	sshll.u32 s5, $0x1;
	s3 =	sadd.s32 s20, s19  }
0x9c: {  	s22 =	simm.s32 $0x0;
	s4 =	sshll.u32 s4, $0x1;
	s5 =	sadd.s32 s21, s3  }
0x9d: {  	[timem:s22], [sflag:s6] =	dma.local [hbm:s5], s4  }
0x9e: {  	_ =	swait.ge [sflag:s6], s4  }
0x9f: {  	s4 =	ssub.s32 $0x0, s4;
	[sflag:s6] =	ssyncset.done $0x0  }
0xa0: {  	[sflag:s6] =	ssyncadd.s32 s4;
	_ =	sdelay $0x1  }
0xa1: {  	s23 =	simm.s32 $0x1B8B  }
0xa2: {  	_ =	swait.ge [sflag:s23], $0x1  }
0xa3: {  	[sflag:s23] =	ssyncset.done $0x0  }
0xa4: {  	[sflag:s23] =	ssyncadd.s32 $0xFFFFFFFF  }
0xa5: {  	s4 =	sld [smem:$0x0]  }
0xa6: {  	s5 =	sand.u32 $0xFFFFFFFE, s1  }
0xa7: {  	p0 =	sne.s32 s1, s5  }
0xa8: {  	s5 =	sshll.u32 @p0 s5, $0xE  }
0xa9: {  	s5 =	sadd.s32 @p0 $0x11B8D, s5;
	s6 =	sshll.u32 @p0 s4, $0x11  }
0xaa: {  	s5 =	sor.u32 @p0 s6, s5  }
0xab: {  	[sflag:s5] =	ssyncadd.remote.s32 @p0 $0x1;
	_ =	sdelay $0x1  }
0xac: {  	s5 =	simm.s32 @p0 $0x1B8D  }
0xad: {  	_ =	swait.eq @p0 [sflag:s5], $0x1  }
0xae: {  	[sflag:s5] =	ssyncadd.s32 @p0 $0xFFFFFFFF  }
0xaf: {  	s6 =	sshll.u32 @!p0 s1, $0xE  }
0xb0: {  	s6 =	sor.u32 @!p0 $0x4000, s6;
	s5 =	simm.s32 @!p0 $0x1B8D  }
0xb1: {  	s4 =	sshll.u32 @!p0 s4, $0x11;
	s6 =	sadd.s32 @!p0 $0x11B8D, s6;
	_ =	swait.eq @!p0 [sflag:s5], $0x1  }
0xb2: {  	s4 =	sor.u32 @!p0 s4, s6;
	[sflag:s5] =	ssyncadd.s32 @!p0 $0xFFFFFFFF  }
0xb3: {  	s25 =	simm.s32 $0x1B8E;
	s24 =	sld [smem:$0x3FFE];
	[sflag:s4] =	ssyncadd.remote.s32 @!p0 $0x1  }
0xb4: {  	s26 =	simm.s32 $execute0_lowered;
	[smem:$0x3FD2] =	sst s25  }
0xb5: {  	s5 =	sshll.u32 s26, $0x1;
	_ =	strace $0x80000055;
	[dreg:$0x1] =	wrdreg $0xFFFFFFFF  }
0xb6: {  	s28 =	simm.s32 $_size_execute0_lowered;
	s3 =	sadd.s32 s3, s5;
	[dreg:$0x0] =	wrdreg $0x0  }
0xb7: {  	s5 =	sshll.u32 s28, $0x1;
	[dreg:$0x2] =	wrdreg s3  }
0xb8: {  	[dreg:$0x3] =	wrdreg s5  }
0xb9: {  	[dreg:$0x4] =	wrdreg $0xC0  }
0xba: {  	_ =	task [dreg:s22], $0x5FFFF  }
0xbb: {  	[dreg:$0x1] =	wrdreg $0xFFFFFFFF  }
0xbc: {  	[dreg:$0x0] =	wrdreg $0x60  }
0xbd: {  	[dreg:$0x2] =	wrdreg s24  }
0xbe: {  	[dreg:$0x3] =	wrdreg $0xA2000  }
0xbf: {  	[dreg:$0x4] =	wrdreg $0x9  }
0xc0: {  	_ =	task.clear_ibuf [dreg:s22], $0x5FFFF;
	_ =	strace $0x90000055  }
0xc1: {  	s29 =	simm.s32 $0x9;
	_ =	strace $0x80000057  }
0xc2: {  	_ =	swait.ge [sflag:s29], $0x1  }
0xc3: {  	[sflag:s29] =	ssyncadd.s32 $0xFFFFFFFF  }
0xc4: {  	_ =	strace $0x90000057  }
0xc5: {  	_ =	sfence  }
0xc6: {  	s30 =	sld [smem:$0x0];
	_ =	sdelay $0x2  }
0xc7: {  	s31 =	sshll.u32 s1, $0xD;
	s1 =	sshrl.u32 s1, $0x2  }
0xc8: {  	s4 =	sand.u32 $0x4000, s31;
	s1 =	sadd.s32 s1, s30  }
0xc9: {  	s0 =	sor.u32 s4, s0;
	s1 =	sshll.u32 s1, $0x11  }
0xca: {  	s0 =	sor.u32 s1, s0  }
0xcb: {  	s0 =	sadd.s32 $0x8F2B, s0  }
0xcc: {  	[sflag:s0] =	ssyncadd.remote.s32 $0x1  }
0xcd: {  	_ =	sfence.sel $0xFFFF  }
0xce: {  	[dreg:$0x0] =	wrdreg $0xFFFFFFFF;
	(pc) =	sbr.abs _section_cstart, $3  }
0xcf: {  	[dreg:$0x1] =	wrdreg $0xFFFFFFFF  }
0xd0: {  	_ =	task.clear_ibuf [dreg:s22], $0x2FFFF;
	_ =	strace $0x9FFFFFFF  }
0xd1: {  	(tm) =	ssettm $0x7FFFFFFF  }
tec
execute0_lowered:
.L_overlay_start_1:
0x0: {  	(tag) =	ssettag $0x1  }
0x1: {  	s0 =	rddreg [dreg:$0x0]  }
0x2: {  	s1 =	rddreg [dreg:$0x1];
	s2 =	simm.s32 $0x0  }
0x3: {  	s3 =	srdreg.scid;
	s15 =	stileid.u32;
	s28 =	simm.s32 $0x50  }
0x4: {  	s29 =	simm.s32 $0x0;
	[smem:$0x7FF] =	sst s2;
	s5 =	smul.u32 $0x14000, s15  }
0x5: {  	s3 =	sand.u32 $0x1, s3;
	s11 =	sadd.s32 $0xD2000, s0;
	s8 =	smul.u32 $0x50000, s15  }
0x6: {  	s13 =	sadd.s32 $0x19E00, s0;
	s7 =	sadd.s32 $0x4400, s0;
	s12 =	smul.u32 $0xFA0, s15  }
0x7: {  	s16 =	sshll.u32 s15, $0x6;
	_ =	strace $0x80000056;
	s4 =	smul.u32 $0x140000, s3  }
0x8: {  	s6 =	sshll.u32 s3, $0x4;
	[dreg:$0x3] =	wrdreg s7;
	s10 =	smul.u32 $0xFA00, s3  }
0x9: {  	s25 =	ssub.s32 $0x2, s3;
	s3 =	smul.u32 $0xFA000, s3;
	s6 =	sor.u32 s15, s6  }
0xa: {  	s30 =	sshrl.u32 s25, $0x1;
	s14 =	sshrl.u32 s8, $0x2;
	s15 =	smul.u32 $0xFA00, s15  }
0xb: {  	s4 =	sadd.s32 s5, s4;
	s26 =	smul.u32 $0xFA0, s6;
	s31 =	ssub.s32 s25, s30  }
0xc: {  	s14 =	sadd.s32 s14, s1;
	s5 =	sor.u32 $0x1C02, s16;
	s16 =	sadd.s32 s12, s10  }
0xd: {  	s23 =	sadd.s32 s3, s11;
	s4 =	sshrl.u32 s4, $0x3;
	s24 =	sshrl.u32 s16, $0x3  }
0xe: {  	s12 =	sadd.s32 s15, s23;
	s25 =	sadd.s32 $0xF0, s16;
	s30 =	sadd.s32 $0x50, s16  }
0xf: {  	s23 =	simm.s32 $0x5200;
	s0 =	sadd.s32 s4, s0;
	s9 =	sadd.s32 $0xF00, s26  }
0x10: {  	s20 =	sadd.s32 $0xF50, s26;
	s3 =	sadd.s32 s24, s13;
	s26 =	sadd.s32 $0xA0, s16  }
0x11: {  	s24 =	simm.s32 $0x180;
	s17 =	sshrl.u32 s9, $0x3;
	s19 =	sshll.u32 s9, $0x4  }
0x12: {  	s22 =	sshrl.u32 s20, $0x3;
	s9 =	sshll.u32 s20, $0x4;
	s10 =	sadd.s32 $0x2C6000, s0  }
0x13: {  	s0 =	sshrl.u32 s25, $0x3;
	s20 =	simm.s32 $0x80;
	s25 =	simm.s32 $0x7A00  }
0x14: {  	s18 =	sadd.s32 s13, s17;
	s21 =	sadd.s32 s11, s19;
	s8 =	sadd.s32 s13, s22  }
0x15: {  	s9 =	sadd.s32 s11, s9;
	s11 =	smax.u32 s31, $0x1;
	s31 =	sshrl.u32 s26, $0x3  }
0x16: {  	s17 =	sshrl.u32 s30, $0x3;
	s4 =	sadd.s32 s0, s13;
	s19 =	simm.s32 $0x200  }
0x17: {  	s22 =	simm.s32 $0x100;
	s26 =	simm.s32 $0x1;
	[dreg:$0x4] =	wrdreg s18  }
0x18: {  	[dreg:$0x5] =	wrdreg s21;
	s15 =	sadd.s32 s31, s13;
	s16 =	sadd.s32 s17, s13  }
0x19: {  	s17 =	sshrl.u32 s14, $0x3;
	s18 =	simm.s32 $0x2;
	s21 =	simm.s32 $0x2A00  }
.LBB2_1:
0x1a: {  	s0 =	rddreg [dreg:$0x3]  }
0x1b: {  	[spmem:s17], [sflag:s5] =	dma.local [hbm:s0], $0x2800  }
0x1c: {  	_ =	swait.ge [sflag:s18], $0x2800  }
0x1d: {  	[sflag:s18] =	ssyncset.done $0x0  }
0x1e: {  	[sflag:s18] =	ssyncadd.s32 $0xFFFFD800  }
0x1f: {  	[bflag:$0x0] =	sbarrier.arrive $0xFFFF  }
0x20: {  	[tilespmem:s2], [sflag:$0x1] =	stream.linear.gather [hbm4b:s3+s2], $0x50, $0x38;
	[tilespmem:$0x1E200] =	vst v63  }
0x21: {  	s7 =	sadd.s32 $0x0, s12  }
0x22: {  	[tilespmem:s19], [sflag:$0x1] =	stream.linear.gather [hbm4b:s7+s2], $0x2800, $0x38;
	[tilespmem:$0x1E200] =	vst v63  }
0x23: {  	_ = 	snop  }
0x24: {  	[tilespmem:s20], [sflag:$0x1] =	stream.linear.gather [hbm4b:s16+s2], $0x50, $0x38;
	[tilespmem:$0x1E200] =	vst v63  }
0x25: {  	s13 =	sadd.s32 $0x500, s7  }
0x26: {  	[tilespmem:s21], [sflag:$0x1] =	stream.linear.gather [hbm4b:s13+s2], $0x2800, $0x38;
	[tilespmem:$0x1E200] =	vst v63  }
0x27: {  	_ = 	snop  }
0x28: {  	[tilespmem:s22], [sflag:$0x1] =	stream.linear.gather [hbm4b:s15+s2], $0x50, $0x38;
	[tilespmem:$0x1E200] =	vst v63  }
0x29: {  	s14 =	sadd.s32 $0xA00, s7  }
0x2a: {  	[tilespmem:s23], [sflag:$0x1] =	stream.linear.gather [hbm4b:s14+s2], $0x2800, $0x38;
	[tilespmem:$0x1E200] =	vst v63  }
0x2b: {  	_ = 	snop  }
0x2c: {  	[tilespmem:s24], [sflag:$0x1] =	stream.linear.gather [hbm4b:s4+s2], $0x50, $0x38;
	[tilespmem:$0x1E200] =	vst v63  }
0x2d: {  	s0 =	sadd.s32 $0xF00, s7  }
0x2e: {  	[tilespmem:s25], [sflag:$0x1] =	stream.linear.gather [hbm4b:s0+s2], $0x2800, $0x38;
	[tilespmem:$0x1E200] =	vst v63  }
0x2f: {  	_ =	swait.ge [sflag:s26], $0x50  }
0x30: {  	[sflag:s26] =	ssyncset.done $0x0  }
0x31: {  	[sflag:s26] =	ssyncadd.s32 $0xFFFFFFB0  }
0x32: {  	_ =	swait.ge [sflag:s26], $0x2800  }
0x33: {  	[sflag:s26] =	ssyncset.done $0x0  }
0x34: {  	[sflag:s26] =	ssyncadd.s32 $0xFFFFD800  }
0x35: {  	_ =	swait.ge [sflag:s26], $0x50  }
0x36: {  	[sflag:s26] =	ssyncset.done $0x0  }
0x37: {  	[sflag:s26] =	ssyncadd.s32 $0xFFFFFFB0  }
0x38: {  	_ =	swait.ge [sflag:s26], $0x2800  }
0x39: {  	[sflag:s26] =	ssyncset.done $0x0  }
0x3a: {  	[sflag:s26] =	ssyncadd.s32 $0xFFFFD800  }
0x3b: {  	_ =	swait.ge [sflag:s26], $0x50  }
0x3c: {  	[sflag:s26] =	ssyncset.done $0x0  }
0x3d: {  	[sflag:s26] =	ssyncadd.s32 $0xFFFFFFB0  }
0x3e: {  	_ =	swait.ge [sflag:s26], $0x2800  }
0x3f: {  	[sflag:s26] =	ssyncset.done $0x0  }
0x40: {  	[sflag:s26] =	ssyncadd.s32 $0xFFFFD800  }
0x41: {  	_ =	swait.ge [sflag:s26], $0x50  }
0x42: {  	[sflag:s26] =	ssyncset.done $0x0  }
0x43: {  	[sflag:s26] =	ssyncadd.s32 $0xFFFFFFB0  }
0x44: {  	_ =	swait.ge [sflag:s26], $0x2800  }
0x45: {  	[sflag:s26] =	ssyncset.done $0x0  }
0x46: {  	[sflag:s26] =	ssyncadd.s32 $0xFFFFD800  }
0x47: {  	[spmem:s1] =	stream.indirect.scatter.add.f32 [tilespmem:s19], [sflag:$0x2], $0x80, s2, s28, $0xb8;
	[tilespmem:$0x1E200] =	vst v63  }
0x48: {  	_ =	swait.ge [sflag:s18], $0x2800  }
0x49: {  	[sflag:s18] =	ssyncset.done $0x0  }
0x4a: {  	[sflag:s18] =	ssyncadd.s32 $0xFFFFD800  }
0x4b: {  	[spmem:s1] =	stream.indirect.scatter.add.f32 [tilespmem:s21], [sflag:$0x2], $0x80, s20, s28, $0xb8;
	[tilespmem:$0x1E200] =	vst v63  }
0x4c: {  	_ =	swait.ge [sflag:s18], $0x2800  }
0x4d: {  	[sflag:s18] =	ssyncset.done $0x0  }
0x4e: {  	[sflag:s18] =	ssyncadd.s32 $0xFFFFD800  }
0x4f: {  	[spmem:s1] =	stream.indirect.scatter.add.f32 [tilespmem:s23], [sflag:$0x2], $0x80, s22, s28, $0xb8;
	[tilespmem:$0x1E200] =	vst v63  }
0x50: {  	_ =	swait.ge [sflag:s18], $0x2800  }
0x51: {  	[sflag:s18] =	ssyncset.done $0x0  }
0x52: {  	s30 =	simm.s32 $0x1400;
	[sflag:s18] =	ssyncadd.s32 $0xFFFFD800  }
0x53: {  	[spmem:s1] =	stream.indirect.scatter.add.f32 [tilespmem:s25], [sflag:$0x2], $0x80, s24, s28, $0xb8;
	[tilespmem:$0x1E200] =	vst v63  }
0x54: {  	s31 =	sadd.s32 $0x28, s15;
	s13 =	smov.u32 s3;
	_ =	swait.ge [sflag:s18], $0x2800  }
0x55: {  	s14 =	smov.u32 s4;
	s0 =	sadd.s32 $0x28, s16;
	[sflag:s18] =	ssyncset.done $0x0  }
.LBB2_2:
0x56: {  	[sflag:s18] =	ssyncadd.s32 $0xFFFFD800;
	s13 =	sadd.s32 $0x28, s13;
	s14 =	sadd.s32 $0x28, s14  }
0x57: {  	[tilespmem:s2], [sflag:$0x1] =	stream.linear.gather [hbm4b:s13+s2], $0x50, $0x38;
	[tilespmem:$0x1E200] =	vst v63  }
0x58: {  	s6 =	sadd.s32 s30, s12;
	p0 =	sne.s32 s30, $0xDC00;
	s30 =	sadd.s32 $0x1400, s30  }
0x59: {  	[tilespmem:s19], [sflag:$0x1] =	stream.linear.gather [hbm4b:s6+s2], $0x2800, $0x38;
	[tilespmem:$0x1E200] =	vst v63  }
0x5a: {  	_ = 	snop  }
0x5b: {  	[tilespmem:s20], [sflag:$0x1] =	stream.linear.gather [hbm4b:s0+s2], $0x50, $0x38;
	[tilespmem:$0x1E200] =	vst v63  }
0x5c: {  	s7 =	sadd.s32 $0x500, s6  }
0x5d: {  	[tilespmem:s21], [sflag:$0x1] =	stream.linear.gather [hbm4b:s7+s2], $0x2800, $0x38;
	[tilespmem:$0x1E200] =	vst v63  }
0x5e: {  	_ = 	snop  }
0x5f: {  	[tilespmem:s22], [sflag:$0x1] =	stream.linear.gather [hbm4b:s31+s2], $0x50, $0x38;
	[tilespmem:$0x1E200] =	vst v63  }
0x60: {  	s7 =	sadd.s32 $0xA00, s6  }
0x61: {  	[tilespmem:s23], [sflag:$0x1] =	stream.linear.gather [hbm4b:s7+s2], $0x2800, $0x38;
	[tilespmem:$0x1E200] =	vst v63  }
0x62: {  	_ = 	snop  }
0x63: {  	[tilespmem:s24], [sflag:$0x1] =	stream.linear.gather [hbm4b:s14+s2], $0x50, $0x38;
	[tilespmem:$0x1E200] =	vst v63  }
0x64: {  	s6 =	sadd.s32 $0xF00, s6  }
0x65: {  	[tilespmem:s25], [sflag:$0x1] =	stream.linear.gather [hbm4b:s6+s2], $0x2800, $0x38;
	[tilespmem:$0x1E200] =	vst v63  }
0x66: {  	_ =	swait.ge [sflag:s26], $0x50  }
0x67: {  	[sflag:s26] =	ssyncset.done $0x0  }
0x68: {  	[sflag:s26] =	ssyncadd.s32 $0xFFFFFFB0  }
0x69: {  	_ =	swait.ge [sflag:s26], $0x2800  }
0x6a: {  	[sflag:s26] =	ssyncset.done $0x0  }
0x6b: {  	[sflag:s26] =	ssyncadd.s32 $0xFFFFD800  }
0x6c: {  	_ =	swait.ge [sflag:s26], $0x50  }
0x6d: {  	[sflag:s26] =	ssyncset.done $0x0  }
0x6e: {  	[sflag:s26] =	ssyncadd.s32 $0xFFFFFFB0  }
0x6f: {  	_ =	swait.ge [sflag:s26], $0x2800  }
0x70: {  	[sflag:s26] =	ssyncset.done $0x0  }
0x71: {  	[sflag:s26] =	ssyncadd.s32 $0xFFFFD800  }
0x72: {  	_ =	swait.ge [sflag:s26], $0x50  }
0x73: {  	[sflag:s26] =	ssyncset.done $0x0  }
0x74: {  	[sflag:s26] =	ssyncadd.s32 $0xFFFFFFB0  }
0x75: {  	_ =	swait.ge [sflag:s26], $0x2800  }
0x76: {  	[sflag:s26] =	ssyncset.done $0x0  }
0x77: {  	[sflag:s26] =	ssyncadd.s32 $0xFFFFD800  }
0x78: {  	_ =	swait.ge [sflag:s26], $0x50  }
0x79: {  	[sflag:s26] =	ssyncset.done $0x0  }
0x7a: {  	[sflag:s26] =	ssyncadd.s32 $0xFFFFFFB0  }
0x7b: {  	_ =	swait.ge [sflag:s26], $0x2800  }
0x7c: {  	[sflag:s26] =	ssyncset.done $0x0  }
0x7d: {  	[sflag:s26] =	ssyncadd.s32 $0xFFFFD800  }
0x7e: {  	[spmem:s1] =	stream.indirect.scatter.add.f32 [tilespmem:s19], [sflag:$0x2], $0x80, s2, s28, $0xb8;
	[tilespmem:$0x1E200] =	vst v63  }
0x7f: {  	_ =	swait.ge [sflag:s18], $0x2800  }
0x80: {  	[sflag:s18] =	ssyncset.done $0x0  }
0x81: {  	[sflag:s18] =	ssyncadd.s32 $0xFFFFD800  }
0x82: {  	[spmem:s1] =	stream.indirect.scatter.add.f32 [tilespmem:s21], [sflag:$0x2], $0x80, s20, s28, $0xb8;
	[tilespmem:$0x1E200] =	vst v63  }
0x83: {  	_ =	swait.ge [sflag:s18], $0x2800  }
0x84: {  	[sflag:s18] =	ssyncset.done $0x0  }
0x85: {  	[sflag:s18] =	ssyncadd.s32 $0xFFFFD800  }
0x86: {  	[spmem:s1] =	stream.indirect.scatter.add.f32 [tilespmem:s23], [sflag:$0x2], $0x80, s22, s28, $0xb8;
	[tilespmem:$0x1E200] =	vst v63  }
0x87: {  	_ =	swait.ge [sflag:s18], $0x2800  }
.Ltmp0:
0x88: {  	[sflag:s18] =	ssyncset.done $0x0;
	(pc) =	sbr.rel @p0 .LBB2_2-.Ltmp0, $4  }
0x89: {  	[sflag:s18] =	ssyncadd.s32 $0xFFFFD800  }
0x8a: {  	[spmem:s1] =	stream.indirect.scatter.add.f32 [tilespmem:s25], [sflag:$0x2], $0x80, s24, s28, $0xb8;
	[tilespmem:$0x1E200] =	vst v63  }
0x8b: {  	_ =	swait.ge [sflag:s18], $0x2800  }
0x8c: {  	s0 =	sadd.s32 $0x28, s0;
	s31 =	sadd.s32 $0x28, s31;
	[sflag:s18] =	ssyncset.done $0x0  }
0x8d: {  	[sflag:s18] =	ssyncadd.s32 $0xFFFFD800;
	s0 =	rddreg [dreg:$0x4]  }
0x8e: {  	[tilespmem:s2], [sflag:$0x2] =	stream.linear.gather [hbm4b:s0+s2], $0x50, $0x38;
	[tilespmem:$0x1E200] =	vst v63  }
0x8f: {  	_ =	swait.ge [sflag:s18], $0x50  }
0x90: {  	[sflag:s18] =	ssyncset.done $0x0  }
0x91: {  	s31 =	rddreg [dreg:$0x5];
	[sflag:s18] =	ssyncadd.s32 $0xFFFFFFB0  }
0x92: {  	[tilespmem:s19], [sflag:$0x2] =	stream.linear.gather [hbm4b:s31+s2], $0x2800, $0x38;
	[tilespmem:$0x1E200] =	vst v63  }
0x93: {  	_ =	swait.ge [sflag:s18], $0x2800  }
0x94: {  	[sflag:s18] =	ssyncset.done $0x0  }
0x95: {  	[sflag:s18] =	ssyncadd.s32 $0xFFFFD800  }
0x96: {  	[spmem:s1] =	stream.indirect.scatter.add.f32 [tilespmem:s19], [sflag:$0x2], $0x80, s2, s28, $0xb8;
	[tilespmem:$0x1E200] =	vst v63  }
0x97: {  	_ =	swait.ge [sflag:s18], $0x2800  }
0x98: {  	[sflag:s18] =	ssyncset.done $0x0  }
0x99: {  	[sflag:s18] =	ssyncadd.s32 $0xFFFFD800  }
0x9a: {  	[tilespmem:s2], [sflag:$0x2] =	stream.linear.gather [hbm4b:s8+s2], $0x50, $0x38;
	[tilespmem:$0x1E200] =	vst v63  }
0x9b: {  	_ =	swait.ge [sflag:s18], $0x50  }
0x9c: {  	[sflag:s18] =	ssyncset.done $0x0  }
0x9d: {  	[sflag:s18] =	ssyncadd.s32 $0xFFFFFFB0  }
0x9e: {  	[tilespmem:s19], [sflag:$0x2] =	stream.linear.gather [hbm4b:s9+s2], $0x2800, $0x38;
	[tilespmem:$0x1E200] =	vst v63  }
0x9f: {  	_ =	swait.ge [sflag:s18], $0x2800  }
0xa0: {  	[sflag:s18] =	ssyncset.done $0x0  }
0xa1: {  	[sflag:s18] =	ssyncadd.s32 $0xFFFFD800  }
0xa2: {  	[spmem:s1] =	stream.indirect.scatter.add.f32 [tilespmem:s19], [sflag:$0x2], $0x80, s2, s28, $0xb8;
	[tilespmem:$0x1E200] =	vst v63  }
0xa3: {  	_ =	swait.ge [sflag:s18], $0x2800  }
0xa4: {  	s29 =	sadd.s32 $0x1, s29;
	[sflag:s18] =	ssyncset.done $0x0  }
0xa5: {  	p0 =	sne.s32 s29, s11;
	[sflag:s18] =	ssyncadd.s32 $0xFFFFD800  }
.Ltmp1:
0xa6: {  	[bflag:$0x0] =	sbarrier.arrive $0xFFFF;
	(pc) =	sbr.rel @p0 .LBB2_1-.Ltmp1, $4  }
0xa7: {  	[hbm:s10], [sflag:s5] =	dma.local [spmem:s17], $0x2800  }
0xa8: {  	_ =	swait.ge [sflag:s18], $0x2800  }
0xa9: {  	[sflag:s18] =	ssyncset.done $0x0  }
0xaa: {  	[sflag:s18] =	ssyncadd.s32 $0xFFFFD800  }
0xab: {  	_ =	sfence.sel $0x180000  }
0xac: {  	[bflag:$0x0] =	sbarrier.arrive $0xFFFF  }
0xad: {  	_ =	strace $0x90000056  }
0xae: {  	s0 =	stileid.u32;
	[bflag:$0x2] =	sbarrier.arrive $0xFFFF  }
0xaf: {  	p0 =	sne.s32 s0, $0x0;
	s0 =	rddreg [dreg:$0x2]  }
0xb0: {  	s0 =	sadd.s32 @!p0 $0x100000, s0  }
0xb1: {  	[sflag:s0] =	ssyncadd.tile.s32 @!p0 $0x1;
	_ =	shalt  }
.Lfunc_end2:
_tile_overlayer_lowered:
.L_overlay_start_2:
0xb2: {  	(tag) =	ssettag $0x2  }
0xb3: {  	s0 =	rddreg [dreg:$0x0];
	s2 =	stileid.u32  }
0xb4: {  	s1 =	rddreg [dreg:$0x1];
	p0 =	sne.s32 s2, $0x0  }
0xb5: {  	s3 =	rddreg [dreg:$0x2];
	[bflag:$0x3] =	sbarrier.arrive $0xFFFF;
	s2 =	simm.s32 @!p0 $0x1C02  }
0xb6: {  	[timem:s3], [sflag:s2] =	dma.local @!p0 [hbm:s0], s1  }
0xb7: {  	s0 =	simm.s32 @!p0 $0x2  }
0xb8: {  	_ =	swait.ge @!p0 [sflag:s0], s1  }
0xb9: {  	s1 =	ssub.s32 @!p0 $0x0, s1;
	[sflag:s0] =	ssyncset.done @!p0 $0x0  }
0xba: {  	[sflag:s0] =	ssyncadd.s32 @!p0 s1  }
0xbb: {  	[bflag:$0x3] =	sbarrier.arrive $0xFFFF  }
0xbc: {  	_ =	shalt  }

</sc_bundles>
